<compile_context>
chip_gen: v7x
topology: tpu7x:2x2x1
jax: 0.10.2.dev20260603
libtpu: 0.0.44.dev20260713+nightly
codegen_flags: <defaults>
</compile_context>

<pallas_src>
import functools

import jax
import jax.numpy as jnp
from jax import lax
from jax.experimental import pallas as pl
from jax.experimental.pallas import tpu as pltpu
from jax.experimental.pallas import tpu_sc as plsc

_N = 50000
_D = 128
_S = 512
_C = 80
_NCH = _N // _C
_NC = 2
_NS = 16
_NW = _NC * _NS
_K = -(-_NCH // _NW)
_NBUF = 8
_PD = 4
_SROWS = _S + 8

_sc_mesh = plsc.VectorSubcoreMesh(core_axis_name="c", subcore_axis_name="s")


@functools.partial(
    pl.kernel,
    out_type=[
        jax.ShapeDtypeStruct((_NC * _S, _D), jnp.float32),
        jax.ShapeDtypeStruct((_NC * _S, _D), jnp.float32),
    ],
    mesh=_sc_mesh,
    scratch_types=[
        pltpu.VMEM((_NBUF, _C, _D), jnp.float32),
        pltpu.VMEM((_NBUF, _C), jnp.int32),
        pltpu.VMEM((_C, _D), jnp.float32),
        pltpu.VMEM((32, _D), jnp.float32),
        pltpu.VMEM_SHARED((_SROWS, _D), jnp.float32),
        pltpu.VMEM_SHARED((_SROWS, _D), jnp.float32),
    ] + [pltpu.SemaphoreType.DMA] * (2 * _NBUF),
)
def _sc_segsum(x_hbm, ids_hbm, sum_out, cnt_out,
               rows_v, idx_v, ones_v, zbuf, acc_s, cnt_s, *sems):
    load_sem = sems[:_NBUF]
    scat_sem = sems[_NBUF:]
    c = lax.axis_index("c")
    s = lax.axis_index("s")
    wid = s * _NC + c

    zeros16 = jnp.zeros((16,), jnp.float32)
    ones16 = jnp.ones((16,), jnp.float32)

    def _zero_row(i, _):
        def _zero_col(j, _):
            zbuf[i, pl.ds(j * 16, 16)] = zeros16
            return 0
        lax.fori_loop(0, _D // 16, _zero_col, 0)
        return 0
    lax.fori_loop(0, 32, _zero_row, 0)

    def _ones_row(i, _):
        def _ones_col(j, _):
            ones_v[i, pl.ds(j * 16, 16)] = ones16
            return 0
        lax.fori_loop(0, _D // 16, _ones_col, 0)
        return 0
    lax.fori_loop(0, _C, _ones_row, 0)

    pltpu.sync_copy(zbuf, acc_s.at[pl.ds(s * 32, 32)])
    pltpu.sync_copy(zbuf, cnt_s.at[pl.ds(s * 32, 32)])
    plsc.subcore_barrier()

    def _starts(k):
        ch = wid + k * _NW
        valid = ch < _NCH
        xs = jnp.where(valid, ch, 0) * _C
        is_ = jnp.where(valid, ch * _C, _N)
        return xs, is_

    def _issue_loads(k, b):
        xs, is_ = _starts(k)
        pltpu.async_copy(x_hbm.at[pl.ds(xs, _C)], rows_v.at[b], load_sem[b])
        pltpu.async_copy(ids_hbm.at[pl.ds(is_, _C)], idx_v.at[b], load_sem[b])

    def _wait_loads(k, b):
        xs, is_ = _starts(k)
        pltpu.make_async_copy(x_hbm.at[pl.ds(xs, _C)], rows_v.at[b],
                              load_sem[b]).wait()
        pltpu.make_async_copy(ids_hbm.at[pl.ds(is_, _C)], idx_v.at[b],
                              load_sem[b]).wait()

    def _issue_scatters(b):
        pltpu.async_copy(rows_v.at[b], acc_s.at[idx_v.at[b]], scat_sem[b],
                         add=True)
        pltpu.async_copy(ones_v, cnt_s.at[idx_v.at[b]], scat_sem[b], add=True)

    def _wait_scatters(b):
        pltpu.make_async_copy(rows_v.at[b], acc_s.at[idx_v.at[b]],
                              scat_sem[b]).wait()
        pltpu.make_async_copy(ones_v, cnt_s.at[idx_v.at[b]],
                              scat_sem[b]).wait()

    for j in range(_PD):
        _issue_loads(j, j % _NBUF)
    for k in range(_K):
        b = k % _NBUF
        _wait_loads(k, b)
        _issue_scatters(b)
        j = k + _PD
        if j < _K:
            bj = j % _NBUF
            if j >= _NBUF:
                _wait_scatters(bj)
            _issue_loads(j, bj)
    for j in range(max(0, _K - _NBUF), _K):
        _wait_scatters(j % _NBUF)
    plsc.subcore_barrier()

    base = c * _S + s * 32
    pltpu.sync_copy(acc_s.at[pl.ds(s * 32, 32)], zbuf)
    pltpu.sync_copy(zbuf, sum_out.at[pl.ds(base, 32)])
    pltpu.sync_copy(cnt_s.at[pl.ds(s * 32, 32)], zbuf)
    pltpu.sync_copy(zbuf, cnt_out.at[pl.ds(base, 32)])


def _mlp_body(p_ref, q_ref, w1_ref, b1_ref, g_ref, be_ref, w2_ref, b2_ref, o_ref):
    sums = p_ref[0:_S, :] + p_ref[_S:2 * _S, :]
    counts = q_ref[0:_S, 0:1] + q_ref[_S:2 * _S, 0:1]
    mean = sums / jnp.maximum(counts, 1.0)
    h = lax.dot_general(mean, w1_ref[...], (((1,), (1,)), ((), ())),
                        preferred_element_type=jnp.float32) + b1_ref[...]
    mu = jnp.mean(h, axis=0, keepdims=True)
    var = jnp.mean((h - mu) * (h - mu), axis=0, keepdims=True)
    h = (h - mu) * (g_ref[...] / jnp.sqrt(var + 1e-5)) + be_ref[...]
    h = jnp.maximum(h, 0.0)
    o_ref[...] = lax.dot_general(h, w2_ref[...], (((1,), (1,)), ((), ())),
                                 preferred_element_type=jnp.float32) + b2_ref[...]


_mlp_call = pl.pallas_call(
    _mlp_body,
    out_shape=jax.ShapeDtypeStruct((_S, 6), jnp.float32),
)


def kernel(x, edge_index, edge_attr, u, batch, W1, b1, gamma, beta, W2, b2):
    ids = batch.astype(jnp.int32)
    ids_ext = jnp.concatenate([ids, jnp.full((_C,), _S, jnp.int32)])
    psum, pcnt = _sc_segsum(x, ids_ext)
    return _mlp_call(psum, pcnt, W1, b1.reshape(1, _D), gamma.reshape(1, _D),
                     beta.reshape(1, _D), W2, b2.reshape(1, 6))

# --- scband reference (transcript-rebuilt; emitter-appended) ---
"""Pipeline reference for scband-global-block-41901700940144 (READ-ONLY COPY).

The authoritative reference and input builder live on the scoring server;
editing this copy changes nothing except your own understanding.
"""

import jax, jax.numpy as jnp
import numpy as np

NUM_GRAPHS = 512

def setup_inputs(seed: int = 0) -> dict:
    key = jax.random.key(seed)
    ks = jax.random.split(key, 10)
    x = jax.random.normal(ks[0], (50000, 128), dtype=jnp.float32)
    edge_index = jax.random.randint(ks[1], (2, 800000), 0, 50000, dtype=jnp.int64)
    edge_attr = jax.random.normal(ks[2], (800000, 4), dtype=jnp.float32)
    u = jax.random.normal(ks[3], (NUM_GRAPHS, 128), dtype=jnp.float32)
    batch = jnp.sort(jax.random.randint(ks[4], (50000,), 0, NUM_GRAPHS, dtype=jnp.int64))
    # Parameters: Lin(128,128) -> BN(128) -> ReLU -> Lin(128,6)
    W1 = jax.random.normal(ks[5], (128, 128), dtype=jnp.float32) * (1.0 / np.sqrt(128))
    b1 = jnp.zeros((128,), dtype=jnp.float32)
    gamma = jnp.ones((128,), dtype=jnp.float32)
    beta = jnp.zeros((128,), dtype=jnp.float32)
    W2 = jax.random.normal(ks[6], (6, 128), dtype=jnp.float32) * (1.0 / np.sqrt(128))
    b2 = jnp.zeros((6,), dtype=jnp.float32)
    return {"x": x, "edge_index": edge_index, "edge_attr": edge_attr, "u": u, "batch": batch,
            "W1": W1, "b1": b1, "gamma": gamma, "beta": beta, "W2": W2, "b2": b2}

def reference(x, edge_index, edge_attr, u, batch, W1, b1, gamma, beta, W2, b2):
    # scatter_mean(x, batch, dim=0)
    sums = jax.ops.segment_sum(x, batch, num_segments=NUM_GRAPHS)
    counts = jax.ops.segment_sum(jnp.ones((x.shape[0],), dtype=x.dtype), batch, num_segments=NUM_GRAPHS)
    out = sums / jnp.maximum(counts, 1.0)[:, None]
    # Lin(128,128)
    h = out @ W1.T + b1
    # BatchNorm1d(128) in training mode (batch statistics, biased variance)
    mean = jnp.mean(h, axis=0)
    var = jnp.var(h, axis=0)
    h = (h - mean) / jnp.sqrt(var + 1e-5) * gamma + beta
    # ReLU
    h = jax.nn.relu(h)
    # Lin(128,6)
    return h @ W2.T + b2

if __name__ == "__main__":
    import jax
    _d = setup_inputs()
    print(jax.jit(kernel)(*tuple(_d.values())))

</pallas_src>

<mosaic_0001>
#map = affine_map<(d0, d1) -> (0, 0)>
#map1 = affine_map<(d0, d1) -> (0)>
module attributes {stable_mosaic.version = 14 : i64} {
  func.func @_sc_segsum(%arg0: i32, %arg1: i32, %arg2: memref<50000x128xf32, #tpu.memory_space<hbm>>, %arg3: memref<50080xi32, #tpu.memory_space<hbm>>, %arg4: memref<1024x128xf32, #tpu.memory_space<hbm>>, %arg5: memref<1024x128xf32, #tpu.memory_space<hbm>>, %arg6: memref<8x80x128xf32, #tpu.memory_space<vmem>>, %arg7: memref<8x80xi32, #tpu.memory_space<vmem>>, %arg8: memref<80x128xf32, #tpu.memory_space<vmem>>, %arg9: memref<32x128xf32, #tpu.memory_space<vmem>>, %arg10: memref<520x128xf32, #tpu.memory_space<vmem_shared>>, %arg11: memref<520x128xf32, #tpu.memory_space<vmem_shared>>, %arg12: memref<!tpu.dma_semaphore, #tpu.memory_space<semaphore_mem>>, %arg13: memref<!tpu.dma_semaphore, #tpu.memory_space<semaphore_mem>>, %arg14: memref<!tpu.dma_semaphore, #tpu.memory_space<semaphore_mem>>, %arg15: memref<!tpu.dma_semaphore, #tpu.memory_space<semaphore_mem>>, %arg16: memref<!tpu.dma_semaphore, #tpu.memory_space<semaphore_mem>>, %arg17: memref<!tpu.dma_semaphore, #tpu.memory_space<semaphore_mem>>, %arg18: memref<!tpu.dma_semaphore, #tpu.memory_space<semaphore_mem>>, %arg19: memref<!tpu.dma_semaphore, #tpu.memory_space<semaphore_mem>>, %arg20: memref<!tpu.dma_semaphore, #tpu.memory_space<semaphore_mem>>, %arg21: memref<!tpu.dma_semaphore, #tpu.memory_space<semaphore_mem>>, %arg22: memref<!tpu.dma_semaphore, #tpu.memory_space<semaphore_mem>>, %arg23: memref<!tpu.dma_semaphore, #tpu.memory_space<semaphore_mem>>, %arg24: memref<!tpu.dma_semaphore, #tpu.memory_space<semaphore_mem>>, %arg25: memref<!tpu.dma_semaphore, #tpu.memory_space<semaphore_mem>>, %arg26: memref<!tpu.dma_semaphore, #tpu.memory_space<semaphore_mem>>, %arg27: memref<!tpu.dma_semaphore, #tpu.memory_space<semaphore_mem>>) attributes {dimension_semantics = [#tpu.dimension_semantics<core_parallel>, #tpu.dimension_semantics<subcore_parallel>], iteration_bounds = array<i64: 2, 16>, scalar_prefetch = 0 : i64, scratch_operands = 22 : i64, tpu.core_type = #tpu.core_type<sc_vector_subcore>, window_params = [{transform_indices = #map}, {transform_indices = #map1}, {transform_indices = #map}, {transform_indices = #map}]} {
    %mul3A = arith.constant 2 : i32
    %mul3A_0 = arith.muli %arg1, %mul3A : i32
    %add3A = arith.addi %mul3A_0, %arg0 : i32
    %broadcast_in_dim3A = arith.constant 0.000000e+00 : f32
    %broadcast_in_dim3A_1 = vector.broadcast %broadcast_in_dim3A : f32 to vector<16xf32>
    %broadcast_in_dim3A_2 = arith.constant 1.000000e+00 : f32
    %broadcast_in_dim3A_3 = vector.broadcast %broadcast_in_dim3A_2 : f32 to vector<16xf32>
    %scan3A = arith.constant 0 : i32
    %scan3A_4 = arith.constant 0 : i32
    %scan3A_5 = arith.constant 32 : i32
    %scan3A_6 = arith.addi %scan3A_4, %scan3A_5 : i32
    %scan3A_7 = arith.constant 1 : i32
    %scan3A_8 = scf.for %scan3A_2146 = %scan3A_4 to %scan3A_6 step %scan3A_7 iter_args(%scan3A_2147 = %scan3A) -> (i32)  : i32 {
      %scan3A_2148 = arith.constant 0 : i32
      %scan3A_2149 = arith.constant 0 : i32
      %scan3A_2150 = arith.constant 8 : i32
      %scan3A_2151 = arith.addi %scan3A_2149, %scan3A_2150 : i32
      %scan3A_2152 = arith.constant 1 : i32
      %scan3A_2153 = scf.for %scan3A_2156 = %scan3A_2149 to %scan3A_2151 step %scan3A_2152 iter_args(%scan3A_2157 = %scan3A_2148) -> (i32)  : i32 {
        %mul3A_2158 = arith.constant 16 : i32
        %mul3A_2159 = arith.muli %scan3A_2156, %mul3A_2158 : i32
        %swap3A = arith.index_cast %scan3A_2146 : i32 to index
        %swap3A_2160 = arith.index_cast %mul3A_2159 : i32 to index
        %swap3A_2161 = tpu.vector_load %arg9[%swap3A, %swap3A_2160] {strides = array<i32>} : memref<32x128xf32, #tpu.memory_space<vmem>>, vector<1x16xf32>,
        %swap3A_2162 = vector.shape_cast %swap3A_2161 : vector<1x16xf32> to vector<16xf32>
        %swap3A_2163 = vector.shape_cast %broadcast_in_dim3A_1 : vector<16xf32> to vector<1x16xf32>
        tpu.vector_store %arg9[%swap3A, %swap3A_2160], %swap3A_2163 {strides = array<i32>} : memref<32x128xf32, #tpu.memory_space<vmem>>, vector<1x16xf32>,
        %scan3A_2164 = arith.constant 0 : i32
        scf.yield %scan3A_2164 : i32
      }
      %scan3A_2154 = arith.constant 8 : i32
      %scan3A_2155 = arith.constant 0 : i32
      scf.yield %scan3A_2155 : i32
    }
    %scan3A_9 = arith.constant 32 : i32
    %scan3A_10 = arith.constant 0 : i32
    %scan3A_11 = arith.constant 0 : i32
    %scan3A_12 = arith.constant 80 : i32
    %scan3A_13 = arith.addi %scan3A_11, %scan3A_12 : i32
    %scan3A_14 = arith.constant 1 : i32
    %scan3A_15 = scf.for %scan3A_2146 = %scan3A_11 to %scan3A_13 step %scan3A_14 iter_args(%scan3A_2147 = %scan3A_10) -> (i32)  : i32 {
      %scan3A_2148 = arith.constant 0 : i32
      %scan3A_2149 = arith.constant 0 : i32
      %scan3A_2150 = arith.constant 8 : i32
      %scan3A_2151 = arith.addi %scan3A_2149, %scan3A_2150 : i32
      %scan3A_2152 = arith.constant 1 : i32
      %scan3A_2153 = scf.for %scan3A_2156 = %scan3A_2149 to %scan3A_2151 step %scan3A_2152 iter_args(%scan3A_2157 = %scan3A_2148) -> (i32)  : i32 {
        %mul3A_2158 = arith.constant 16 : i32
        %mul3A_2159 = arith.muli %scan3A_2156, %mul3A_2158 : i32
        %swap3A = arith.index_cast %scan3A_2146 : i32 to index
        %swap3A_2160 = arith.index_cast %mul3A_2159 : i32 to index
        %swap3A_2161 = tpu.vector_load %arg8[%swap3A, %swap3A_2160] {strides = array<i32>} : memref<80x128xf32, #tpu.memory_space<vmem>>, vector<1x16xf32>,
        %swap3A_2162 = vector.shape_cast %swap3A_2161 : vector<1x16xf32> to vector<16xf32>
        %swap3A_2163 = vector.shape_cast %broadcast_in_dim3A_3 : vector<16xf32> to vector<1x16xf32>
        tpu.vector_store %arg8[%swap3A, %swap3A_2160], %swap3A_2163 {strides = array<i32>} : memref<80x128xf32, #tpu.memory_space<vmem>>, vector<1x16xf32>,
        %scan3A_2164 = arith.constant 0 : i32
        scf.yield %scan3A_2164 : i32
      }
      %scan3A_2154 = arith.constant 8 : i32
      %scan3A_2155 = arith.constant 0 : i32
      scf.yield %scan3A_2155 : i32
    }
    %scan3A_16 = arith.constant 80 : i32
    %mul3A_17 = arith.constant 32 : i32
    %mul3A_18 = arith.muli %arg1, %mul3A_17 : i32
    "tpu.region"() ({
      %run_scoped3A = tpu.sem_alloc : memref<!tpu.dma_semaphore, #tpu.memory_space<semaphore_mem>>
      %dma_start3A_2146 = arith.constant 0 : i32
      %dma_start3A_2147 = tpu.memref_slice %arg10[%mul3A_18, %dma_start3A_2146] : memref<520x128xf32, #tpu.memory_space<vmem_shared>> -> memref<32x128xf32, #tpu.memory_space<vmem_shared>>
      %dma_start3A_2148 = arith.constant 0 : i32
      %dma_start3A_2149 = tpu.memref_slice %arg10[%mul3A_18, %dma_start3A_2148] : memref<520x128xf32, #tpu.memory_space<vmem_shared>> -> memref<32x128xf32, #tpu.memory_space<vmem_shared>>
      tpu.enqueue_dma source(%arg9 : memref<32x128xf32, #tpu.memory_space<vmem>>) target(%dma_start3A_2149 : memref<32x128xf32, #tpu.memory_space<vmem_shared>>) target_semaphore(%run_scoped3A : memref<!tpu.dma_semaphore, #tpu.memory_space<semaphore_mem>>)
      %dma_wait3A_2150 = arith.constant 0 : i32
      %dma_wait3A_2151 = tpu.memref_slice %arg10[%mul3A_18, %dma_wait3A_2150] : memref<520x128xf32, #tpu.memory_space<vmem_shared>> -> memref<32x128xf32, #tpu.memory_space<vmem_shared>>
      %dma_wait3A_2152 = arith.constant 0 : i32
      %dma_wait3A_2153 = tpu.memref_slice %arg10[%mul3A_18, %dma_wait3A_2152] : memref<520x128xf32, #tpu.memory_space<vmem_shared>> -> memref<32x128xf32, #tpu.memory_space<vmem_shared>>
      tpu.wait_dma2 semaphore(%run_scoped3A : memref<!tpu.dma_semaphore, #tpu.memory_space<semaphore_mem>>) src(%arg9 : memref<32x128xf32, #tpu.memory_space<vmem>>) dst(%dma_wait3A_2153 : memref<32x128xf32, #tpu.memory_space<vmem_shared>>)
      tpu.yield
    }) : () -> ()
    %mul3A_19 = arith.constant 32 : i32
    %mul3A_20 = arith.muli %arg1, %mul3A_19 : i32
    "tpu.region"() ({
      %run_scoped3A = tpu.sem_alloc : memref<!tpu.dma_semaphore, #tpu.memory_space<semaphore_mem>>
      %dma_start3A_2146 = arith.constant 0 : i32
      %dma_start3A_2147 = tpu.memref_slice %arg11[%mul3A_20, %dma_start3A_2146] : memref<520x128xf32, #tpu.memory_space<vmem_shared>> -> memref<32x128xf32, #tpu.memory_space<vmem_shared>>
      %dma_start3A_2148 = arith.constant 0 : i32
      %dma_start3A_2149 = tpu.memref_slice %arg11[%mul3A_20, %dma_start3A_2148] : memref<520x128xf32, #tpu.memory_space<vmem_shared>> -> memref<32x128xf32, #tpu.memory_space<vmem_shared>>
      tpu.enqueue_dma source(%arg9 : memref<32x128xf32, #tpu.memory_space<vmem>>) target(%dma_start3A_2149 : memref<32x128xf32, #tpu.memory_space<vmem_shared>>) target_semaphore(%run_scoped3A : memref<!tpu.dma_semaphore, #tpu.memory_space<semaphore_mem>>)
      %dma_wait3A_2150 = arith.constant 0 : i32
      %dma_wait3A_2151 = tpu.memref_slice %arg11[%mul3A_20, %dma_wait3A_2150] : memref<520x128xf32, #tpu.memory_space<vmem_shared>> -> memref<32x128xf32, #tpu.memory_space<vmem_shared>>
      %dma_wait3A_2152 = arith.constant 0 : i32
      %dma_wait3A_2153 = tpu.memref_slice %arg11[%mul3A_20, %dma_wait3A_2152] : memref<520x128xf32, #tpu.memory_space<vmem_shared>> -> memref<32x128xf32, #tpu.memory_space<vmem_shared>>
      tpu.wait_dma2 semaphore(%run_scoped3A : memref<!tpu.dma_semaphore, #tpu.memory_space<semaphore_mem>>) src(%arg9 : memref<32x128xf32, #tpu.memory_space<vmem>>) dst(%dma_wait3A_2153 : memref<32x128xf32, #tpu.memory_space<vmem_shared>>)
      tpu.yield
    }) : () -> ()
    %barrier3A = arith.constant 0 : index
    tpu.barrier barrier_id(%barrier3A)
    %add3A_21 = arith.constant 0 : i32
    %add3A_22 = arith.addi %add3A, %add3A_21 : i32
    %lt3A = arith.constant 625 : i32
    %lt3A_23 = arith.cmpi slt, %add3A_22, %lt3A : i32
    %jit3A = arith.constant 0 : i32
    %select_n3A = arith.select %lt3A_23, %add3A_22, %jit3A : i32
    %mul3A_24 = arith.constant 80 : i32
    %mul3A_25 = arith.muli %select_n3A, %mul3A_24 : i32
    %mul3A_26 = arith.constant 80 : i32
    %mul3A_27 = arith.muli %add3A_22, %mul3A_26 : i32
    %jit3A_28 = arith.constant 50000 : i32
    %select_n3A_29 = arith.select %lt3A_23, %mul3A_27, %jit3A_28 : i32
    %dma_start3A = arith.constant 0 : i32
    %dma_start3A_30 = arith.constant 0 : i32
    %dma_start3A_31 = arith.constant 0 : i32
    %dma_start3A_32 = tpu.memref_slice %arg6[%dma_start3A, %dma_start3A_30, %dma_start3A_31] : memref<8x80x128xf32, #tpu.memory_space<vmem>> -> memref<1x80x128xf32, #tpu.memory_space<vmem>>
    %dma_start3A_33 = tpu.memref_squeeze %dma_start3A_32 : memref<1x80x128xf32, #tpu.memory_space<vmem>> -> memref<80x128xf32, #tpu.memory_space<vmem>>
    %dma_start3A_34 = arith.constant 0 : i32
    %dma_start3A_35 = tpu.memref_slice %arg2[%mul3A_25, %dma_start3A_34] : memref<50000x128xf32, #tpu.memory_space<hbm>> -> memref<80x128xf32, #tpu.memory_space<hbm>>
    %dma_start3A_36 = arith.constant 0 : i32
    %dma_start3A_37 = arith.constant 0 : i32
    %dma_start3A_38 = tpu.memref_slice %arg6[%dma_start3A, %dma_start3A_36, %dma_start3A_37] : memref<8x80x128xf32, #tpu.memory_space<vmem>> -> memref<1x80x128xf32, #tpu.memory_space<vmem>>
    %dma_start3A_39 = tpu.memref_squeeze %dma_start3A_38 : memref<1x80x128xf32, #tpu.memory_space<vmem>> -> memref<80x128xf32, #tpu.memory_space<vmem>>
    %dma_start3A_40 = arith.constant 0 : i32
    %dma_start3A_41 = tpu.memref_slice %arg2[%mul3A_25, %dma_start3A_40] : memref<50000x128xf32, #tpu.memory_space<hbm>> -> memref<80x128xf32, #tpu.memory_space<hbm>>
    tpu.enqueue_dma source(%dma_start3A_41 : memref<80x128xf32, #tpu.memory_space<hbm>>) target(%dma_start3A_39 : memref<80x128xf32, #tpu.memory_space<vmem>>) target_semaphore(%arg12 : memref<!tpu.dma_semaphore, #tpu.memory_space<semaphore_mem>>)
    %dma_start3A_42 = arith.constant 0 : i32
    %dma_start3A_43 = arith.constant 0 : i32
    %dma_start3A_44 = tpu.memref_slice %arg7[%dma_start3A_42, %dma_start3A_43] : memref<8x80xi32, #tpu.memory_space<vmem>> -> memref<1x80xi32, #tpu.memory_space<vmem>>
    %dma_start3A_45 = tpu.memref_squeeze %dma_start3A_44 : memref<1x80xi32, #tpu.memory_space<vmem>> -> memref<80xi32, #tpu.memory_space<vmem>>
    %dma_start3A_46 = tpu.memref_slice %arg3[%select_n3A_29] : memref<50080xi32, #tpu.memory_space<hbm>> -> memref<80xi32, #tpu.memory_space<hbm>>
    %dma_start3A_47 = arith.constant 0 : i32
    %dma_start3A_48 = tpu.memref_slice %arg7[%dma_start3A_42, %dma_start3A_47] : memref<8x80xi32, #tpu.memory_space<vmem>> -> memref<1x80xi32, #tpu.memory_space<vmem>>
    %dma_start3A_49 = tpu.memref_squeeze %dma_start3A_48 : memref<1x80xi32, #tpu.memory_space<vmem>> -> memref<80xi32, #tpu.memory_space<vmem>>
    %dma_start3A_50 = tpu.memref_slice %arg3[%select_n3A_29] : memref<50080xi32, #tpu.memory_space<hbm>> -> memref<80xi32, #tpu.memory_space<hbm>>
    tpu.enqueue_dma source(%dma_start3A_50 : memref<80xi32, #tpu.memory_space<hbm>>) target(%dma_start3A_49 : memref<80xi32, #tpu.memory_space<vmem>>) target_semaphore(%arg12 : memref<!tpu.dma_semaphore, #tpu.memory_space<semaphore_mem>>)
    %add3A_51 = arith.constant 32 : i32
    %add3A_52 = arith.addi %add3A, %add3A_51 : i32
    %lt3A_53 = arith.constant 625 : i32
    %lt3A_54 = arith.cmpi slt, %add3A_52, %lt3A_53 : i32
    %jit3A_55 = arith.constant 0 : i32
    %select_n3A_56 = arith.select %lt3A_54, %add3A_52, %jit3A_55 : i32
    %mul3A_57 = arith.constant 80 : i32
    %mul3A_58 = arith.muli %select_n3A_56, %mul3A_57 : i32
    %mul3A_59 = arith.constant 80 : i32
    %mul3A_60 = arith.muli %add3A_52, %mul3A_59 : i32
    %jit3A_61 = arith.constant 50000 : i32
    %select_n3A_62 = arith.select %lt3A_54, %mul3A_60, %jit3A_61 : i32
    %dma_start3A_63 = arith.constant 1 : i32
    %dma_start3A_64 = arith.constant 0 : i32
    %dma_start3A_65 = arith.constant 0 : i32
    %dma_start3A_66 = tpu.memref_slice %arg6[%dma_start3A_63, %dma_start3A_64, %dma_start3A_65] : memref<8x80x128xf32, #tpu.memory_space<vmem>> -> memref<1x80x128xf32, #tpu.memory_space<vmem>>
    %dma_start3A_67 = tpu.memref_squeeze %dma_start3A_66 : memref<1x80x128xf32, #tpu.memory_space<vmem>> -> memref<80x128xf32, #tpu.memory_space<vmem>>
    %dma_start3A_68 = arith.constant 0 : i32
    %dma_start3A_69 = tpu.memref_slice %arg2[%mul3A_58, %dma_start3A_68] : memref<50000x128xf32, #tpu.memory_space<hbm>> -> memref<80x128xf32, #tpu.memory_space<hbm>>
    %dma_start3A_70 = arith.constant 0 : i32
    %dma_start3A_71 = arith.constant 0 : i32
    %dma_start3A_72 = tpu.memref_slice %arg6[%dma_start3A_63, %dma_start3A_70, %dma_start3A_71] : memref<8x80x128xf32, #tpu.memory_space<vmem>> -> memref<1x80x128xf32, #tpu.memory_space<vmem>>
    %dma_start3A_73 = tpu.memref_squeeze %dma_start3A_72 : memref<1x80x128xf32, #tpu.memory_space<vmem>> -> memref<80x128xf32, #tpu.memory_space<vmem>>
    %dma_start3A_74 = arith.constant 0 : i32
    %dma_start3A_75 = tpu.memref_slice %arg2[%mul3A_58, %dma_start3A_74] : memref<50000x128xf32, #tpu.memory_space<hbm>> -> memref<80x128xf32, #tpu.memory_space<hbm>>
    tpu.enqueue_dma source(%dma_start3A_75 : memref<80x128xf32, #tpu.memory_space<hbm>>) target(%dma_start3A_73 : memref<80x128xf32, #tpu.memory_space<vmem>>) target_semaphore(%arg13 : memref<!tpu.dma_semaphore, #tpu.memory_space<semaphore_mem>>)
    %dma_start3A_76 = arith.constant 1 : i32
    %dma_start3A_77 = arith.constant 0 : i32
    %dma_start3A_78 = tpu.memref_slice %arg7[%dma_start3A_76, %dma_start3A_77] : memref<8x80xi32, #tpu.memory_space<vmem>> -> memref<1x80xi32, #tpu.memory_space<vmem>>
    %dma_start3A_79 = tpu.memref_squeeze %dma_start3A_78 : memref<1x80xi32, #tpu.memory_space<vmem>> -> memref<80xi32, #tpu.memory_space<vmem>>
    %dma_start3A_80 = tpu.memref_slice %arg3[%select_n3A_62] : memref<50080xi32, #tpu.memory_space<hbm>> -> memref<80xi32, #tpu.memory_space<hbm>>
    %dma_start3A_81 = arith.constant 0 : i32
    %dma_start3A_82 = tpu.memref_slice %arg7[%dma_start3A_76, %dma_start3A_81] : memref<8x80xi32, #tpu.memory_space<vmem>> -> memref<1x80xi32, #tpu.memory_space<vmem>>
    %dma_start3A_83 = tpu.memref_squeeze %dma_start3A_82 : memref<1x80xi32, #tpu.memory_space<vmem>> -> memref<80xi32, #tpu.memory_space<vmem>>
    %dma_start3A_84 = tpu.memref_slice %arg3[%select_n3A_62] : memref<50080xi32, #tpu.memory_space<hbm>> -> memref<80xi32, #tpu.memory_space<hbm>>
    tpu.enqueue_dma source(%dma_start3A_84 : memref<80xi32, #tpu.memory_space<hbm>>) target(%dma_start3A_83 : memref<80xi32, #tpu.memory_space<vmem>>) target_semaphore(%arg13 : memref<!tpu.dma_semaphore, #tpu.memory_space<semaphore_mem>>)
    %add3A_85 = arith.constant 64 : i32
    %add3A_86 = arith.addi %add3A, %add3A_85 : i32
    %lt3A_87 = arith.constant 625 : i32
    %lt3A_88 = arith.cmpi slt, %add3A_86, %lt3A_87 : i32
    %jit3A_89 = arith.constant 0 : i32
    %select_n3A_90 = arith.select %lt3A_88, %add3A_86, %jit3A_89 : i32
    %mul3A_91 = arith.constant 80 : i32
    %mul3A_92 = arith.muli %select_n3A_90, %mul3A_91 : i32
    %mul3A_93 = arith.constant 80 : i32
    %mul3A_94 = arith.muli %add3A_86, %mul3A_93 : i32
    %jit3A_95 = arith.constant 50000 : i32
    %select_n3A_96 = arith.select %lt3A_88, %mul3A_94, %jit3A_95 : i32
    %dma_start3A_97 = arith.constant 2 : i32
    %dma_start3A_98 = arith.constant 0 : i32
    %dma_start3A_99 = arith.constant 0 : i32
    %dma_start3A_100 = tpu.memref_slice %arg6[%dma_start3A_97, %dma_start3A_98, %dma_start3A_99] : memref<8x80x128xf32, #tpu.memory_space<vmem>> -> memref<1x80x128xf32, #tpu.memory_space<vmem>>
    %dma_start3A_101 = tpu.memref_squeeze %dma_start3A_100 : memref<1x80x128xf32, #tpu.memory_space<vmem>> -> memref<80x128xf32, #tpu.memory_space<vmem>>
    %dma_start3A_102 = arith.constant 0 : i32
    %dma_start3A_103 = tpu.memref_slice %arg2[%mul3A_92, %dma_start3A_102] : memref<50000x128xf32, #tpu.memory_space<hbm>> -> memref<80x128xf32, #tpu.memory_space<hbm>>
    %dma_start3A_104 = arith.constant 0 : i32
    %dma_start3A_105 = arith.constant 0 : i32
    %dma_start3A_106 = tpu.memref_slice %arg6[%dma_start3A_97, %dma_start3A_104, %dma_start3A_105] : memref<8x80x128xf32, #tpu.memory_space<vmem>> -> memref<1x80x128xf32, #tpu.memory_space<vmem>>
    %dma_start3A_107 = tpu.memref_squeeze %dma_start3A_106 : memref<1x80x128xf32, #tpu.memory_space<vmem>> -> memref<80x128xf32, #tpu.memory_space<vmem>>
    %dma_start3A_108 = arith.constant 0 : i32
    %dma_start3A_109 = tpu.memref_slice %arg2[%mul3A_92, %dma_start3A_108] : memref<50000x128xf32, #tpu.memory_space<hbm>> -> memref<80x128xf32, #tpu.memory_space<hbm>>
    tpu.enqueue_dma source(%dma_start3A_109 : memref<80x128xf32, #tpu.memory_space<hbm>>) target(%dma_start3A_107 : memref<80x128xf32, #tpu.memory_space<vmem>>) target_semaphore(%arg14 : memref<!tpu.dma_semaphore, #tpu.memory_space<semaphore_mem>>)
    %dma_start3A_110 = arith.constant 2 : i32
    %dma_start3A_111 = arith.constant 0 : i32
    %dma_start3A_112 = tpu.memref_slice %arg7[%dma_start3A_110, %dma_start3A_111] : memref<8x80xi32, #tpu.memory_space<vmem>> -> memref<1x80xi32, #tpu.memory_space<vmem>>
    %dma_start3A_113 = tpu.memref_squeeze %dma_start3A_112 : memref<1x80xi32, #tpu.memory_space<vmem>> -> memref<80xi32, #tpu.memory_space<vmem>>
    %dma_start3A_114 = tpu.memref_slice %arg3[%select_n3A_96] : memref<50080xi32, #tpu.memory_space<hbm>> -> memref<80xi32, #tpu.memory_space<hbm>>
    %dma_start3A_115 = arith.constant 0 : i32
    %dma_start3A_116 = tpu.memref_slice %arg7[%dma_start3A_110, %dma_start3A_115] : memref<8x80xi32, #tpu.memory_space<vmem>> -> memref<1x80xi32, #tpu.memory_space<vmem>>
    %dma_start3A_117 = tpu.memref_squeeze %dma_start3A_116 : memref<1x80xi32, #tpu.memory_space<vmem>> -> memref<80xi32, #tpu.memory_space<vmem>>
    %dma_start3A_118 = tpu.memref_slice %arg3[%select_n3A_96] : memref<50080xi32, #tpu.memory_space<hbm>> -> memref<80xi32, #tpu.memory_space<hbm>>
    tpu.enqueue_dma source(%dma_start3A_118 : memref<80xi32, #tpu.memory_space<hbm>>) target(%dma_start3A_117 : memref<80xi32, #tpu.memory_space<vmem>>) target_semaphore(%arg14 : memref<!tpu.dma_semaphore, #tpu.memory_space<semaphore_mem>>)
    %add3A_119 = arith.constant 96 : i32
    %add3A_120 = arith.addi %add3A, %add3A_119 : i32
    %lt3A_121 = arith.constant 625 : i32
    %lt3A_122 = arith.cmpi slt, %add3A_120, %lt3A_121 : i32
    %jit3A_123 = arith.constant 0 : i32
    %select_n3A_124 = arith.select %lt3A_122, %add3A_120, %jit3A_123 : i32
    %mul3A_125 = arith.constant 80 : i32
    %mul3A_126 = arith.muli %select_n3A_124, %mul3A_125 : i32
    %mul3A_127 = arith.constant 80 : i32
    %mul3A_128 = arith.muli %add3A_120, %mul3A_127 : i32
    %jit3A_129 = arith.constant 50000 : i32
    %select_n3A_130 = arith.select %lt3A_122, %mul3A_128, %jit3A_129 : i32
    %dma_start3A_131 = arith.constant 3 : i32
    %dma_start3A_132 = arith.constant 0 : i32
    %dma_start3A_133 = arith.constant 0 : i32
    %dma_start3A_134 = tpu.memref_slice %arg6[%dma_start3A_131, %dma_start3A_132, %dma_start3A_133] : memref<8x80x128xf32, #tpu.memory_space<vmem>> -> memref<1x80x128xf32, #tpu.memory_space<vmem>>
    %dma_start3A_135 = tpu.memref_squeeze %dma_start3A_134 : memref<1x80x128xf32, #tpu.memory_space<vmem>> -> memref<80x128xf32, #tpu.memory_space<vmem>>
    %dma_start3A_136 = arith.constant 0 : i32
    %dma_start3A_137 = tpu.memref_slice %arg2[%mul3A_126, %dma_start3A_136] : memref<50000x128xf32, #tpu.memory_space<hbm>> -> memref<80x128xf32, #tpu.memory_space<hbm>>
    %dma_start3A_138 = arith.constant 0 : i32
    %dma_start3A_139 = arith.constant 0 : i32
    %dma_start3A_140 = tpu.memref_slice %arg6[%dma_start3A_131, %dma_start3A_138, %dma_start3A_139] : memref<8x80x128xf32, #tpu.memory_space<vmem>> -> memref<1x80x128xf32, #tpu.memory_space<vmem>>
    %dma_start3A_141 = tpu.memref_squeeze %dma_start3A_140 : memref<1x80x128xf32, #tpu.memory_space<vmem>> -> memref<80x128xf32, #tpu.memory_space<vmem>>
    %dma_start3A_142 = arith.constant 0 : i32
    %dma_start3A_143 = tpu.memref_slice %arg2[%mul3A_126, %dma_start3A_142] : memref<50000x128xf32, #tpu.memory_space<hbm>> -> memref<80x128xf32, #tpu.memory_space<hbm>>
    tpu.enqueue_dma source(%dma_start3A_143 : memref<80x128xf32, #tpu.memory_space<hbm>>) target(%dma_start3A_141 : memref<80x128xf32, #tpu.memory_space<vmem>>) target_semaphore(%arg15 : memref<!tpu.dma_semaphore, #tpu.memory_space<semaphore_mem>>)
    %dma_start3A_144 = arith.constant 3 : i32
    %dma_start3A_145 = arith.constant 0 : i32
    %dma_start3A_146 = tpu.memref_slice %arg7[%dma_start3A_144, %dma_start3A_145] : memref<8x80xi32, #tpu.memory_space<vmem>> -> memref<1x80xi32, #tpu.memory_space<vmem>>
    %dma_start3A_147 = tpu.memref_squeeze %dma_start3A_146 : memref<1x80xi32, #tpu.memory_space<vmem>> -> memref<80xi32, #tpu.memory_space<vmem>>
    %dma_start3A_148 = tpu.memref_slice %arg3[%select_n3A_130] : memref<50080xi32, #tpu.memory_space<hbm>> -> memref<80xi32, #tpu.memory_space<hbm>>
    %dma_start3A_149 = arith.constant 0 : i32
    %dma_start3A_150 = tpu.memref_slice %arg7[%dma_start3A_144, %dma_start3A_149] : memref<8x80xi32, #tpu.memory_space<vmem>> -> memref<1x80xi32, #tpu.memory_space<vmem>>
    %dma_start3A_151 = tpu.memref_squeeze %dma_start3A_150 : memref<1x80xi32, #tpu.memory_space<vmem>> -> memref<80xi32, #tpu.memory_space<vmem>>
    %dma_start3A_152 = tpu.memref_slice %arg3[%select_n3A_130] : memref<50080xi32, #tpu.memory_space<hbm>> -> memref<80xi32, #tpu.memory_space<hbm>>
    tpu.enqueue_dma source(%dma_start3A_152 : memref<80xi32, #tpu.memory_space<hbm>>) target(%dma_start3A_151 : memref<80xi32, #tpu.memory_space<vmem>>) target_semaphore(%arg15 : memref<!tpu.dma_semaphore, #tpu.memory_space<semaphore_mem>>)
    %add3A_153 = arith.constant 0 : i32
    %add3A_154 = arith.addi %add3A, %add3A_153 : i32
    %lt3A_155 = arith.constant 625 : i32
    %lt3A_156 = arith.cmpi slt, %add3A_154, %lt3A_155 : i32
    %jit3A_157 = arith.constant 0 : i32
    %select_n3A_158 = arith.select %lt3A_156, %add3A_154, %jit3A_157 : i32
    %mul3A_159 = arith.constant 80 : i32
    %mul3A_160 = arith.muli %select_n3A_158, %mul3A_159 : i32
    %mul3A_161 = arith.constant 80 : i32
    %mul3A_162 = arith.muli %add3A_154, %mul3A_161 : i32
    %jit3A_163 = arith.constant 50000 : i32
    %select_n3A_164 = arith.select %lt3A_156, %mul3A_162, %jit3A_163 : i32
    %dma_wait3A = arith.constant 0 : i32
    %dma_wait3A_165 = arith.constant 0 : i32
    %dma_wait3A_166 = arith.constant 0 : i32
    %dma_wait3A_167 = tpu.memref_slice %arg6[%dma_wait3A, %dma_wait3A_165, %dma_wait3A_166] : memref<8x80x128xf32, #tpu.memory_space<vmem>> -> memref<1x80x128xf32, #tpu.memory_space<vmem>>
    %dma_wait3A_168 = tpu.memref_squeeze %dma_wait3A_167 : memref<1x80x128xf32, #tpu.memory_space<vmem>> -> memref<80x128xf32, #tpu.memory_space<vmem>>
    %dma_wait3A_169 = arith.constant 0 : i32
    %dma_wait3A_170 = tpu.memref_slice %arg2[%mul3A_160, %dma_wait3A_169] : memref<50000x128xf32, #tpu.memory_space<hbm>> -> memref<80x128xf32, #tpu.memory_space<hbm>>
    %dma_wait3A_171 = arith.constant 0 : i32
    %dma_wait3A_172 = arith.constant 0 : i32
    %dma_wait3A_173 = tpu.memref_slice %arg6[%dma_wait3A, %dma_wait3A_171, %dma_wait3A_172] : memref<8x80x128xf32, #tpu.memory_space<vmem>> -> memref<1x80x128xf32, #tpu.memory_space<vmem>>
    %dma_wait3A_174 = tpu.memref_squeeze %dma_wait3A_173 : memref<1x80x128xf32, #tpu.memory_space<vmem>> -> memref<80x128xf32, #tpu.memory_space<vmem>>
    %dma_wait3A_175 = arith.constant 0 : i32
    %dma_wait3A_176 = tpu.memref_slice %arg2[%mul3A_160, %dma_wait3A_175] : memref<50000x128xf32, #tpu.memory_space<hbm>> -> memref<80x128xf32, #tpu.memory_space<hbm>>
    tpu.wait_dma2 semaphore(%arg12 : memref<!tpu.dma_semaphore, #tpu.memory_space<semaphore_mem>>) src(%dma_wait3A_176 : memref<80x128xf32, #tpu.memory_space<hbm>>) dst(%dma_wait3A_174 : memref<80x128xf32, #tpu.memory_space<vmem>>)
    %dma_wait3A_177 = arith.constant 0 : i32
    %dma_wait3A_178 = arith.constant 0 : i32
    %dma_wait3A_179 = tpu.memref_slice %arg7[%dma_wait3A_177, %dma_wait3A_178] : memref<8x80xi32, #tpu.memory_space<vmem>> -> memref<1x80xi32, #tpu.memory_space<vmem>>
    %dma_wait3A_180 = tpu.memref_squeeze %dma_wait3A_179 : memref<1x80xi32, #tpu.memory_space<vmem>> -> memref<80xi32, #tpu.memory_space<vmem>>
    %dma_wait3A_181 = tpu.memref_slice %arg3[%select_n3A_164] : memref<50080xi32, #tpu.memory_space<hbm>> -> memref<80xi32, #tpu.memory_space<hbm>>
    %dma_wait3A_182 = arith.constant 0 : i32
    %dma_wait3A_183 = tpu.memref_slice %arg7[%dma_wait3A_177, %dma_wait3A_182] : memref<8x80xi32, #tpu.memory_space<vmem>> -> memref<1x80xi32, #tpu.memory_space<vmem>>
    %dma_wait3A_184 = tpu.memref_squeeze %dma_wait3A_183 : memref<1x80xi32, #tpu.memory_space<vmem>> -> memref<80xi32, #tpu.memory_space<vmem>>
    %dma_wait3A_185 = tpu.memref_slice %arg3[%select_n3A_164] : memref<50080xi32, #tpu.memory_space<hbm>> -> memref<80xi32, #tpu.memory_space<hbm>>
    tpu.wait_dma2 semaphore(%arg12 : memref<!tpu.dma_semaphore, #tpu.memory_space<semaphore_mem>>) src(%dma_wait3A_185 : memref<80xi32, #tpu.memory_space<hbm>>) dst(%dma_wait3A_184 : memref<80xi32, #tpu.memory_space<vmem>>)
    %dma_start3A_186 = arith.constant 0 : i32
    %dma_start3A_187 = arith.constant 0 : i32
    %dma_start3A_188 = arith.constant 0 : i32
    %dma_start3A_189 = arith.constant 0 : i32
    %dma_start3A_190 = tpu.memref_slice %arg6[%dma_start3A_186, %dma_start3A_188, %dma_start3A_189] : memref<8x80x128xf32, #tpu.memory_space<vmem>> -> memref<1x80x128xf32, #tpu.memory_space<vmem>>
    %dma_start3A_191 = tpu.memref_squeeze %dma_start3A_190 : memref<1x80x128xf32, #tpu.memory_space<vmem>> -> memref<80x128xf32, #tpu.memory_space<vmem>>
    %dma_start3A_192 = arith.constant 0 : i32
    %dma_start3A_193 = tpu.memref_slice %arg7[%dma_start3A_187, %dma_start3A_192] : memref<8x80xi32, #tpu.memory_space<vmem>> -> memref<1x80xi32, #tpu.memory_space<vmem>>
    %dma_start3A_194 = tpu.memref_squeeze %dma_start3A_193 : memref<1x80xi32, #tpu.memory_space<vmem>> -> memref<80xi32, #tpu.memory_space<vmem>>
    %dma_start3A_195 = arith.constant 0 : i32
    %dma_start3A_196 = arith.constant 0 : i32
    %dma_start3A_197 = tpu.memref_slice %arg10[%dma_start3A_195, %dma_start3A_196] : memref<520x128xf32, #tpu.memory_space<vmem_shared>> -> memref<520x128xf32, #tpu.memory_space<vmem_shared>>
    tpu.enqueue_indirect_dma source(%dma_start3A_191 : memref<80x128xf32, #tpu.memory_space<vmem>>) target(%dma_start3A_197 : memref<520x128xf32, #tpu.memory_space<vmem_shared>>) offsets(%dma_start3A_194 : memref<80xi32, #tpu.memory_space<vmem>>) semaphore(%arg20 : memref<!tpu.dma_semaphore, #tpu.memory_space<semaphore_mem>>) {add = true}
    %dma_start3A_198 = arith.constant 0 : i32
    %dma_start3A_199 = arith.constant 0 : i32
    %dma_start3A_200 = tpu.memref_slice %arg7[%dma_start3A_198, %dma_start3A_199] : memref<8x80xi32, #tpu.memory_space<vmem>> -> memref<1x80xi32, #tpu.memory_space<vmem>>
    %dma_start3A_201 = tpu.memref_squeeze %dma_start3A_200 : memref<1x80xi32, #tpu.memory_space<vmem>> -> memref<80xi32, #tpu.memory_space<vmem>>
    %dma_start3A_202 = arith.constant 0 : i32
    %dma_start3A_203 = arith.constant 0 : i32
    %dma_start3A_204 = tpu.memref_slice %arg11[%dma_start3A_202, %dma_start3A_203] : memref<520x128xf32, #tpu.memory_space<vmem_shared>> -> memref<520x128xf32, #tpu.memory_space<vmem_shared>>
    tpu.enqueue_indirect_dma source(%arg8 : memref<80x128xf32, #tpu.memory_space<vmem>>) target(%dma_start3A_204 : memref<520x128xf32, #tpu.memory_space<vmem_shared>>) offsets(%dma_start3A_201 : memref<80xi32, #tpu.memory_space<vmem>>) semaphore(%arg20 : memref<!tpu.dma_semaphore, #tpu.memory_space<semaphore_mem>>) {add = true}
    %add3A_205 = arith.constant 128 : i32
    %add3A_206 = arith.addi %add3A, %add3A_205 : i32
    %lt3A_207 = arith.constant 625 : i32
    %lt3A_208 = arith.cmpi slt, %add3A_206, %lt3A_207 : i32
    %jit3A_209 = arith.constant 0 : i32
    %select_n3A_210 = arith.select %lt3A_208, %add3A_206, %jit3A_209 : i32
    %mul3A_211 = arith.constant 80 : i32
    %mul3A_212 = arith.muli %select_n3A_210, %mul3A_211 : i32
    %mul3A_213 = arith.constant 80 : i32
    %mul3A_214 = arith.muli %add3A_206, %mul3A_213 : i32
    %jit3A_215 = arith.constant 50000 : i32
    %select_n3A_216 = arith.select %lt3A_208, %mul3A_214, %jit3A_215 : i32
    %dma_start3A_217 = arith.constant 4 : i32
    %dma_start3A_218 = arith.constant 0 : i32
    %dma_start3A_219 = arith.constant 0 : i32
    %dma_start3A_220 = tpu.memref_slice %arg6[%dma_start3A_217, %dma_start3A_218, %dma_start3A_219] : memref<8x80x128xf32, #tpu.memory_space<vmem>> -> memref<1x80x128xf32, #tpu.memory_space<vmem>>
    %dma_start3A_221 = tpu.memref_squeeze %dma_start3A_220 : memref<1x80x128xf32, #tpu.memory_space<vmem>> -> memref<80x128xf32, #tpu.memory_space<vmem>>
    %dma_start3A_222 = arith.constant 0 : i32
    %dma_start3A_223 = tpu.memref_slice %arg2[%mul3A_212, %dma_start3A_222] : memref<50000x128xf32, #tpu.memory_space<hbm>> -> memref<80x128xf32, #tpu.memory_space<hbm>>
    %dma_start3A_224 = arith.constant 0 : i32
    %dma_start3A_225 = arith.constant 0 : i32
    %dma_start3A_226 = tpu.memref_slice %arg6[%dma_start3A_217, %dma_start3A_224, %dma_start3A_225] : memref<8x80x128xf32, #tpu.memory_space<vmem>> -> memref<1x80x128xf32, #tpu.memory_space<vmem>>
    %dma_start3A_227 = tpu.memref_squeeze %dma_start3A_226 : memref<1x80x128xf32, #tpu.memory_space<vmem>> -> memref<80x128xf32, #tpu.memory_space<vmem>>
    %dma_start3A_228 = arith.constant 0 : i32
    %dma_start3A_229 = tpu.memref_slice %arg2[%mul3A_212, %dma_start3A_228] : memref<50000x128xf32, #tpu.memory_space<hbm>> -> memref<80x128xf32, #tpu.memory_space<hbm>>
    tpu.enqueue_dma source(%dma_start3A_229 : memref<80x128xf32, #tpu.memory_space<hbm>>) target(%dma_start3A_227 : memref<80x128xf32, #tpu.memory_space<vmem>>) target_semaphore(%arg16 : memref<!tpu.dma_semaphore, #tpu.memory_space<semaphore_mem>>)
    %dma_start3A_230 = arith.constant 4 : i32
    %dma_start3A_231 = arith.constant 0 : i32
    %dma_start3A_232 = tpu.memref_slice %arg7[%dma_start3A_230, %dma_start3A_231] : memref<8x80xi32, #tpu.memory_space<vmem>> -> memref<1x80xi32, #tpu.memory_space<vmem>>
    %dma_start3A_233 = tpu.memref_squeeze %dma_start3A_232 : memref<1x80xi32, #tpu.memory_space<vmem>> -> memref<80xi32, #tpu.memory_space<vmem>>
    %dma_start3A_234 = tpu.memref_slice %arg3[%select_n3A_216] : memref<50080xi32, #tpu.memory_space<hbm>> -> memref<80xi32, #tpu.memory_space<hbm>>
    %dma_start3A_235 = arith.constant 0 : i32
    %dma_start3A_236 = tpu.memref_slice %arg7[%dma_start3A_230, %dma_start3A_235] : memref<8x80xi32, #tpu.memory_space<vmem>> -> memref<1x80xi32, #tpu.memory_space<vmem>>
    %dma_start3A_237 = tpu.memref_squeeze %dma_start3A_236 : memref<1x80xi32, #tpu.memory_space<vmem>> -> memref<80xi32, #tpu.memory_space<vmem>>
    %dma_start3A_238 = tpu.memref_slice %arg3[%select_n3A_216] : memref<50080xi32, #tpu.memory_space<hbm>> -> memref<80xi32, #tpu.memory_space<hbm>>
    tpu.enqueue_dma source(%dma_start3A_238 : memref<80xi32, #tpu.memory_space<hbm>>) target(%dma_start3A_237 : memref<80xi32, #tpu.memory_space<vmem>>) target_semaphore(%arg16 : memref<!tpu.dma_semaphore, #tpu.memory_space<semaphore_mem>>)
    %add3A_239 = arith.constant 32 : i32
    %add3A_240 = arith.addi %add3A, %add3A_239 : i32
    %lt3A_241 = arith.constant 625 : i32
    %lt3A_242 = arith.cmpi slt, %add3A_240, %lt3A_241 : i32
    %jit3A_243 = arith.constant 0 : i32
    %select_n3A_244 = arith.select %lt3A_242, %add3A_240, %jit3A_243 : i32
    %mul3A_245 = arith.constant 80 : i32
    %mul3A_246 = arith.muli %select_n3A_244, %mul3A_245 : i32
    %mul3A_247 = arith.constant 80 : i32
    %mul3A_248 = arith.muli %add3A_240, %mul3A_247 : i32
    %jit3A_249 = arith.constant 50000 : i32
    %select_n3A_250 = arith.select %lt3A_242, %mul3A_248, %jit3A_249 : i32
    %dma_wait3A_251 = arith.constant 1 : i32
    %dma_wait3A_252 = arith.constant 0 : i32
    %dma_wait3A_253 = arith.constant 0 : i32
    %dma_wait3A_254 = tpu.memref_slice %arg6[%dma_wait3A_251, %dma_wait3A_252, %dma_wait3A_253] : memref<8x80x128xf32, #tpu.memory_space<vmem>> -> memref<1x80x128xf32, #tpu.memory_space<vmem>>
    %dma_wait3A_255 = tpu.memref_squeeze %dma_wait3A_254 : memref<1x80x128xf32, #tpu.memory_space<vmem>> -> memref<80x128xf32, #tpu.memory_space<vmem>>
    %dma_wait3A_256 = arith.constant 0 : i32
    %dma_wait3A_257 = tpu.memref_slice %arg2[%mul3A_246, %dma_wait3A_256] : memref<50000x128xf32, #tpu.memory_space<hbm>> -> memref<80x128xf32, #tpu.memory_space<hbm>>
    %dma_wait3A_258 = arith.constant 0 : i32
    %dma_wait3A_259 = arith.constant 0 : i32
    %dma_wait3A_260 = tpu.memref_slice %arg6[%dma_wait3A_251, %dma_wait3A_258, %dma_wait3A_259] : memref<8x80x128xf32, #tpu.memory_space<vmem>> -> memref<1x80x128xf32, #tpu.memory_space<vmem>>
    %dma_wait3A_261 = tpu.memref_squeeze %dma_wait3A_260 : memref<1x80x128xf32, #tpu.memory_space<vmem>> -> memref<80x128xf32, #tpu.memory_space<vmem>>
    %dma_wait3A_262 = arith.constant 0 : i32
    %dma_wait3A_263 = tpu.memref_slice %arg2[%mul3A_246, %dma_wait3A_262] : memref<50000x128xf32, #tpu.memory_space<hbm>> -> memref<80x128xf32, #tpu.memory_space<hbm>>
    tpu.wait_dma2 semaphore(%arg13 : memref<!tpu.dma_semaphore, #tpu.memory_space<semaphore_mem>>) src(%dma_wait3A_263 : memref<80x128xf32, #tpu.memory_space<hbm>>) dst(%dma_wait3A_261 : memref<80x128xf32, #tpu.memory_space<vmem>>)
    %dma_wait3A_264 = arith.constant 1 : i32
    %dma_wait3A_265 = arith.constant 0 : i32
    %dma_wait3A_266 = tpu.memref_slice %arg7[%dma_wait3A_264, %dma_wait3A_265] : memref<8x80xi32, #tpu.memory_space<vmem>> -> memref<1x80xi32, #tpu.memory_space<vmem>>
    %dma_wait3A_267 = tpu.memref_squeeze %dma_wait3A_266 : memref<1x80xi32, #tpu.memory_space<vmem>> -> memref<80xi32, #tpu.memory_space<vmem>>
    %dma_wait3A_268 = tpu.memref_slice %arg3[%select_n3A_250] : memref<50080xi32, #tpu.memory_space<hbm>> -> memref<80xi32, #tpu.memory_space<hbm>>
    %dma_wait3A_269 = arith.constant 0 : i32
    %dma_wait3A_270 = tpu.memref_slice %arg7[%dma_wait3A_264, %dma_wait3A_269] : memref<8x80xi32, #tpu.memory_space<vmem>> -> memref<1x80xi32, #tpu.memory_space<vmem>>
    %dma_wait3A_271 = tpu.memref_squeeze %dma_wait3A_270 : memref<1x80xi32, #tpu.memory_space<vmem>> -> memref<80xi32, #tpu.memory_space<vmem>>
    %dma_wait3A_272 = tpu.memref_slice %arg3[%select_n3A_250] : memref<50080xi32, #tpu.memory_space<hbm>> -> memref<80xi32, #tpu.memory_space<hbm>>
    tpu.wait_dma2 semaphore(%arg13 : memref<!tpu.dma_semaphore, #tpu.memory_space<semaphore_mem>>) src(%dma_wait3A_272 : memref<80xi32, #tpu.memory_space<hbm>>) dst(%dma_wait3A_271 : memref<80xi32, #tpu.memory_space<vmem>>)
    %dma_start3A_273 = arith.constant 1 : i32
    %dma_start3A_274 = arith.constant 1 : i32
    %dma_start3A_275 = arith.constant 0 : i32
    %dma_start3A_276 = arith.constant 0 : i32
    %dma_start3A_277 = tpu.memref_slice %arg6[%dma_start3A_273, %dma_start3A_275, %dma_start3A_276] : memref<8x80x128xf32, #tpu.memory_space<vmem>> -> memref<1x80x128xf32, #tpu.memory_space<vmem>>
    %dma_start3A_278 = tpu.memref_squeeze %dma_start3A_277 : memref<1x80x128xf32, #tpu.memory_space<vmem>> -> memref<80x128xf32, #tpu.memory_space<vmem>>
    %dma_start3A_279 = arith.constant 0 : i32
    %dma_start3A_280 = tpu.memref_slice %arg7[%dma_start3A_274, %dma_start3A_279] : memref<8x80xi32, #tpu.memory_space<vmem>> -> memref<1x80xi32, #tpu.memory_space<vmem>>
    %dma_start3A_281 = tpu.memref_squeeze %dma_start3A_280 : memref<1x80xi32, #tpu.memory_space<vmem>> -> memref<80xi32, #tpu.memory_space<vmem>>
    %dma_start3A_282 = arith.constant 0 : i32
    %dma_start3A_283 = arith.constant 0 : i32
    %dma_start3A_284 = tpu.memref_slice %arg10[%dma_start3A_282, %dma_start3A_283] : memref<520x128xf32, #tpu.memory_space<vmem_shared>> -> memref<520x128xf32, #tpu.memory_space<vmem_shared>>
    tpu.enqueue_indirect_dma source(%dma_start3A_278 : memref<80x128xf32, #tpu.memory_space<vmem>>) target(%dma_start3A_284 : memref<520x128xf32, #tpu.memory_space<vmem_shared>>) offsets(%dma_start3A_281 : memref<80xi32, #tpu.memory_space<vmem>>) semaphore(%arg21 : memref<!tpu.dma_semaphore, #tpu.memory_space<semaphore_mem>>) {add = true}
    %dma_start3A_285 = arith.constant 1 : i32
    %dma_start3A_286 = arith.constant 0 : i32
    %dma_start3A_287 = tpu.memref_slice %arg7[%dma_start3A_285, %dma_start3A_286] : memref<8x80xi32, #tpu.memory_space<vmem>> -> memref<1x80xi32, #tpu.memory_space<vmem>>
    %dma_start3A_288 = tpu.memref_squeeze %dma_start3A_287 : memref<1x80xi32, #tpu.memory_space<vmem>> -> memref<80xi32, #tpu.memory_space<vmem>>
    %dma_start3A_289 = arith.constant 0 : i32
    %dma_start3A_290 = arith.constant 0 : i32
    %dma_start3A_291 = tpu.memref_slice %arg11[%dma_start3A_289, %dma_start3A_290] : memref<520x128xf32, #tpu.memory_space<vmem_shared>> -> memref<520x128xf32, #tpu.memory_space<vmem_shared>>
    tpu.enqueue_indirect_dma source(%arg8 : memref<80x128xf32, #tpu.memory_space<vmem>>) target(%dma_start3A_291 : memref<520x128xf32, #tpu.memory_space<vmem_shared>>) offsets(%dma_start3A_288 : memref<80xi32, #tpu.memory_space<vmem>>) semaphore(%arg21 : memref<!tpu.dma_semaphore, #tpu.memory_space<semaphore_mem>>) {add = true}
    %add3A_292 = arith.constant 160 : i32
    %add3A_293 = arith.addi %add3A, %add3A_292 : i32
    %lt3A_294 = arith.constant 625 : i32
    %lt3A_295 = arith.cmpi slt, %add3A_293, %lt3A_294 : i32
    %jit3A_296 = arith.constant 0 : i32
    %select_n3A_297 = arith.select %lt3A_295, %add3A_293, %jit3A_296 : i32
    %mul3A_298 = arith.constant 80 : i32
    %mul3A_299 = arith.muli %select_n3A_297, %mul3A_298 : i32
    %mul3A_300 = arith.constant 80 : i32
    %mul3A_301 = arith.muli %add3A_293, %mul3A_300 : i32
    %jit3A_302 = arith.constant 50000 : i32
    %select_n3A_303 = arith.select %lt3A_295, %mul3A_301, %jit3A_302 : i32
    %dma_start3A_304 = arith.constant 5 : i32
    %dma_start3A_305 = arith.constant 0 : i32
    %dma_start3A_306 = arith.constant 0 : i32
    %dma_start3A_307 = tpu.memref_slice %arg6[%dma_start3A_304, %dma_start3A_305, %dma_start3A_306] : memref<8x80x128xf32, #tpu.memory_space<vmem>> -> memref<1x80x128xf32, #tpu.memory_space<vmem>>
    %dma_start3A_308 = tpu.memref_squeeze %dma_start3A_307 : memref<1x80x128xf32, #tpu.memory_space<vmem>> -> memref<80x128xf32, #tpu.memory_space<vmem>>
    %dma_start3A_309 = arith.constant 0 : i32
    %dma_start3A_310 = tpu.memref_slice %arg2[%mul3A_299, %dma_start3A_309] : memref<50000x128xf32, #tpu.memory_space<hbm>> -> memref<80x128xf32, #tpu.memory_space<hbm>>
    %dma_start3A_311 = arith.constant 0 : i32
    %dma_start3A_312 = arith.constant 0 : i32
    %dma_start3A_313 = tpu.memref_slice %arg6[%dma_start3A_304, %dma_start3A_311, %dma_start3A_312] : memref<8x80x128xf32, #tpu.memory_space<vmem>> -> memref<1x80x128xf32, #tpu.memory_space<vmem>>
    %dma_start3A_314 = tpu.memref_squeeze %dma_start3A_313 : memref<1x80x128xf32, #tpu.memory_space<vmem>> -> memref<80x128xf32, #tpu.memory_space<vmem>>
    %dma_start3A_315 = arith.constant 0 : i32
    %dma_start3A_316 = tpu.memref_slice %arg2[%mul3A_299, %dma_start3A_315] : memref<50000x128xf32, #tpu.memory_space<hbm>> -> memref<80x128xf32, #tpu.memory_space<hbm>>
    tpu.enqueue_dma source(%dma_start3A_316 : memref<80x128xf32, #tpu.memory_space<hbm>>) target(%dma_start3A_314 : memref<80x128xf32, #tpu.memory_space<vmem>>) target_semaphore(%arg17 : memref<!tpu.dma_semaphore, #tpu.memory_space<semaphore_mem>>)
    %dma_start3A_317 = arith.constant 5 : i32
    %dma_start3A_318 = arith.constant 0 : i32
    %dma_start3A_319 = tpu.memref_slice %arg7[%dma_start3A_317, %dma_start3A_318] : memref<8x80xi32, #tpu.memory_space<vmem>> -> memref<1x80xi32, #tpu.memory_space<vmem>>
    %dma_start3A_320 = tpu.memref_squeeze %dma_start3A_319 : memref<1x80xi32, #tpu.memory_space<vmem>> -> memref<80xi32, #tpu.memory_space<vmem>>
    %dma_start3A_321 = tpu.memref_slice %arg3[%select_n3A_303] : memref<50080xi32, #tpu.memory_space<hbm>> -> memref<80xi32, #tpu.memory_space<hbm>>
    %dma_start3A_322 = arith.constant 0 : i32
    %dma_start3A_323 = tpu.memref_slice %arg7[%dma_start3A_317, %dma_start3A_322] : memref<8x80xi32, #tpu.memory_space<vmem>> -> memref<1x80xi32, #tpu.memory_space<vmem>>
    %dma_start3A_324 = tpu.memref_squeeze %dma_start3A_323 : memref<1x80xi32, #tpu.memory_space<vmem>> -> memref<80xi32, #tpu.memory_space<vmem>>
    %dma_start3A_325 = tpu.memref_slice %arg3[%select_n3A_303] : memref<50080xi32, #tpu.memory_space<hbm>> -> memref<80xi32, #tpu.memory_space<hbm>>
    tpu.enqueue_dma source(%dma_start3A_325 : memref<80xi32, #tpu.memory_space<hbm>>) target(%dma_start3A_324 : memref<80xi32, #tpu.memory_space<vmem>>) target_semaphore(%arg17 : memref<!tpu.dma_semaphore, #tpu.memory_space<semaphore_mem>>)
    %add3A_326 = arith.constant 64 : i32
    %add3A_327 = arith.addi %add3A, %add3A_326 : i32
    %lt3A_328 = arith.constant 625 : i32
    %lt3A_329 = arith.cmpi slt, %add3A_327, %lt3A_328 : i32
    %jit3A_330 = arith.constant 0 : i32
    %select_n3A_331 = arith.select %lt3A_329, %add3A_327, %jit3A_330 : i32
    %mul3A_332 = arith.constant 80 : i32
    %mul3A_333 = arith.muli %select_n3A_331, %mul3A_332 : i32
    %mul3A_334 = arith.constant 80 : i32
    %mul3A_335 = arith.muli %add3A_327, %mul3A_334 : i32
    %jit3A_336 = arith.constant 50000 : i32
    %select_n3A_337 = arith.select %lt3A_329, %mul3A_335, %jit3A_336 : i32
    %dma_wait3A_338 = arith.constant 2 : i32
    %dma_wait3A_339 = arith.constant 0 : i32
    %dma_wait3A_340 = arith.constant 0 : i32
    %dma_wait3A_341 = tpu.memref_slice %arg6[%dma_wait3A_338, %dma_wait3A_339, %dma_wait3A_340] : memref<8x80x128xf32, #tpu.memory_space<vmem>> -> memref<1x80x128xf32, #tpu.memory_space<vmem>>
    %dma_wait3A_342 = tpu.memref_squeeze %dma_wait3A_341 : memref<1x80x128xf32, #tpu.memory_space<vmem>> -> memref<80x128xf32, #tpu.memory_space<vmem>>
    %dma_wait3A_343 = arith.constant 0 : i32
    %dma_wait3A_344 = tpu.memref_slice %arg2[%mul3A_333, %dma_wait3A_343] : memref<50000x128xf32, #tpu.memory_space<hbm>> -> memref<80x128xf32, #tpu.memory_space<hbm>>
    %dma_wait3A_345 = arith.constant 0 : i32
    %dma_wait3A_346 = arith.constant 0 : i32
    %dma_wait3A_347 = tpu.memref_slice %arg6[%dma_wait3A_338, %dma_wait3A_345, %dma_wait3A_346] : memref<8x80x128xf32, #tpu.memory_space<vmem>> -> memref<1x80x128xf32, #tpu.memory_space<vmem>>
    %dma_wait3A_348 = tpu.memref_squeeze %dma_wait3A_347 : memref<1x80x128xf32, #tpu.memory_space<vmem>> -> memref<80x128xf32, #tpu.memory_space<vmem>>
    %dma_wait3A_349 = arith.constant 0 : i32
    %dma_wait3A_350 = tpu.memref_slice %arg2[%mul3A_333, %dma_wait3A_349] : memref<50000x128xf32, #tpu.memory_space<hbm>> -> memref<80x128xf32, #tpu.memory_space<hbm>>
    tpu.wait_dma2 semaphore(%arg14 : memref<!tpu.dma_semaphore, #tpu.memory_space<semaphore_mem>>) src(%dma_wait3A_350 : memref<80x128xf32, #tpu.memory_space<hbm>>) dst(%dma_wait3A_348 : memref<80x128xf32, #tpu.memory_space<vmem>>)
    %dma_wait3A_351 = arith.constant 2 : i32
    %dma_wait3A_352 = arith.constant 0 : i32
    %dma_wait3A_353 = tpu.memref_slice %arg7[%dma_wait3A_351, %dma_wait3A_352] : memref<8x80xi32, #tpu.memory_space<vmem>> -> memref<1x80xi32, #tpu.memory_space<vmem>>
    %dma_wait3A_354 = tpu.memref_squeeze %dma_wait3A_353 : memref<1x80xi32, #tpu.memory_space<vmem>> -> memref<80xi32, #tpu.memory_space<vmem>>
    %dma_wait3A_355 = tpu.memref_slice %arg3[%select_n3A_337] : memref<50080xi32, #tpu.memory_space<hbm>> -> memref<80xi32, #tpu.memory_space<hbm>>
    %dma_wait3A_356 = arith.constant 0 : i32
    %dma_wait3A_357 = tpu.memref_slice %arg7[%dma_wait3A_351, %dma_wait3A_356] : memref<8x80xi32, #tpu.memory_space<vmem>> -> memref<1x80xi32, #tpu.memory_space<vmem>>
    %dma_wait3A_358 = tpu.memref_squeeze %dma_wait3A_357 : memref<1x80xi32, #tpu.memory_space<vmem>> -> memref<80xi32, #tpu.memory_space<vmem>>
    %dma_wait3A_359 = tpu.memref_slice %arg3[%select_n3A_337] : memref<50080xi32, #tpu.memory_space<hbm>> -> memref<80xi32, #tpu.memory_space<hbm>>
    tpu.wait_dma2 semaphore(%arg14 : memref<!tpu.dma_semaphore, #tpu.memory_space<semaphore_mem>>) src(%dma_wait3A_359 : memref<80xi32, #tpu.memory_space<hbm>>) dst(%dma_wait3A_358 : memref<80xi32, #tpu.memory_space<vmem>>)
    %dma_start3A_360 = arith.constant 2 : i32
    %dma_start3A_361 = arith.constant 2 : i32
    %dma_start3A_362 = arith.constant 0 : i32
    %dma_start3A_363 = arith.constant 0 : i32
    %dma_start3A_364 = tpu.memref_slice %arg6[%dma_start3A_360, %dma_start3A_362, %dma_start3A_363] : memref<8x80x128xf32, #tpu.memory_space<vmem>> -> memref<1x80x128xf32, #tpu.memory_space<vmem>>
    %dma_start3A_365 = tpu.memref_squeeze %dma_start3A_364 : memref<1x80x128xf32, #tpu.memory_space<vmem>> -> memref<80x128xf32, #tpu.memory_space<vmem>>
    %dma_start3A_366 = arith.constant 0 : i32
    %dma_start3A_367 = tpu.memref_slice %arg7[%dma_start3A_361, %dma_start3A_366] : memref<8x80xi32, #tpu.memory_space<vmem>> -> memref<1x80xi32, #tpu.memory_space<vmem>>
    %dma_start3A_368 = tpu.memref_squeeze %dma_start3A_367 : memref<1x80xi32, #tpu.memory_space<vmem>> -> memref<80xi32, #tpu.memory_space<vmem>>
    %dma_start3A_369 = arith.constant 0 : i32
    %dma_start3A_370 = arith.constant 0 : i32
    %dma_start3A_371 = tpu.memref_slice %arg10[%dma_start3A_369, %dma_start3A_370] : memref<520x128xf32, #tpu.memory_space<vmem_shared>> -> memref<520x128xf32, #tpu.memory_space<vmem_shared>>
    tpu.enqueue_indirect_dma source(%dma_start3A_365 : memref<80x128xf32, #tpu.memory_space<vmem>>) target(%dma_start3A_371 : memref<520x128xf32, #tpu.memory_space<vmem_shared>>) offsets(%dma_start3A_368 : memref<80xi32, #tpu.memory_space<vmem>>) semaphore(%arg22 : memref<!tpu.dma_semaphore, #tpu.memory_space<semaphore_mem>>) {add = true}
    %dma_start3A_372 = arith.constant 2 : i32
    %dma_start3A_373 = arith.constant 0 : i32
    %dma_start3A_374 = tpu.memref_slice %arg7[%dma_start3A_372, %dma_start3A_373] : memref<8x80xi32, #tpu.memory_space<vmem>> -> memref<1x80xi32, #tpu.memory_space<vmem>>
    %dma_start3A_375 = tpu.memref_squeeze %dma_start3A_374 : memref<1x80xi32, #tpu.memory_space<vmem>> -> memref<80xi32, #tpu.memory_space<vmem>>
    %dma_start3A_376 = arith.constant 0 : i32
    %dma_start3A_377 = arith.constant 0 : i32
    %dma_start3A_378 = tpu.memref_slice %arg11[%dma_start3A_376, %dma_start3A_377] : memref<520x128xf32, #tpu.memory_space<vmem_shared>> -> memref<520x128xf32, #tpu.memory_space<vmem_shared>>
    tpu.enqueue_indirect_dma source(%arg8 : memref<80x128xf32, #tpu.memory_space<vmem>>) target(%dma_start3A_378 : memref<520x128xf32, #tpu.memory_space<vmem_shared>>) offsets(%dma_start3A_375 : memref<80xi32, #tpu.memory_space<vmem>>) semaphore(%arg22 : memref<!tpu.dma_semaphore, #tpu.memory_space<semaphore_mem>>) {add = true}
    %add3A_379 = arith.constant 192 : i32
    %add3A_380 = arith.addi %add3A, %add3A_379 : i32
    %lt3A_381 = arith.constant 625 : i32
    %lt3A_382 = arith.cmpi slt, %add3A_380, %lt3A_381 : i32
    %jit3A_383 = arith.constant 0 : i32
    %select_n3A_384 = arith.select %lt3A_382, %add3A_380, %jit3A_383 : i32
    %mul3A_385 = arith.constant 80 : i32
    %mul3A_386 = arith.muli %select_n3A_384, %mul3A_385 : i32
    %mul3A_387 = arith.constant 80 : i32
    %mul3A_388 = arith.muli %add3A_380, %mul3A_387 : i32
    %jit3A_389 = arith.constant 50000 : i32
    %select_n3A_390 = arith.select %lt3A_382, %mul3A_388, %jit3A_389 : i32
    %dma_start3A_391 = arith.constant 6 : i32
    %dma_start3A_392 = arith.constant 0 : i32
    %dma_start3A_393 = arith.constant 0 : i32
    %dma_start3A_394 = tpu.memref_slice %arg6[%dma_start3A_391, %dma_start3A_392, %dma_start3A_393] : memref<8x80x128xf32, #tpu.memory_space<vmem>> -> memref<1x80x128xf32, #tpu.memory_space<vmem>>
    %dma_start3A_395 = tpu.memref_squeeze %dma_start3A_394 : memref<1x80x128xf32, #tpu.memory_space<vmem>> -> memref<80x128xf32, #tpu.memory_space<vmem>>
    %dma_start3A_396 = arith.constant 0 : i32
    %dma_start3A_397 = tpu.memref_slice %arg2[%mul3A_386, %dma_start3A_396] : memref<50000x128xf32, #tpu.memory_space<hbm>> -> memref<80x128xf32, #tpu.memory_space<hbm>>
    %dma_start3A_398 = arith.constant 0 : i32
    %dma_start3A_399 = arith.constant 0 : i32
    %dma_start3A_400 = tpu.memref_slice %arg6[%dma_start3A_391, %dma_start3A_398, %dma_start3A_399] : memref<8x80x128xf32, #tpu.memory_space<vmem>> -> memref<1x80x128xf32, #tpu.memory_space<vmem>>
    %dma_start3A_401 = tpu.memref_squeeze %dma_start3A_400 : memref<1x80x128xf32, #tpu.memory_space<vmem>> -> memref<80x128xf32, #tpu.memory_space<vmem>>
    %dma_start3A_402 = arith.constant 0 : i32
    %dma_start3A_403 = tpu.memref_slice %arg2[%mul3A_386, %dma_start3A_402] : memref<50000x128xf32, #tpu.memory_space<hbm>> -> memref<80x128xf32, #tpu.memory_space<hbm>>
    tpu.enqueue_dma source(%dma_start3A_403 : memref<80x128xf32, #tpu.memory_space<hbm>>) target(%dma_start3A_401 : memref<80x128xf32, #tpu.memory_space<vmem>>) target_semaphore(%arg18 : memref<!tpu.dma_semaphore, #tpu.memory_space<semaphore_mem>>)
    %dma_start3A_404 = arith.constant 6 : i32
    %dma_start3A_405 = arith.constant 0 : i32
    %dma_start3A_406 = tpu.memref_slice %arg7[%dma_start3A_404, %dma_start3A_405] : memref<8x80xi32, #tpu.memory_space<vmem>> -> memref<1x80xi32, #tpu.memory_space<vmem>>
    %dma_start3A_407 = tpu.memref_squeeze %dma_start3A_406 : memref<1x80xi32, #tpu.memory_space<vmem>> -> memref<80xi32, #tpu.memory_space<vmem>>
    %dma_start3A_408 = tpu.memref_slice %arg3[%select_n3A_390] : memref<50080xi32, #tpu.memory_space<hbm>> -> memref<80xi32, #tpu.memory_space<hbm>>
    %dma_start3A_409 = arith.constant 0 : i32
    %dma_start3A_410 = tpu.memref_slice %arg7[%dma_start3A_404, %dma_start3A_409] : memref<8x80xi32, #tpu.memory_space<vmem>> -> memref<1x80xi32, #tpu.memory_space<vmem>>
    %dma_start3A_411 = tpu.memref_squeeze %dma_start3A_410 : memref<1x80xi32, #tpu.memory_space<vmem>> -> memref<80xi32, #tpu.memory_space<vmem>>
    %dma_start3A_412 = tpu.memref_slice %arg3[%select_n3A_390] : memref<50080xi32, #tpu.memory_space<hbm>> -> memref<80xi32, #tpu.memory_space<hbm>>
    tpu.enqueue_dma source(%dma_start3A_412 : memref<80xi32, #tpu.memory_space<hbm>>) target(%dma_start3A_411 : memref<80xi32, #tpu.memory_space<vmem>>) target_semaphore(%arg18 : memref<!tpu.dma_semaphore, #tpu.memory_space<semaphore_mem>>)
    %add3A_413 = arith.constant 96 : i32
    %add3A_414 = arith.addi %add3A, %add3A_413 : i32
    %lt3A_415 = arith.constant 625 : i32
    %lt3A_416 = arith.cmpi slt, %add3A_414, %lt3A_415 : i32
    %jit3A_417 = arith.constant 0 : i32
    %select_n3A_418 = arith.select %lt3A_416, %add3A_414, %jit3A_417 : i32
    %mul3A_419 = arith.constant 80 : i32
    %mul3A_420 = arith.muli %select_n3A_418, %mul3A_419 : i32
    %mul3A_421 = arith.constant 80 : i32
    %mul3A_422 = arith.muli %add3A_414, %mul3A_421 : i32
    %jit3A_423 = arith.constant 50000 : i32
    %select_n3A_424 = arith.select %lt3A_416, %mul3A_422, %jit3A_423 : i32
    %dma_wait3A_425 = arith.constant 3 : i32
    %dma_wait3A_426 = arith.constant 0 : i32
    %dma_wait3A_427 = arith.constant 0 : i32
    %dma_wait3A_428 = tpu.memref_slice %arg6[%dma_wait3A_425, %dma_wait3A_426, %dma_wait3A_427] : memref<8x80x128xf32, #tpu.memory_space<vmem>> -> memref<1x80x128xf32, #tpu.memory_space<vmem>>
    %dma_wait3A_429 = tpu.memref_squeeze %dma_wait3A_428 : memref<1x80x128xf32, #tpu.memory_space<vmem>> -> memref<80x128xf32, #tpu.memory_space<vmem>>
    %dma_wait3A_430 = arith.constant 0 : i32
    %dma_wait3A_431 = tpu.memref_slice %arg2[%mul3A_420, %dma_wait3A_430] : memref<50000x128xf32, #tpu.memory_space<hbm>> -> memref<80x128xf32, #tpu.memory_space<hbm>>
    %dma_wait3A_432 = arith.constant 0 : i32
    %dma_wait3A_433 = arith.constant 0 : i32
    %dma_wait3A_434 = tpu.memref_slice %arg6[%dma_wait3A_425, %dma_wait3A_432, %dma_wait3A_433] : memref<8x80x128xf32, #tpu.memory_space<vmem>> -> memref<1x80x128xf32, #tpu.memory_space<vmem>>
    %dma_wait3A_435 = tpu.memref_squeeze %dma_wait3A_434 : memref<1x80x128xf32, #tpu.memory_space<vmem>> -> memref<80x128xf32, #tpu.memory_space<vmem>>
    %dma_wait3A_436 = arith.constant 0 : i32
    %dma_wait3A_437 = tpu.memref_slice %arg2[%mul3A_420, %dma_wait3A_436] : memref<50000x128xf32, #tpu.memory_space<hbm>> -> memref<80x128xf32, #tpu.memory_space<hbm>>
    tpu.wait_dma2 semaphore(%arg15 : memref<!tpu.dma_semaphore, #tpu.memory_space<semaphore_mem>>) src(%dma_wait3A_437 : memref<80x128xf32, #tpu.memory_space<hbm>>) dst(%dma_wait3A_435 : memref<80x128xf32, #tpu.memory_space<vmem>>)
    %dma_wait3A_438 = arith.constant 3 : i32
    %dma_wait3A_439 = arith.constant 0 : i32
    %dma_wait3A_440 = tpu.memref_slice %arg7[%dma_wait3A_438, %dma_wait3A_439] : memref<8x80xi32, #tpu.memory_space<vmem>> -> memref<1x80xi32, #tpu.memory_space<vmem>>
    %dma_wait3A_441 = tpu.memref_squeeze %dma_wait3A_440 : memref<1x80xi32, #tpu.memory_space<vmem>> -> memref<80xi32, #tpu.memory_space<vmem>>
    %dma_wait3A_442 = tpu.memref_slice %arg3[%select_n3A_424] : memref<50080xi32, #tpu.memory_space<hbm>> -> memref<80xi32, #tpu.memory_space<hbm>>
    %dma_wait3A_443 = arith.constant 0 : i32
    %dma_wait3A_444 = tpu.memref_slice %arg7[%dma_wait3A_438, %dma_wait3A_443] : memref<8x80xi32, #tpu.memory_space<vmem>> -> memref<1x80xi32, #tpu.memory_space<vmem>>
    %dma_wait3A_445 = tpu.memref_squeeze %dma_wait3A_444 : memref<1x80xi32, #tpu.memory_space<vmem>> -> memref<80xi32, #tpu.memory_space<vmem>>
    %dma_wait3A_446 = tpu.memref_slice %arg3[%select_n3A_424] : memref<50080xi32, #tpu.memory_space<hbm>> -> memref<80xi32, #tpu.memory_space<hbm>>
    tpu.wait_dma2 semaphore(%arg15 : memref<!tpu.dma_semaphore, #tpu.memory_space<semaphore_mem>>) src(%dma_wait3A_446 : memref<80xi32, #tpu.memory_space<hbm>>) dst(%dma_wait3A_445 : memref<80xi32, #tpu.memory_space<vmem>>)
    %dma_start3A_447 = arith.constant 3 : i32
    %dma_start3A_448 = arith.constant 3 : i32
    %dma_start3A_449 = arith.constant 0 : i32
    %dma_start3A_450 = arith.constant 0 : i32
    %dma_start3A_451 = tpu.memref_slice %arg6[%dma_start3A_447, %dma_start3A_449, %dma_start3A_450] : memref<8x80x128xf32, #tpu.memory_space<vmem>> -> memref<1x80x128xf32, #tpu.memory_space<vmem>>
    %dma_start3A_452 = tpu.memref_squeeze %dma_start3A_451 : memref<1x80x128xf32, #tpu.memory_space<vmem>> -> memref<80x128xf32, #tpu.memory_space<vmem>>
    %dma_start3A_453 = arith.constant 0 : i32
    %dma_start3A_454 = tpu.memref_slice %arg7[%dma_start3A_448, %dma_start3A_453] : memref<8x80xi32, #tpu.memory_space<vmem>> -> memref<1x80xi32, #tpu.memory_space<vmem>>
    %dma_start3A_455 = tpu.memref_squeeze %dma_start3A_454 : memref<1x80xi32, #tpu.memory_space<vmem>> -> memref<80xi32, #tpu.memory_space<vmem>>
    %dma_start3A_456 = arith.constant 0 : i32
    %dma_start3A_457 = arith.constant 0 : i32
    %dma_start3A_458 = tpu.memref_slice %arg10[%dma_start3A_456, %dma_start3A_457] : memref<520x128xf32, #tpu.memory_space<vmem_shared>> -> memref<520x128xf32, #tpu.memory_space<vmem_shared>>
    tpu.enqueue_indirect_dma source(%dma_start3A_452 : memref<80x128xf32, #tpu.memory_space<vmem>>) target(%dma_start3A_458 : memref<520x128xf32, #tpu.memory_space<vmem_shared>>) offsets(%dma_start3A_455 : memref<80xi32, #tpu.memory_space<vmem>>) semaphore(%arg23 : memref<!tpu.dma_semaphore, #tpu.memory_space<semaphore_mem>>) {add = true}
    %dma_start3A_459 = arith.constant 3 : i32
    %dma_start3A_460 = arith.constant 0 : i32
    %dma_start3A_461 = tpu.memref_slice %arg7[%dma_start3A_459, %dma_start3A_460] : memref<8x80xi32, #tpu.memory_space<vmem>> -> memref<1x80xi32, #tpu.memory_space<vmem>>
    %dma_start3A_462 = tpu.memref_squeeze %dma_start3A_461 : memref<1x80xi32, #tpu.memory_space<vmem>> -> memref<80xi32, #tpu.memory_space<vmem>>
    %dma_start3A_463 = arith.constant 0 : i32
    %dma_start3A_464 = arith.constant 0 : i32
    %dma_start3A_465 = tpu.memref_slice %arg11[%dma_start3A_463, %dma_start3A_464] : memref<520x128xf32, #tpu.memory_space<vmem_shared>> -> memref<520x128xf32, #tpu.memory_space<vmem_shared>>
    tpu.enqueue_indirect_dma source(%arg8 : memref<80x128xf32, #tpu.memory_space<vmem>>) target(%dma_start3A_465 : memref<520x128xf32, #tpu.memory_space<vmem_shared>>) offsets(%dma_start3A_462 : memref<80xi32, #tpu.memory_space<vmem>>) semaphore(%arg23 : memref<!tpu.dma_semaphore, #tpu.memory_space<semaphore_mem>>) {add = true}
    %add3A_466 = arith.constant 224 : i32
    %add3A_467 = arith.addi %add3A, %add3A_466 : i32
    %lt3A_468 = arith.constant 625 : i32
    %lt3A_469 = arith.cmpi slt, %add3A_467, %lt3A_468 : i32
    %jit3A_470 = arith.constant 0 : i32
    %select_n3A_471 = arith.select %lt3A_469, %add3A_467, %jit3A_470 : i32
    %mul3A_472 = arith.constant 80 : i32
    %mul3A_473 = arith.muli %select_n3A_471, %mul3A_472 : i32
    %mul3A_474 = arith.constant 80 : i32
    %mul3A_475 = arith.muli %add3A_467, %mul3A_474 : i32
    %jit3A_476 = arith.constant 50000 : i32
    %select_n3A_477 = arith.select %lt3A_469, %mul3A_475, %jit3A_476 : i32
    %dma_start3A_478 = arith.constant 7 : i32
    %dma_start3A_479 = arith.constant 0 : i32
    %dma_start3A_480 = arith.constant 0 : i32
    %dma_start3A_481 = tpu.memref_slice %arg6[%dma_start3A_478, %dma_start3A_479, %dma_start3A_480] : memref<8x80x128xf32, #tpu.memory_space<vmem>> -> memref<1x80x128xf32, #tpu.memory_space<vmem>>
    %dma_start3A_482 = tpu.memref_squeeze %dma_start3A_481 : memref<1x80x128xf32, #tpu.memory_space<vmem>> -> memref<80x128xf32, #tpu.memory_space<vmem>>
    %dma_start3A_483 = arith.constant 0 : i32
    %dma_start3A_484 = tpu.memref_slice %arg2[%mul3A_473, %dma_start3A_483] : memref<50000x128xf32, #tpu.memory_space<hbm>> -> memref<80x128xf32, #tpu.memory_space<hbm>>
    %dma_start3A_485 = arith.constant 0 : i32
    %dma_start3A_486 = arith.constant 0 : i32
    %dma_start3A_487 = tpu.memref_slice %arg6[%dma_start3A_478, %dma_start3A_485, %dma_start3A_486] : memref<8x80x128xf32, #tpu.memory_space<vmem>> -> memref<1x80x128xf32, #tpu.memory_space<vmem>>
    %dma_start3A_488 = tpu.memref_squeeze %dma_start3A_487 : memref<1x80x128xf32, #tpu.memory_space<vmem>> -> memref<80x128xf32, #tpu.memory_space<vmem>>
    %dma_start3A_489 = arith.constant 0 : i32
    %dma_start3A_490 = tpu.memref_slice %arg2[%mul3A_473, %dma_start3A_489] : memref<50000x128xf32, #tpu.memory_space<hbm>> -> memref<80x128xf32, #tpu.memory_space<hbm>>
    tpu.enqueue_dma source(%dma_start3A_490 : memref<80x128xf32, #tpu.memory_space<hbm>>) target(%dma_start3A_488 : memref<80x128xf32, #tpu.memory_space<vmem>>) target_semaphore(%arg19 : memref<!tpu.dma_semaphore, #tpu.memory_space<semaphore_mem>>)
    %dma_start3A_491 = arith.constant 7 : i32
    %dma_start3A_492 = arith.constant 0 : i32
    %dma_start3A_493 = tpu.memref_slice %arg7[%dma_start3A_491, %dma_start3A_492] : memref<8x80xi32, #tpu.memory_space<vmem>> -> memref<1x80xi32, #tpu.memory_space<vmem>>
    %dma_start3A_494 = tpu.memref_squeeze %dma_start3A_493 : memref<1x80xi32, #tpu.memory_space<vmem>> -> memref<80xi32, #tpu.memory_space<vmem>>
    %dma_start3A_495 = tpu.memref_slice %arg3[%select_n3A_477] : memref<50080xi32, #tpu.memory_space<hbm>> -> memref<80xi32, #tpu.memory_space<hbm>>
    %dma_start3A_496 = arith.constant 0 : i32
    %dma_start3A_497 = tpu.memref_slice %arg7[%dma_start3A_491, %dma_start3A_496] : memref<8x80xi32, #tpu.memory_space<vmem>> -> memref<1x80xi32, #tpu.memory_space<vmem>>
    %dma_start3A_498 = tpu.memref_squeeze %dma_start3A_497 : memref<1x80xi32, #tpu.memory_space<vmem>> -> memref<80xi32, #tpu.memory_space<vmem>>
    %dma_start3A_499 = tpu.memref_slice %arg3[%select_n3A_477] : memref<50080xi32, #tpu.memory_space<hbm>> -> memref<80xi32, #tpu.memory_space<hbm>>
    tpu.enqueue_dma source(%dma_start3A_499 : memref<80xi32, #tpu.memory_space<hbm>>) target(%dma_start3A_498 : memref<80xi32, #tpu.memory_space<vmem>>) target_semaphore(%arg19 : memref<!tpu.dma_semaphore, #tpu.memory_space<semaphore_mem>>)
    %add3A_500 = arith.constant 128 : i32
    %add3A_501 = arith.addi %add3A, %add3A_500 : i32
    %lt3A_502 = arith.constant 625 : i32
    %lt3A_503 = arith.cmpi slt, %add3A_501, %lt3A_502 : i32
    %jit3A_504 = arith.constant 0 : i32
    %select_n3A_505 = arith.select %lt3A_503, %add3A_501, %jit3A_504 : i32
    %mul3A_506 = arith.constant 80 : i32
    %mul3A_507 = arith.muli %select_n3A_505, %mul3A_506 : i32
    %mul3A_508 = arith.constant 80 : i32
    %mul3A_509 = arith.muli %add3A_501, %mul3A_508 : i32
    %jit3A_510 = arith.constant 50000 : i32
    %select_n3A_511 = arith.select %lt3A_503, %mul3A_509, %jit3A_510 : i32
    %dma_wait3A_512 = arith.constant 4 : i32
    %dma_wait3A_513 = arith.constant 0 : i32
    %dma_wait3A_514 = arith.constant 0 : i32
    %dma_wait3A_515 = tpu.memref_slice %arg6[%dma_wait3A_512, %dma_wait3A_513, %dma_wait3A_514] : memref<8x80x128xf32, #tpu.memory_space<vmem>> -> memref<1x80x128xf32, #tpu.memory_space<vmem>>
    %dma_wait3A_516 = tpu.memref_squeeze %dma_wait3A_515 : memref<1x80x128xf32, #tpu.memory_space<vmem>> -> memref<80x128xf32, #tpu.memory_space<vmem>>
    %dma_wait3A_517 = arith.constant 0 : i32
    %dma_wait3A_518 = tpu.memref_slice %arg2[%mul3A_507, %dma_wait3A_517] : memref<50000x128xf32, #tpu.memory_space<hbm>> -> memref<80x128xf32, #tpu.memory_space<hbm>>
    %dma_wait3A_519 = arith.constant 0 : i32
    %dma_wait3A_520 = arith.constant 0 : i32
    %dma_wait3A_521 = tpu.memref_slice %arg6[%dma_wait3A_512, %dma_wait3A_519, %dma_wait3A_520] : memref<8x80x128xf32, #tpu.memory_space<vmem>> -> memref<1x80x128xf32, #tpu.memory_space<vmem>>
    %dma_wait3A_522 = tpu.memref_squeeze %dma_wait3A_521 : memref<1x80x128xf32, #tpu.memory_space<vmem>> -> memref<80x128xf32, #tpu.memory_space<vmem>>
    %dma_wait3A_523 = arith.constant 0 : i32
    %dma_wait3A_524 = tpu.memref_slice %arg2[%mul3A_507, %dma_wait3A_523] : memref<50000x128xf32, #tpu.memory_space<hbm>> -> memref<80x128xf32, #tpu.memory_space<hbm>>
    tpu.wait_dma2 semaphore(%arg16 : memref<!tpu.dma_semaphore, #tpu.memory_space<semaphore_mem>>) src(%dma_wait3A_524 : memref<80x128xf32, #tpu.memory_space<hbm>>) dst(%dma_wait3A_522 : memref<80x128xf32, #tpu.memory_space<vmem>>)
    %dma_wait3A_525 = arith.constant 4 : i32
    %dma_wait3A_526 = arith.constant 0 : i32
    %dma_wait3A_527 = tpu.memref_slice %arg7[%dma_wait3A_525, %dma_wait3A_526] : memref<8x80xi32, #tpu.memory_space<vmem>> -> memref<1x80xi32, #tpu.memory_space<vmem>>
    %dma_wait3A_528 = tpu.memref_squeeze %dma_wait3A_527 : memref<1x80xi32, #tpu.memory_space<vmem>> -> memref<80xi32, #tpu.memory_space<vmem>>
    %dma_wait3A_529 = tpu.memref_slice %arg3[%select_n3A_511] : memref<50080xi32, #tpu.memory_space<hbm>> -> memref<80xi32, #tpu.memory_space<hbm>>
    %dma_wait3A_530 = arith.constant 0 : i32
    %dma_wait3A_531 = tpu.memref_slice %arg7[%dma_wait3A_525, %dma_wait3A_530] : memref<8x80xi32, #tpu.memory_space<vmem>> -> memref<1x80xi32, #tpu.memory_space<vmem>>
    %dma_wait3A_532 = tpu.memref_squeeze %dma_wait3A_531 : memref<1x80xi32, #tpu.memory_space<vmem>> -> memref<80xi32, #tpu.memory_space<vmem>>
    %dma_wait3A_533 = tpu.memref_slice %arg3[%select_n3A_511] : memref<50080xi32, #tpu.memory_space<hbm>> -> memref<80xi32, #tpu.memory_space<hbm>>
    tpu.wait_dma2 semaphore(%arg16 : memref<!tpu.dma_semaphore, #tpu.memory_space<semaphore_mem>>) src(%dma_wait3A_533 : memref<80xi32, #tpu.memory_space<hbm>>) dst(%dma_wait3A_532 : memref<80xi32, #tpu.memory_space<vmem>>)
    %dma_start3A_534 = arith.constant 4 : i32
    %dma_start3A_535 = arith.constant 4 : i32
    %dma_start3A_536 = arith.constant 0 : i32
    %dma_start3A_537 = arith.constant 0 : i32
    %dma_start3A_538 = tpu.memref_slice %arg6[%dma_start3A_534, %dma_start3A_536, %dma_start3A_537] : memref<8x80x128xf32, #tpu.memory_space<vmem>> -> memref<1x80x128xf32, #tpu.memory_space<vmem>>
    %dma_start3A_539 = tpu.memref_squeeze %dma_start3A_538 : memref<1x80x128xf32, #tpu.memory_space<vmem>> -> memref<80x128xf32, #tpu.memory_space<vmem>>
    %dma_start3A_540 = arith.constant 0 : i32
    %dma_start3A_541 = tpu.memref_slice %arg7[%dma_start3A_535, %dma_start3A_540] : memref<8x80xi32, #tpu.memory_space<vmem>> -> memref<1x80xi32, #tpu.memory_space<vmem>>
    %dma_start3A_542 = tpu.memref_squeeze %dma_start3A_541 : memref<1x80xi32, #tpu.memory_space<vmem>> -> memref<80xi32, #tpu.memory_space<vmem>>
    %dma_start3A_543 = arith.constant 0 : i32
    %dma_start3A_544 = arith.constant 0 : i32
    %dma_start3A_545 = tpu.memref_slice %arg10[%dma_start3A_543, %dma_start3A_544] : memref<520x128xf32, #tpu.memory_space<vmem_shared>> -> memref<520x128xf32, #tpu.memory_space<vmem_shared>>
    tpu.enqueue_indirect_dma source(%dma_start3A_539 : memref<80x128xf32, #tpu.memory_space<vmem>>) target(%dma_start3A_545 : memref<520x128xf32, #tpu.memory_space<vmem_shared>>) offsets(%dma_start3A_542 : memref<80xi32, #tpu.memory_space<vmem>>) semaphore(%arg24 : memref<!tpu.dma_semaphore, #tpu.memory_space<semaphore_mem>>) {add = true}
    %dma_start3A_546 = arith.constant 4 : i32
    %dma_start3A_547 = arith.constant 0 : i32
    %dma_start3A_548 = tpu.memref_slice %arg7[%dma_start3A_546, %dma_start3A_547] : memref<8x80xi32, #tpu.memory_space<vmem>> -> memref<1x80xi32, #tpu.memory_space<vmem>>
    %dma_start3A_549 = tpu.memref_squeeze %dma_start3A_548 : memref<1x80xi32, #tpu.memory_space<vmem>> -> memref<80xi32, #tpu.memory_space<vmem>>
    %dma_start3A_550 = arith.constant 0 : i32
    %dma_start3A_551 = arith.constant 0 : i32
    %dma_start3A_552 = tpu.memref_slice %arg11[%dma_start3A_550, %dma_start3A_551] : memref<520x128xf32, #tpu.memory_space<vmem_shared>> -> memref<520x128xf32, #tpu.memory_space<vmem_shared>>
    tpu.enqueue_indirect_dma source(%arg8 : memref<80x128xf32, #tpu.memory_space<vmem>>) target(%dma_start3A_552 : memref<520x128xf32, #tpu.memory_space<vmem_shared>>) offsets(%dma_start3A_549 : memref<80xi32, #tpu.memory_space<vmem>>) semaphore(%arg24 : memref<!tpu.dma_semaphore, #tpu.memory_space<semaphore_mem>>) {add = true}
    %dma_wait3A_553 = arith.constant 0 : i32
    %dma_wait3A_554 = arith.constant 0 : i32
    %dma_wait3A_555 = arith.constant 0 : i32
    %dma_wait3A_556 = arith.constant 0 : i32
    %dma_wait3A_557 = tpu.memref_slice %arg6[%dma_wait3A_553, %dma_wait3A_555, %dma_wait3A_556] : memref<8x80x128xf32, #tpu.memory_space<vmem>> -> memref<1x80x128xf32, #tpu.memory_space<vmem>>
    %dma_wait3A_558 = tpu.memref_squeeze %dma_wait3A_557 : memref<1x80x128xf32, #tpu.memory_space<vmem>> -> memref<80x128xf32, #tpu.memory_space<vmem>>
    %dma_wait3A_559 = arith.constant 0 : i32
    %dma_wait3A_560 = tpu.memref_slice %arg7[%dma_wait3A_554, %dma_wait3A_559] : memref<8x80xi32, #tpu.memory_space<vmem>> -> memref<1x80xi32, #tpu.memory_space<vmem>>
    %dma_wait3A_561 = tpu.memref_squeeze %dma_wait3A_560 : memref<1x80xi32, #tpu.memory_space<vmem>> -> memref<80xi32, #tpu.memory_space<vmem>>
    %dma_wait3A_562 = arith.constant 0 : i32
    %dma_wait3A_563 = arith.constant 0 : i32
    %dma_wait3A_564 = tpu.memref_slice %arg10[%dma_wait3A_562, %dma_wait3A_563] : memref<520x128xf32, #tpu.memory_space<vmem_shared>> -> memref<520x128xf32, #tpu.memory_space<vmem_shared>>
    tpu.wait_indirect_dma semaphore(%arg20 : memref<!tpu.dma_semaphore, #tpu.memory_space<semaphore_mem>>) src(%dma_wait3A_558 : memref<80x128xf32, #tpu.memory_space<vmem>>) dst(%dma_wait3A_564 : memref<520x128xf32, #tpu.memory_space<vmem_shared>>)
    %dma_wait3A_565 = arith.constant 0 : i32
    %dma_wait3A_566 = arith.constant 0 : i32
    %dma_wait3A_567 = tpu.memref_slice %arg7[%dma_wait3A_565, %dma_wait3A_566] : memref<8x80xi32, #tpu.memory_space<vmem>> -> memref<1x80xi32, #tpu.memory_space<vmem>>
    %dma_wait3A_568 = tpu.memref_squeeze %dma_wait3A_567 : memref<1x80xi32, #tpu.memory_space<vmem>> -> memref<80xi32, #tpu.memory_space<vmem>>
    %dma_wait3A_569 = arith.constant 0 : i32
    %dma_wait3A_570 = arith.constant 0 : i32
    %dma_wait3A_571 = tpu.memref_slice %arg11[%dma_wait3A_569, %dma_wait3A_570] : memref<520x128xf32, #tpu.memory_space<vmem_shared>> -> memref<520x128xf32, #tpu.memory_space<vmem_shared>>
    tpu.wait_indirect_dma semaphore(%arg20 : memref<!tpu.dma_semaphore, #tpu.memory_space<semaphore_mem>>) src(%arg8 : memref<80x128xf32, #tpu.memory_space<vmem>>) dst(%dma_wait3A_571 : memref<520x128xf32, #tpu.memory_space<vmem_shared>>)
    %add3A_572 = arith.constant 256 : i32
    %add3A_573 = arith.addi %add3A, %add3A_572 : i32
    %lt3A_574 = arith.constant 625 : i32
    %lt3A_575 = arith.cmpi slt, %add3A_573, %lt3A_574 : i32
    %jit3A_576 = arith.constant 0 : i32
    %select_n3A_577 = arith.select %lt3A_575, %add3A_573, %jit3A_576 : i32
    %mul3A_578 = arith.constant 80 : i32
    %mul3A_579 = arith.muli %select_n3A_577, %mul3A_578 : i32
    %mul3A_580 = arith.constant 80 : i32
    %mul3A_581 = arith.muli %add3A_573, %mul3A_580 : i32
    %jit3A_582 = arith.constant 50000 : i32
    %select_n3A_583 = arith.select %lt3A_575, %mul3A_581, %jit3A_582 : i32
    %dma_start3A_584 = arith.constant 0 : i32
    %dma_start3A_585 = arith.constant 0 : i32
    %dma_start3A_586 = arith.constant 0 : i32
    %dma_start3A_587 = tpu.memref_slice %arg6[%dma_start3A_584, %dma_start3A_585, %dma_start3A_586] : memref<8x80x128xf32, #tpu.memory_space<vmem>> -> memref<1x80x128xf32, #tpu.memory_space<vmem>>
    %dma_start3A_588 = tpu.memref_squeeze %dma_start3A_587 : memref<1x80x128xf32, #tpu.memory_space<vmem>> -> memref<80x128xf32, #tpu.memory_space<vmem>>
    %dma_start3A_589 = arith.constant 0 : i32
    %dma_start3A_590 = tpu.memref_slice %arg2[%mul3A_579, %dma_start3A_589] : memref<50000x128xf32, #tpu.memory_space<hbm>> -> memref<80x128xf32, #tpu.memory_space<hbm>>
    %dma_start3A_591 = arith.constant 0 : i32
    %dma_start3A_592 = arith.constant 0 : i32
    %dma_start3A_593 = tpu.memref_slice %arg6[%dma_start3A_584, %dma_start3A_591, %dma_start3A_592] : memref<8x80x128xf32, #tpu.memory_space<vmem>> -> memref<1x80x128xf32, #tpu.memory_space<vmem>>
    %dma_start3A_594 = tpu.memref_squeeze %dma_start3A_593 : memref<1x80x128xf32, #tpu.memory_space<vmem>> -> memref<80x128xf32, #tpu.memory_space<vmem>>
    %dma_start3A_595 = arith.constant 0 : i32
    %dma_start3A_596 = tpu.memref_slice %arg2[%mul3A_579, %dma_start3A_595] : memref<50000x128xf32, #tpu.memory_space<hbm>> -> memref<80x128xf32, #tpu.memory_space<hbm>>
    tpu.enqueue_dma source(%dma_start3A_596 : memref<80x128xf32, #tpu.memory_space<hbm>>) target(%dma_start3A_594 : memref<80x128xf32, #tpu.memory_space<vmem>>) target_semaphore(%arg12 : memref<!tpu.dma_semaphore, #tpu.memory_space<semaphore_mem>>)
    %dma_start3A_597 = arith.constant 0 : i32
    %dma_start3A_598 = arith.constant 0 : i32
    %dma_start3A_599 = tpu.memref_slice %arg7[%dma_start3A_597, %dma_start3A_598] : memref<8x80xi32, #tpu.memory_space<vmem>> -> memref<1x80xi32, #tpu.memory_space<vmem>>
    %dma_start3A_600 = tpu.memref_squeeze %dma_start3A_599 : memref<1x80xi32, #tpu.memory_space<vmem>> -> memref<80xi32, #tpu.memory_space<vmem>>
    %dma_start3A_601 = tpu.memref_slice %arg3[%select_n3A_583] : memref<50080xi32, #tpu.memory_space<hbm>> -> memref<80xi32, #tpu.memory_space<hbm>>
    %dma_start3A_602 = arith.constant 0 : i32
    %dma_start3A_603 = tpu.memref_slice %arg7[%dma_start3A_597, %dma_start3A_602] : memref<8x80xi32, #tpu.memory_space<vmem>> -> memref<1x80xi32, #tpu.memory_space<vmem>>
    %dma_start3A_604 = tpu.memref_squeeze %dma_start3A_603 : memref<1x80xi32, #tpu.memory_space<vmem>> -> memref<80xi32, #tpu.memory_space<vmem>>
    %dma_start3A_605 = tpu.memref_slice %arg3[%select_n3A_583] : memref<50080xi32, #tpu.memory_space<hbm>> -> memref<80xi32, #tpu.memory_space<hbm>>
    tpu.enqueue_dma source(%dma_start3A_605 : memref<80xi32, #tpu.memory_space<hbm>>) target(%dma_start3A_604 : memref<80xi32, #tpu.memory_space<vmem>>) target_semaphore(%arg12 : memref<!tpu.dma_semaphore, #tpu.memory_space<semaphore_mem>>)
    %add3A_606 = arith.constant 160 : i32
    %add3A_607 = arith.addi %add3A, %add3A_606 : i32
    %lt3A_608 = arith.constant 625 : i32
    %lt3A_609 = arith.cmpi slt, %add3A_607, %lt3A_608 : i32
    %jit3A_610 = arith.constant 0 : i32
    %select_n3A_611 = arith.select %lt3A_609, %add3A_607, %jit3A_610 : i32
    %mul3A_612 = arith.constant 80 : i32
    %mul3A_613 = arith.muli %select_n3A_611, %mul3A_612 : i32
    %mul3A_614 = arith.constant 80 : i32
    %mul3A_615 = arith.muli %add3A_607, %mul3A_614 : i32
    %jit3A_616 = arith.constant 50000 : i32
    %select_n3A_617 = arith.select %lt3A_609, %mul3A_615, %jit3A_616 : i32
    %dma_wait3A_618 = arith.constant 5 : i32
    %dma_wait3A_619 = arith.constant 0 : i32
    %dma_wait3A_620 = arith.constant 0 : i32
    %dma_wait3A_621 = tpu.memref_slice %arg6[%dma_wait3A_618, %dma_wait3A_619, %dma_wait3A_620] : memref<8x80x128xf32, #tpu.memory_space<vmem>> -> memref<1x80x128xf32, #tpu.memory_space<vmem>>
    %dma_wait3A_622 = tpu.memref_squeeze %dma_wait3A_621 : memref<1x80x128xf32, #tpu.memory_space<vmem>> -> memref<80x128xf32, #tpu.memory_space<vmem>>
    %dma_wait3A_623 = arith.constant 0 : i32
    %dma_wait3A_624 = tpu.memref_slice %arg2[%mul3A_613, %dma_wait3A_623] : memref<50000x128xf32, #tpu.memory_space<hbm>> -> memref<80x128xf32, #tpu.memory_space<hbm>>
    %dma_wait3A_625 = arith.constant 0 : i32
    %dma_wait3A_626 = arith.constant 0 : i32
    %dma_wait3A_627 = tpu.memref_slice %arg6[%dma_wait3A_618, %dma_wait3A_625, %dma_wait3A_626] : memref<8x80x128xf32, #tpu.memory_space<vmem>> -> memref<1x80x128xf32, #tpu.memory_space<vmem>>
    %dma_wait3A_628 = tpu.memref_squeeze %dma_wait3A_627 : memref<1x80x128xf32, #tpu.memory_space<vmem>> -> memref<80x128xf32, #tpu.memory_space<vmem>>
    %dma_wait3A_629 = arith.constant 0 : i32
    %dma_wait3A_630 = tpu.memref_slice %arg2[%mul3A_613, %dma_wait3A_629] : memref<50000x128xf32, #tpu.memory_space<hbm>> -> memref<80x128xf32, #tpu.memory_space<hbm>>
    tpu.wait_dma2 semaphore(%arg17 : memref<!tpu.dma_semaphore, #tpu.memory_space<semaphore_mem>>) src(%dma_wait3A_630 : memref<80x128xf32, #tpu.memory_space<hbm>>) dst(%dma_wait3A_628 : memref<80x128xf32, #tpu.memory_space<vmem>>)
    %dma_wait3A_631 = arith.constant 5 : i32
    %dma_wait3A_632 = arith.constant 0 : i32
    %dma_wait3A_633 = tpu.memref_slice %arg7[%dma_wait3A_631, %dma_wait3A_632] : memref<8x80xi32, #tpu.memory_space<vmem>> -> memref<1x80xi32, #tpu.memory_space<vmem>>
    %dma_wait3A_634 = tpu.memref_squeeze %dma_wait3A_633 : memref<1x80xi32, #tpu.memory_space<vmem>> -> memref<80xi32, #tpu.memory_space<vmem>>
    %dma_wait3A_635 = tpu.memref_slice %arg3[%select_n3A_617] : memref<50080xi32, #tpu.memory_space<hbm>> -> memref<80xi32, #tpu.memory_space<hbm>>
    %dma_wait3A_636 = arith.constant 0 : i32
    %dma_wait3A_637 = tpu.memref_slice %arg7[%dma_wait3A_631, %dma_wait3A_636] : memref<8x80xi32, #tpu.memory_space<vmem>> -> memref<1x80xi32, #tpu.memory_space<vmem>>
    %dma_wait3A_638 = tpu.memref_squeeze %dma_wait3A_637 : memref<1x80xi32, #tpu.memory_space<vmem>> -> memref<80xi32, #tpu.memory_space<vmem>>
    %dma_wait3A_639 = tpu.memref_slice %arg3[%select_n3A_617] : memref<50080xi32, #tpu.memory_space<hbm>> -> memref<80xi32, #tpu.memory_space<hbm>>
    tpu.wait_dma2 semaphore(%arg17 : memref<!tpu.dma_semaphore, #tpu.memory_space<semaphore_mem>>) src(%dma_wait3A_639 : memref<80xi32, #tpu.memory_space<hbm>>) dst(%dma_wait3A_638 : memref<80xi32, #tpu.memory_space<vmem>>)
    %dma_start3A_640 = arith.constant 5 : i32
    %dma_start3A_641 = arith.constant 5 : i32
    %dma_start3A_642 = arith.constant 0 : i32
    %dma_start3A_643 = arith.constant 0 : i32
    %dma_start3A_644 = tpu.memref_slice %arg6[%dma_start3A_640, %dma_start3A_642, %dma_start3A_643] : memref<8x80x128xf32, #tpu.memory_space<vmem>> -> memref<1x80x128xf32, #tpu.memory_space<vmem>>
    %dma_start3A_645 = tpu.memref_squeeze %dma_start3A_644 : memref<1x80x128xf32, #tpu.memory_space<vmem>> -> memref<80x128xf32, #tpu.memory_space<vmem>>
    %dma_start3A_646 = arith.constant 0 : i32
    %dma_start3A_647 = tpu.memref_slice %arg7[%dma_start3A_641, %dma_start3A_646] : memref<8x80xi32, #tpu.memory_space<vmem>> -> memref<1x80xi32, #tpu.memory_space<vmem>>
    %dma_start3A_648 = tpu.memref_squeeze %dma_start3A_647 : memref<1x80xi32, #tpu.memory_space<vmem>> -> memref<80xi32, #tpu.memory_space<vmem>>
    %dma_start3A_649 = arith.constant 0 : i32
    %dma_start3A_650 = arith.constant 0 : i32
    %dma_start3A_651 = tpu.memref_slice %arg10[%dma_start3A_649, %dma_start3A_650] : memref<520x128xf32, #tpu.memory_space<vmem_shared>> -> memref<520x128xf32, #tpu.memory_space<vmem_shared>>
    tpu.enqueue_indirect_dma source(%dma_start3A_645 : memref<80x128xf32, #tpu.memory_space<vmem>>) target(%dma_start3A_651 : memref<520x128xf32, #tpu.memory_space<vmem_shared>>) offsets(%dma_start3A_648 : memref<80xi32, #tpu.memory_space<vmem>>) semaphore(%arg25 : memref<!tpu.dma_semaphore, #tpu.memory_space<semaphore_mem>>) {add = true}
    %dma_start3A_652 = arith.constant 5 : i32
    %dma_start3A_653 = arith.constant 0 : i32
    %dma_start3A_654 = tpu.memref_slice %arg7[%dma_start3A_652, %dma_start3A_653] : memref<8x80xi32, #tpu.memory_space<vmem>> -> memref<1x80xi32, #tpu.memory_space<vmem>>
    %dma_start3A_655 = tpu.memref_squeeze %dma_start3A_654 : memref<1x80xi32, #tpu.memory_space<vmem>> -> memref<80xi32, #tpu.memory_space<vmem>>
    %dma_start3A_656 = arith.constant 0 : i32
    %dma_start3A_657 = arith.constant 0 : i32
    %dma_start3A_658 = tpu.memref_slice %arg11[%dma_start3A_656, %dma_start3A_657] : memref<520x128xf32, #tpu.memory_space<vmem_shared>> -> memref<520x128xf32, #tpu.memory_space<vmem_shared>>
    tpu.enqueue_indirect_dma source(%arg8 : memref<80x128xf32, #tpu.memory_space<vmem>>) target(%dma_start3A_658 : memref<520x128xf32, #tpu.memory_space<vmem_shared>>) offsets(%dma_start3A_655 : memref<80xi32, #tpu.memory_space<vmem>>) semaphore(%arg25 : memref<!tpu.dma_semaphore, #tpu.memory_space<semaphore_mem>>) {add = true}
    %dma_wait3A_659 = arith.constant 1 : i32
    %dma_wait3A_660 = arith.constant 1 : i32
    %dma_wait3A_661 = arith.constant 0 : i32
    %dma_wait3A_662 = arith.constant 0 : i32
    %dma_wait3A_663 = tpu.memref_slice %arg6[%dma_wait3A_659, %dma_wait3A_661, %dma_wait3A_662] : memref<8x80x128xf32, #tpu.memory_space<vmem>> -> memref<1x80x128xf32, #tpu.memory_space<vmem>>
    %dma_wait3A_664 = tpu.memref_squeeze %dma_wait3A_663 : memref<1x80x128xf32, #tpu.memory_space<vmem>> -> memref<80x128xf32, #tpu.memory_space<vmem>>
    %dma_wait3A_665 = arith.constant 0 : i32
    %dma_wait3A_666 = tpu.memref_slice %arg7[%dma_wait3A_660, %dma_wait3A_665] : memref<8x80xi32, #tpu.memory_space<vmem>> -> memref<1x80xi32, #tpu.memory_space<vmem>>
    %dma_wait3A_667 = tpu.memref_squeeze %dma_wait3A_666 : memref<1x80xi32, #tpu.memory_space<vmem>> -> memref<80xi32, #tpu.memory_space<vmem>>
    %dma_wait3A_668 = arith.constant 0 : i32
    %dma_wait3A_669 = arith.constant 0 : i32
    %dma_wait3A_670 = tpu.memref_slice %arg10[%dma_wait3A_668, %dma_wait3A_669] : memref<520x128xf32, #tpu.memory_space<vmem_shared>> -> memref<520x128xf32, #tpu.memory_space<vmem_shared>>
    tpu.wait_indirect_dma semaphore(%arg21 : memref<!tpu.dma_semaphore, #tpu.memory_space<semaphore_mem>>) src(%dma_wait3A_664 : memref<80x128xf32, #tpu.memory_space<vmem>>) dst(%dma_wait3A_670 : memref<520x128xf32, #tpu.memory_space<vmem_shared>>)
    %dma_wait3A_671 = arith.constant 1 : i32
    %dma_wait3A_672 = arith.constant 0 : i32
    %dma_wait3A_673 = tpu.memref_slice %arg7[%dma_wait3A_671, %dma_wait3A_672] : memref<8x80xi32, #tpu.memory_space<vmem>> -> memref<1x80xi32, #tpu.memory_space<vmem>>
    %dma_wait3A_674 = tpu.memref_squeeze %dma_wait3A_673 : memref<1x80xi32, #tpu.memory_space<vmem>> -> memref<80xi32, #tpu.memory_space<vmem>>
    %dma_wait3A_675 = arith.constant 0 : i32
    %dma_wait3A_676 = arith.constant 0 : i32
    %dma_wait3A_677 = tpu.memref_slice %arg11[%dma_wait3A_675, %dma_wait3A_676] : memref<520x128xf32, #tpu.memory_space<vmem_shared>> -> memref<520x128xf32, #tpu.memory_space<vmem_shared>>
    tpu.wait_indirect_dma semaphore(%arg21 : memref<!tpu.dma_semaphore, #tpu.memory_space<semaphore_mem>>) src(%arg8 : memref<80x128xf32, #tpu.memory_space<vmem>>) dst(%dma_wait3A_677 : memref<520x128xf32, #tpu.memory_space<vmem_shared>>)
    %add3A_678 = arith.constant 288 : i32
    %add3A_679 = arith.addi %add3A, %add3A_678 : i32
    %lt3A_680 = arith.constant 625 : i32
    %lt3A_681 = arith.cmpi slt, %add3A_679, %lt3A_680 : i32
    %jit3A_682 = arith.constant 0 : i32
    %select_n3A_683 = arith.select %lt3A_681, %add3A_679, %jit3A_682 : i32
    %mul3A_684 = arith.constant 80 : i32
    %mul3A_685 = arith.muli %select_n3A_683, %mul3A_684 : i32
    %mul3A_686 = arith.constant 80 : i32
    %mul3A_687 = arith.muli %add3A_679, %mul3A_686 : i32
    %jit3A_688 = arith.constant 50000 : i32
    %select_n3A_689 = arith.select %lt3A_681, %mul3A_687, %jit3A_688 : i32
    %dma_start3A_690 = arith.constant 1 : i32
    %dma_start3A_691 = arith.constant 0 : i32
    %dma_start3A_692 = arith.constant 0 : i32
    %dma_start3A_693 = tpu.memref_slice %arg6[%dma_start3A_690, %dma_start3A_691, %dma_start3A_692] : memref<8x80x128xf32, #tpu.memory_space<vmem>> -> memref<1x80x128xf32, #tpu.memory_space<vmem>>
    %dma_start3A_694 = tpu.memref_squeeze %dma_start3A_693 : memref<1x80x128xf32, #tpu.memory_space<vmem>> -> memref<80x128xf32, #tpu.memory_space<vmem>>
    %dma_start3A_695 = arith.constant 0 : i32
    %dma_start3A_696 = tpu.memref_slice %arg2[%mul3A_685, %dma_start3A_695] : memref<50000x128xf32, #tpu.memory_space<hbm>> -> memref<80x128xf32, #tpu.memory_space<hbm>>
    %dma_start3A_697 = arith.constant 0 : i32
    %dma_start3A_698 = arith.constant 0 : i32
    %dma_start3A_699 = tpu.memref_slice %arg6[%dma_start3A_690, %dma_start3A_697, %dma_start3A_698] : memref<8x80x128xf32, #tpu.memory_space<vmem>> -> memref<1x80x128xf32, #tpu.memory_space<vmem>>
    %dma_start3A_700 = tpu.memref_squeeze %dma_start3A_699 : memref<1x80x128xf32, #tpu.memory_space<vmem>> -> memref<80x128xf32, #tpu.memory_space<vmem>>
    %dma_start3A_701 = arith.constant 0 : i32
    %dma_start3A_702 = tpu.memref_slice %arg2[%mul3A_685, %dma_start3A_701] : memref<50000x128xf32, #tpu.memory_space<hbm>> -> memref<80x128xf32, #tpu.memory_space<hbm>>
    tpu.enqueue_dma source(%dma_start3A_702 : memref<80x128xf32, #tpu.memory_space<hbm>>) target(%dma_start3A_700 : memref<80x128xf32, #tpu.memory_space<vmem>>) target_semaphore(%arg13 : memref<!tpu.dma_semaphore, #tpu.memory_space<semaphore_mem>>)
    %dma_start3A_703 = arith.constant 1 : i32
    %dma_start3A_704 = arith.constant 0 : i32
    %dma_start3A_705 = tpu.memref_slice %arg7[%dma_start3A_703, %dma_start3A_704] : memref<8x80xi32, #tpu.memory_space<vmem>> -> memref<1x80xi32, #tpu.memory_space<vmem>>
    %dma_start3A_706 = tpu.memref_squeeze %dma_start3A_705 : memref<1x80xi32, #tpu.memory_space<vmem>> -> memref<80xi32, #tpu.memory_space<vmem>>
    %dma_start3A_707 = tpu.memref_slice %arg3[%select_n3A_689] : memref<50080xi32, #tpu.memory_space<hbm>> -> memref<80xi32, #tpu.memory_space<hbm>>
    %dma_start3A_708 = arith.constant 0 : i32
    %dma_start3A_709 = tpu.memref_slice %arg7[%dma_start3A_703, %dma_start3A_708] : memref<8x80xi32, #tpu.memory_space<vmem>> -> memref<1x80xi32, #tpu.memory_space<vmem>>
    %dma_start3A_710 = tpu.memref_squeeze %dma_start3A_709 : memref<1x80xi32, #tpu.memory_space<vmem>> -> memref<80xi32, #tpu.memory_space<vmem>>
    %dma_start3A_711 = tpu.memref_slice %arg3[%select_n3A_689] : memref<50080xi32, #tpu.memory_space<hbm>> -> memref<80xi32, #tpu.memory_space<hbm>>
    tpu.enqueue_dma source(%dma_start3A_711 : memref<80xi32, #tpu.memory_space<hbm>>) target(%dma_start3A_710 : memref<80xi32, #tpu.memory_space<vmem>>) target_semaphore(%arg13 : memref<!tpu.dma_semaphore, #tpu.memory_space<semaphore_mem>>)
    %add3A_712 = arith.constant 192 : i32
    %add3A_713 = arith.addi %add3A, %add3A_712 : i32
    %lt3A_714 = arith.constant 625 : i32
    %lt3A_715 = arith.cmpi slt, %add3A_713, %lt3A_714 : i32
    %jit3A_716 = arith.constant 0 : i32
    %select_n3A_717 = arith.select %lt3A_715, %add3A_713, %jit3A_716 : i32
    %mul3A_718 = arith.constant 80 : i32
    %mul3A_719 = arith.muli %select_n3A_717, %mul3A_718 : i32
    %mul3A_720 = arith.constant 80 : i32
    %mul3A_721 = arith.muli %add3A_713, %mul3A_720 : i32
    %jit3A_722 = arith.constant 50000 : i32
    %select_n3A_723 = arith.select %lt3A_715, %mul3A_721, %jit3A_722 : i32
    %dma_wait3A_724 = arith.constant 6 : i32
    %dma_wait3A_725 = arith.constant 0 : i32
    %dma_wait3A_726 = arith.constant 0 : i32
    %dma_wait3A_727 = tpu.memref_slice %arg6[%dma_wait3A_724, %dma_wait3A_725, %dma_wait3A_726] : memref<8x80x128xf32, #tpu.memory_space<vmem>> -> memref<1x80x128xf32, #tpu.memory_space<vmem>>
    %dma_wait3A_728 = tpu.memref_squeeze %dma_wait3A_727 : memref<1x80x128xf32, #tpu.memory_space<vmem>> -> memref<80x128xf32, #tpu.memory_space<vmem>>
    %dma_wait3A_729 = arith.constant 0 : i32
    %dma_wait3A_730 = tpu.memref_slice %arg2[%mul3A_719, %dma_wait3A_729] : memref<50000x128xf32, #tpu.memory_space<hbm>> -> memref<80x128xf32, #tpu.memory_space<hbm>>
    %dma_wait3A_731 = arith.constant 0 : i32
    %dma_wait3A_732 = arith.constant 0 : i32
    %dma_wait3A_733 = tpu.memref_slice %arg6[%dma_wait3A_724, %dma_wait3A_731, %dma_wait3A_732] : memref<8x80x128xf32, #tpu.memory_space<vmem>> -> memref<1x80x128xf32, #tpu.memory_space<vmem>>
    %dma_wait3A_734 = tpu.memref_squeeze %dma_wait3A_733 : memref<1x80x128xf32, #tpu.memory_space<vmem>> -> memref<80x128xf32, #tpu.memory_space<vmem>>
    %dma_wait3A_735 = arith.constant 0 : i32
    %dma_wait3A_736 = tpu.memref_slice %arg2[%mul3A_719, %dma_wait3A_735] : memref<50000x128xf32, #tpu.memory_space<hbm>> -> memref<80x128xf32, #tpu.memory_space<hbm>>
    tpu.wait_dma2 semaphore(%arg18 : memref<!tpu.dma_semaphore, #tpu.memory_space<semaphore_mem>>) src(%dma_wait3A_736 : memref<80x128xf32, #tpu.memory_space<hbm>>) dst(%dma_wait3A_734 : memref<80x128xf32, #tpu.memory_space<vmem>>)
    %dma_wait3A_737 = arith.constant 6 : i32
    %dma_wait3A_738 = arith.constant 0 : i32
    %dma_wait3A_739 = tpu.memref_slice %arg7[%dma_wait3A_737, %dma_wait3A_738] : memref<8x80xi32, #tpu.memory_space<vmem>> -> memref<1x80xi32, #tpu.memory_space<vmem>>
    %dma_wait3A_740 = tpu.memref_squeeze %dma_wait3A_739 : memref<1x80xi32, #tpu.memory_space<vmem>> -> memref<80xi32, #tpu.memory_space<vmem>>
    %dma_wait3A_741 = tpu.memref_slice %arg3[%select_n3A_723] : memref<50080xi32, #tpu.memory_space<hbm>> -> memref<80xi32, #tpu.memory_space<hbm>>
    %dma_wait3A_742 = arith.constant 0 : i32
    %dma_wait3A_743 = tpu.memref_slice %arg7[%dma_wait3A_737, %dma_wait3A_742] : memref<8x80xi32, #tpu.memory_space<vmem>> -> memref<1x80xi32, #tpu.memory_space<vmem>>
    %dma_wait3A_744 = tpu.memref_squeeze %dma_wait3A_743 : memref<1x80xi32, #tpu.memory_space<vmem>> -> memref<80xi32, #tpu.memory_space<vmem>>
    %dma_wait3A_745 = tpu.memref_slice %arg3[%select_n3A_723] : memref<50080xi32, #tpu.memory_space<hbm>> -> memref<80xi32, #tpu.memory_space<hbm>>
    tpu.wait_dma2 semaphore(%arg18 : memref<!tpu.dma_semaphore, #tpu.memory_space<semaphore_mem>>) src(%dma_wait3A_745 : memref<80xi32, #tpu.memory_space<hbm>>) dst(%dma_wait3A_744 : memref<80xi32, #tpu.memory_space<vmem>>)
    %dma_start3A_746 = arith.constant 6 : i32
    %dma_start3A_747 = arith.constant 6 : i32
    %dma_start3A_748 = arith.constant 0 : i32
    %dma_start3A_749 = arith.constant 0 : i32
    %dma_start3A_750 = tpu.memref_slice %arg6[%dma_start3A_746, %dma_start3A_748, %dma_start3A_749] : memref<8x80x128xf32, #tpu.memory_space<vmem>> -> memref<1x80x128xf32, #tpu.memory_space<vmem>>
    %dma_start3A_751 = tpu.memref_squeeze %dma_start3A_750 : memref<1x80x128xf32, #tpu.memory_space<vmem>> -> memref<80x128xf32, #tpu.memory_space<vmem>>
    %dma_start3A_752 = arith.constant 0 : i32
    %dma_start3A_753 = tpu.memref_slice %arg7[%dma_start3A_747, %dma_start3A_752] : memref<8x80xi32, #tpu.memory_space<vmem>> -> memref<1x80xi32, #tpu.memory_space<vmem>>
    %dma_start3A_754 = tpu.memref_squeeze %dma_start3A_753 : memref<1x80xi32, #tpu.memory_space<vmem>> -> memref<80xi32, #tpu.memory_space<vmem>>
    %dma_start3A_755 = arith.constant 0 : i32
    %dma_start3A_756 = arith.constant 0 : i32
    %dma_start3A_757 = tpu.memref_slice %arg10[%dma_start3A_755, %dma_start3A_756] : memref<520x128xf32, #tpu.memory_space<vmem_shared>> -> memref<520x128xf32, #tpu.memory_space<vmem_shared>>
    tpu.enqueue_indirect_dma source(%dma_start3A_751 : memref<80x128xf32, #tpu.memory_space<vmem>>) target(%dma_start3A_757 : memref<520x128xf32, #tpu.memory_space<vmem_shared>>) offsets(%dma_start3A_754 : memref<80xi32, #tpu.memory_space<vmem>>) semaphore(%arg26 : memref<!tpu.dma_semaphore, #tpu.memory_space<semaphore_mem>>) {add = true}
    %dma_start3A_758 = arith.constant 6 : i32
    %dma_start3A_759 = arith.constant 0 : i32
    %dma_start3A_760 = tpu.memref_slice %arg7[%dma_start3A_758, %dma_start3A_759] : memref<8x80xi32, #tpu.memory_space<vmem>> -> memref<1x80xi32, #tpu.memory_space<vmem>>
    %dma_start3A_761 = tpu.memref_squeeze %dma_start3A_760 : memref<1x80xi32, #tpu.memory_space<vmem>> -> memref<80xi32, #tpu.memory_space<vmem>>
    %dma_start3A_762 = arith.constant 0 : i32
    %dma_start3A_763 = arith.constant 0 : i32
    %dma_start3A_764 = tpu.memref_slice %arg11[%dma_start3A_762, %dma_start3A_763] : memref<520x128xf32, #tpu.memory_space<vmem_shared>> -> memref<520x128xf32, #tpu.memory_space<vmem_shared>>
    tpu.enqueue_indirect_dma source(%arg8 : memref<80x128xf32, #tpu.memory_space<vmem>>) target(%dma_start3A_764 : memref<520x128xf32, #tpu.memory_space<vmem_shared>>) offsets(%dma_start3A_761 : memref<80xi32, #tpu.memory_space<vmem>>) semaphore(%arg26 : memref<!tpu.dma_semaphore, #tpu.memory_space<semaphore_mem>>) {add = true}
    %dma_wait3A_765 = arith.constant 2 : i32
    %dma_wait3A_766 = arith.constant 2 : i32
    %dma_wait3A_767 = arith.constant 0 : i32
    %dma_wait3A_768 = arith.constant 0 : i32
    %dma_wait3A_769 = tpu.memref_slice %arg6[%dma_wait3A_765, %dma_wait3A_767, %dma_wait3A_768] : memref<8x80x128xf32, #tpu.memory_space<vmem>> -> memref<1x80x128xf32, #tpu.memory_space<vmem>>
    %dma_wait3A_770 = tpu.memref_squeeze %dma_wait3A_769 : memref<1x80x128xf32, #tpu.memory_space<vmem>> -> memref<80x128xf32, #tpu.memory_space<vmem>>
    %dma_wait3A_771 = arith.constant 0 : i32
    %dma_wait3A_772 = tpu.memref_slice %arg7[%dma_wait3A_766, %dma_wait3A_771] : memref<8x80xi32, #tpu.memory_space<vmem>> -> memref<1x80xi32, #tpu.memory_space<vmem>>
    %dma_wait3A_773 = tpu.memref_squeeze %dma_wait3A_772 : memref<1x80xi32, #tpu.memory_space<vmem>> -> memref<80xi32, #tpu.memory_space<vmem>>
    %dma_wait3A_774 = arith.constant 0 : i32
    %dma_wait3A_775 = arith.constant 0 : i32
    %dma_wait3A_776 = tpu.memref_slice %arg10[%dma_wait3A_774, %dma_wait3A_775] : memref<520x128xf32, #tpu.memory_space<vmem_shared>> -> memref<520x128xf32, #tpu.memory_space<vmem_shared>>
    tpu.wait_indirect_dma semaphore(%arg22 : memref<!tpu.dma_semaphore, #tpu.memory_space<semaphore_mem>>) src(%dma_wait3A_770 : memref<80x128xf32, #tpu.memory_space<vmem>>) dst(%dma_wait3A_776 : memref<520x128xf32, #tpu.memory_space<vmem_shared>>)
    %dma_wait3A_777 = arith.constant 2 : i32
    %dma_wait3A_778 = arith.constant 0 : i32
    %dma_wait3A_779 = tpu.memref_slice %arg7[%dma_wait3A_777, %dma_wait3A_778] : memref<8x80xi32, #tpu.memory_space<vmem>> -> memref<1x80xi32, #tpu.memory_space<vmem>>
    %dma_wait3A_780 = tpu.memref_squeeze %dma_wait3A_779 : memref<1x80xi32, #tpu.memory_space<vmem>> -> memref<80xi32, #tpu.memory_space<vmem>>
    %dma_wait3A_781 = arith.constant 0 : i32
    %dma_wait3A_782 = arith.constant 0 : i32
    %dma_wait3A_783 = tpu.memref_slice %arg11[%dma_wait3A_781, %dma_wait3A_782] : memref<520x128xf32, #tpu.memory_space<vmem_shared>> -> memref<520x128xf32, #tpu.memory_space<vmem_shared>>
    tpu.wait_indirect_dma semaphore(%arg22 : memref<!tpu.dma_semaphore, #tpu.memory_space<semaphore_mem>>) src(%arg8 : memref<80x128xf32, #tpu.memory_space<vmem>>) dst(%dma_wait3A_783 : memref<520x128xf32, #tpu.memory_space<vmem_shared>>)
    %add3A_784 = arith.constant 320 : i32
    %add3A_785 = arith.addi %add3A, %add3A_784 : i32
    %lt3A_786 = arith.constant 625 : i32
    %lt3A_787 = arith.cmpi slt, %add3A_785, %lt3A_786 : i32
    %jit3A_788 = arith.constant 0 : i32
    %select_n3A_789 = arith.select %lt3A_787, %add3A_785, %jit3A_788 : i32
    %mul3A_790 = arith.constant 80 : i32
    %mul3A_791 = arith.muli %select_n3A_789, %mul3A_790 : i32
    %mul3A_792 = arith.constant 80 : i32
    %mul3A_793 = arith.muli %add3A_785, %mul3A_792 : i32
    %jit3A_794 = arith.constant 50000 : i32
    %select_n3A_795 = arith.select %lt3A_787, %mul3A_793, %jit3A_794 : i32
    %dma_start3A_796 = arith.constant 2 : i32
    %dma_start3A_797 = arith.constant 0 : i32
    %dma_start3A_798 = arith.constant 0 : i32
    %dma_start3A_799 = tpu.memref_slice %arg6[%dma_start3A_796, %dma_start3A_797, %dma_start3A_798] : memref<8x80x128xf32, #tpu.memory_space<vmem>> -> memref<1x80x128xf32, #tpu.memory_space<vmem>>
    %dma_start3A_800 = tpu.memref_squeeze %dma_start3A_799 : memref<1x80x128xf32, #tpu.memory_space<vmem>> -> memref<80x128xf32, #tpu.memory_space<vmem>>
    %dma_start3A_801 = arith.constant 0 : i32
    %dma_start3A_802 = tpu.memref_slice %arg2[%mul3A_791, %dma_start3A_801] : memref<50000x128xf32, #tpu.memory_space<hbm>> -> memref<80x128xf32, #tpu.memory_space<hbm>>
    %dma_start3A_803 = arith.constant 0 : i32
    %dma_start3A_804 = arith.constant 0 : i32
    %dma_start3A_805 = tpu.memref_slice %arg6[%dma_start3A_796, %dma_start3A_803, %dma_start3A_804] : memref<8x80x128xf32, #tpu.memory_space<vmem>> -> memref<1x80x128xf32, #tpu.memory_space<vmem>>
    %dma_start3A_806 = tpu.memref_squeeze %dma_start3A_805 : memref<1x80x128xf32, #tpu.memory_space<vmem>> -> memref<80x128xf32, #tpu.memory_space<vmem>>
    %dma_start3A_807 = arith.constant 0 : i32
    %dma_start3A_808 = tpu.memref_slice %arg2[%mul3A_791, %dma_start3A_807] : memref<50000x128xf32, #tpu.memory_space<hbm>> -> memref<80x128xf32, #tpu.memory_space<hbm>>
    tpu.enqueue_dma source(%dma_start3A_808 : memref<80x128xf32, #tpu.memory_space<hbm>>) target(%dma_start3A_806 : memref<80x128xf32, #tpu.memory_space<vmem>>) target_semaphore(%arg14 : memref<!tpu.dma_semaphore, #tpu.memory_space<semaphore_mem>>)
    %dma_start3A_809 = arith.constant 2 : i32
    %dma_start3A_810 = arith.constant 0 : i32
    %dma_start3A_811 = tpu.memref_slice %arg7[%dma_start3A_809, %dma_start3A_810] : memref<8x80xi32, #tpu.memory_space<vmem>> -> memref<1x80xi32, #tpu.memory_space<vmem>>
    %dma_start3A_812 = tpu.memref_squeeze %dma_start3A_811 : memref<1x80xi32, #tpu.memory_space<vmem>> -> memref<80xi32, #tpu.memory_space<vmem>>
    %dma_start3A_813 = tpu.memref_slice %arg3[%select_n3A_795] : memref<50080xi32, #tpu.memory_space<hbm>> -> memref<80xi32, #tpu.memory_space<hbm>>
    %dma_start3A_814 = arith.constant 0 : i32
    %dma_start3A_815 = tpu.memref_slice %arg7[%dma_start3A_809, %dma_start3A_814] : memref<8x80xi32, #tpu.memory_space<vmem>> -> memref<1x80xi32, #tpu.memory_space<vmem>>
    %dma_start3A_816 = tpu.memref_squeeze %dma_start3A_815 : memref<1x80xi32, #tpu.memory_space<vmem>> -> memref<80xi32, #tpu.memory_space<vmem>>
    %dma_start3A_817 = tpu.memref_slice %arg3[%select_n3A_795] : memref<50080xi32, #tpu.memory_space<hbm>> -> memref<80xi32, #tpu.memory_space<hbm>>
    tpu.enqueue_dma source(%dma_start3A_817 : memref<80xi32, #tpu.memory_space<hbm>>) target(%dma_start3A_816 : memref<80xi32, #tpu.memory_space<vmem>>) target_semaphore(%arg14 : memref<!tpu.dma_semaphore, #tpu.memory_space<semaphore_mem>>)
    %add3A_818 = arith.constant 224 : i32
    %add3A_819 = arith.addi %add3A, %add3A_818 : i32
    %lt3A_820 = arith.constant 625 : i32
    %lt3A_821 = arith.cmpi slt, %add3A_819, %lt3A_820 : i32
    %jit3A_822 = arith.constant 0 : i32
    %select_n3A_823 = arith.select %lt3A_821, %add3A_819, %jit3A_822 : i32
    %mul3A_824 = arith.constant 80 : i32
    %mul3A_825 = arith.muli %select_n3A_823, %mul3A_824 : i32
    %mul3A_826 = arith.constant 80 : i32
    %mul3A_827 = arith.muli %add3A_819, %mul3A_826 : i32
    %jit3A_828 = arith.constant 50000 : i32
    %select_n3A_829 = arith.select %lt3A_821, %mul3A_827, %jit3A_828 : i32
    %dma_wait3A_830 = arith.constant 7 : i32
    %dma_wait3A_831 = arith.constant 0 : i32
    %dma_wait3A_832 = arith.constant 0 : i32
    %dma_wait3A_833 = tpu.memref_slice %arg6[%dma_wait3A_830, %dma_wait3A_831, %dma_wait3A_832] : memref<8x80x128xf32, #tpu.memory_space<vmem>> -> memref<1x80x128xf32, #tpu.memory_space<vmem>>
    %dma_wait3A_834 = tpu.memref_squeeze %dma_wait3A_833 : memref<1x80x128xf32, #tpu.memory_space<vmem>> -> memref<80x128xf32, #tpu.memory_space<vmem>>
    %dma_wait3A_835 = arith.constant 0 : i32
    %dma_wait3A_836 = tpu.memref_slice %arg2[%mul3A_825, %dma_wait3A_835] : memref<50000x128xf32, #tpu.memory_space<hbm>> -> memref<80x128xf32, #tpu.memory_space<hbm>>
    %dma_wait3A_837 = arith.constant 0 : i32
    %dma_wait3A_838 = arith.constant 0 : i32
    %dma_wait3A_839 = tpu.memref_slice %arg6[%dma_wait3A_830, %dma_wait3A_837, %dma_wait3A_838] : memref<8x80x128xf32, #tpu.memory_space<vmem>> -> memref<1x80x128xf32, #tpu.memory_space<vmem>>
    %dma_wait3A_840 = tpu.memref_squeeze %dma_wait3A_839 : memref<1x80x128xf32, #tpu.memory_space<vmem>> -> memref<80x128xf32, #tpu.memory_space<vmem>>
    %dma_wait3A_841 = arith.constant 0 : i32
    %dma_wait3A_842 = tpu.memref_slice %arg2[%mul3A_825, %dma_wait3A_841] : memref<50000x128xf32, #tpu.memory_space<hbm>> -> memref<80x128xf32, #tpu.memory_space<hbm>>
    tpu.wait_dma2 semaphore(%arg19 : memref<!tpu.dma_semaphore, #tpu.memory_space<semaphore_mem>>) src(%dma_wait3A_842 : memref<80x128xf32, #tpu.memory_space<hbm>>) dst(%dma_wait3A_840 : memref<80x128xf32, #tpu.memory_space<vmem>>)
    %dma_wait3A_843 = arith.constant 7 : i32
    %dma_wait3A_844 = arith.constant 0 : i32
    %dma_wait3A_845 = tpu.memref_slice %arg7[%dma_wait3A_843, %dma_wait3A_844] : memref<8x80xi32, #tpu.memory_space<vmem>> -> memref<1x80xi32, #tpu.memory_space<vmem>>
    %dma_wait3A_846 = tpu.memref_squeeze %dma_wait3A_845 : memref<1x80xi32, #tpu.memory_space<vmem>> -> memref<80xi32, #tpu.memory_space<vmem>>
    %dma_wait3A_847 = tpu.memref_slice %arg3[%select_n3A_829] : memref<50080xi32, #tpu.memory_space<hbm>> -> memref<80xi32, #tpu.memory_space<hbm>>
    %dma_wait3A_848 = arith.constant 0 : i32
    %dma_wait3A_849 = tpu.memref_slice %arg7[%dma_wait3A_843, %dma_wait3A_848] : memref<8x80xi32, #tpu.memory_space<vmem>> -> memref<1x80xi32, #tpu.memory_space<vmem>>
    %dma_wait3A_850 = tpu.memref_squeeze %dma_wait3A_849 : memref<1x80xi32, #tpu.memory_space<vmem>> -> memref<80xi32, #tpu.memory_space<vmem>>
    %dma_wait3A_851 = tpu.memref_slice %arg3[%select_n3A_829] : memref<50080xi32, #tpu.memory_space<hbm>> -> memref<80xi32, #tpu.memory_space<hbm>>
    tpu.wait_dma2 semaphore(%arg19 : memref<!tpu.dma_semaphore, #tpu.memory_space<semaphore_mem>>) src(%dma_wait3A_851 : memref<80xi32, #tpu.memory_space<hbm>>) dst(%dma_wait3A_850 : memref<80xi32, #tpu.memory_space<vmem>>)
    %dma_start3A_852 = arith.constant 7 : i32
    %dma_start3A_853 = arith.constant 7 : i32
    %dma_start3A_854 = arith.constant 0 : i32
    %dma_start3A_855 = arith.constant 0 : i32
    %dma_start3A_856 = tpu.memref_slice %arg6[%dma_start3A_852, %dma_start3A_854, %dma_start3A_855] : memref<8x80x128xf32, #tpu.memory_space<vmem>> -> memref<1x80x128xf32, #tpu.memory_space<vmem>>
    %dma_start3A_857 = tpu.memref_squeeze %dma_start3A_856 : memref<1x80x128xf32, #tpu.memory_space<vmem>> -> memref<80x128xf32, #tpu.memory_space<vmem>>
    %dma_start3A_858 = arith.constant 0 : i32
    %dma_start3A_859 = tpu.memref_slice %arg7[%dma_start3A_853, %dma_start3A_858] : memref<8x80xi32, #tpu.memory_space<vmem>> -> memref<1x80xi32, #tpu.memory_space<vmem>>
    %dma_start3A_860 = tpu.memref_squeeze %dma_start3A_859 : memref<1x80xi32, #tpu.memory_space<vmem>> -> memref<80xi32, #tpu.memory_space<vmem>>
    %dma_start3A_861 = arith.constant 0 : i32
    %dma_start3A_862 = arith.constant 0 : i32
    %dma_start3A_863 = tpu.memref_slice %arg10[%dma_start3A_861, %dma_start3A_862] : memref<520x128xf32, #tpu.memory_space<vmem_shared>> -> memref<520x128xf32, #tpu.memory_space<vmem_shared>>
    tpu.enqueue_indirect_dma source(%dma_start3A_857 : memref<80x128xf32, #tpu.memory_space<vmem>>) target(%dma_start3A_863 : memref<520x128xf32, #tpu.memory_space<vmem_shared>>) offsets(%dma_start3A_860 : memref<80xi32, #tpu.memory_space<vmem>>) semaphore(%arg27 : memref<!tpu.dma_semaphore, #tpu.memory_space<semaphore_mem>>) {add = true}
    %dma_start3A_864 = arith.constant 7 : i32
    %dma_start3A_865 = arith.constant 0 : i32
    %dma_start3A_866 = tpu.memref_slice %arg7[%dma_start3A_864, %dma_start3A_865] : memref<8x80xi32, #tpu.memory_space<vmem>> -> memref<1x80xi32, #tpu.memory_space<vmem>>
    %dma_start3A_867 = tpu.memref_squeeze %dma_start3A_866 : memref<1x80xi32, #tpu.memory_space<vmem>> -> memref<80xi32, #tpu.memory_space<vmem>>
    %dma_start3A_868 = arith.constant 0 : i32
    %dma_start3A_869 = arith.constant 0 : i32
    %dma_start3A_870 = tpu.memref_slice %arg11[%dma_start3A_868, %dma_start3A_869] : memref<520x128xf32, #tpu.memory_space<vmem_shared>> -> memref<520x128xf32, #tpu.memory_space<vmem_shared>>
    tpu.enqueue_indirect_dma source(%arg8 : memref<80x128xf32, #tpu.memory_space<vmem>>) target(%dma_start3A_870 : memref<520x128xf32, #tpu.memory_space<vmem_shared>>) offsets(%dma_start3A_867 : memref<80xi32, #tpu.memory_space<vmem>>) semaphore(%arg27 : memref<!tpu.dma_semaphore, #tpu.memory_space<semaphore_mem>>) {add = true}
    %dma_wait3A_871 = arith.constant 3 : i32
    %dma_wait3A_872 = arith.constant 3 : i32
    %dma_wait3A_873 = arith.constant 0 : i32
    %dma_wait3A_874 = arith.constant 0 : i32
    %dma_wait3A_875 = tpu.memref_slice %arg6[%dma_wait3A_871, %dma_wait3A_873, %dma_wait3A_874] : memref<8x80x128xf32, #tpu.memory_space<vmem>> -> memref<1x80x128xf32, #tpu.memory_space<vmem>>
    %dma_wait3A_876 = tpu.memref_squeeze %dma_wait3A_875 : memref<1x80x128xf32, #tpu.memory_space<vmem>> -> memref<80x128xf32, #tpu.memory_space<vmem>>
    %dma_wait3A_877 = arith.constant 0 : i32
    %dma_wait3A_878 = tpu.memref_slice %arg7[%dma_wait3A_872, %dma_wait3A_877] : memref<8x80xi32, #tpu.memory_space<vmem>> -> memref<1x80xi32, #tpu.memory_space<vmem>>
    %dma_wait3A_879 = tpu.memref_squeeze %dma_wait3A_878 : memref<1x80xi32, #tpu.memory_space<vmem>> -> memref<80xi32, #tpu.memory_space<vmem>>
    %dma_wait3A_880 = arith.constant 0 : i32
    %dma_wait3A_881 = arith.constant 0 : i32
    %dma_wait3A_882 = tpu.memref_slice %arg10[%dma_wait3A_880, %dma_wait3A_881] : memref<520x128xf32, #tpu.memory_space<vmem_shared>> -> memref<520x128xf32, #tpu.memory_space<vmem_shared>>
    tpu.wait_indirect_dma semaphore(%arg23 : memref<!tpu.dma_semaphore, #tpu.memory_space<semaphore_mem>>) src(%dma_wait3A_876 : memref<80x128xf32, #tpu.memory_space<vmem>>) dst(%dma_wait3A_882 : memref<520x128xf32, #tpu.memory_space<vmem_shared>>)
    %dma_wait3A_883 = arith.constant 3 : i32
    %dma_wait3A_884 = arith.constant 0 : i32
    %dma_wait3A_885 = tpu.memref_slice %arg7[%dma_wait3A_883, %dma_wait3A_884] : memref<8x80xi32, #tpu.memory_space<vmem>> -> memref<1x80xi32, #tpu.memory_space<vmem>>
    %dma_wait3A_886 = tpu.memref_squeeze %dma_wait3A_885 : memref<1x80xi32, #tpu.memory_space<vmem>> -> memref<80xi32, #tpu.memory_space<vmem>>
    %dma_wait3A_887 = arith.constant 0 : i32
    %dma_wait3A_888 = arith.constant 0 : i32
    %dma_wait3A_889 = tpu.memref_slice %arg11[%dma_wait3A_887, %dma_wait3A_888] : memref<520x128xf32, #tpu.memory_space<vmem_shared>> -> memref<520x128xf32, #tpu.memory_space<vmem_shared>>
    tpu.wait_indirect_dma semaphore(%arg23 : memref<!tpu.dma_semaphore, #tpu.memory_space<semaphore_mem>>) src(%arg8 : memref<80x128xf32, #tpu.memory_space<vmem>>) dst(%dma_wait3A_889 : memref<520x128xf32, #tpu.memory_space<vmem_shared>>)
    %add3A_890 = arith.constant 352 : i32
    %add3A_891 = arith.addi %add3A, %add3A_890 : i32
    %lt3A_892 = arith.constant 625 : i32
    %lt3A_893 = arith.cmpi slt, %add3A_891, %lt3A_892 : i32
    %jit3A_894 = arith.constant 0 : i32
    %select_n3A_895 = arith.select %lt3A_893, %add3A_891, %jit3A_894 : i32
    %mul3A_896 = arith.constant 80 : i32
    %mul3A_897 = arith.muli %select_n3A_895, %mul3A_896 : i32
    %mul3A_898 = arith.constant 80 : i32
    %mul3A_899 = arith.muli %add3A_891, %mul3A_898 : i32
    %jit3A_900 = arith.constant 50000 : i32
    %select_n3A_901 = arith.select %lt3A_893, %mul3A_899, %jit3A_900 : i32
    %dma_start3A_902 = arith.constant 3 : i32
    %dma_start3A_903 = arith.constant 0 : i32
    %dma_start3A_904 = arith.constant 0 : i32
    %dma_start3A_905 = tpu.memref_slice %arg6[%dma_start3A_902, %dma_start3A_903, %dma_start3A_904] : memref<8x80x128xf32, #tpu.memory_space<vmem>> -> memref<1x80x128xf32, #tpu.memory_space<vmem>>
    %dma_start3A_906 = tpu.memref_squeeze %dma_start3A_905 : memref<1x80x128xf32, #tpu.memory_space<vmem>> -> memref<80x128xf32, #tpu.memory_space<vmem>>
    %dma_start3A_907 = arith.constant 0 : i32
    %dma_start3A_908 = tpu.memref_slice %arg2[%mul3A_897, %dma_start3A_907] : memref<50000x128xf32, #tpu.memory_space<hbm>> -> memref<80x128xf32, #tpu.memory_space<hbm>>
    %dma_start3A_909 = arith.constant 0 : i32
    %dma_start3A_910 = arith.constant 0 : i32
    %dma_start3A_911 = tpu.memref_slice %arg6[%dma_start3A_902, %dma_start3A_909, %dma_start3A_910] : memref<8x80x128xf32, #tpu.memory_space<vmem>> -> memref<1x80x128xf32, #tpu.memory_space<vmem>>
    %dma_start3A_912 = tpu.memref_squeeze %dma_start3A_911 : memref<1x80x128xf32, #tpu.memory_space<vmem>> -> memref<80x128xf32, #tpu.memory_space<vmem>>
    %dma_start3A_913 = arith.constant 0 : i32
    %dma_start3A_914 = tpu.memref_slice %arg2[%mul3A_897, %dma_start3A_913] : memref<50000x128xf32, #tpu.memory_space<hbm>> -> memref<80x128xf32, #tpu.memory_space<hbm>>
    tpu.enqueue_dma source(%dma_start3A_914 : memref<80x128xf32, #tpu.memory_space<hbm>>) target(%dma_start3A_912 : memref<80x128xf32, #tpu.memory_space<vmem>>) target_semaphore(%arg15 : memref<!tpu.dma_semaphore, #tpu.memory_space<semaphore_mem>>)
    %dma_start3A_915 = arith.constant 3 : i32
    %dma_start3A_916 = arith.constant 0 : i32
    %dma_start3A_917 = tpu.memref_slice %arg7[%dma_start3A_915, %dma_start3A_916] : memref<8x80xi32, #tpu.memory_space<vmem>> -> memref<1x80xi32, #tpu.memory_space<vmem>>
    %dma_start3A_918 = tpu.memref_squeeze %dma_start3A_917 : memref<1x80xi32, #tpu.memory_space<vmem>> -> memref<80xi32, #tpu.memory_space<vmem>>
    %dma_start3A_919 = tpu.memref_slice %arg3[%select_n3A_901] : memref<50080xi32, #tpu.memory_space<hbm>> -> memref<80xi32, #tpu.memory_space<hbm>>
    %dma_start3A_920 = arith.constant 0 : i32
    %dma_start3A_921 = tpu.memref_slice %arg7[%dma_start3A_915, %dma_start3A_920] : memref<8x80xi32, #tpu.memory_space<vmem>> -> memref<1x80xi32, #tpu.memory_space<vmem>>
    %dma_start3A_922 = tpu.memref_squeeze %dma_start3A_921 : memref<1x80xi32, #tpu.memory_space<vmem>> -> memref<80xi32, #tpu.memory_space<vmem>>
    %dma_start3A_923 = tpu.memref_slice %arg3[%select_n3A_901] : memref<50080xi32, #tpu.memory_space<hbm>> -> memref<80xi32, #tpu.memory_space<hbm>>
    tpu.enqueue_dma source(%dma_start3A_923 : memref<80xi32, #tpu.memory_space<hbm>>) target(%dma_start3A_922 : memref<80xi32, #tpu.memory_space<vmem>>) target_semaphore(%arg15 : memref<!tpu.dma_semaphore, #tpu.memory_space<semaphore_mem>>)
    %add3A_924 = arith.constant 256 : i32
    %add3A_925 = arith.addi %add3A, %add3A_924 : i32
    %lt3A_926 = arith.constant 625 : i32
    %lt3A_927 = arith.cmpi slt, %add3A_925, %lt3A_926 : i32
    %jit3A_928 = arith.constant 0 : i32
    %select_n3A_929 = arith.select %lt3A_927, %add3A_925, %jit3A_928 : i32
    %mul3A_930 = arith.constant 80 : i32
    %mul3A_931 = arith.muli %select_n3A_929, %mul3A_930 : i32
    %mul3A_932 = arith.constant 80 : i32
    %mul3A_933 = arith.muli %add3A_925, %mul3A_932 : i32
    %jit3A_934 = arith.constant 50000 : i32
    %select_n3A_935 = arith.select %lt3A_927, %mul3A_933, %jit3A_934 : i32
    %dma_wait3A_936 = arith.constant 0 : i32
    %dma_wait3A_937 = arith.constant 0 : i32
    %dma_wait3A_938 = arith.constant 0 : i32
    %dma_wait3A_939 = tpu.memref_slice %arg6[%dma_wait3A_936, %dma_wait3A_937, %dma_wait3A_938] : memref<8x80x128xf32, #tpu.memory_space<vmem>> -> memref<1x80x128xf32, #tpu.memory_space<vmem>>
    %dma_wait3A_940 = tpu.memref_squeeze %dma_wait3A_939 : memref<1x80x128xf32, #tpu.memory_space<vmem>> -> memref<80x128xf32, #tpu.memory_space<vmem>>
    %dma_wait3A_941 = arith.constant 0 : i32
    %dma_wait3A_942 = tpu.memref_slice %arg2[%mul3A_931, %dma_wait3A_941] : memref<50000x128xf32, #tpu.memory_space<hbm>> -> memref<80x128xf32, #tpu.memory_space<hbm>>
    %dma_wait3A_943 = arith.constant 0 : i32
    %dma_wait3A_944 = arith.constant 0 : i32
    %dma_wait3A_945 = tpu.memref_slice %arg6[%dma_wait3A_936, %dma_wait3A_943, %dma_wait3A_944] : memref<8x80x128xf32, #tpu.memory_space<vmem>> -> memref<1x80x128xf32, #tpu.memory_space<vmem>>
    %dma_wait3A_946 = tpu.memref_squeeze %dma_wait3A_945 : memref<1x80x128xf32, #tpu.memory_space<vmem>> -> memref<80x128xf32, #tpu.memory_space<vmem>>
    %dma_wait3A_947 = arith.constant 0 : i32
    %dma_wait3A_948 = tpu.memref_slice %arg2[%mul3A_931, %dma_wait3A_947] : memref<50000x128xf32, #tpu.memory_space<hbm>> -> memref<80x128xf32, #tpu.memory_space<hbm>>
    tpu.wait_dma2 semaphore(%arg12 : memref<!tpu.dma_semaphore, #tpu.memory_space<semaphore_mem>>) src(%dma_wait3A_948 : memref<80x128xf32, #tpu.memory_space<hbm>>) dst(%dma_wait3A_946 : memref<80x128xf32, #tpu.memory_space<vmem>>)
    %dma_wait3A_949 = arith.constant 0 : i32
    %dma_wait3A_950 = arith.constant 0 : i32
    %dma_wait3A_951 = tpu.memref_slice %arg7[%dma_wait3A_949, %dma_wait3A_950] : memref<8x80xi32, #tpu.memory_space<vmem>> -> memref<1x80xi32, #tpu.memory_space<vmem>>
    %dma_wait3A_952 = tpu.memref_squeeze %dma_wait3A_951 : memref<1x80xi32, #tpu.memory_space<vmem>> -> memref<80xi32, #tpu.memory_space<vmem>>
    %dma_wait3A_953 = tpu.memref_slice %arg3[%select_n3A_935] : memref<50080xi32, #tpu.memory_space<hbm>> -> memref<80xi32, #tpu.memory_space<hbm>>
    %dma_wait3A_954 = arith.constant 0 : i32
    %dma_wait3A_955 = tpu.memref_slice %arg7[%dma_wait3A_949, %dma_wait3A_954] : memref<8x80xi32, #tpu.memory_space<vmem>> -> memref<1x80xi32, #tpu.memory_space<vmem>>
    %dma_wait3A_956 = tpu.memref_squeeze %dma_wait3A_955 : memref<1x80xi32, #tpu.memory_space<vmem>> -> memref<80xi32, #tpu.memory_space<vmem>>
    %dma_wait3A_957 = tpu.memref_slice %arg3[%select_n3A_935] : memref<50080xi32, #tpu.memory_space<hbm>> -> memref<80xi32, #tpu.memory_space<hbm>>
    tpu.wait_dma2 semaphore(%arg12 : memref<!tpu.dma_semaphore, #tpu.memory_space<semaphore_mem>>) src(%dma_wait3A_957 : memref<80xi32, #tpu.memory_space<hbm>>) dst(%dma_wait3A_956 : memref<80xi32, #tpu.memory_space<vmem>>)
    %dma_start3A_958 = arith.constant 0 : i32
    %dma_start3A_959 = arith.constant 0 : i32
    %dma_start3A_960 = arith.constant 0 : i32
    %dma_start3A_961 = arith.constant 0 : i32
    %dma_start3A_962 = tpu.memref_slice %arg6[%dma_start3A_958, %dma_start3A_960, %dma_start3A_961] : memref<8x80x128xf32, #tpu.memory_space<vmem>> -> memref<1x80x128xf32, #tpu.memory_space<vmem>>
    %dma_start3A_963 = tpu.memref_squeeze %dma_start3A_962 : memref<1x80x128xf32, #tpu.memory_space<vmem>> -> memref<80x128xf32, #tpu.memory_space<vmem>>
    %dma_start3A_964 = arith.constant 0 : i32
    %dma_start3A_965 = tpu.memref_slice %arg7[%dma_start3A_959, %dma_start3A_964] : memref<8x80xi32, #tpu.memory_space<vmem>> -> memref<1x80xi32, #tpu.memory_space<vmem>>
    %dma_start3A_966 = tpu.memref_squeeze %dma_start3A_965 : memref<1x80xi32, #tpu.memory_space<vmem>> -> memref<80xi32, #tpu.memory_space<vmem>>
    %dma_start3A_967 = arith.constant 0 : i32
    %dma_start3A_968 = arith.constant 0 : i32
    %dma_start3A_969 = tpu.memref_slice %arg10[%dma_start3A_967, %dma_start3A_968] : memref<520x128xf32, #tpu.memory_space<vmem_shared>> -> memref<520x128xf32, #tpu.memory_space<vmem_shared>>
    tpu.enqueue_indirect_dma source(%dma_start3A_963 : memref<80x128xf32, #tpu.memory_space<vmem>>) target(%dma_start3A_969 : memref<520x128xf32, #tpu.memory_space<vmem_shared>>) offsets(%dma_start3A_966 : memref<80xi32, #tpu.memory_space<vmem>>) semaphore(%arg20 : memref<!tpu.dma_semaphore, #tpu.memory_space<semaphore_mem>>) {add = true}
    %dma_start3A_970 = arith.constant 0 : i32
    %dma_start3A_971 = arith.constant 0 : i32
    %dma_start3A_972 = tpu.memref_slice %arg7[%dma_start3A_970, %dma_start3A_971] : memref<8x80xi32, #tpu.memory_space<vmem>> -> memref<1x80xi32, #tpu.memory_space<vmem>>
    %dma_start3A_973 = tpu.memref_squeeze %dma_start3A_972 : memref<1x80xi32, #tpu.memory_space<vmem>> -> memref<80xi32, #tpu.memory_space<vmem>>
    %dma_start3A_974 = arith.constant 0 : i32
    %dma_start3A_975 = arith.constant 0 : i32
    %dma_start3A_976 = tpu.memref_slice %arg11[%dma_start3A_974, %dma_start3A_975] : memref<520x128xf32, #tpu.memory_space<vmem_shared>> -> memref<520x128xf32, #tpu.memory_space<vmem_shared>>
    tpu.enqueue_indirect_dma source(%arg8 : memref<80x128xf32, #tpu.memory_space<vmem>>) target(%dma_start3A_976 : memref<520x128xf32, #tpu.memory_space<vmem_shared>>) offsets(%dma_start3A_973 : memref<80xi32, #tpu.memory_space<vmem>>) semaphore(%arg20 : memref<!tpu.dma_semaphore, #tpu.memory_space<semaphore_mem>>) {add = true}
    %dma_wait3A_977 = arith.constant 4 : i32
    %dma_wait3A_978 = arith.constant 4 : i32
    %dma_wait3A_979 = arith.constant 0 : i32
    %dma_wait3A_980 = arith.constant 0 : i32
    %dma_wait3A_981 = tpu.memref_slice %arg6[%dma_wait3A_977, %dma_wait3A_979, %dma_wait3A_980] : memref<8x80x128xf32, #tpu.memory_space<vmem>> -> memref<1x80x128xf32, #tpu.memory_space<vmem>>
    %dma_wait3A_982 = tpu.memref_squeeze %dma_wait3A_981 : memref<1x80x128xf32, #tpu.memory_space<vmem>> -> memref<80x128xf32, #tpu.memory_space<vmem>>
    %dma_wait3A_983 = arith.constant 0 : i32
    %dma_wait3A_984 = tpu.memref_slice %arg7[%dma_wait3A_978, %dma_wait3A_983] : memref<8x80xi32, #tpu.memory_space<vmem>> -> memref<1x80xi32, #tpu.memory_space<vmem>>
    %dma_wait3A_985 = tpu.memref_squeeze %dma_wait3A_984 : memref<1x80xi32, #tpu.memory_space<vmem>> -> memref<80xi32, #tpu.memory_space<vmem>>
    %dma_wait3A_986 = arith.constant 0 : i32
    %dma_wait3A_987 = arith.constant 0 : i32
    %dma_wait3A_988 = tpu.memref_slice %arg10[%dma_wait3A_986, %dma_wait3A_987] : memref<520x128xf32, #tpu.memory_space<vmem_shared>> -> memref<520x128xf32, #tpu.memory_space<vmem_shared>>
    tpu.wait_indirect_dma semaphore(%arg24 : memref<!tpu.dma_semaphore, #tpu.memory_space<semaphore_mem>>) src(%dma_wait3A_982 : memref<80x128xf32, #tpu.memory_space<vmem>>) dst(%dma_wait3A_988 : memref<520x128xf32, #tpu.memory_space<vmem_shared>>)
    %dma_wait3A_989 = arith.constant 4 : i32
    %dma_wait3A_990 = arith.constant 0 : i32
    %dma_wait3A_991 = tpu.memref_slice %arg7[%dma_wait3A_989, %dma_wait3A_990] : memref<8x80xi32, #tpu.memory_space<vmem>> -> memref<1x80xi32, #tpu.memory_space<vmem>>
    %dma_wait3A_992 = tpu.memref_squeeze %dma_wait3A_991 : memref<1x80xi32, #tpu.memory_space<vmem>> -> memref<80xi32, #tpu.memory_space<vmem>>
    %dma_wait3A_993 = arith.constant 0 : i32
    %dma_wait3A_994 = arith.constant 0 : i32
    %dma_wait3A_995 = tpu.memref_slice %arg11[%dma_wait3A_993, %dma_wait3A_994] : memref<520x128xf32, #tpu.memory_space<vmem_shared>> -> memref<520x128xf32, #tpu.memory_space<vmem_shared>>
    tpu.wait_indirect_dma semaphore(%arg24 : memref<!tpu.dma_semaphore, #tpu.memory_space<semaphore_mem>>) src(%arg8 : memref<80x128xf32, #tpu.memory_space<vmem>>) dst(%dma_wait3A_995 : memref<520x128xf32, #tpu.memory_space<vmem_shared>>)
    %add3A_996 = arith.constant 384 : i32
    %add3A_997 = arith.addi %add3A, %add3A_996 : i32
    %lt3A_998 = arith.constant 625 : i32
    %lt3A_999 = arith.cmpi slt, %add3A_997, %lt3A_998 : i32
    %jit3A_1000 = arith.constant 0 : i32
    %select_n3A_1001 = arith.select %lt3A_999, %add3A_997, %jit3A_1000 : i32
    %mul3A_1002 = arith.constant 80 : i32
    %mul3A_1003 = arith.muli %select_n3A_1001, %mul3A_1002 : i32
    %mul3A_1004 = arith.constant 80 : i32
    %mul3A_1005 = arith.muli %add3A_997, %mul3A_1004 : i32
    %jit3A_1006 = arith.constant 50000 : i32
    %select_n3A_1007 = arith.select %lt3A_999, %mul3A_1005, %jit3A_1006 : i32
    %dma_start3A_1008 = arith.constant 4 : i32
    %dma_start3A_1009 = arith.constant 0 : i32
    %dma_start3A_1010 = arith.constant 0 : i32
    %dma_start3A_1011 = tpu.memref_slice %arg6[%dma_start3A_1008, %dma_start3A_1009, %dma_start3A_1010] : memref<8x80x128xf32, #tpu.memory_space<vmem>> -> memref<1x80x128xf32, #tpu.memory_space<vmem>>
    %dma_start3A_1012 = tpu.memref_squeeze %dma_start3A_1011 : memref<1x80x128xf32, #tpu.memory_space<vmem>> -> memref<80x128xf32, #tpu.memory_space<vmem>>
    %dma_start3A_1013 = arith.constant 0 : i32
    %dma_start3A_1014 = tpu.memref_slice %arg2[%mul3A_1003, %dma_start3A_1013] : memref<50000x128xf32, #tpu.memory_space<hbm>> -> memref<80x128xf32, #tpu.memory_space<hbm>>
    %dma_start3A_1015 = arith.constant 0 : i32
    %dma_start3A_1016 = arith.constant 0 : i32
    %dma_start3A_1017 = tpu.memref_slice %arg6[%dma_start3A_1008, %dma_start3A_1015, %dma_start3A_1016] : memref<8x80x128xf32, #tpu.memory_space<vmem>> -> memref<1x80x128xf32, #tpu.memory_space<vmem>>
    %dma_start3A_1018 = tpu.memref_squeeze %dma_start3A_1017 : memref<1x80x128xf32, #tpu.memory_space<vmem>> -> memref<80x128xf32, #tpu.memory_space<vmem>>
    %dma_start3A_1019 = arith.constant 0 : i32
    %dma_start3A_1020 = tpu.memref_slice %arg2[%mul3A_1003, %dma_start3A_1019] : memref<50000x128xf32, #tpu.memory_space<hbm>> -> memref<80x128xf32, #tpu.memory_space<hbm>>
    tpu.enqueue_dma source(%dma_start3A_1020 : memref<80x128xf32, #tpu.memory_space<hbm>>) target(%dma_start3A_1018 : memref<80x128xf32, #tpu.memory_space<vmem>>) target_semaphore(%arg16 : memref<!tpu.dma_semaphore, #tpu.memory_space<semaphore_mem>>)
    %dma_start3A_1021 = arith.constant 4 : i32
    %dma_start3A_1022 = arith.constant 0 : i32
    %dma_start3A_1023 = tpu.memref_slice %arg7[%dma_start3A_1021, %dma_start3A_1022] : memref<8x80xi32, #tpu.memory_space<vmem>> -> memref<1x80xi32, #tpu.memory_space<vmem>>
    %dma_start3A_1024 = tpu.memref_squeeze %dma_start3A_1023 : memref<1x80xi32, #tpu.memory_space<vmem>> -> memref<80xi32, #tpu.memory_space<vmem>>
    %dma_start3A_1025 = tpu.memref_slice %arg3[%select_n3A_1007] : memref<50080xi32, #tpu.memory_space<hbm>> -> memref<80xi32, #tpu.memory_space<hbm>>
    %dma_start3A_1026 = arith.constant 0 : i32
    %dma_start3A_1027 = tpu.memref_slice %arg7[%dma_start3A_1021, %dma_start3A_1026] : memref<8x80xi32, #tpu.memory_space<vmem>> -> memref<1x80xi32, #tpu.memory_space<vmem>>
    %dma_start3A_1028 = tpu.memref_squeeze %dma_start3A_1027 : memref<1x80xi32, #tpu.memory_space<vmem>> -> memref<80xi32, #tpu.memory_space<vmem>>
    %dma_start3A_1029 = tpu.memref_slice %arg3[%select_n3A_1007] : memref<50080xi32, #tpu.memory_space<hbm>> -> memref<80xi32, #tpu.memory_space<hbm>>
    tpu.enqueue_dma source(%dma_start3A_1029 : memref<80xi32, #tpu.memory_space<hbm>>) target(%dma_start3A_1028 : memref<80xi32, #tpu.memory_space<vmem>>) target_semaphore(%arg16 : memref<!tpu.dma_semaphore, #tpu.memory_space<semaphore_mem>>)
    %add3A_1030 = arith.constant 288 : i32
    %add3A_1031 = arith.addi %add3A, %add3A_1030 : i32
    %lt3A_1032 = arith.constant 625 : i32
    %lt3A_1033 = arith.cmpi slt, %add3A_1031, %lt3A_1032 : i32
    %jit3A_1034 = arith.constant 0 : i32
    %select_n3A_1035 = arith.select %lt3A_1033, %add3A_1031, %jit3A_1034 : i32
    %mul3A_1036 = arith.constant 80 : i32
    %mul3A_1037 = arith.muli %select_n3A_1035, %mul3A_1036 : i32
    %mul3A_1038 = arith.constant 80 : i32
    %mul3A_1039 = arith.muli %add3A_1031, %mul3A_1038 : i32
    %jit3A_1040 = arith.constant 50000 : i32
    %select_n3A_1041 = arith.select %lt3A_1033, %mul3A_1039, %jit3A_1040 : i32
    %dma_wait3A_1042 = arith.constant 1 : i32
    %dma_wait3A_1043 = arith.constant 0 : i32
    %dma_wait3A_1044 = arith.constant 0 : i32
    %dma_wait3A_1045 = tpu.memref_slice %arg6[%dma_wait3A_1042, %dma_wait3A_1043, %dma_wait3A_1044] : memref<8x80x128xf32, #tpu.memory_space<vmem>> -> memref<1x80x128xf32, #tpu.memory_space<vmem>>
    %dma_wait3A_1046 = tpu.memref_squeeze %dma_wait3A_1045 : memref<1x80x128xf32, #tpu.memory_space<vmem>> -> memref<80x128xf32, #tpu.memory_space<vmem>>
    %dma_wait3A_1047 = arith.constant 0 : i32
    %dma_wait3A_1048 = tpu.memref_slice %arg2[%mul3A_1037, %dma_wait3A_1047] : memref<50000x128xf32, #tpu.memory_space<hbm>> -> memref<80x128xf32, #tpu.memory_space<hbm>>
    %dma_wait3A_1049 = arith.constant 0 : i32
    %dma_wait3A_1050 = arith.constant 0 : i32
    %dma_wait3A_1051 = tpu.memref_slice %arg6[%dma_wait3A_1042, %dma_wait3A_1049, %dma_wait3A_1050] : memref<8x80x128xf32, #tpu.memory_space<vmem>> -> memref<1x80x128xf32, #tpu.memory_space<vmem>>
    %dma_wait3A_1052 = tpu.memref_squeeze %dma_wait3A_1051 : memref<1x80x128xf32, #tpu.memory_space<vmem>> -> memref<80x128xf32, #tpu.memory_space<vmem>>
    %dma_wait3A_1053 = arith.constant 0 : i32
    %dma_wait3A_1054 = tpu.memref_slice %arg2[%mul3A_1037, %dma_wait3A_1053] : memref<50000x128xf32, #tpu.memory_space<hbm>> -> memref<80x128xf32, #tpu.memory_space<hbm>>
    tpu.wait_dma2 semaphore(%arg13 : memref<!tpu.dma_semaphore, #tpu.memory_space<semaphore_mem>>) src(%dma_wait3A_1054 : memref<80x128xf32, #tpu.memory_space<hbm>>) dst(%dma_wait3A_1052 : memref<80x128xf32, #tpu.memory_space<vmem>>)
    %dma_wait3A_1055 = arith.constant 1 : i32
    %dma_wait3A_1056 = arith.constant 0 : i32
    %dma_wait3A_1057 = tpu.memref_slice %arg7[%dma_wait3A_1055, %dma_wait3A_1056] : memref<8x80xi32, #tpu.memory_space<vmem>> -> memref<1x80xi32, #tpu.memory_space<vmem>>
    %dma_wait3A_1058 = tpu.memref_squeeze %dma_wait3A_1057 : memref<1x80xi32, #tpu.memory_space<vmem>> -> memref<80xi32, #tpu.memory_space<vmem>>
    %dma_wait3A_1059 = tpu.memref_slice %arg3[%select_n3A_1041] : memref<50080xi32, #tpu.memory_space<hbm>> -> memref<80xi32, #tpu.memory_space<hbm>>
    %dma_wait3A_1060 = arith.constant 0 : i32
    %dma_wait3A_1061 = tpu.memref_slice %arg7[%dma_wait3A_1055, %dma_wait3A_1060] : memref<8x80xi32, #tpu.memory_space<vmem>> -> memref<1x80xi32, #tpu.memory_space<vmem>>
    %dma_wait3A_1062 = tpu.memref_squeeze %dma_wait3A_1061 : memref<1x80xi32, #tpu.memory_space<vmem>> -> memref<80xi32, #tpu.memory_space<vmem>>
    %dma_wait3A_1063 = tpu.memref_slice %arg3[%select_n3A_1041] : memref<50080xi32, #tpu.memory_space<hbm>> -> memref<80xi32, #tpu.memory_space<hbm>>
    tpu.wait_dma2 semaphore(%arg13 : memref<!tpu.dma_semaphore, #tpu.memory_space<semaphore_mem>>) src(%dma_wait3A_1063 : memref<80xi32, #tpu.memory_space<hbm>>) dst(%dma_wait3A_1062 : memref<80xi32, #tpu.memory_space<vmem>>)
    %dma_start3A_1064 = arith.constant 1 : i32
    %dma_start3A_1065 = arith.constant 1 : i32
    %dma_start3A_1066 = arith.constant 0 : i32
    %dma_start3A_1067 = arith.constant 0 : i32
    %dma_start3A_1068 = tpu.memref_slice %arg6[%dma_start3A_1064, %dma_start3A_1066, %dma_start3A_1067] : memref<8x80x128xf32, #tpu.memory_space<vmem>> -> memref<1x80x128xf32, #tpu.memory_space<vmem>>
    %dma_start3A_1069 = tpu.memref_squeeze %dma_start3A_1068 : memref<1x80x128xf32, #tpu.memory_space<vmem>> -> memref<80x128xf32, #tpu.memory_space<vmem>>
    %dma_start3A_1070 = arith.constant 0 : i32
    %dma_start3A_1071 = tpu.memref_slice %arg7[%dma_start3A_1065, %dma_start3A_1070] : memref<8x80xi32, #tpu.memory_space<vmem>> -> memref<1x80xi32, #tpu.memory_space<vmem>>
    %dma_start3A_1072 = tpu.memref_squeeze %dma_start3A_1071 : memref<1x80xi32, #tpu.memory_space<vmem>> -> memref<80xi32, #tpu.memory_space<vmem>>
    %dma_start3A_1073 = arith.constant 0 : i32
    %dma_start3A_1074 = arith.constant 0 : i32
    %dma_start3A_1075 = tpu.memref_slice %arg10[%dma_start3A_1073, %dma_start3A_1074] : memref<520x128xf32, #tpu.memory_space<vmem_shared>> -> memref<520x128xf32, #tpu.memory_space<vmem_shared>>
    tpu.enqueue_indirect_dma source(%dma_start3A_1069 : memref<80x128xf32, #tpu.memory_space<vmem>>) target(%dma_start3A_1075 : memref<520x128xf32, #tpu.memory_space<vmem_shared>>) offsets(%dma_start3A_1072 : memref<80xi32, #tpu.memory_space<vmem>>) semaphore(%arg21 : memref<!tpu.dma_semaphore, #tpu.memory_space<semaphore_mem>>) {add = true}
    %dma_start3A_1076 = arith.constant 1 : i32
    %dma_start3A_1077 = arith.constant 0 : i32
    %dma_start3A_1078 = tpu.memref_slice %arg7[%dma_start3A_1076, %dma_start3A_1077] : memref<8x80xi32, #tpu.memory_space<vmem>> -> memref<1x80xi32, #tpu.memory_space<vmem>>
    %dma_start3A_1079 = tpu.memref_squeeze %dma_start3A_1078 : memref<1x80xi32, #tpu.memory_space<vmem>> -> memref<80xi32, #tpu.memory_space<vmem>>
    %dma_start3A_1080 = arith.constant 0 : i32
    %dma_start3A_1081 = arith.constant 0 : i32
    %dma_start3A_1082 = tpu.memref_slice %arg11[%dma_start3A_1080, %dma_start3A_1081] : memref<520x128xf32, #tpu.memory_space<vmem_shared>> -> memref<520x128xf32, #tpu.memory_space<vmem_shared>>
    tpu.enqueue_indirect_dma source(%arg8 : memref<80x128xf32, #tpu.memory_space<vmem>>) target(%dma_start3A_1082 : memref<520x128xf32, #tpu.memory_space<vmem_shared>>) offsets(%dma_start3A_1079 : memref<80xi32, #tpu.memory_space<vmem>>) semaphore(%arg21 : memref<!tpu.dma_semaphore, #tpu.memory_space<semaphore_mem>>) {add = true}
    %dma_wait3A_1083 = arith.constant 5 : i32
    %dma_wait3A_1084 = arith.constant 5 : i32
    %dma_wait3A_1085 = arith.constant 0 : i32
    %dma_wait3A_1086 = arith.constant 0 : i32
    %dma_wait3A_1087 = tpu.memref_slice %arg6[%dma_wait3A_1083, %dma_wait3A_1085, %dma_wait3A_1086] : memref<8x80x128xf32, #tpu.memory_space<vmem>> -> memref<1x80x128xf32, #tpu.memory_space<vmem>>
    %dma_wait3A_1088 = tpu.memref_squeeze %dma_wait3A_1087 : memref<1x80x128xf32, #tpu.memory_space<vmem>> -> memref<80x128xf32, #tpu.memory_space<vmem>>
    %dma_wait3A_1089 = arith.constant 0 : i32
    %dma_wait3A_1090 = tpu.memref_slice %arg7[%dma_wait3A_1084, %dma_wait3A_1089] : memref<8x80xi32, #tpu.memory_space<vmem>> -> memref<1x80xi32, #tpu.memory_space<vmem>>
    %dma_wait3A_1091 = tpu.memref_squeeze %dma_wait3A_1090 : memref<1x80xi32, #tpu.memory_space<vmem>> -> memref<80xi32, #tpu.memory_space<vmem>>
    %dma_wait3A_1092 = arith.constant 0 : i32
    %dma_wait3A_1093 = arith.constant 0 : i32
    %dma_wait3A_1094 = tpu.memref_slice %arg10[%dma_wait3A_1092, %dma_wait3A_1093] : memref<520x128xf32, #tpu.memory_space<vmem_shared>> -> memref<520x128xf32, #tpu.memory_space<vmem_shared>>
    tpu.wait_indirect_dma semaphore(%arg25 : memref<!tpu.dma_semaphore, #tpu.memory_space<semaphore_mem>>) src(%dma_wait3A_1088 : memref<80x128xf32, #tpu.memory_space<vmem>>) dst(%dma_wait3A_1094 : memref<520x128xf32, #tpu.memory_space<vmem_shared>>)
    %dma_wait3A_1095 = arith.constant 5 : i32
    %dma_wait3A_1096 = arith.constant 0 : i32
    %dma_wait3A_1097 = tpu.memref_slice %arg7[%dma_wait3A_1095, %dma_wait3A_1096] : memref<8x80xi32, #tpu.memory_space<vmem>> -> memref<1x80xi32, #tpu.memory_space<vmem>>
    %dma_wait3A_1098 = tpu.memref_squeeze %dma_wait3A_1097 : memref<1x80xi32, #tpu.memory_space<vmem>> -> memref<80xi32, #tpu.memory_space<vmem>>
    %dma_wait3A_1099 = arith.constant 0 : i32
    %dma_wait3A_1100 = arith.constant 0 : i32
    %dma_wait3A_1101 = tpu.memref_slice %arg11[%dma_wait3A_1099, %dma_wait3A_1100] : memref<520x128xf32, #tpu.memory_space<vmem_shared>> -> memref<520x128xf32, #tpu.memory_space<vmem_shared>>
    tpu.wait_indirect_dma semaphore(%arg25 : memref<!tpu.dma_semaphore, #tpu.memory_space<semaphore_mem>>) src(%arg8 : memref<80x128xf32, #tpu.memory_space<vmem>>) dst(%dma_wait3A_1101 : memref<520x128xf32, #tpu.memory_space<vmem_shared>>)
    %add3A_1102 = arith.constant 416 : i32
    %add3A_1103 = arith.addi %add3A, %add3A_1102 : i32
    %lt3A_1104 = arith.constant 625 : i32
    %lt3A_1105 = arith.cmpi slt, %add3A_1103, %lt3A_1104 : i32
    %jit3A_1106 = arith.constant 0 : i32
    %select_n3A_1107 = arith.select %lt3A_1105, %add3A_1103, %jit3A_1106 : i32
    %mul3A_1108 = arith.constant 80 : i32
    %mul3A_1109 = arith.muli %select_n3A_1107, %mul3A_1108 : i32
    %mul3A_1110 = arith.constant 80 : i32
    %mul3A_1111 = arith.muli %add3A_1103, %mul3A_1110 : i32
    %jit3A_1112 = arith.constant 50000 : i32
    %select_n3A_1113 = arith.select %lt3A_1105, %mul3A_1111, %jit3A_1112 : i32
    %dma_start3A_1114 = arith.constant 5 : i32
    %dma_start3A_1115 = arith.constant 0 : i32
    %dma_start3A_1116 = arith.constant 0 : i32
    %dma_start3A_1117 = tpu.memref_slice %arg6[%dma_start3A_1114, %dma_start3A_1115, %dma_start3A_1116] : memref<8x80x128xf32, #tpu.memory_space<vmem>> -> memref<1x80x128xf32, #tpu.memory_space<vmem>>
    %dma_start3A_1118 = tpu.memref_squeeze %dma_start3A_1117 : memref<1x80x128xf32, #tpu.memory_space<vmem>> -> memref<80x128xf32, #tpu.memory_space<vmem>>
    %dma_start3A_1119 = arith.constant 0 : i32
    %dma_start3A_1120 = tpu.memref_slice %arg2[%mul3A_1109, %dma_start3A_1119] : memref<50000x128xf32, #tpu.memory_space<hbm>> -> memref<80x128xf32, #tpu.memory_space<hbm>>
    %dma_start3A_1121 = arith.constant 0 : i32
    %dma_start3A_1122 = arith.constant 0 : i32
    %dma_start3A_1123 = tpu.memref_slice %arg6[%dma_start3A_1114, %dma_start3A_1121, %dma_start3A_1122] : memref<8x80x128xf32, #tpu.memory_space<vmem>> -> memref<1x80x128xf32, #tpu.memory_space<vmem>>
    %dma_start3A_1124 = tpu.memref_squeeze %dma_start3A_1123 : memref<1x80x128xf32, #tpu.memory_space<vmem>> -> memref<80x128xf32, #tpu.memory_space<vmem>>
    %dma_start3A_1125 = arith.constant 0 : i32
    %dma_start3A_1126 = tpu.memref_slice %arg2[%mul3A_1109, %dma_start3A_1125] : memref<50000x128xf32, #tpu.memory_space<hbm>> -> memref<80x128xf32, #tpu.memory_space<hbm>>
    tpu.enqueue_dma source(%dma_start3A_1126 : memref<80x128xf32, #tpu.memory_space<hbm>>) target(%dma_start3A_1124 : memref<80x128xf32, #tpu.memory_space<vmem>>) target_semaphore(%arg17 : memref<!tpu.dma_semaphore, #tpu.memory_space<semaphore_mem>>)
    %dma_start3A_1127 = arith.constant 5 : i32
    %dma_start3A_1128 = arith.constant 0 : i32
    %dma_start3A_1129 = tpu.memref_slice %arg7[%dma_start3A_1127, %dma_start3A_1128] : memref<8x80xi32, #tpu.memory_space<vmem>> -> memref<1x80xi32, #tpu.memory_space<vmem>>
    %dma_start3A_1130 = tpu.memref_squeeze %dma_start3A_1129 : memref<1x80xi32, #tpu.memory_space<vmem>> -> memref<80xi32, #tpu.memory_space<vmem>>
    %dma_start3A_1131 = tpu.memref_slice %arg3[%select_n3A_1113] : memref<50080xi32, #tpu.memory_space<hbm>> -> memref<80xi32, #tpu.memory_space<hbm>>
    %dma_start3A_1132 = arith.constant 0 : i32
    %dma_start3A_1133 = tpu.memref_slice %arg7[%dma_start3A_1127, %dma_start3A_1132] : memref<8x80xi32, #tpu.memory_space<vmem>> -> memref<1x80xi32, #tpu.memory_space<vmem>>
    %dma_start3A_1134 = tpu.memref_squeeze %dma_start3A_1133 : memref<1x80xi32, #tpu.memory_space<vmem>> -> memref<80xi32, #tpu.memory_space<vmem>>
    %dma_start3A_1135 = tpu.memref_slice %arg3[%select_n3A_1113] : memref<50080xi32, #tpu.memory_space<hbm>> -> memref<80xi32, #tpu.memory_space<hbm>>
    tpu.enqueue_dma source(%dma_start3A_1135 : memref<80xi32, #tpu.memory_space<hbm>>) target(%dma_start3A_1134 : memref<80xi32, #tpu.memory_space<vmem>>) target_semaphore(%arg17 : memref<!tpu.dma_semaphore, #tpu.memory_space<semaphore_mem>>)
    %add3A_1136 = arith.constant 320 : i32
    %add3A_1137 = arith.addi %add3A, %add3A_1136 : i32
    %lt3A_1138 = arith.constant 625 : i32
    %lt3A_1139 = arith.cmpi slt, %add3A_1137, %lt3A_1138 : i32
    %jit3A_1140 = arith.constant 0 : i32
    %select_n3A_1141 = arith.select %lt3A_1139, %add3A_1137, %jit3A_1140 : i32
    %mul3A_1142 = arith.constant 80 : i32
    %mul3A_1143 = arith.muli %select_n3A_1141, %mul3A_1142 : i32
    %mul3A_1144 = arith.constant 80 : i32
    %mul3A_1145 = arith.muli %add3A_1137, %mul3A_1144 : i32
    %jit3A_1146 = arith.constant 50000 : i32
    %select_n3A_1147 = arith.select %lt3A_1139, %mul3A_1145, %jit3A_1146 : i32
    %dma_wait3A_1148 = arith.constant 2 : i32
    %dma_wait3A_1149 = arith.constant 0 : i32
    %dma_wait3A_1150 = arith.constant 0 : i32
    %dma_wait3A_1151 = tpu.memref_slice %arg6[%dma_wait3A_1148, %dma_wait3A_1149, %dma_wait3A_1150] : memref<8x80x128xf32, #tpu.memory_space<vmem>> -> memref<1x80x128xf32, #tpu.memory_space<vmem>>
    %dma_wait3A_1152 = tpu.memref_squeeze %dma_wait3A_1151 : memref<1x80x128xf32, #tpu.memory_space<vmem>> -> memref<80x128xf32, #tpu.memory_space<vmem>>
    %dma_wait3A_1153 = arith.constant 0 : i32
    %dma_wait3A_1154 = tpu.memref_slice %arg2[%mul3A_1143, %dma_wait3A_1153] : memref<50000x128xf32, #tpu.memory_space<hbm>> -> memref<80x128xf32, #tpu.memory_space<hbm>>
    %dma_wait3A_1155 = arith.constant 0 : i32
    %dma_wait3A_1156 = arith.constant 0 : i32
    %dma_wait3A_1157 = tpu.memref_slice %arg6[%dma_wait3A_1148, %dma_wait3A_1155, %dma_wait3A_1156] : memref<8x80x128xf32, #tpu.memory_space<vmem>> -> memref<1x80x128xf32, #tpu.memory_space<vmem>>
    %dma_wait3A_1158 = tpu.memref_squeeze %dma_wait3A_1157 : memref<1x80x128xf32, #tpu.memory_space<vmem>> -> memref<80x128xf32, #tpu.memory_space<vmem>>
    %dma_wait3A_1159 = arith.constant 0 : i32
    %dma_wait3A_1160 = tpu.memref_slice %arg2[%mul3A_1143, %dma_wait3A_1159] : memref<50000x128xf32, #tpu.memory_space<hbm>> -> memref<80x128xf32, #tpu.memory_space<hbm>>
    tpu.wait_dma2 semaphore(%arg14 : memref<!tpu.dma_semaphore, #tpu.memory_space<semaphore_mem>>) src(%dma_wait3A_1160 : memref<80x128xf32, #tpu.memory_space<hbm>>) dst(%dma_wait3A_1158 : memref<80x128xf32, #tpu.memory_space<vmem>>)
    %dma_wait3A_1161 = arith.constant 2 : i32
    %dma_wait3A_1162 = arith.constant 0 : i32
    %dma_wait3A_1163 = tpu.memref_slice %arg7[%dma_wait3A_1161, %dma_wait3A_1162] : memref<8x80xi32, #tpu.memory_space<vmem>> -> memref<1x80xi32, #tpu.memory_space<vmem>>
    %dma_wait3A_1164 = tpu.memref_squeeze %dma_wait3A_1163 : memref<1x80xi32, #tpu.memory_space<vmem>> -> memref<80xi32, #tpu.memory_space<vmem>>
    %dma_wait3A_1165 = tpu.memref_slice %arg3[%select_n3A_1147] : memref<50080xi32, #tpu.memory_space<hbm>> -> memref<80xi32, #tpu.memory_space<hbm>>
    %dma_wait3A_1166 = arith.constant 0 : i32
    %dma_wait3A_1167 = tpu.memref_slice %arg7[%dma_wait3A_1161, %dma_wait3A_1166] : memref<8x80xi32, #tpu.memory_space<vmem>> -> memref<1x80xi32, #tpu.memory_space<vmem>>
    %dma_wait3A_1168 = tpu.memref_squeeze %dma_wait3A_1167 : memref<1x80xi32, #tpu.memory_space<vmem>> -> memref<80xi32, #tpu.memory_space<vmem>>
    %dma_wait3A_1169 = tpu.memref_slice %arg3[%select_n3A_1147] : memref<50080xi32, #tpu.memory_space<hbm>> -> memref<80xi32, #tpu.memory_space<hbm>>
    tpu.wait_dma2 semaphore(%arg14 : memref<!tpu.dma_semaphore, #tpu.memory_space<semaphore_mem>>) src(%dma_wait3A_1169 : memref<80xi32, #tpu.memory_space<hbm>>) dst(%dma_wait3A_1168 : memref<80xi32, #tpu.memory_space<vmem>>)
    %dma_start3A_1170 = arith.constant 2 : i32
    %dma_start3A_1171 = arith.constant 2 : i32
    %dma_start3A_1172 = arith.constant 0 : i32
    %dma_start3A_1173 = arith.constant 0 : i32
    %dma_start3A_1174 = tpu.memref_slice %arg6[%dma_start3A_1170, %dma_start3A_1172, %dma_start3A_1173] : memref<8x80x128xf32, #tpu.memory_space<vmem>> -> memref<1x80x128xf32, #tpu.memory_space<vmem>>
    %dma_start3A_1175 = tpu.memref_squeeze %dma_start3A_1174 : memref<1x80x128xf32, #tpu.memory_space<vmem>> -> memref<80x128xf32, #tpu.memory_space<vmem>>
    %dma_start3A_1176 = arith.constant 0 : i32
    %dma_start3A_1177 = tpu.memref_slice %arg7[%dma_start3A_1171, %dma_start3A_1176] : memref<8x80xi32, #tpu.memory_space<vmem>> -> memref<1x80xi32, #tpu.memory_space<vmem>>
    %dma_start3A_1178 = tpu.memref_squeeze %dma_start3A_1177 : memref<1x80xi32, #tpu.memory_space<vmem>> -> memref<80xi32, #tpu.memory_space<vmem>>
    %dma_start3A_1179 = arith.constant 0 : i32
    %dma_start3A_1180 = arith.constant 0 : i32
    %dma_start3A_1181 = tpu.memref_slice %arg10[%dma_start3A_1179, %dma_start3A_1180] : memref<520x128xf32, #tpu.memory_space<vmem_shared>> -> memref<520x128xf32, #tpu.memory_space<vmem_shared>>
    tpu.enqueue_indirect_dma source(%dma_start3A_1175 : memref<80x128xf32, #tpu.memory_space<vmem>>) target(%dma_start3A_1181 : memref<520x128xf32, #tpu.memory_space<vmem_shared>>) offsets(%dma_start3A_1178 : memref<80xi32, #tpu.memory_space<vmem>>) semaphore(%arg22 : memref<!tpu.dma_semaphore, #tpu.memory_space<semaphore_mem>>) {add = true}
    %dma_start3A_1182 = arith.constant 2 : i32
    %dma_start3A_1183 = arith.constant 0 : i32
    %dma_start3A_1184 = tpu.memref_slice %arg7[%dma_start3A_1182, %dma_start3A_1183] : memref<8x80xi32, #tpu.memory_space<vmem>> -> memref<1x80xi32, #tpu.memory_space<vmem>>
    %dma_start3A_1185 = tpu.memref_squeeze %dma_start3A_1184 : memref<1x80xi32, #tpu.memory_space<vmem>> -> memref<80xi32, #tpu.memory_space<vmem>>
    %dma_start3A_1186 = arith.constant 0 : i32
    %dma_start3A_1187 = arith.constant 0 : i32
    %dma_start3A_1188 = tpu.memref_slice %arg11[%dma_start3A_1186, %dma_start3A_1187] : memref<520x128xf32, #tpu.memory_space<vmem_shared>> -> memref<520x128xf32, #tpu.memory_space<vmem_shared>>
    tpu.enqueue_indirect_dma source(%arg8 : memref<80x128xf32, #tpu.memory_space<vmem>>) target(%dma_start3A_1188 : memref<520x128xf32, #tpu.memory_space<vmem_shared>>) offsets(%dma_start3A_1185 : memref<80xi32, #tpu.memory_space<vmem>>) semaphore(%arg22 : memref<!tpu.dma_semaphore, #tpu.memory_space<semaphore_mem>>) {add = true}
    %dma_wait3A_1189 = arith.constant 6 : i32
    %dma_wait3A_1190 = arith.constant 6 : i32
    %dma_wait3A_1191 = arith.constant 0 : i32
    %dma_wait3A_1192 = arith.constant 0 : i32
    %dma_wait3A_1193 = tpu.memref_slice %arg6[%dma_wait3A_1189, %dma_wait3A_1191, %dma_wait3A_1192] : memref<8x80x128xf32, #tpu.memory_space<vmem>> -> memref<1x80x128xf32, #tpu.memory_space<vmem>>
    %dma_wait3A_1194 = tpu.memref_squeeze %dma_wait3A_1193 : memref<1x80x128xf32, #tpu.memory_space<vmem>> -> memref<80x128xf32, #tpu.memory_space<vmem>>
    %dma_wait3A_1195 = arith.constant 0 : i32
    %dma_wait3A_1196 = tpu.memref_slice %arg7[%dma_wait3A_1190, %dma_wait3A_1195] : memref<8x80xi32, #tpu.memory_space<vmem>> -> memref<1x80xi32, #tpu.memory_space<vmem>>
    %dma_wait3A_1197 = tpu.memref_squeeze %dma_wait3A_1196 : memref<1x80xi32, #tpu.memory_space<vmem>> -> memref<80xi32, #tpu.memory_space<vmem>>
    %dma_wait3A_1198 = arith.constant 0 : i32
    %dma_wait3A_1199 = arith.constant 0 : i32
    %dma_wait3A_1200 = tpu.memref_slice %arg10[%dma_wait3A_1198, %dma_wait3A_1199] : memref<520x128xf32, #tpu.memory_space<vmem_shared>> -> memref<520x128xf32, #tpu.memory_space<vmem_shared>>
    tpu.wait_indirect_dma semaphore(%arg26 : memref<!tpu.dma_semaphore, #tpu.memory_space<semaphore_mem>>) src(%dma_wait3A_1194 : memref<80x128xf32, #tpu.memory_space<vmem>>) dst(%dma_wait3A_1200 : memref<520x128xf32, #tpu.memory_space<vmem_shared>>)
    %dma_wait3A_1201 = arith.constant 6 : i32
    %dma_wait3A_1202 = arith.constant 0 : i32
    %dma_wait3A_1203 = tpu.memref_slice %arg7[%dma_wait3A_1201, %dma_wait3A_1202] : memref<8x80xi32, #tpu.memory_space<vmem>> -> memref<1x80xi32, #tpu.memory_space<vmem>>
    %dma_wait3A_1204 = tpu.memref_squeeze %dma_wait3A_1203 : memref<1x80xi32, #tpu.memory_space<vmem>> -> memref<80xi32, #tpu.memory_space<vmem>>
    %dma_wait3A_1205 = arith.constant 0 : i32
    %dma_wait3A_1206 = arith.constant 0 : i32
    %dma_wait3A_1207 = tpu.memref_slice %arg11[%dma_wait3A_1205, %dma_wait3A_1206] : memref<520x128xf32, #tpu.memory_space<vmem_shared>> -> memref<520x128xf32, #tpu.memory_space<vmem_shared>>
    tpu.wait_indirect_dma semaphore(%arg26 : memref<!tpu.dma_semaphore, #tpu.memory_space<semaphore_mem>>) src(%arg8 : memref<80x128xf32, #tpu.memory_space<vmem>>) dst(%dma_wait3A_1207 : memref<520x128xf32, #tpu.memory_space<vmem_shared>>)
    %add3A_1208 = arith.constant 448 : i32
    %add3A_1209 = arith.addi %add3A, %add3A_1208 : i32
    %lt3A_1210 = arith.constant 625 : i32
    %lt3A_1211 = arith.cmpi slt, %add3A_1209, %lt3A_1210 : i32
    %jit3A_1212 = arith.constant 0 : i32
    %select_n3A_1213 = arith.select %lt3A_1211, %add3A_1209, %jit3A_1212 : i32
    %mul3A_1214 = arith.constant 80 : i32
    %mul3A_1215 = arith.muli %select_n3A_1213, %mul3A_1214 : i32
    %mul3A_1216 = arith.constant 80 : i32
    %mul3A_1217 = arith.muli %add3A_1209, %mul3A_1216 : i32
    %jit3A_1218 = arith.constant 50000 : i32
    %select_n3A_1219 = arith.select %lt3A_1211, %mul3A_1217, %jit3A_1218 : i32
    %dma_start3A_1220 = arith.constant 6 : i32
    %dma_start3A_1221 = arith.constant 0 : i32
    %dma_start3A_1222 = arith.constant 0 : i32
    %dma_start3A_1223 = tpu.memref_slice %arg6[%dma_start3A_1220, %dma_start3A_1221, %dma_start3A_1222] : memref<8x80x128xf32, #tpu.memory_space<vmem>> -> memref<1x80x128xf32, #tpu.memory_space<vmem>>
    %dma_start3A_1224 = tpu.memref_squeeze %dma_start3A_1223 : memref<1x80x128xf32, #tpu.memory_space<vmem>> -> memref<80x128xf32, #tpu.memory_space<vmem>>
    %dma_start3A_1225 = arith.constant 0 : i32
    %dma_start3A_1226 = tpu.memref_slice %arg2[%mul3A_1215, %dma_start3A_1225] : memref<50000x128xf32, #tpu.memory_space<hbm>> -> memref<80x128xf32, #tpu.memory_space<hbm>>
    %dma_start3A_1227 = arith.constant 0 : i32
    %dma_start3A_1228 = arith.constant 0 : i32
    %dma_start3A_1229 = tpu.memref_slice %arg6[%dma_start3A_1220, %dma_start3A_1227, %dma_start3A_1228] : memref<8x80x128xf32, #tpu.memory_space<vmem>> -> memref<1x80x128xf32, #tpu.memory_space<vmem>>
    %dma_start3A_1230 = tpu.memref_squeeze %dma_start3A_1229 : memref<1x80x128xf32, #tpu.memory_space<vmem>> -> memref<80x128xf32, #tpu.memory_space<vmem>>
    %dma_start3A_1231 = arith.constant 0 : i32
    %dma_start3A_1232 = tpu.memref_slice %arg2[%mul3A_1215, %dma_start3A_1231] : memref<50000x128xf32, #tpu.memory_space<hbm>> -> memref<80x128xf32, #tpu.memory_space<hbm>>
    tpu.enqueue_dma source(%dma_start3A_1232 : memref<80x128xf32, #tpu.memory_space<hbm>>) target(%dma_start3A_1230 : memref<80x128xf32, #tpu.memory_space<vmem>>) target_semaphore(%arg18 : memref<!tpu.dma_semaphore, #tpu.memory_space<semaphore_mem>>)
    %dma_start3A_1233 = arith.constant 6 : i32
    %dma_start3A_1234 = arith.constant 0 : i32
    %dma_start3A_1235 = tpu.memref_slice %arg7[%dma_start3A_1233, %dma_start3A_1234] : memref<8x80xi32, #tpu.memory_space<vmem>> -> memref<1x80xi32, #tpu.memory_space<vmem>>
    %dma_start3A_1236 = tpu.memref_squeeze %dma_start3A_1235 : memref<1x80xi32, #tpu.memory_space<vmem>> -> memref<80xi32, #tpu.memory_space<vmem>>
    %dma_start3A_1237 = tpu.memref_slice %arg3[%select_n3A_1219] : memref<50080xi32, #tpu.memory_space<hbm>> -> memref<80xi32, #tpu.memory_space<hbm>>
    %dma_start3A_1238 = arith.constant 0 : i32
    %dma_start3A_1239 = tpu.memref_slice %arg7[%dma_start3A_1233, %dma_start3A_1238] : memref<8x80xi32, #tpu.memory_space<vmem>> -> memref<1x80xi32, #tpu.memory_space<vmem>>
    %dma_start3A_1240 = tpu.memref_squeeze %dma_start3A_1239 : memref<1x80xi32, #tpu.memory_space<vmem>> -> memref<80xi32, #tpu.memory_space<vmem>>
    %dma_start3A_1241 = tpu.memref_slice %arg3[%select_n3A_1219] : memref<50080xi32, #tpu.memory_space<hbm>> -> memref<80xi32, #tpu.memory_space<hbm>>
    tpu.enqueue_dma source(%dma_start3A_1241 : memref<80xi32, #tpu.memory_space<hbm>>) target(%dma_start3A_1240 : memref<80xi32, #tpu.memory_space<vmem>>) target_semaphore(%arg18 : memref<!tpu.dma_semaphore, #tpu.memory_space<semaphore_mem>>)
    %add3A_1242 = arith.constant 352 : i32
    %add3A_1243 = arith.addi %add3A, %add3A_1242 : i32
    %lt3A_1244 = arith.constant 625 : i32
    %lt3A_1245 = arith.cmpi slt, %add3A_1243, %lt3A_1244 : i32
    %jit3A_1246 = arith.constant 0 : i32
    %select_n3A_1247 = arith.select %lt3A_1245, %add3A_1243, %jit3A_1246 : i32
    %mul3A_1248 = arith.constant 80 : i32
    %mul3A_1249 = arith.muli %select_n3A_1247, %mul3A_1248 : i32
    %mul3A_1250 = arith.constant 80 : i32
    %mul3A_1251 = arith.muli %add3A_1243, %mul3A_1250 : i32
    %jit3A_1252 = arith.constant 50000 : i32
    %select_n3A_1253 = arith.select %lt3A_1245, %mul3A_1251, %jit3A_1252 : i32
    %dma_wait3A_1254 = arith.constant 3 : i32
    %dma_wait3A_1255 = arith.constant 0 : i32
    %dma_wait3A_1256 = arith.constant 0 : i32
    %dma_wait3A_1257 = tpu.memref_slice %arg6[%dma_wait3A_1254, %dma_wait3A_1255, %dma_wait3A_1256] : memref<8x80x128xf32, #tpu.memory_space<vmem>> -> memref<1x80x128xf32, #tpu.memory_space<vmem>>
    %dma_wait3A_1258 = tpu.memref_squeeze %dma_wait3A_1257 : memref<1x80x128xf32, #tpu.memory_space<vmem>> -> memref<80x128xf32, #tpu.memory_space<vmem>>
    %dma_wait3A_1259 = arith.constant 0 : i32
    %dma_wait3A_1260 = tpu.memref_slice %arg2[%mul3A_1249, %dma_wait3A_1259] : memref<50000x128xf32, #tpu.memory_space<hbm>> -> memref<80x128xf32, #tpu.memory_space<hbm>>
    %dma_wait3A_1261 = arith.constant 0 : i32
    %dma_wait3A_1262 = arith.constant 0 : i32
    %dma_wait3A_1263 = tpu.memref_slice %arg6[%dma_wait3A_1254, %dma_wait3A_1261, %dma_wait3A_1262] : memref<8x80x128xf32, #tpu.memory_space<vmem>> -> memref<1x80x128xf32, #tpu.memory_space<vmem>>
    %dma_wait3A_1264 = tpu.memref_squeeze %dma_wait3A_1263 : memref<1x80x128xf32, #tpu.memory_space<vmem>> -> memref<80x128xf32, #tpu.memory_space<vmem>>
    %dma_wait3A_1265 = arith.constant 0 : i32
    %dma_wait3A_1266 = tpu.memref_slice %arg2[%mul3A_1249, %dma_wait3A_1265] : memref<50000x128xf32, #tpu.memory_space<hbm>> -> memref<80x128xf32, #tpu.memory_space<hbm>>
    tpu.wait_dma2 semaphore(%arg15 : memref<!tpu.dma_semaphore, #tpu.memory_space<semaphore_mem>>) src(%dma_wait3A_1266 : memref<80x128xf32, #tpu.memory_space<hbm>>) dst(%dma_wait3A_1264 : memref<80x128xf32, #tpu.memory_space<vmem>>)
    %dma_wait3A_1267 = arith.constant 3 : i32
    %dma_wait3A_1268 = arith.constant 0 : i32
    %dma_wait3A_1269 = tpu.memref_slice %arg7[%dma_wait3A_1267, %dma_wait3A_1268] : memref<8x80xi32, #tpu.memory_space<vmem>> -> memref<1x80xi32, #tpu.memory_space<vmem>>
    %dma_wait3A_1270 = tpu.memref_squeeze %dma_wait3A_1269 : memref<1x80xi32, #tpu.memory_space<vmem>> -> memref<80xi32, #tpu.memory_space<vmem>>
    %dma_wait3A_1271 = tpu.memref_slice %arg3[%select_n3A_1253] : memref<50080xi32, #tpu.memory_space<hbm>> -> memref<80xi32, #tpu.memory_space<hbm>>
    %dma_wait3A_1272 = arith.constant 0 : i32
    %dma_wait3A_1273 = tpu.memref_slice %arg7[%dma_wait3A_1267, %dma_wait3A_1272] : memref<8x80xi32, #tpu.memory_space<vmem>> -> memref<1x80xi32, #tpu.memory_space<vmem>>
    %dma_wait3A_1274 = tpu.memref_squeeze %dma_wait3A_1273 : memref<1x80xi32, #tpu.memory_space<vmem>> -> memref<80xi32, #tpu.memory_space<vmem>>
    %dma_wait3A_1275 = tpu.memref_slice %arg3[%select_n3A_1253] : memref<50080xi32, #tpu.memory_space<hbm>> -> memref<80xi32, #tpu.memory_space<hbm>>
    tpu.wait_dma2 semaphore(%arg15 : memref<!tpu.dma_semaphore, #tpu.memory_space<semaphore_mem>>) src(%dma_wait3A_1275 : memref<80xi32, #tpu.memory_space<hbm>>) dst(%dma_wait3A_1274 : memref<80xi32, #tpu.memory_space<vmem>>)
    %dma_start3A_1276 = arith.constant 3 : i32
    %dma_start3A_1277 = arith.constant 3 : i32
    %dma_start3A_1278 = arith.constant 0 : i32
    %dma_start3A_1279 = arith.constant 0 : i32
    %dma_start3A_1280 = tpu.memref_slice %arg6[%dma_start3A_1276, %dma_start3A_1278, %dma_start3A_1279] : memref<8x80x128xf32, #tpu.memory_space<vmem>> -> memref<1x80x128xf32, #tpu.memory_space<vmem>>
    %dma_start3A_1281 = tpu.memref_squeeze %dma_start3A_1280 : memref<1x80x128xf32, #tpu.memory_space<vmem>> -> memref<80x128xf32, #tpu.memory_space<vmem>>
    %dma_start3A_1282 = arith.constant 0 : i32
    %dma_start3A_1283 = tpu.memref_slice %arg7[%dma_start3A_1277, %dma_start3A_1282] : memref<8x80xi32, #tpu.memory_space<vmem>> -> memref<1x80xi32, #tpu.memory_space<vmem>>
    %dma_start3A_1284 = tpu.memref_squeeze %dma_start3A_1283 : memref<1x80xi32, #tpu.memory_space<vmem>> -> memref<80xi32, #tpu.memory_space<vmem>>
    %dma_start3A_1285 = arith.constant 0 : i32
    %dma_start3A_1286 = arith.constant 0 : i32
    %dma_start3A_1287 = tpu.memref_slice %arg10[%dma_start3A_1285, %dma_start3A_1286] : memref<520x128xf32, #tpu.memory_space<vmem_shared>> -> memref<520x128xf32, #tpu.memory_space<vmem_shared>>
    tpu.enqueue_indirect_dma source(%dma_start3A_1281 : memref<80x128xf32, #tpu.memory_space<vmem>>) target(%dma_start3A_1287 : memref<520x128xf32, #tpu.memory_space<vmem_shared>>) offsets(%dma_start3A_1284 : memref<80xi32, #tpu.memory_space<vmem>>) semaphore(%arg23 : memref<!tpu.dma_semaphore, #tpu.memory_space<semaphore_mem>>) {add = true}
    %dma_start3A_1288 = arith.constant 3 : i32
    %dma_start3A_1289 = arith.constant 0 : i32
    %dma_start3A_1290 = tpu.memref_slice %arg7[%dma_start3A_1288, %dma_start3A_1289] : memref<8x80xi32, #tpu.memory_space<vmem>> -> memref<1x80xi32, #tpu.memory_space<vmem>>
    %dma_start3A_1291 = tpu.memref_squeeze %dma_start3A_1290 : memref<1x80xi32, #tpu.memory_space<vmem>> -> memref<80xi32, #tpu.memory_space<vmem>>
    %dma_start3A_1292 = arith.constant 0 : i32
    %dma_start3A_1293 = arith.constant 0 : i32
    %dma_start3A_1294 = tpu.memref_slice %arg11[%dma_start3A_1292, %dma_start3A_1293] : memref<520x128xf32, #tpu.memory_space<vmem_shared>> -> memref<520x128xf32, #tpu.memory_space<vmem_shared>>
    tpu.enqueue_indirect_dma source(%arg8 : memref<80x128xf32, #tpu.memory_space<vmem>>) target(%dma_start3A_1294 : memref<520x128xf32, #tpu.memory_space<vmem_shared>>) offsets(%dma_start3A_1291 : memref<80xi32, #tpu.memory_space<vmem>>) semaphore(%arg23 : memref<!tpu.dma_semaphore, #tpu.memory_space<semaphore_mem>>) {add = true}
    %dma_wait3A_1295 = arith.constant 7 : i32
    %dma_wait3A_1296 = arith.constant 7 : i32
    %dma_wait3A_1297 = arith.constant 0 : i32
    %dma_wait3A_1298 = arith.constant 0 : i32
    %dma_wait3A_1299 = tpu.memref_slice %arg6[%dma_wait3A_1295, %dma_wait3A_1297, %dma_wait3A_1298] : memref<8x80x128xf32, #tpu.memory_space<vmem>> -> memref<1x80x128xf32, #tpu.memory_space<vmem>>
    %dma_wait3A_1300 = tpu.memref_squeeze %dma_wait3A_1299 : memref<1x80x128xf32, #tpu.memory_space<vmem>> -> memref<80x128xf32, #tpu.memory_space<vmem>>
    %dma_wait3A_1301 = arith.constant 0 : i32
    %dma_wait3A_1302 = tpu.memref_slice %arg7[%dma_wait3A_1296, %dma_wait3A_1301] : memref<8x80xi32, #tpu.memory_space<vmem>> -> memref<1x80xi32, #tpu.memory_space<vmem>>
    %dma_wait3A_1303 = tpu.memref_squeeze %dma_wait3A_1302 : memref<1x80xi32, #tpu.memory_space<vmem>> -> memref<80xi32, #tpu.memory_space<vmem>>
    %dma_wait3A_1304 = arith.constant 0 : i32
    %dma_wait3A_1305 = arith.constant 0 : i32
    %dma_wait3A_1306 = tpu.memref_slice %arg10[%dma_wait3A_1304, %dma_wait3A_1305] : memref<520x128xf32, #tpu.memory_space<vmem_shared>> -> memref<520x128xf32, #tpu.memory_space<vmem_shared>>
    tpu.wait_indirect_dma semaphore(%arg27 : memref<!tpu.dma_semaphore, #tpu.memory_space<semaphore_mem>>) src(%dma_wait3A_1300 : memref<80x128xf32, #tpu.memory_space<vmem>>) dst(%dma_wait3A_1306 : memref<520x128xf32, #tpu.memory_space<vmem_shared>>)
    %dma_wait3A_1307 = arith.constant 7 : i32
    %dma_wait3A_1308 = arith.constant 0 : i32
    %dma_wait3A_1309 = tpu.memref_slice %arg7[%dma_wait3A_1307, %dma_wait3A_1308] : memref<8x80xi32, #tpu.memory_space<vmem>> -> memref<1x80xi32, #tpu.memory_space<vmem>>
    %dma_wait3A_1310 = tpu.memref_squeeze %dma_wait3A_1309 : memref<1x80xi32, #tpu.memory_space<vmem>> -> memref<80xi32, #tpu.memory_space<vmem>>
    %dma_wait3A_1311 = arith.constant 0 : i32
    %dma_wait3A_1312 = arith.constant 0 : i32
    %dma_wait3A_1313 = tpu.memref_slice %arg11[%dma_wait3A_1311, %dma_wait3A_1312] : memref<520x128xf32, #tpu.memory_space<vmem_shared>> -> memref<520x128xf32, #tpu.memory_space<vmem_shared>>
    tpu.wait_indirect_dma semaphore(%arg27 : memref<!tpu.dma_semaphore, #tpu.memory_space<semaphore_mem>>) src(%arg8 : memref<80x128xf32, #tpu.memory_space<vmem>>) dst(%dma_wait3A_1313 : memref<520x128xf32, #tpu.memory_space<vmem_shared>>)
    %add3A_1314 = arith.constant 480 : i32
    %add3A_1315 = arith.addi %add3A, %add3A_1314 : i32
    %lt3A_1316 = arith.constant 625 : i32
    %lt3A_1317 = arith.cmpi slt, %add3A_1315, %lt3A_1316 : i32
    %jit3A_1318 = arith.constant 0 : i32
    %select_n3A_1319 = arith.select %lt3A_1317, %add3A_1315, %jit3A_1318 : i32
    %mul3A_1320 = arith.constant 80 : i32
    %mul3A_1321 = arith.muli %select_n3A_1319, %mul3A_1320 : i32
    %mul3A_1322 = arith.constant 80 : i32
    %mul3A_1323 = arith.muli %add3A_1315, %mul3A_1322 : i32
    %jit3A_1324 = arith.constant 50000 : i32
    %select_n3A_1325 = arith.select %lt3A_1317, %mul3A_1323, %jit3A_1324 : i32
    %dma_start3A_1326 = arith.constant 7 : i32
    %dma_start3A_1327 = arith.constant 0 : i32
    %dma_start3A_1328 = arith.constant 0 : i32
    %dma_start3A_1329 = tpu.memref_slice %arg6[%dma_start3A_1326, %dma_start3A_1327, %dma_start3A_1328] : memref<8x80x128xf32, #tpu.memory_space<vmem>> -> memref<1x80x128xf32, #tpu.memory_space<vmem>>
    %dma_start3A_1330 = tpu.memref_squeeze %dma_start3A_1329 : memref<1x80x128xf32, #tpu.memory_space<vmem>> -> memref<80x128xf32, #tpu.memory_space<vmem>>
    %dma_start3A_1331 = arith.constant 0 : i32
    %dma_start3A_1332 = tpu.memref_slice %arg2[%mul3A_1321, %dma_start3A_1331] : memref<50000x128xf32, #tpu.memory_space<hbm>> -> memref<80x128xf32, #tpu.memory_space<hbm>>
    %dma_start3A_1333 = arith.constant 0 : i32
    %dma_start3A_1334 = arith.constant 0 : i32
    %dma_start3A_1335 = tpu.memref_slice %arg6[%dma_start3A_1326, %dma_start3A_1333, %dma_start3A_1334] : memref<8x80x128xf32, #tpu.memory_space<vmem>> -> memref<1x80x128xf32, #tpu.memory_space<vmem>>
    %dma_start3A_1336 = tpu.memref_squeeze %dma_start3A_1335 : memref<1x80x128xf32, #tpu.memory_space<vmem>> -> memref<80x128xf32, #tpu.memory_space<vmem>>
    %dma_start3A_1337 = arith.constant 0 : i32
    %dma_start3A_1338 = tpu.memref_slice %arg2[%mul3A_1321, %dma_start3A_1337] : memref<50000x128xf32, #tpu.memory_space<hbm>> -> memref<80x128xf32, #tpu.memory_space<hbm>>
    tpu.enqueue_dma source(%dma_start3A_1338 : memref<80x128xf32, #tpu.memory_space<hbm>>) target(%dma_start3A_1336 : memref<80x128xf32, #tpu.memory_space<vmem>>) target_semaphore(%arg19 : memref<!tpu.dma_semaphore, #tpu.memory_space<semaphore_mem>>)
    %dma_start3A_1339 = arith.constant 7 : i32
    %dma_start3A_1340 = arith.constant 0 : i32
    %dma_start3A_1341 = tpu.memref_slice %arg7[%dma_start3A_1339, %dma_start3A_1340] : memref<8x80xi32, #tpu.memory_space<vmem>> -> memref<1x80xi32, #tpu.memory_space<vmem>>
    %dma_start3A_1342 = tpu.memref_squeeze %dma_start3A_1341 : memref<1x80xi32, #tpu.memory_space<vmem>> -> memref<80xi32, #tpu.memory_space<vmem>>
    %dma_start3A_1343 = tpu.memref_slice %arg3[%select_n3A_1325] : memref<50080xi32, #tpu.memory_space<hbm>> -> memref<80xi32, #tpu.memory_space<hbm>>
    %dma_start3A_1344 = arith.constant 0 : i32
    %dma_start3A_1345 = tpu.memref_slice %arg7[%dma_start3A_1339, %dma_start3A_1344] : memref<8x80xi32, #tpu.memory_space<vmem>> -> memref<1x80xi32, #tpu.memory_space<vmem>>
    %dma_start3A_1346 = tpu.memref_squeeze %dma_start3A_1345 : memref<1x80xi32, #tpu.memory_space<vmem>> -> memref<80xi32, #tpu.memory_space<vmem>>
    %dma_start3A_1347 = tpu.memref_slice %arg3[%select_n3A_1325] : memref<50080xi32, #tpu.memory_space<hbm>> -> memref<80xi32, #tpu.memory_space<hbm>>
    tpu.enqueue_dma source(%dma_start3A_1347 : memref<80xi32, #tpu.memory_space<hbm>>) target(%dma_start3A_1346 : memref<80xi32, #tpu.memory_space<vmem>>) target_semaphore(%arg19 : memref<!tpu.dma_semaphore, #tpu.memory_space<semaphore_mem>>)
    %add3A_1348 = arith.constant 384 : i32
    %add3A_1349 = arith.addi %add3A, %add3A_1348 : i32
    %lt3A_1350 = arith.constant 625 : i32
    %lt3A_1351 = arith.cmpi slt, %add3A_1349, %lt3A_1350 : i32
    %jit3A_1352 = arith.constant 0 : i32
    %select_n3A_1353 = arith.select %lt3A_1351, %add3A_1349, %jit3A_1352 : i32
    %mul3A_1354 = arith.constant 80 : i32
    %mul3A_1355 = arith.muli %select_n3A_1353, %mul3A_1354 : i32
    %mul3A_1356 = arith.constant 80 : i32
    %mul3A_1357 = arith.muli %add3A_1349, %mul3A_1356 : i32
    %jit3A_1358 = arith.constant 50000 : i32
    %select_n3A_1359 = arith.select %lt3A_1351, %mul3A_1357, %jit3A_1358 : i32
    %dma_wait3A_1360 = arith.constant 4 : i32
    %dma_wait3A_1361 = arith.constant 0 : i32
    %dma_wait3A_1362 = arith.constant 0 : i32
    %dma_wait3A_1363 = tpu.memref_slice %arg6[%dma_wait3A_1360, %dma_wait3A_1361, %dma_wait3A_1362] : memref<8x80x128xf32, #tpu.memory_space<vmem>> -> memref<1x80x128xf32, #tpu.memory_space<vmem>>
    %dma_wait3A_1364 = tpu.memref_squeeze %dma_wait3A_1363 : memref<1x80x128xf32, #tpu.memory_space<vmem>> -> memref<80x128xf32, #tpu.memory_space<vmem>>
    %dma_wait3A_1365 = arith.constant 0 : i32
    %dma_wait3A_1366 = tpu.memref_slice %arg2[%mul3A_1355, %dma_wait3A_1365] : memref<50000x128xf32, #tpu.memory_space<hbm>> -> memref<80x128xf32, #tpu.memory_space<hbm>>
    %dma_wait3A_1367 = arith.constant 0 : i32
    %dma_wait3A_1368 = arith.constant 0 : i32
    %dma_wait3A_1369 = tpu.memref_slice %arg6[%dma_wait3A_1360, %dma_wait3A_1367, %dma_wait3A_1368] : memref<8x80x128xf32, #tpu.memory_space<vmem>> -> memref<1x80x128xf32, #tpu.memory_space<vmem>>
    %dma_wait3A_1370 = tpu.memref_squeeze %dma_wait3A_1369 : memref<1x80x128xf32, #tpu.memory_space<vmem>> -> memref<80x128xf32, #tpu.memory_space<vmem>>
    %dma_wait3A_1371 = arith.constant 0 : i32
    %dma_wait3A_1372 = tpu.memref_slice %arg2[%mul3A_1355, %dma_wait3A_1371] : memref<50000x128xf32, #tpu.memory_space<hbm>> -> memref<80x128xf32, #tpu.memory_space<hbm>>
    tpu.wait_dma2 semaphore(%arg16 : memref<!tpu.dma_semaphore, #tpu.memory_space<semaphore_mem>>) src(%dma_wait3A_1372 : memref<80x128xf32, #tpu.memory_space<hbm>>) dst(%dma_wait3A_1370 : memref<80x128xf32, #tpu.memory_space<vmem>>)
    %dma_wait3A_1373 = arith.constant 4 : i32
    %dma_wait3A_1374 = arith.constant 0 : i32
    %dma_wait3A_1375 = tpu.memref_slice %arg7[%dma_wait3A_1373, %dma_wait3A_1374] : memref<8x80xi32, #tpu.memory_space<vmem>> -> memref<1x80xi32, #tpu.memory_space<vmem>>
    %dma_wait3A_1376 = tpu.memref_squeeze %dma_wait3A_1375 : memref<1x80xi32, #tpu.memory_space<vmem>> -> memref<80xi32, #tpu.memory_space<vmem>>
    %dma_wait3A_1377 = tpu.memref_slice %arg3[%select_n3A_1359] : memref<50080xi32, #tpu.memory_space<hbm>> -> memref<80xi32, #tpu.memory_space<hbm>>
    %dma_wait3A_1378 = arith.constant 0 : i32
    %dma_wait3A_1379 = tpu.memref_slice %arg7[%dma_wait3A_1373, %dma_wait3A_1378] : memref<8x80xi32, #tpu.memory_space<vmem>> -> memref<1x80xi32, #tpu.memory_space<vmem>>
    %dma_wait3A_1380 = tpu.memref_squeeze %dma_wait3A_1379 : memref<1x80xi32, #tpu.memory_space<vmem>> -> memref<80xi32, #tpu.memory_space<vmem>>
    %dma_wait3A_1381 = tpu.memref_slice %arg3[%select_n3A_1359] : memref<50080xi32, #tpu.memory_space<hbm>> -> memref<80xi32, #tpu.memory_space<hbm>>
    tpu.wait_dma2 semaphore(%arg16 : memref<!tpu.dma_semaphore, #tpu.memory_space<semaphore_mem>>) src(%dma_wait3A_1381 : memref<80xi32, #tpu.memory_space<hbm>>) dst(%dma_wait3A_1380 : memref<80xi32, #tpu.memory_space<vmem>>)
    %dma_start3A_1382 = arith.constant 4 : i32
    %dma_start3A_1383 = arith.constant 4 : i32
    %dma_start3A_1384 = arith.constant 0 : i32
    %dma_start3A_1385 = arith.constant 0 : i32
    %dma_start3A_1386 = tpu.memref_slice %arg6[%dma_start3A_1382, %dma_start3A_1384, %dma_start3A_1385] : memref<8x80x128xf32, #tpu.memory_space<vmem>> -> memref<1x80x128xf32, #tpu.memory_space<vmem>>
    %dma_start3A_1387 = tpu.memref_squeeze %dma_start3A_1386 : memref<1x80x128xf32, #tpu.memory_space<vmem>> -> memref<80x128xf32, #tpu.memory_space<vmem>>
    %dma_start3A_1388 = arith.constant 0 : i32
    %dma_start3A_1389 = tpu.memref_slice %arg7[%dma_start3A_1383, %dma_start3A_1388] : memref<8x80xi32, #tpu.memory_space<vmem>> -> memref<1x80xi32, #tpu.memory_space<vmem>>
    %dma_start3A_1390 = tpu.memref_squeeze %dma_start3A_1389 : memref<1x80xi32, #tpu.memory_space<vmem>> -> memref<80xi32, #tpu.memory_space<vmem>>
    %dma_start3A_1391 = arith.constant 0 : i32
    %dma_start3A_1392 = arith.constant 0 : i32
    %dma_start3A_1393 = tpu.memref_slice %arg10[%dma_start3A_1391, %dma_start3A_1392] : memref<520x128xf32, #tpu.memory_space<vmem_shared>> -> memref<520x128xf32, #tpu.memory_space<vmem_shared>>
    tpu.enqueue_indirect_dma source(%dma_start3A_1387 : memref<80x128xf32, #tpu.memory_space<vmem>>) target(%dma_start3A_1393 : memref<520x128xf32, #tpu.memory_space<vmem_shared>>) offsets(%dma_start3A_1390 : memref<80xi32, #tpu.memory_space<vmem>>) semaphore(%arg24 : memref<!tpu.dma_semaphore, #tpu.memory_space<semaphore_mem>>) {add = true}
    %dma_start3A_1394 = arith.constant 4 : i32
    %dma_start3A_1395 = arith.constant 0 : i32
    %dma_start3A_1396 = tpu.memref_slice %arg7[%dma_start3A_1394, %dma_start3A_1395] : memref<8x80xi32, #tpu.memory_space<vmem>> -> memref<1x80xi32, #tpu.memory_space<vmem>>
    %dma_start3A_1397 = tpu.memref_squeeze %dma_start3A_1396 : memref<1x80xi32, #tpu.memory_space<vmem>> -> memref<80xi32, #tpu.memory_space<vmem>>
    %dma_start3A_1398 = arith.constant 0 : i32
    %dma_start3A_1399 = arith.constant 0 : i32
    %dma_start3A_1400 = tpu.memref_slice %arg11[%dma_start3A_1398, %dma_start3A_1399] : memref<520x128xf32, #tpu.memory_space<vmem_shared>> -> memref<520x128xf32, #tpu.memory_space<vmem_shared>>
    tpu.enqueue_indirect_dma source(%arg8 : memref<80x128xf32, #tpu.memory_space<vmem>>) target(%dma_start3A_1400 : memref<520x128xf32, #tpu.memory_space<vmem_shared>>) offsets(%dma_start3A_1397 : memref<80xi32, #tpu.memory_space<vmem>>) semaphore(%arg24 : memref<!tpu.dma_semaphore, #tpu.memory_space<semaphore_mem>>) {add = true}
    %dma_wait3A_1401 = arith.constant 0 : i32
    %dma_wait3A_1402 = arith.constant 0 : i32
    %dma_wait3A_1403 = arith.constant 0 : i32
    %dma_wait3A_1404 = arith.constant 0 : i32
    %dma_wait3A_1405 = tpu.memref_slice %arg6[%dma_wait3A_1401, %dma_wait3A_1403, %dma_wait3A_1404] : memref<8x80x128xf32, #tpu.memory_space<vmem>> -> memref<1x80x128xf32, #tpu.memory_space<vmem>>
    %dma_wait3A_1406 = tpu.memref_squeeze %dma_wait3A_1405 : memref<1x80x128xf32, #tpu.memory_space<vmem>> -> memref<80x128xf32, #tpu.memory_space<vmem>>
    %dma_wait3A_1407 = arith.constant 0 : i32
    %dma_wait3A_1408 = tpu.memref_slice %arg7[%dma_wait3A_1402, %dma_wait3A_1407] : memref<8x80xi32, #tpu.memory_space<vmem>> -> memref<1x80xi32, #tpu.memory_space<vmem>>
    %dma_wait3A_1409 = tpu.memref_squeeze %dma_wait3A_1408 : memref<1x80xi32, #tpu.memory_space<vmem>> -> memref<80xi32, #tpu.memory_space<vmem>>
    %dma_wait3A_1410 = arith.constant 0 : i32
    %dma_wait3A_1411 = arith.constant 0 : i32
    %dma_wait3A_1412 = tpu.memref_slice %arg10[%dma_wait3A_1410, %dma_wait3A_1411] : memref<520x128xf32, #tpu.memory_space<vmem_shared>> -> memref<520x128xf32, #tpu.memory_space<vmem_shared>>
    tpu.wait_indirect_dma semaphore(%arg20 : memref<!tpu.dma_semaphore, #tpu.memory_space<semaphore_mem>>) src(%dma_wait3A_1406 : memref<80x128xf32, #tpu.memory_space<vmem>>) dst(%dma_wait3A_1412 : memref<520x128xf32, #tpu.memory_space<vmem_shared>>)
    %dma_wait3A_1413 = arith.constant 0 : i32
    %dma_wait3A_1414 = arith.constant 0 : i32
    %dma_wait3A_1415 = tpu.memref_slice %arg7[%dma_wait3A_1413, %dma_wait3A_1414] : memref<8x80xi32, #tpu.memory_space<vmem>> -> memref<1x80xi32, #tpu.memory_space<vmem>>
    %dma_wait3A_1416 = tpu.memref_squeeze %dma_wait3A_1415 : memref<1x80xi32, #tpu.memory_space<vmem>> -> memref<80xi32, #tpu.memory_space<vmem>>
    %dma_wait3A_1417 = arith.constant 0 : i32
    %dma_wait3A_1418 = arith.constant 0 : i32
    %dma_wait3A_1419 = tpu.memref_slice %arg11[%dma_wait3A_1417, %dma_wait3A_1418] : memref<520x128xf32, #tpu.memory_space<vmem_shared>> -> memref<520x128xf32, #tpu.memory_space<vmem_shared>>
    tpu.wait_indirect_dma semaphore(%arg20 : memref<!tpu.dma_semaphore, #tpu.memory_space<semaphore_mem>>) src(%arg8 : memref<80x128xf32, #tpu.memory_space<vmem>>) dst(%dma_wait3A_1419 : memref<520x128xf32, #tpu.memory_space<vmem_shared>>)
    %add3A_1420 = arith.constant 512 : i32
    %add3A_1421 = arith.addi %add3A, %add3A_1420 : i32
    %lt3A_1422 = arith.constant 625 : i32
    %lt3A_1423 = arith.cmpi slt, %add3A_1421, %lt3A_1422 : i32
    %jit3A_1424 = arith.constant 0 : i32
    %select_n3A_1425 = arith.select %lt3A_1423, %add3A_1421, %jit3A_1424 : i32
    %mul3A_1426 = arith.constant 80 : i32
    %mul3A_1427 = arith.muli %select_n3A_1425, %mul3A_1426 : i32
    %mul3A_1428 = arith.constant 80 : i32
    %mul3A_1429 = arith.muli %add3A_1421, %mul3A_1428 : i32
    %jit3A_1430 = arith.constant 50000 : i32
    %select_n3A_1431 = arith.select %lt3A_1423, %mul3A_1429, %jit3A_1430 : i32
    %dma_start3A_1432 = arith.constant 0 : i32
    %dma_start3A_1433 = arith.constant 0 : i32
    %dma_start3A_1434 = arith.constant 0 : i32
    %dma_start3A_1435 = tpu.memref_slice %arg6[%dma_start3A_1432, %dma_start3A_1433, %dma_start3A_1434] : memref<8x80x128xf32, #tpu.memory_space<vmem>> -> memref<1x80x128xf32, #tpu.memory_space<vmem>>
    %dma_start3A_1436 = tpu.memref_squeeze %dma_start3A_1435 : memref<1x80x128xf32, #tpu.memory_space<vmem>> -> memref<80x128xf32, #tpu.memory_space<vmem>>
    %dma_start3A_1437 = arith.constant 0 : i32
    %dma_start3A_1438 = tpu.memref_slice %arg2[%mul3A_1427, %dma_start3A_1437] : memref<50000x128xf32, #tpu.memory_space<hbm>> -> memref<80x128xf32, #tpu.memory_space<hbm>>
    %dma_start3A_1439 = arith.constant 0 : i32
    %dma_start3A_1440 = arith.constant 0 : i32
    %dma_start3A_1441 = tpu.memref_slice %arg6[%dma_start3A_1432, %dma_start3A_1439, %dma_start3A_1440] : memref<8x80x128xf32, #tpu.memory_space<vmem>> -> memref<1x80x128xf32, #tpu.memory_space<vmem>>
    %dma_start3A_1442 = tpu.memref_squeeze %dma_start3A_1441 : memref<1x80x128xf32, #tpu.memory_space<vmem>> -> memref<80x128xf32, #tpu.memory_space<vmem>>
    %dma_start3A_1443 = arith.constant 0 : i32
    %dma_start3A_1444 = tpu.memref_slice %arg2[%mul3A_1427, %dma_start3A_1443] : memref<50000x128xf32, #tpu.memory_space<hbm>> -> memref<80x128xf32, #tpu.memory_space<hbm>>
    tpu.enqueue_dma source(%dma_start3A_1444 : memref<80x128xf32, #tpu.memory_space<hbm>>) target(%dma_start3A_1442 : memref<80x128xf32, #tpu.memory_space<vmem>>) target_semaphore(%arg12 : memref<!tpu.dma_semaphore, #tpu.memory_space<semaphore_mem>>)
    %dma_start3A_1445 = arith.constant 0 : i32
    %dma_start3A_1446 = arith.constant 0 : i32
    %dma_start3A_1447 = tpu.memref_slice %arg7[%dma_start3A_1445, %dma_start3A_1446] : memref<8x80xi32, #tpu.memory_space<vmem>> -> memref<1x80xi32, #tpu.memory_space<vmem>>
    %dma_start3A_1448 = tpu.memref_squeeze %dma_start3A_1447 : memref<1x80xi32, #tpu.memory_space<vmem>> -> memref<80xi32, #tpu.memory_space<vmem>>
    %dma_start3A_1449 = tpu.memref_slice %arg3[%select_n3A_1431] : memref<50080xi32, #tpu.memory_space<hbm>> -> memref<80xi32, #tpu.memory_space<hbm>>
    %dma_start3A_1450 = arith.constant 0 : i32
    %dma_start3A_1451 = tpu.memref_slice %arg7[%dma_start3A_1445, %dma_start3A_1450] : memref<8x80xi32, #tpu.memory_space<vmem>> -> memref<1x80xi32, #tpu.memory_space<vmem>>
    %dma_start3A_1452 = tpu.memref_squeeze %dma_start3A_1451 : memref<1x80xi32, #tpu.memory_space<vmem>> -> memref<80xi32, #tpu.memory_space<vmem>>
    %dma_start3A_1453 = tpu.memref_slice %arg3[%select_n3A_1431] : memref<50080xi32, #tpu.memory_space<hbm>> -> memref<80xi32, #tpu.memory_space<hbm>>
    tpu.enqueue_dma source(%dma_start3A_1453 : memref<80xi32, #tpu.memory_space<hbm>>) target(%dma_start3A_1452 : memref<80xi32, #tpu.memory_space<vmem>>) target_semaphore(%arg12 : memref<!tpu.dma_semaphore, #tpu.memory_space<semaphore_mem>>)
    %add3A_1454 = arith.constant 416 : i32
    %add3A_1455 = arith.addi %add3A, %add3A_1454 : i32
    %lt3A_1456 = arith.constant 625 : i32
    %lt3A_1457 = arith.cmpi slt, %add3A_1455, %lt3A_1456 : i32
    %jit3A_1458 = arith.constant 0 : i32
    %select_n3A_1459 = arith.select %lt3A_1457, %add3A_1455, %jit3A_1458 : i32
    %mul3A_1460 = arith.constant 80 : i32
    %mul3A_1461 = arith.muli %select_n3A_1459, %mul3A_1460 : i32
    %mul3A_1462 = arith.constant 80 : i32
    %mul3A_1463 = arith.muli %add3A_1455, %mul3A_1462 : i32
    %jit3A_1464 = arith.constant 50000 : i32
    %select_n3A_1465 = arith.select %lt3A_1457, %mul3A_1463, %jit3A_1464 : i32
    %dma_wait3A_1466 = arith.constant 5 : i32
    %dma_wait3A_1467 = arith.constant 0 : i32
    %dma_wait3A_1468 = arith.constant 0 : i32
    %dma_wait3A_1469 = tpu.memref_slice %arg6[%dma_wait3A_1466, %dma_wait3A_1467, %dma_wait3A_1468] : memref<8x80x128xf32, #tpu.memory_space<vmem>> -> memref<1x80x128xf32, #tpu.memory_space<vmem>>
    %dma_wait3A_1470 = tpu.memref_squeeze %dma_wait3A_1469 : memref<1x80x128xf32, #tpu.memory_space<vmem>> -> memref<80x128xf32, #tpu.memory_space<vmem>>
    %dma_wait3A_1471 = arith.constant 0 : i32
    %dma_wait3A_1472 = tpu.memref_slice %arg2[%mul3A_1461, %dma_wait3A_1471] : memref<50000x128xf32, #tpu.memory_space<hbm>> -> memref<80x128xf32, #tpu.memory_space<hbm>>
    %dma_wait3A_1473 = arith.constant 0 : i32
    %dma_wait3A_1474 = arith.constant 0 : i32
    %dma_wait3A_1475 = tpu.memref_slice %arg6[%dma_wait3A_1466, %dma_wait3A_1473, %dma_wait3A_1474] : memref<8x80x128xf32, #tpu.memory_space<vmem>> -> memref<1x80x128xf32, #tpu.memory_space<vmem>>
    %dma_wait3A_1476 = tpu.memref_squeeze %dma_wait3A_1475 : memref<1x80x128xf32, #tpu.memory_space<vmem>> -> memref<80x128xf32, #tpu.memory_space<vmem>>
    %dma_wait3A_1477 = arith.constant 0 : i32
    %dma_wait3A_1478 = tpu.memref_slice %arg2[%mul3A_1461, %dma_wait3A_1477] : memref<50000x128xf32, #tpu.memory_space<hbm>> -> memref<80x128xf32, #tpu.memory_space<hbm>>
    tpu.wait_dma2 semaphore(%arg17 : memref<!tpu.dma_semaphore, #tpu.memory_space<semaphore_mem>>) src(%dma_wait3A_1478 : memref<80x128xf32, #tpu.memory_space<hbm>>) dst(%dma_wait3A_1476 : memref<80x128xf32, #tpu.memory_space<vmem>>)
    %dma_wait3A_1479 = arith.constant 5 : i32
    %dma_wait3A_1480 = arith.constant 0 : i32
    %dma_wait3A_1481 = tpu.memref_slice %arg7[%dma_wait3A_1479, %dma_wait3A_1480] : memref<8x80xi32, #tpu.memory_space<vmem>> -> memref<1x80xi32, #tpu.memory_space<vmem>>
    %dma_wait3A_1482 = tpu.memref_squeeze %dma_wait3A_1481 : memref<1x80xi32, #tpu.memory_space<vmem>> -> memref<80xi32, #tpu.memory_space<vmem>>
    %dma_wait3A_1483 = tpu.memref_slice %arg3[%select_n3A_1465] : memref<50080xi32, #tpu.memory_space<hbm>> -> memref<80xi32, #tpu.memory_space<hbm>>
    %dma_wait3A_1484 = arith.constant 0 : i32
    %dma_wait3A_1485 = tpu.memref_slice %arg7[%dma_wait3A_1479, %dma_wait3A_1484] : memref<8x80xi32, #tpu.memory_space<vmem>> -> memref<1x80xi32, #tpu.memory_space<vmem>>
    %dma_wait3A_1486 = tpu.memref_squeeze %dma_wait3A_1485 : memref<1x80xi32, #tpu.memory_space<vmem>> -> memref<80xi32, #tpu.memory_space<vmem>>
    %dma_wait3A_1487 = tpu.memref_slice %arg3[%select_n3A_1465] : memref<50080xi32, #tpu.memory_space<hbm>> -> memref<80xi32, #tpu.memory_space<hbm>>
    tpu.wait_dma2 semaphore(%arg17 : memref<!tpu.dma_semaphore, #tpu.memory_space<semaphore_mem>>) src(%dma_wait3A_1487 : memref<80xi32, #tpu.memory_space<hbm>>) dst(%dma_wait3A_1486 : memref<80xi32, #tpu.memory_space<vmem>>)
    %dma_start3A_1488 = arith.constant 5 : i32
    %dma_start3A_1489 = arith.constant 5 : i32
    %dma_start3A_1490 = arith.constant 0 : i32
    %dma_start3A_1491 = arith.constant 0 : i32
    %dma_start3A_1492 = tpu.memref_slice %arg6[%dma_start3A_1488, %dma_start3A_1490, %dma_start3A_1491] : memref<8x80x128xf32, #tpu.memory_space<vmem>> -> memref<1x80x128xf32, #tpu.memory_space<vmem>>
    %dma_start3A_1493 = tpu.memref_squeeze %dma_start3A_1492 : memref<1x80x128xf32, #tpu.memory_space<vmem>> -> memref<80x128xf32, #tpu.memory_space<vmem>>
    %dma_start3A_1494 = arith.constant 0 : i32
    %dma_start3A_1495 = tpu.memref_slice %arg7[%dma_start3A_1489, %dma_start3A_1494] : memref<8x80xi32, #tpu.memory_space<vmem>> -> memref<1x80xi32, #tpu.memory_space<vmem>>
    %dma_start3A_1496 = tpu.memref_squeeze %dma_start3A_1495 : memref<1x80xi32, #tpu.memory_space<vmem>> -> memref<80xi32, #tpu.memory_space<vmem>>
    %dma_start3A_1497 = arith.constant 0 : i32
    %dma_start3A_1498 = arith.constant 0 : i32
    %dma_start3A_1499 = tpu.memref_slice %arg10[%dma_start3A_1497, %dma_start3A_1498] : memref<520x128xf32, #tpu.memory_space<vmem_shared>> -> memref<520x128xf32, #tpu.memory_space<vmem_shared>>
    tpu.enqueue_indirect_dma source(%dma_start3A_1493 : memref<80x128xf32, #tpu.memory_space<vmem>>) target(%dma_start3A_1499 : memref<520x128xf32, #tpu.memory_space<vmem_shared>>) offsets(%dma_start3A_1496 : memref<80xi32, #tpu.memory_space<vmem>>) semaphore(%arg25 : memref<!tpu.dma_semaphore, #tpu.memory_space<semaphore_mem>>) {add = true}
    %dma_start3A_1500 = arith.constant 5 : i32
    %dma_start3A_1501 = arith.constant 0 : i32
    %dma_start3A_1502 = tpu.memref_slice %arg7[%dma_start3A_1500, %dma_start3A_1501] : memref<8x80xi32, #tpu.memory_space<vmem>> -> memref<1x80xi32, #tpu.memory_space<vmem>>
    %dma_start3A_1503 = tpu.memref_squeeze %dma_start3A_1502 : memref<1x80xi32, #tpu.memory_space<vmem>> -> memref<80xi32, #tpu.memory_space<vmem>>
    %dma_start3A_1504 = arith.constant 0 : i32
    %dma_start3A_1505 = arith.constant 0 : i32
    %dma_start3A_1506 = tpu.memref_slice %arg11[%dma_start3A_1504, %dma_start3A_1505] : memref<520x128xf32, #tpu.memory_space<vmem_shared>> -> memref<520x128xf32, #tpu.memory_space<vmem_shared>>
    tpu.enqueue_indirect_dma source(%arg8 : memref<80x128xf32, #tpu.memory_space<vmem>>) target(%dma_start3A_1506 : memref<520x128xf32, #tpu.memory_space<vmem_shared>>) offsets(%dma_start3A_1503 : memref<80xi32, #tpu.memory_space<vmem>>) semaphore(%arg25 : memref<!tpu.dma_semaphore, #tpu.memory_space<semaphore_mem>>) {add = true}
    %dma_wait3A_1507 = arith.constant 1 : i32
    %dma_wait3A_1508 = arith.constant 1 : i32
    %dma_wait3A_1509 = arith.constant 0 : i32
    %dma_wait3A_1510 = arith.constant 0 : i32
    %dma_wait3A_1511 = tpu.memref_slice %arg6[%dma_wait3A_1507, %dma_wait3A_1509, %dma_wait3A_1510] : memref<8x80x128xf32, #tpu.memory_space<vmem>> -> memref<1x80x128xf32, #tpu.memory_space<vmem>>
    %dma_wait3A_1512 = tpu.memref_squeeze %dma_wait3A_1511 : memref<1x80x128xf32, #tpu.memory_space<vmem>> -> memref<80x128xf32, #tpu.memory_space<vmem>>
    %dma_wait3A_1513 = arith.constant 0 : i32
    %dma_wait3A_1514 = tpu.memref_slice %arg7[%dma_wait3A_1508, %dma_wait3A_1513] : memref<8x80xi32, #tpu.memory_space<vmem>> -> memref<1x80xi32, #tpu.memory_space<vmem>>
    %dma_wait3A_1515 = tpu.memref_squeeze %dma_wait3A_1514 : memref<1x80xi32, #tpu.memory_space<vmem>> -> memref<80xi32, #tpu.memory_space<vmem>>
    %dma_wait3A_1516 = arith.constant 0 : i32
    %dma_wait3A_1517 = arith.constant 0 : i32
    %dma_wait3A_1518 = tpu.memref_slice %arg10[%dma_wait3A_1516, %dma_wait3A_1517] : memref<520x128xf32, #tpu.memory_space<vmem_shared>> -> memref<520x128xf32, #tpu.memory_space<vmem_shared>>
    tpu.wait_indirect_dma semaphore(%arg21 : memref<!tpu.dma_semaphore, #tpu.memory_space<semaphore_mem>>) src(%dma_wait3A_1512 : memref<80x128xf32, #tpu.memory_space<vmem>>) dst(%dma_wait3A_1518 : memref<520x128xf32, #tpu.memory_space<vmem_shared>>)
    %dma_wait3A_1519 = arith.constant 1 : i32
    %dma_wait3A_1520 = arith.constant 0 : i32
    %dma_wait3A_1521 = tpu.memref_slice %arg7[%dma_wait3A_1519, %dma_wait3A_1520] : memref<8x80xi32, #tpu.memory_space<vmem>> -> memref<1x80xi32, #tpu.memory_space<vmem>>
    %dma_wait3A_1522 = tpu.memref_squeeze %dma_wait3A_1521 : memref<1x80xi32, #tpu.memory_space<vmem>> -> memref<80xi32, #tpu.memory_space<vmem>>
    %dma_wait3A_1523 = arith.constant 0 : i32
    %dma_wait3A_1524 = arith.constant 0 : i32
    %dma_wait3A_1525 = tpu.memref_slice %arg11[%dma_wait3A_1523, %dma_wait3A_1524] : memref<520x128xf32, #tpu.memory_space<vmem_shared>> -> memref<520x128xf32, #tpu.memory_space<vmem_shared>>
    tpu.wait_indirect_dma semaphore(%arg21 : memref<!tpu.dma_semaphore, #tpu.memory_space<semaphore_mem>>) src(%arg8 : memref<80x128xf32, #tpu.memory_space<vmem>>) dst(%dma_wait3A_1525 : memref<520x128xf32, #tpu.memory_space<vmem_shared>>)
    %add3A_1526 = arith.constant 544 : i32
    %add3A_1527 = arith.addi %add3A, %add3A_1526 : i32
    %lt3A_1528 = arith.constant 625 : i32
    %lt3A_1529 = arith.cmpi slt, %add3A_1527, %lt3A_1528 : i32
    %jit3A_1530 = arith.constant 0 : i32
    %select_n3A_1531 = arith.select %lt3A_1529, %add3A_1527, %jit3A_1530 : i32
    %mul3A_1532 = arith.constant 80 : i32
    %mul3A_1533 = arith.muli %select_n3A_1531, %mul3A_1532 : i32
    %mul3A_1534 = arith.constant 80 : i32
    %mul3A_1535 = arith.muli %add3A_1527, %mul3A_1534 : i32
    %jit3A_1536 = arith.constant 50000 : i32
    %select_n3A_1537 = arith.select %lt3A_1529, %mul3A_1535, %jit3A_1536 : i32
    %dma_start3A_1538 = arith.constant 1 : i32
    %dma_start3A_1539 = arith.constant 0 : i32
    %dma_start3A_1540 = arith.constant 0 : i32
    %dma_start3A_1541 = tpu.memref_slice %arg6[%dma_start3A_1538, %dma_start3A_1539, %dma_start3A_1540] : memref<8x80x128xf32, #tpu.memory_space<vmem>> -> memref<1x80x128xf32, #tpu.memory_space<vmem>>
    %dma_start3A_1542 = tpu.memref_squeeze %dma_start3A_1541 : memref<1x80x128xf32, #tpu.memory_space<vmem>> -> memref<80x128xf32, #tpu.memory_space<vmem>>
    %dma_start3A_1543 = arith.constant 0 : i32
    %dma_start3A_1544 = tpu.memref_slice %arg2[%mul3A_1533, %dma_start3A_1543] : memref<50000x128xf32, #tpu.memory_space<hbm>> -> memref<80x128xf32, #tpu.memory_space<hbm>>
    %dma_start3A_1545 = arith.constant 0 : i32
    %dma_start3A_1546 = arith.constant 0 : i32
    %dma_start3A_1547 = tpu.memref_slice %arg6[%dma_start3A_1538, %dma_start3A_1545, %dma_start3A_1546] : memref<8x80x128xf32, #tpu.memory_space<vmem>> -> memref<1x80x128xf32, #tpu.memory_space<vmem>>
    %dma_start3A_1548 = tpu.memref_squeeze %dma_start3A_1547 : memref<1x80x128xf32, #tpu.memory_space<vmem>> -> memref<80x128xf32, #tpu.memory_space<vmem>>
    %dma_start3A_1549 = arith.constant 0 : i32
    %dma_start3A_1550 = tpu.memref_slice %arg2[%mul3A_1533, %dma_start3A_1549] : memref<50000x128xf32, #tpu.memory_space<hbm>> -> memref<80x128xf32, #tpu.memory_space<hbm>>
    tpu.enqueue_dma source(%dma_start3A_1550 : memref<80x128xf32, #tpu.memory_space<hbm>>) target(%dma_start3A_1548 : memref<80x128xf32, #tpu.memory_space<vmem>>) target_semaphore(%arg13 : memref<!tpu.dma_semaphore, #tpu.memory_space<semaphore_mem>>)
    %dma_start3A_1551 = arith.constant 1 : i32
    %dma_start3A_1552 = arith.constant 0 : i32
    %dma_start3A_1553 = tpu.memref_slice %arg7[%dma_start3A_1551, %dma_start3A_1552] : memref<8x80xi32, #tpu.memory_space<vmem>> -> memref<1x80xi32, #tpu.memory_space<vmem>>
    %dma_start3A_1554 = tpu.memref_squeeze %dma_start3A_1553 : memref<1x80xi32, #tpu.memory_space<vmem>> -> memref<80xi32, #tpu.memory_space<vmem>>
    %dma_start3A_1555 = tpu.memref_slice %arg3[%select_n3A_1537] : memref<50080xi32, #tpu.memory_space<hbm>> -> memref<80xi32, #tpu.memory_space<hbm>>
    %dma_start3A_1556 = arith.constant 0 : i32
    %dma_start3A_1557 = tpu.memref_slice %arg7[%dma_start3A_1551, %dma_start3A_1556] : memref<8x80xi32, #tpu.memory_space<vmem>> -> memref<1x80xi32, #tpu.memory_space<vmem>>
    %dma_start3A_1558 = tpu.memref_squeeze %dma_start3A_1557 : memref<1x80xi32, #tpu.memory_space<vmem>> -> memref<80xi32, #tpu.memory_space<vmem>>
    %dma_start3A_1559 = tpu.memref_slice %arg3[%select_n3A_1537] : memref<50080xi32, #tpu.memory_space<hbm>> -> memref<80xi32, #tpu.memory_space<hbm>>
    tpu.enqueue_dma source(%dma_start3A_1559 : memref<80xi32, #tpu.memory_space<hbm>>) target(%dma_start3A_1558 : memref<80xi32, #tpu.memory_space<vmem>>) target_semaphore(%arg13 : memref<!tpu.dma_semaphore, #tpu.memory_space<semaphore_mem>>)
    %add3A_1560 = arith.constant 448 : i32
    %add3A_1561 = arith.addi %add3A, %add3A_1560 : i32
    %lt3A_1562 = arith.constant 625 : i32
    %lt3A_1563 = arith.cmpi slt, %add3A_1561, %lt3A_1562 : i32
    %jit3A_1564 = arith.constant 0 : i32
    %select_n3A_1565 = arith.select %lt3A_1563, %add3A_1561, %jit3A_1564 : i32
    %mul3A_1566 = arith.constant 80 : i32
    %mul3A_1567 = arith.muli %select_n3A_1565, %mul3A_1566 : i32
    %mul3A_1568 = arith.constant 80 : i32
    %mul3A_1569 = arith.muli %add3A_1561, %mul3A_1568 : i32
    %jit3A_1570 = arith.constant 50000 : i32
    %select_n3A_1571 = arith.select %lt3A_1563, %mul3A_1569, %jit3A_1570 : i32
    %dma_wait3A_1572 = arith.constant 6 : i32
    %dma_wait3A_1573 = arith.constant 0 : i32
    %dma_wait3A_1574 = arith.constant 0 : i32
    %dma_wait3A_1575 = tpu.memref_slice %arg6[%dma_wait3A_1572, %dma_wait3A_1573, %dma_wait3A_1574] : memref<8x80x128xf32, #tpu.memory_space<vmem>> -> memref<1x80x128xf32, #tpu.memory_space<vmem>>
    %dma_wait3A_1576 = tpu.memref_squeeze %dma_wait3A_1575 : memref<1x80x128xf32, #tpu.memory_space<vmem>> -> memref<80x128xf32, #tpu.memory_space<vmem>>
    %dma_wait3A_1577 = arith.constant 0 : i32
    %dma_wait3A_1578 = tpu.memref_slice %arg2[%mul3A_1567, %dma_wait3A_1577] : memref<50000x128xf32, #tpu.memory_space<hbm>> -> memref<80x128xf32, #tpu.memory_space<hbm>>
    %dma_wait3A_1579 = arith.constant 0 : i32
    %dma_wait3A_1580 = arith.constant 0 : i32
    %dma_wait3A_1581 = tpu.memref_slice %arg6[%dma_wait3A_1572, %dma_wait3A_1579, %dma_wait3A_1580] : memref<8x80x128xf32, #tpu.memory_space<vmem>> -> memref<1x80x128xf32, #tpu.memory_space<vmem>>
    %dma_wait3A_1582 = tpu.memref_squeeze %dma_wait3A_1581 : memref<1x80x128xf32, #tpu.memory_space<vmem>> -> memref<80x128xf32, #tpu.memory_space<vmem>>
    %dma_wait3A_1583 = arith.constant 0 : i32
    %dma_wait3A_1584 = tpu.memref_slice %arg2[%mul3A_1567, %dma_wait3A_1583] : memref<50000x128xf32, #tpu.memory_space<hbm>> -> memref<80x128xf32, #tpu.memory_space<hbm>>
    tpu.wait_dma2 semaphore(%arg18 : memref<!tpu.dma_semaphore, #tpu.memory_space<semaphore_mem>>) src(%dma_wait3A_1584 : memref<80x128xf32, #tpu.memory_space<hbm>>) dst(%dma_wait3A_1582 : memref<80x128xf32, #tpu.memory_space<vmem>>)
    %dma_wait3A_1585 = arith.constant 6 : i32
    %dma_wait3A_1586 = arith.constant 0 : i32
    %dma_wait3A_1587 = tpu.memref_slice %arg7[%dma_wait3A_1585, %dma_wait3A_1586] : memref<8x80xi32, #tpu.memory_space<vmem>> -> memref<1x80xi32, #tpu.memory_space<vmem>>
    %dma_wait3A_1588 = tpu.memref_squeeze %dma_wait3A_1587 : memref<1x80xi32, #tpu.memory_space<vmem>> -> memref<80xi32, #tpu.memory_space<vmem>>
    %dma_wait3A_1589 = tpu.memref_slice %arg3[%select_n3A_1571] : memref<50080xi32, #tpu.memory_space<hbm>> -> memref<80xi32, #tpu.memory_space<hbm>>
    %dma_wait3A_1590 = arith.constant 0 : i32
    %dma_wait3A_1591 = tpu.memref_slice %arg7[%dma_wait3A_1585, %dma_wait3A_1590] : memref<8x80xi32, #tpu.memory_space<vmem>> -> memref<1x80xi32, #tpu.memory_space<vmem>>
    %dma_wait3A_1592 = tpu.memref_squeeze %dma_wait3A_1591 : memref<1x80xi32, #tpu.memory_space<vmem>> -> memref<80xi32, #tpu.memory_space<vmem>>
    %dma_wait3A_1593 = tpu.memref_slice %arg3[%select_n3A_1571] : memref<50080xi32, #tpu.memory_space<hbm>> -> memref<80xi32, #tpu.memory_space<hbm>>
    tpu.wait_dma2 semaphore(%arg18 : memref<!tpu.dma_semaphore, #tpu.memory_space<semaphore_mem>>) src(%dma_wait3A_1593 : memref<80xi32, #tpu.memory_space<hbm>>) dst(%dma_wait3A_1592 : memref<80xi32, #tpu.memory_space<vmem>>)
    %dma_start3A_1594 = arith.constant 6 : i32
    %dma_start3A_1595 = arith.constant 6 : i32
    %dma_start3A_1596 = arith.constant 0 : i32
    %dma_start3A_1597 = arith.constant 0 : i32
    %dma_start3A_1598 = tpu.memref_slice %arg6[%dma_start3A_1594, %dma_start3A_1596, %dma_start3A_1597] : memref<8x80x128xf32, #tpu.memory_space<vmem>> -> memref<1x80x128xf32, #tpu.memory_space<vmem>>
    %dma_start3A_1599 = tpu.memref_squeeze %dma_start3A_1598 : memref<1x80x128xf32, #tpu.memory_space<vmem>> -> memref<80x128xf32, #tpu.memory_space<vmem>>
    %dma_start3A_1600 = arith.constant 0 : i32
    %dma_start3A_1601 = tpu.memref_slice %arg7[%dma_start3A_1595, %dma_start3A_1600] : memref<8x80xi32, #tpu.memory_space<vmem>> -> memref<1x80xi32, #tpu.memory_space<vmem>>
    %dma_start3A_1602 = tpu.memref_squeeze %dma_start3A_1601 : memref<1x80xi32, #tpu.memory_space<vmem>> -> memref<80xi32, #tpu.memory_space<vmem>>
    %dma_start3A_1603 = arith.constant 0 : i32
    %dma_start3A_1604 = arith.constant 0 : i32
    %dma_start3A_1605 = tpu.memref_slice %arg10[%dma_start3A_1603, %dma_start3A_1604] : memref<520x128xf32, #tpu.memory_space<vmem_shared>> -> memref<520x128xf32, #tpu.memory_space<vmem_shared>>
    tpu.enqueue_indirect_dma source(%dma_start3A_1599 : memref<80x128xf32, #tpu.memory_space<vmem>>) target(%dma_start3A_1605 : memref<520x128xf32, #tpu.memory_space<vmem_shared>>) offsets(%dma_start3A_1602 : memref<80xi32, #tpu.memory_space<vmem>>) semaphore(%arg26 : memref<!tpu.dma_semaphore, #tpu.memory_space<semaphore_mem>>) {add = true}
    %dma_start3A_1606 = arith.constant 6 : i32
    %dma_start3A_1607 = arith.constant 0 : i32
    %dma_start3A_1608 = tpu.memref_slice %arg7[%dma_start3A_1606, %dma_start3A_1607] : memref<8x80xi32, #tpu.memory_space<vmem>> -> memref<1x80xi32, #tpu.memory_space<vmem>>
    %dma_start3A_1609 = tpu.memref_squeeze %dma_start3A_1608 : memref<1x80xi32, #tpu.memory_space<vmem>> -> memref<80xi32, #tpu.memory_space<vmem>>
    %dma_start3A_1610 = arith.constant 0 : i32
    %dma_start3A_1611 = arith.constant 0 : i32
    %dma_start3A_1612 = tpu.memref_slice %arg11[%dma_start3A_1610, %dma_start3A_1611] : memref<520x128xf32, #tpu.memory_space<vmem_shared>> -> memref<520x128xf32, #tpu.memory_space<vmem_shared>>
    tpu.enqueue_indirect_dma source(%arg8 : memref<80x128xf32, #tpu.memory_space<vmem>>) target(%dma_start3A_1612 : memref<520x128xf32, #tpu.memory_space<vmem_shared>>) offsets(%dma_start3A_1609 : memref<80xi32, #tpu.memory_space<vmem>>) semaphore(%arg26 : memref<!tpu.dma_semaphore, #tpu.memory_space<semaphore_mem>>) {add = true}
    %dma_wait3A_1613 = arith.constant 2 : i32
    %dma_wait3A_1614 = arith.constant 2 : i32
    %dma_wait3A_1615 = arith.constant 0 : i32
    %dma_wait3A_1616 = arith.constant 0 : i32
    %dma_wait3A_1617 = tpu.memref_slice %arg6[%dma_wait3A_1613, %dma_wait3A_1615, %dma_wait3A_1616] : memref<8x80x128xf32, #tpu.memory_space<vmem>> -> memref<1x80x128xf32, #tpu.memory_space<vmem>>
    %dma_wait3A_1618 = tpu.memref_squeeze %dma_wait3A_1617 : memref<1x80x128xf32, #tpu.memory_space<vmem>> -> memref<80x128xf32, #tpu.memory_space<vmem>>
    %dma_wait3A_1619 = arith.constant 0 : i32
    %dma_wait3A_1620 = tpu.memref_slice %arg7[%dma_wait3A_1614, %dma_wait3A_1619] : memref<8x80xi32, #tpu.memory_space<vmem>> -> memref<1x80xi32, #tpu.memory_space<vmem>>
    %dma_wait3A_1621 = tpu.memref_squeeze %dma_wait3A_1620 : memref<1x80xi32, #tpu.memory_space<vmem>> -> memref<80xi32, #tpu.memory_space<vmem>>
    %dma_wait3A_1622 = arith.constant 0 : i32
    %dma_wait3A_1623 = arith.constant 0 : i32
    %dma_wait3A_1624 = tpu.memref_slice %arg10[%dma_wait3A_1622, %dma_wait3A_1623] : memref<520x128xf32, #tpu.memory_space<vmem_shared>> -> memref<520x128xf32, #tpu.memory_space<vmem_shared>>
    tpu.wait_indirect_dma semaphore(%arg22 : memref<!tpu.dma_semaphore, #tpu.memory_space<semaphore_mem>>) src(%dma_wait3A_1618 : memref<80x128xf32, #tpu.memory_space<vmem>>) dst(%dma_wait3A_1624 : memref<520x128xf32, #tpu.memory_space<vmem_shared>>)
    %dma_wait3A_1625 = arith.constant 2 : i32
    %dma_wait3A_1626 = arith.constant 0 : i32
    %dma_wait3A_1627 = tpu.memref_slice %arg7[%dma_wait3A_1625, %dma_wait3A_1626] : memref<8x80xi32, #tpu.memory_space<vmem>> -> memref<1x80xi32, #tpu.memory_space<vmem>>
    %dma_wait3A_1628 = tpu.memref_squeeze %dma_wait3A_1627 : memref<1x80xi32, #tpu.memory_space<vmem>> -> memref<80xi32, #tpu.memory_space<vmem>>
    %dma_wait3A_1629 = arith.constant 0 : i32
    %dma_wait3A_1630 = arith.constant 0 : i32
    %dma_wait3A_1631 = tpu.memref_slice %arg11[%dma_wait3A_1629, %dma_wait3A_1630] : memref<520x128xf32, #tpu.memory_space<vmem_shared>> -> memref<520x128xf32, #tpu.memory_space<vmem_shared>>
    tpu.wait_indirect_dma semaphore(%arg22 : memref<!tpu.dma_semaphore, #tpu.memory_space<semaphore_mem>>) src(%arg8 : memref<80x128xf32, #tpu.memory_space<vmem>>) dst(%dma_wait3A_1631 : memref<520x128xf32, #tpu.memory_space<vmem_shared>>)
    %add3A_1632 = arith.constant 576 : i32
    %add3A_1633 = arith.addi %add3A, %add3A_1632 : i32
    %lt3A_1634 = arith.constant 625 : i32
    %lt3A_1635 = arith.cmpi slt, %add3A_1633, %lt3A_1634 : i32
    %jit3A_1636 = arith.constant 0 : i32
    %select_n3A_1637 = arith.select %lt3A_1635, %add3A_1633, %jit3A_1636 : i32
    %mul3A_1638 = arith.constant 80 : i32
    %mul3A_1639 = arith.muli %select_n3A_1637, %mul3A_1638 : i32
    %mul3A_1640 = arith.constant 80 : i32
    %mul3A_1641 = arith.muli %add3A_1633, %mul3A_1640 : i32
    %jit3A_1642 = arith.constant 50000 : i32
    %select_n3A_1643 = arith.select %lt3A_1635, %mul3A_1641, %jit3A_1642 : i32
    %dma_start3A_1644 = arith.constant 2 : i32
    %dma_start3A_1645 = arith.constant 0 : i32
    %dma_start3A_1646 = arith.constant 0 : i32
    %dma_start3A_1647 = tpu.memref_slice %arg6[%dma_start3A_1644, %dma_start3A_1645, %dma_start3A_1646] : memref<8x80x128xf32, #tpu.memory_space<vmem>> -> memref<1x80x128xf32, #tpu.memory_space<vmem>>
    %dma_start3A_1648 = tpu.memref_squeeze %dma_start3A_1647 : memref<1x80x128xf32, #tpu.memory_space<vmem>> -> memref<80x128xf32, #tpu.memory_space<vmem>>
    %dma_start3A_1649 = arith.constant 0 : i32
    %dma_start3A_1650 = tpu.memref_slice %arg2[%mul3A_1639, %dma_start3A_1649] : memref<50000x128xf32, #tpu.memory_space<hbm>> -> memref<80x128xf32, #tpu.memory_space<hbm>>
    %dma_start3A_1651 = arith.constant 0 : i32
    %dma_start3A_1652 = arith.constant 0 : i32
    %dma_start3A_1653 = tpu.memref_slice %arg6[%dma_start3A_1644, %dma_start3A_1651, %dma_start3A_1652] : memref<8x80x128xf32, #tpu.memory_space<vmem>> -> memref<1x80x128xf32, #tpu.memory_space<vmem>>
    %dma_start3A_1654 = tpu.memref_squeeze %dma_start3A_1653 : memref<1x80x128xf32, #tpu.memory_space<vmem>> -> memref<80x128xf32, #tpu.memory_space<vmem>>
    %dma_start3A_1655 = arith.constant 0 : i32
    %dma_start3A_1656 = tpu.memref_slice %arg2[%mul3A_1639, %dma_start3A_1655] : memref<50000x128xf32, #tpu.memory_space<hbm>> -> memref<80x128xf32, #tpu.memory_space<hbm>>
    tpu.enqueue_dma source(%dma_start3A_1656 : memref<80x128xf32, #tpu.memory_space<hbm>>) target(%dma_start3A_1654 : memref<80x128xf32, #tpu.memory_space<vmem>>) target_semaphore(%arg14 : memref<!tpu.dma_semaphore, #tpu.memory_space<semaphore_mem>>)
    %dma_start3A_1657 = arith.constant 2 : i32
    %dma_start3A_1658 = arith.constant 0 : i32
    %dma_start3A_1659 = tpu.memref_slice %arg7[%dma_start3A_1657, %dma_start3A_1658] : memref<8x80xi32, #tpu.memory_space<vmem>> -> memref<1x80xi32, #tpu.memory_space<vmem>>
    %dma_start3A_1660 = tpu.memref_squeeze %dma_start3A_1659 : memref<1x80xi32, #tpu.memory_space<vmem>> -> memref<80xi32, #tpu.memory_space<vmem>>
    %dma_start3A_1661 = tpu.memref_slice %arg3[%select_n3A_1643] : memref<50080xi32, #tpu.memory_space<hbm>> -> memref<80xi32, #tpu.memory_space<hbm>>
    %dma_start3A_1662 = arith.constant 0 : i32
    %dma_start3A_1663 = tpu.memref_slice %arg7[%dma_start3A_1657, %dma_start3A_1662] : memref<8x80xi32, #tpu.memory_space<vmem>> -> memref<1x80xi32, #tpu.memory_space<vmem>>
    %dma_start3A_1664 = tpu.memref_squeeze %dma_start3A_1663 : memref<1x80xi32, #tpu.memory_space<vmem>> -> memref<80xi32, #tpu.memory_space<vmem>>
    %dma_start3A_1665 = tpu.memref_slice %arg3[%select_n3A_1643] : memref<50080xi32, #tpu.memory_space<hbm>> -> memref<80xi32, #tpu.memory_space<hbm>>
    tpu.enqueue_dma source(%dma_start3A_1665 : memref<80xi32, #tpu.memory_space<hbm>>) target(%dma_start3A_1664 : memref<80xi32, #tpu.memory_space<vmem>>) target_semaphore(%arg14 : memref<!tpu.dma_semaphore, #tpu.memory_space<semaphore_mem>>)
    %add3A_1666 = arith.constant 480 : i32
    %add3A_1667 = arith.addi %add3A, %add3A_1666 : i32
    %lt3A_1668 = arith.constant 625 : i32
    %lt3A_1669 = arith.cmpi slt, %add3A_1667, %lt3A_1668 : i32
    %jit3A_1670 = arith.constant 0 : i32
    %select_n3A_1671 = arith.select %lt3A_1669, %add3A_1667, %jit3A_1670 : i32
    %mul3A_1672 = arith.constant 80 : i32
    %mul3A_1673 = arith.muli %select_n3A_1671, %mul3A_1672 : i32
    %mul3A_1674 = arith.constant 80 : i32
    %mul3A_1675 = arith.muli %add3A_1667, %mul3A_1674 : i32
    %jit3A_1676 = arith.constant 50000 : i32
    %select_n3A_1677 = arith.select %lt3A_1669, %mul3A_1675, %jit3A_1676 : i32
    %dma_wait3A_1678 = arith.constant 7 : i32
    %dma_wait3A_1679 = arith.constant 0 : i32
    %dma_wait3A_1680 = arith.constant 0 : i32
    %dma_wait3A_1681 = tpu.memref_slice %arg6[%dma_wait3A_1678, %dma_wait3A_1679, %dma_wait3A_1680] : memref<8x80x128xf32, #tpu.memory_space<vmem>> -> memref<1x80x128xf32, #tpu.memory_space<vmem>>
    %dma_wait3A_1682 = tpu.memref_squeeze %dma_wait3A_1681 : memref<1x80x128xf32, #tpu.memory_space<vmem>> -> memref<80x128xf32, #tpu.memory_space<vmem>>
    %dma_wait3A_1683 = arith.constant 0 : i32
    %dma_wait3A_1684 = tpu.memref_slice %arg2[%mul3A_1673, %dma_wait3A_1683] : memref<50000x128xf32, #tpu.memory_space<hbm>> -> memref<80x128xf32, #tpu.memory_space<hbm>>
    %dma_wait3A_1685 = arith.constant 0 : i32
    %dma_wait3A_1686 = arith.constant 0 : i32
    %dma_wait3A_1687 = tpu.memref_slice %arg6[%dma_wait3A_1678, %dma_wait3A_1685, %dma_wait3A_1686] : memref<8x80x128xf32, #tpu.memory_space<vmem>> -> memref<1x80x128xf32, #tpu.memory_space<vmem>>
    %dma_wait3A_1688 = tpu.memref_squeeze %dma_wait3A_1687 : memref<1x80x128xf32, #tpu.memory_space<vmem>> -> memref<80x128xf32, #tpu.memory_space<vmem>>
    %dma_wait3A_1689 = arith.constant 0 : i32
    %dma_wait3A_1690 = tpu.memref_slice %arg2[%mul3A_1673, %dma_wait3A_1689] : memref<50000x128xf32, #tpu.memory_space<hbm>> -> memref<80x128xf32, #tpu.memory_space<hbm>>
    tpu.wait_dma2 semaphore(%arg19 : memref<!tpu.dma_semaphore, #tpu.memory_space<semaphore_mem>>) src(%dma_wait3A_1690 : memref<80x128xf32, #tpu.memory_space<hbm>>) dst(%dma_wait3A_1688 : memref<80x128xf32, #tpu.memory_space<vmem>>)
    %dma_wait3A_1691 = arith.constant 7 : i32
    %dma_wait3A_1692 = arith.constant 0 : i32
    %dma_wait3A_1693 = tpu.memref_slice %arg7[%dma_wait3A_1691, %dma_wait3A_1692] : memref<8x80xi32, #tpu.memory_space<vmem>> -> memref<1x80xi32, #tpu.memory_space<vmem>>
    %dma_wait3A_1694 = tpu.memref_squeeze %dma_wait3A_1693 : memref<1x80xi32, #tpu.memory_space<vmem>> -> memref<80xi32, #tpu.memory_space<vmem>>
    %dma_wait3A_1695 = tpu.memref_slice %arg3[%select_n3A_1677] : memref<50080xi32, #tpu.memory_space<hbm>> -> memref<80xi32, #tpu.memory_space<hbm>>
    %dma_wait3A_1696 = arith.constant 0 : i32
    %dma_wait3A_1697 = tpu.memref_slice %arg7[%dma_wait3A_1691, %dma_wait3A_1696] : memref<8x80xi32, #tpu.memory_space<vmem>> -> memref<1x80xi32, #tpu.memory_space<vmem>>
    %dma_wait3A_1698 = tpu.memref_squeeze %dma_wait3A_1697 : memref<1x80xi32, #tpu.memory_space<vmem>> -> memref<80xi32, #tpu.memory_space<vmem>>
    %dma_wait3A_1699 = tpu.memref_slice %arg3[%select_n3A_1677] : memref<50080xi32, #tpu.memory_space<hbm>> -> memref<80xi32, #tpu.memory_space<hbm>>
    tpu.wait_dma2 semaphore(%arg19 : memref<!tpu.dma_semaphore, #tpu.memory_space<semaphore_mem>>) src(%dma_wait3A_1699 : memref<80xi32, #tpu.memory_space<hbm>>) dst(%dma_wait3A_1698 : memref<80xi32, #tpu.memory_space<vmem>>)
    %dma_start3A_1700 = arith.constant 7 : i32
    %dma_start3A_1701 = arith.constant 7 : i32
    %dma_start3A_1702 = arith.constant 0 : i32
    %dma_start3A_1703 = arith.constant 0 : i32
    %dma_start3A_1704 = tpu.memref_slice %arg6[%dma_start3A_1700, %dma_start3A_1702, %dma_start3A_1703] : memref<8x80x128xf32, #tpu.memory_space<vmem>> -> memref<1x80x128xf32, #tpu.memory_space<vmem>>
    %dma_start3A_1705 = tpu.memref_squeeze %dma_start3A_1704 : memref<1x80x128xf32, #tpu.memory_space<vmem>> -> memref<80x128xf32, #tpu.memory_space<vmem>>
    %dma_start3A_1706 = arith.constant 0 : i32
    %dma_start3A_1707 = tpu.memref_slice %arg7[%dma_start3A_1701, %dma_start3A_1706] : memref<8x80xi32, #tpu.memory_space<vmem>> -> memref<1x80xi32, #tpu.memory_space<vmem>>
    %dma_start3A_1708 = tpu.memref_squeeze %dma_start3A_1707 : memref<1x80xi32, #tpu.memory_space<vmem>> -> memref<80xi32, #tpu.memory_space<vmem>>
    %dma_start3A_1709 = arith.constant 0 : i32
    %dma_start3A_1710 = arith.constant 0 : i32
    %dma_start3A_1711 = tpu.memref_slice %arg10[%dma_start3A_1709, %dma_start3A_1710] : memref<520x128xf32, #tpu.memory_space<vmem_shared>> -> memref<520x128xf32, #tpu.memory_space<vmem_shared>>
    tpu.enqueue_indirect_dma source(%dma_start3A_1705 : memref<80x128xf32, #tpu.memory_space<vmem>>) target(%dma_start3A_1711 : memref<520x128xf32, #tpu.memory_space<vmem_shared>>) offsets(%dma_start3A_1708 : memref<80xi32, #tpu.memory_space<vmem>>) semaphore(%arg27 : memref<!tpu.dma_semaphore, #tpu.memory_space<semaphore_mem>>) {add = true}
    %dma_start3A_1712 = arith.constant 7 : i32
    %dma_start3A_1713 = arith.constant 0 : i32
    %dma_start3A_1714 = tpu.memref_slice %arg7[%dma_start3A_1712, %dma_start3A_1713] : memref<8x80xi32, #tpu.memory_space<vmem>> -> memref<1x80xi32, #tpu.memory_space<vmem>>
    %dma_start3A_1715 = tpu.memref_squeeze %dma_start3A_1714 : memref<1x80xi32, #tpu.memory_space<vmem>> -> memref<80xi32, #tpu.memory_space<vmem>>
    %dma_start3A_1716 = arith.constant 0 : i32
    %dma_start3A_1717 = arith.constant 0 : i32
    %dma_start3A_1718 = tpu.memref_slice %arg11[%dma_start3A_1716, %dma_start3A_1717] : memref<520x128xf32, #tpu.memory_space<vmem_shared>> -> memref<520x128xf32, #tpu.memory_space<vmem_shared>>
    tpu.enqueue_indirect_dma source(%arg8 : memref<80x128xf32, #tpu.memory_space<vmem>>) target(%dma_start3A_1718 : memref<520x128xf32, #tpu.memory_space<vmem_shared>>) offsets(%dma_start3A_1715 : memref<80xi32, #tpu.memory_space<vmem>>) semaphore(%arg27 : memref<!tpu.dma_semaphore, #tpu.memory_space<semaphore_mem>>) {add = true}
    %dma_wait3A_1719 = arith.constant 3 : i32
    %dma_wait3A_1720 = arith.constant 3 : i32
    %dma_wait3A_1721 = arith.constant 0 : i32
    %dma_wait3A_1722 = arith.constant 0 : i32
    %dma_wait3A_1723 = tpu.memref_slice %arg6[%dma_wait3A_1719, %dma_wait3A_1721, %dma_wait3A_1722] : memref<8x80x128xf32, #tpu.memory_space<vmem>> -> memref<1x80x128xf32, #tpu.memory_space<vmem>>
    %dma_wait3A_1724 = tpu.memref_squeeze %dma_wait3A_1723 : memref<1x80x128xf32, #tpu.memory_space<vmem>> -> memref<80x128xf32, #tpu.memory_space<vmem>>
    %dma_wait3A_1725 = arith.constant 0 : i32
    %dma_wait3A_1726 = tpu.memref_slice %arg7[%dma_wait3A_1720, %dma_wait3A_1725] : memref<8x80xi32, #tpu.memory_space<vmem>> -> memref<1x80xi32, #tpu.memory_space<vmem>>
    %dma_wait3A_1727 = tpu.memref_squeeze %dma_wait3A_1726 : memref<1x80xi32, #tpu.memory_space<vmem>> -> memref<80xi32, #tpu.memory_space<vmem>>
    %dma_wait3A_1728 = arith.constant 0 : i32
    %dma_wait3A_1729 = arith.constant 0 : i32
    %dma_wait3A_1730 = tpu.memref_slice %arg10[%dma_wait3A_1728, %dma_wait3A_1729] : memref<520x128xf32, #tpu.memory_space<vmem_shared>> -> memref<520x128xf32, #tpu.memory_space<vmem_shared>>
    tpu.wait_indirect_dma semaphore(%arg23 : memref<!tpu.dma_semaphore, #tpu.memory_space<semaphore_mem>>) src(%dma_wait3A_1724 : memref<80x128xf32, #tpu.memory_space<vmem>>) dst(%dma_wait3A_1730 : memref<520x128xf32, #tpu.memory_space<vmem_shared>>)
    %dma_wait3A_1731 = arith.constant 3 : i32
    %dma_wait3A_1732 = arith.constant 0 : i32
    %dma_wait3A_1733 = tpu.memref_slice %arg7[%dma_wait3A_1731, %dma_wait3A_1732] : memref<8x80xi32, #tpu.memory_space<vmem>> -> memref<1x80xi32, #tpu.memory_space<vmem>>
    %dma_wait3A_1734 = tpu.memref_squeeze %dma_wait3A_1733 : memref<1x80xi32, #tpu.memory_space<vmem>> -> memref<80xi32, #tpu.memory_space<vmem>>
    %dma_wait3A_1735 = arith.constant 0 : i32
    %dma_wait3A_1736 = arith.constant 0 : i32
    %dma_wait3A_1737 = tpu.memref_slice %arg11[%dma_wait3A_1735, %dma_wait3A_1736] : memref<520x128xf32, #tpu.memory_space<vmem_shared>> -> memref<520x128xf32, #tpu.memory_space<vmem_shared>>
    tpu.wait_indirect_dma semaphore(%arg23 : memref<!tpu.dma_semaphore, #tpu.memory_space<semaphore_mem>>) src(%arg8 : memref<80x128xf32, #tpu.memory_space<vmem>>) dst(%dma_wait3A_1737 : memref<520x128xf32, #tpu.memory_space<vmem_shared>>)
    %add3A_1738 = arith.constant 608 : i32
    %add3A_1739 = arith.addi %add3A, %add3A_1738 : i32
    %lt3A_1740 = arith.constant 625 : i32
    %lt3A_1741 = arith.cmpi slt, %add3A_1739, %lt3A_1740 : i32
    %jit3A_1742 = arith.constant 0 : i32
    %select_n3A_1743 = arith.select %lt3A_1741, %add3A_1739, %jit3A_1742 : i32
    %mul3A_1744 = arith.constant 80 : i32
    %mul3A_1745 = arith.muli %select_n3A_1743, %mul3A_1744 : i32
    %mul3A_1746 = arith.constant 80 : i32
    %mul3A_1747 = arith.muli %add3A_1739, %mul3A_1746 : i32
    %jit3A_1748 = arith.constant 50000 : i32
    %select_n3A_1749 = arith.select %lt3A_1741, %mul3A_1747, %jit3A_1748 : i32
    %dma_start3A_1750 = arith.constant 3 : i32
    %dma_start3A_1751 = arith.constant 0 : i32
    %dma_start3A_1752 = arith.constant 0 : i32
    %dma_start3A_1753 = tpu.memref_slice %arg6[%dma_start3A_1750, %dma_start3A_1751, %dma_start3A_1752] : memref<8x80x128xf32, #tpu.memory_space<vmem>> -> memref<1x80x128xf32, #tpu.memory_space<vmem>>
    %dma_start3A_1754 = tpu.memref_squeeze %dma_start3A_1753 : memref<1x80x128xf32, #tpu.memory_space<vmem>> -> memref<80x128xf32, #tpu.memory_space<vmem>>
    %dma_start3A_1755 = arith.constant 0 : i32
    %dma_start3A_1756 = tpu.memref_slice %arg2[%mul3A_1745, %dma_start3A_1755] : memref<50000x128xf32, #tpu.memory_space<hbm>> -> memref<80x128xf32, #tpu.memory_space<hbm>>
    %dma_start3A_1757 = arith.constant 0 : i32
    %dma_start3A_1758 = arith.constant 0 : i32
    %dma_start3A_1759 = tpu.memref_slice %arg6[%dma_start3A_1750, %dma_start3A_1757, %dma_start3A_1758] : memref<8x80x128xf32, #tpu.memory_space<vmem>> -> memref<1x80x128xf32, #tpu.memory_space<vmem>>
    %dma_start3A_1760 = tpu.memref_squeeze %dma_start3A_1759 : memref<1x80x128xf32, #tpu.memory_space<vmem>> -> memref<80x128xf32, #tpu.memory_space<vmem>>
    %dma_start3A_1761 = arith.constant 0 : i32
    %dma_start3A_1762 = tpu.memref_slice %arg2[%mul3A_1745, %dma_start3A_1761] : memref<50000x128xf32, #tpu.memory_space<hbm>> -> memref<80x128xf32, #tpu.memory_space<hbm>>
    tpu.enqueue_dma source(%dma_start3A_1762 : memref<80x128xf32, #tpu.memory_space<hbm>>) target(%dma_start3A_1760 : memref<80x128xf32, #tpu.memory_space<vmem>>) target_semaphore(%arg15 : memref<!tpu.dma_semaphore, #tpu.memory_space<semaphore_mem>>)
    %dma_start3A_1763 = arith.constant 3 : i32
    %dma_start3A_1764 = arith.constant 0 : i32
    %dma_start3A_1765 = tpu.memref_slice %arg7[%dma_start3A_1763, %dma_start3A_1764] : memref<8x80xi32, #tpu.memory_space<vmem>> -> memref<1x80xi32, #tpu.memory_space<vmem>>
    %dma_start3A_1766 = tpu.memref_squeeze %dma_start3A_1765 : memref<1x80xi32, #tpu.memory_space<vmem>> -> memref<80xi32, #tpu.memory_space<vmem>>
    %dma_start3A_1767 = tpu.memref_slice %arg3[%select_n3A_1749] : memref<50080xi32, #tpu.memory_space<hbm>> -> memref<80xi32, #tpu.memory_space<hbm>>
    %dma_start3A_1768 = arith.constant 0 : i32
    %dma_start3A_1769 = tpu.memref_slice %arg7[%dma_start3A_1763, %dma_start3A_1768] : memref<8x80xi32, #tpu.memory_space<vmem>> -> memref<1x80xi32, #tpu.memory_space<vmem>>
    %dma_start3A_1770 = tpu.memref_squeeze %dma_start3A_1769 : memref<1x80xi32, #tpu.memory_space<vmem>> -> memref<80xi32, #tpu.memory_space<vmem>>
    %dma_start3A_1771 = tpu.memref_slice %arg3[%select_n3A_1749] : memref<50080xi32, #tpu.memory_space<hbm>> -> memref<80xi32, #tpu.memory_space<hbm>>
    tpu.enqueue_dma source(%dma_start3A_1771 : memref<80xi32, #tpu.memory_space<hbm>>) target(%dma_start3A_1770 : memref<80xi32, #tpu.memory_space<vmem>>) target_semaphore(%arg15 : memref<!tpu.dma_semaphore, #tpu.memory_space<semaphore_mem>>)
    %add3A_1772 = arith.constant 512 : i32
    %add3A_1773 = arith.addi %add3A, %add3A_1772 : i32
    %lt3A_1774 = arith.constant 625 : i32
    %lt3A_1775 = arith.cmpi slt, %add3A_1773, %lt3A_1774 : i32
    %jit3A_1776 = arith.constant 0 : i32
    %select_n3A_1777 = arith.select %lt3A_1775, %add3A_1773, %jit3A_1776 : i32
    %mul3A_1778 = arith.constant 80 : i32
    %mul3A_1779 = arith.muli %select_n3A_1777, %mul3A_1778 : i32
    %mul3A_1780 = arith.constant 80 : i32
    %mul3A_1781 = arith.muli %add3A_1773, %mul3A_1780 : i32
    %jit3A_1782 = arith.constant 50000 : i32
    %select_n3A_1783 = arith.select %lt3A_1775, %mul3A_1781, %jit3A_1782 : i32
    %dma_wait3A_1784 = arith.constant 0 : i32
    %dma_wait3A_1785 = arith.constant 0 : i32
    %dma_wait3A_1786 = arith.constant 0 : i32
    %dma_wait3A_1787 = tpu.memref_slice %arg6[%dma_wait3A_1784, %dma_wait3A_1785, %dma_wait3A_1786] : memref<8x80x128xf32, #tpu.memory_space<vmem>> -> memref<1x80x128xf32, #tpu.memory_space<vmem>>
    %dma_wait3A_1788 = tpu.memref_squeeze %dma_wait3A_1787 : memref<1x80x128xf32, #tpu.memory_space<vmem>> -> memref<80x128xf32, #tpu.memory_space<vmem>>
    %dma_wait3A_1789 = arith.constant 0 : i32
    %dma_wait3A_1790 = tpu.memref_slice %arg2[%mul3A_1779, %dma_wait3A_1789] : memref<50000x128xf32, #tpu.memory_space<hbm>> -> memref<80x128xf32, #tpu.memory_space<hbm>>
    %dma_wait3A_1791 = arith.constant 0 : i32
    %dma_wait3A_1792 = arith.constant 0 : i32
    %dma_wait3A_1793 = tpu.memref_slice %arg6[%dma_wait3A_1784, %dma_wait3A_1791, %dma_wait3A_1792] : memref<8x80x128xf32, #tpu.memory_space<vmem>> -> memref<1x80x128xf32, #tpu.memory_space<vmem>>
    %dma_wait3A_1794 = tpu.memref_squeeze %dma_wait3A_1793 : memref<1x80x128xf32, #tpu.memory_space<vmem>> -> memref<80x128xf32, #tpu.memory_space<vmem>>
    %dma_wait3A_1795 = arith.constant 0 : i32
    %dma_wait3A_1796 = tpu.memref_slice %arg2[%mul3A_1779, %dma_wait3A_1795] : memref<50000x128xf32, #tpu.memory_space<hbm>> -> memref<80x128xf32, #tpu.memory_space<hbm>>
    tpu.wait_dma2 semaphore(%arg12 : memref<!tpu.dma_semaphore, #tpu.memory_space<semaphore_mem>>) src(%dma_wait3A_1796 : memref<80x128xf32, #tpu.memory_space<hbm>>) dst(%dma_wait3A_1794 : memref<80x128xf32, #tpu.memory_space<vmem>>)
    %dma_wait3A_1797 = arith.constant 0 : i32
    %dma_wait3A_1798 = arith.constant 0 : i32
    %dma_wait3A_1799 = tpu.memref_slice %arg7[%dma_wait3A_1797, %dma_wait3A_1798] : memref<8x80xi32, #tpu.memory_space<vmem>> -> memref<1x80xi32, #tpu.memory_space<vmem>>
    %dma_wait3A_1800 = tpu.memref_squeeze %dma_wait3A_1799 : memref<1x80xi32, #tpu.memory_space<vmem>> -> memref<80xi32, #tpu.memory_space<vmem>>
    %dma_wait3A_1801 = tpu.memref_slice %arg3[%select_n3A_1783] : memref<50080xi32, #tpu.memory_space<hbm>> -> memref<80xi32, #tpu.memory_space<hbm>>
    %dma_wait3A_1802 = arith.constant 0 : i32
    %dma_wait3A_1803 = tpu.memref_slice %arg7[%dma_wait3A_1797, %dma_wait3A_1802] : memref<8x80xi32, #tpu.memory_space<vmem>> -> memref<1x80xi32, #tpu.memory_space<vmem>>
    %dma_wait3A_1804 = tpu.memref_squeeze %dma_wait3A_1803 : memref<1x80xi32, #tpu.memory_space<vmem>> -> memref<80xi32, #tpu.memory_space<vmem>>
    %dma_wait3A_1805 = tpu.memref_slice %arg3[%select_n3A_1783] : memref<50080xi32, #tpu.memory_space<hbm>> -> memref<80xi32, #tpu.memory_space<hbm>>
    tpu.wait_dma2 semaphore(%arg12 : memref<!tpu.dma_semaphore, #tpu.memory_space<semaphore_mem>>) src(%dma_wait3A_1805 : memref<80xi32, #tpu.memory_space<hbm>>) dst(%dma_wait3A_1804 : memref<80xi32, #tpu.memory_space<vmem>>)
    %dma_start3A_1806 = arith.constant 0 : i32
    %dma_start3A_1807 = arith.constant 0 : i32
    %dma_start3A_1808 = arith.constant 0 : i32
    %dma_start3A_1809 = arith.constant 0 : i32
    %dma_start3A_1810 = tpu.memref_slice %arg6[%dma_start3A_1806, %dma_start3A_1808, %dma_start3A_1809] : memref<8x80x128xf32, #tpu.memory_space<vmem>> -> memref<1x80x128xf32, #tpu.memory_space<vmem>>
    %dma_start3A_1811 = tpu.memref_squeeze %dma_start3A_1810 : memref<1x80x128xf32, #tpu.memory_space<vmem>> -> memref<80x128xf32, #tpu.memory_space<vmem>>
    %dma_start3A_1812 = arith.constant 0 : i32
    %dma_start3A_1813 = tpu.memref_slice %arg7[%dma_start3A_1807, %dma_start3A_1812] : memref<8x80xi32, #tpu.memory_space<vmem>> -> memref<1x80xi32, #tpu.memory_space<vmem>>
    %dma_start3A_1814 = tpu.memref_squeeze %dma_start3A_1813 : memref<1x80xi32, #tpu.memory_space<vmem>> -> memref<80xi32, #tpu.memory_space<vmem>>
    %dma_start3A_1815 = arith.constant 0 : i32
    %dma_start3A_1816 = arith.constant 0 : i32
    %dma_start3A_1817 = tpu.memref_slice %arg10[%dma_start3A_1815, %dma_start3A_1816] : memref<520x128xf32, #tpu.memory_space<vmem_shared>> -> memref<520x128xf32, #tpu.memory_space<vmem_shared>>
    tpu.enqueue_indirect_dma source(%dma_start3A_1811 : memref<80x128xf32, #tpu.memory_space<vmem>>) target(%dma_start3A_1817 : memref<520x128xf32, #tpu.memory_space<vmem_shared>>) offsets(%dma_start3A_1814 : memref<80xi32, #tpu.memory_space<vmem>>) semaphore(%arg20 : memref<!tpu.dma_semaphore, #tpu.memory_space<semaphore_mem>>) {add = true}
    %dma_start3A_1818 = arith.constant 0 : i32
    %dma_start3A_1819 = arith.constant 0 : i32
    %dma_start3A_1820 = tpu.memref_slice %arg7[%dma_start3A_1818, %dma_start3A_1819] : memref<8x80xi32, #tpu.memory_space<vmem>> -> memref<1x80xi32, #tpu.memory_space<vmem>>
    %dma_start3A_1821 = tpu.memref_squeeze %dma_start3A_1820 : memref<1x80xi32, #tpu.memory_space<vmem>> -> memref<80xi32, #tpu.memory_space<vmem>>
    %dma_start3A_1822 = arith.constant 0 : i32
    %dma_start3A_1823 = arith.constant 0 : i32
    %dma_start3A_1824 = tpu.memref_slice %arg11[%dma_start3A_1822, %dma_start3A_1823] : memref<520x128xf32, #tpu.memory_space<vmem_shared>> -> memref<520x128xf32, #tpu.memory_space<vmem_shared>>
    tpu.enqueue_indirect_dma source(%arg8 : memref<80x128xf32, #tpu.memory_space<vmem>>) target(%dma_start3A_1824 : memref<520x128xf32, #tpu.memory_space<vmem_shared>>) offsets(%dma_start3A_1821 : memref<80xi32, #tpu.memory_space<vmem>>) semaphore(%arg20 : memref<!tpu.dma_semaphore, #tpu.memory_space<semaphore_mem>>) {add = true}
    %add3A_1825 = arith.constant 544 : i32
    %add3A_1826 = arith.addi %add3A, %add3A_1825 : i32
    %lt3A_1827 = arith.constant 625 : i32
    %lt3A_1828 = arith.cmpi slt, %add3A_1826, %lt3A_1827 : i32
    %jit3A_1829 = arith.constant 0 : i32
    %select_n3A_1830 = arith.select %lt3A_1828, %add3A_1826, %jit3A_1829 : i32
    %mul3A_1831 = arith.constant 80 : i32
    %mul3A_1832 = arith.muli %select_n3A_1830, %mul3A_1831 : i32
    %mul3A_1833 = arith.constant 80 : i32
    %mul3A_1834 = arith.muli %add3A_1826, %mul3A_1833 : i32
    %jit3A_1835 = arith.constant 50000 : i32
    %select_n3A_1836 = arith.select %lt3A_1828, %mul3A_1834, %jit3A_1835 : i32
    %dma_wait3A_1837 = arith.constant 1 : i32
    %dma_wait3A_1838 = arith.constant 0 : i32
    %dma_wait3A_1839 = arith.constant 0 : i32
    %dma_wait3A_1840 = tpu.memref_slice %arg6[%dma_wait3A_1837, %dma_wait3A_1838, %dma_wait3A_1839] : memref<8x80x128xf32, #tpu.memory_space<vmem>> -> memref<1x80x128xf32, #tpu.memory_space<vmem>>
    %dma_wait3A_1841 = tpu.memref_squeeze %dma_wait3A_1840 : memref<1x80x128xf32, #tpu.memory_space<vmem>> -> memref<80x128xf32, #tpu.memory_space<vmem>>
    %dma_wait3A_1842 = arith.constant 0 : i32
    %dma_wait3A_1843 = tpu.memref_slice %arg2[%mul3A_1832, %dma_wait3A_1842] : memref<50000x128xf32, #tpu.memory_space<hbm>> -> memref<80x128xf32, #tpu.memory_space<hbm>>
    %dma_wait3A_1844 = arith.constant 0 : i32
    %dma_wait3A_1845 = arith.constant 0 : i32
    %dma_wait3A_1846 = tpu.memref_slice %arg6[%dma_wait3A_1837, %dma_wait3A_1844, %dma_wait3A_1845] : memref<8x80x128xf32, #tpu.memory_space<vmem>> -> memref<1x80x128xf32, #tpu.memory_space<vmem>>
    %dma_wait3A_1847 = tpu.memref_squeeze %dma_wait3A_1846 : memref<1x80x128xf32, #tpu.memory_space<vmem>> -> memref<80x128xf32, #tpu.memory_space<vmem>>
    %dma_wait3A_1848 = arith.constant 0 : i32
    %dma_wait3A_1849 = tpu.memref_slice %arg2[%mul3A_1832, %dma_wait3A_1848] : memref<50000x128xf32, #tpu.memory_space<hbm>> -> memref<80x128xf32, #tpu.memory_space<hbm>>
    tpu.wait_dma2 semaphore(%arg13 : memref<!tpu.dma_semaphore, #tpu.memory_space<semaphore_mem>>) src(%dma_wait3A_1849 : memref<80x128xf32, #tpu.memory_space<hbm>>) dst(%dma_wait3A_1847 : memref<80x128xf32, #tpu.memory_space<vmem>>)
    %dma_wait3A_1850 = arith.constant 1 : i32
    %dma_wait3A_1851 = arith.constant 0 : i32
    %dma_wait3A_1852 = tpu.memref_slice %arg7[%dma_wait3A_1850, %dma_wait3A_1851] : memref<8x80xi32, #tpu.memory_space<vmem>> -> memref<1x80xi32, #tpu.memory_space<vmem>>
    %dma_wait3A_1853 = tpu.memref_squeeze %dma_wait3A_1852 : memref<1x80xi32, #tpu.memory_space<vmem>> -> memref<80xi32, #tpu.memory_space<vmem>>
    %dma_wait3A_1854 = tpu.memref_slice %arg3[%select_n3A_1836] : memref<50080xi32, #tpu.memory_space<hbm>> -> memref<80xi32, #tpu.memory_space<hbm>>
    %dma_wait3A_1855 = arith.constant 0 : i32
    %dma_wait3A_1856 = tpu.memref_slice %arg7[%dma_wait3A_1850, %dma_wait3A_1855] : memref<8x80xi32, #tpu.memory_space<vmem>> -> memref<1x80xi32, #tpu.memory_space<vmem>>
    %dma_wait3A_1857 = tpu.memref_squeeze %dma_wait3A_1856 : memref<1x80xi32, #tpu.memory_space<vmem>> -> memref<80xi32, #tpu.memory_space<vmem>>
    %dma_wait3A_1858 = tpu.memref_slice %arg3[%select_n3A_1836] : memref<50080xi32, #tpu.memory_space<hbm>> -> memref<80xi32, #tpu.memory_space<hbm>>
    tpu.wait_dma2 semaphore(%arg13 : memref<!tpu.dma_semaphore, #tpu.memory_space<semaphore_mem>>) src(%dma_wait3A_1858 : memref<80xi32, #tpu.memory_space<hbm>>) dst(%dma_wait3A_1857 : memref<80xi32, #tpu.memory_space<vmem>>)
    %dma_start3A_1859 = arith.constant 1 : i32
    %dma_start3A_1860 = arith.constant 1 : i32
    %dma_start3A_1861 = arith.constant 0 : i32
    %dma_start3A_1862 = arith.constant 0 : i32
    %dma_start3A_1863 = tpu.memref_slice %arg6[%dma_start3A_1859, %dma_start3A_1861, %dma_start3A_1862] : memref<8x80x128xf32, #tpu.memory_space<vmem>> -> memref<1x80x128xf32, #tpu.memory_space<vmem>>
    %dma_start3A_1864 = tpu.memref_squeeze %dma_start3A_1863 : memref<1x80x128xf32, #tpu.memory_space<vmem>> -> memref<80x128xf32, #tpu.memory_space<vmem>>
    %dma_start3A_1865 = arith.constant 0 : i32
    %dma_start3A_1866 = tpu.memref_slice %arg7[%dma_start3A_1860, %dma_start3A_1865] : memref<8x80xi32, #tpu.memory_space<vmem>> -> memref<1x80xi32, #tpu.memory_space<vmem>>
    %dma_start3A_1867 = tpu.memref_squeeze %dma_start3A_1866 : memref<1x80xi32, #tpu.memory_space<vmem>> -> memref<80xi32, #tpu.memory_space<vmem>>
    %dma_start3A_1868 = arith.constant 0 : i32
    %dma_start3A_1869 = arith.constant 0 : i32
    %dma_start3A_1870 = tpu.memref_slice %arg10[%dma_start3A_1868, %dma_start3A_1869] : memref<520x128xf32, #tpu.memory_space<vmem_shared>> -> memref<520x128xf32, #tpu.memory_space<vmem_shared>>
    tpu.enqueue_indirect_dma source(%dma_start3A_1864 : memref<80x128xf32, #tpu.memory_space<vmem>>) target(%dma_start3A_1870 : memref<520x128xf32, #tpu.memory_space<vmem_shared>>) offsets(%dma_start3A_1867 : memref<80xi32, #tpu.memory_space<vmem>>) semaphore(%arg21 : memref<!tpu.dma_semaphore, #tpu.memory_space<semaphore_mem>>) {add = true}
    %dma_start3A_1871 = arith.constant 1 : i32
    %dma_start3A_1872 = arith.constant 0 : i32
    %dma_start3A_1873 = tpu.memref_slice %arg7[%dma_start3A_1871, %dma_start3A_1872] : memref<8x80xi32, #tpu.memory_space<vmem>> -> memref<1x80xi32, #tpu.memory_space<vmem>>
    %dma_start3A_1874 = tpu.memref_squeeze %dma_start3A_1873 : memref<1x80xi32, #tpu.memory_space<vmem>> -> memref<80xi32, #tpu.memory_space<vmem>>
    %dma_start3A_1875 = arith.constant 0 : i32
    %dma_start3A_1876 = arith.constant 0 : i32
    %dma_start3A_1877 = tpu.memref_slice %arg11[%dma_start3A_1875, %dma_start3A_1876] : memref<520x128xf32, #tpu.memory_space<vmem_shared>> -> memref<520x128xf32, #tpu.memory_space<vmem_shared>>
    tpu.enqueue_indirect_dma source(%arg8 : memref<80x128xf32, #tpu.memory_space<vmem>>) target(%dma_start3A_1877 : memref<520x128xf32, #tpu.memory_space<vmem_shared>>) offsets(%dma_start3A_1874 : memref<80xi32, #tpu.memory_space<vmem>>) semaphore(%arg21 : memref<!tpu.dma_semaphore, #tpu.memory_space<semaphore_mem>>) {add = true}
    %add3A_1878 = arith.constant 576 : i32
    %add3A_1879 = arith.addi %add3A, %add3A_1878 : i32
    %lt3A_1880 = arith.constant 625 : i32
    %lt3A_1881 = arith.cmpi slt, %add3A_1879, %lt3A_1880 : i32
    %jit3A_1882 = arith.constant 0 : i32
    %select_n3A_1883 = arith.select %lt3A_1881, %add3A_1879, %jit3A_1882 : i32
    %mul3A_1884 = arith.constant 80 : i32
    %mul3A_1885 = arith.muli %select_n3A_1883, %mul3A_1884 : i32
    %mul3A_1886 = arith.constant 80 : i32
    %mul3A_1887 = arith.muli %add3A_1879, %mul3A_1886 : i32
    %jit3A_1888 = arith.constant 50000 : i32
    %select_n3A_1889 = arith.select %lt3A_1881, %mul3A_1887, %jit3A_1888 : i32
    %dma_wait3A_1890 = arith.constant 2 : i32
    %dma_wait3A_1891 = arith.constant 0 : i32
    %dma_wait3A_1892 = arith.constant 0 : i32
    %dma_wait3A_1893 = tpu.memref_slice %arg6[%dma_wait3A_1890, %dma_wait3A_1891, %dma_wait3A_1892] : memref<8x80x128xf32, #tpu.memory_space<vmem>> -> memref<1x80x128xf32, #tpu.memory_space<vmem>>
    %dma_wait3A_1894 = tpu.memref_squeeze %dma_wait3A_1893 : memref<1x80x128xf32, #tpu.memory_space<vmem>> -> memref<80x128xf32, #tpu.memory_space<vmem>>
    %dma_wait3A_1895 = arith.constant 0 : i32
    %dma_wait3A_1896 = tpu.memref_slice %arg2[%mul3A_1885, %dma_wait3A_1895] : memref<50000x128xf32, #tpu.memory_space<hbm>> -> memref<80x128xf32, #tpu.memory_space<hbm>>
    %dma_wait3A_1897 = arith.constant 0 : i32
    %dma_wait3A_1898 = arith.constant 0 : i32
    %dma_wait3A_1899 = tpu.memref_slice %arg6[%dma_wait3A_1890, %dma_wait3A_1897, %dma_wait3A_1898] : memref<8x80x128xf32, #tpu.memory_space<vmem>> -> memref<1x80x128xf32, #tpu.memory_space<vmem>>
    %dma_wait3A_1900 = tpu.memref_squeeze %dma_wait3A_1899 : memref<1x80x128xf32, #tpu.memory_space<vmem>> -> memref<80x128xf32, #tpu.memory_space<vmem>>
    %dma_wait3A_1901 = arith.constant 0 : i32
    %dma_wait3A_1902 = tpu.memref_slice %arg2[%mul3A_1885, %dma_wait3A_1901] : memref<50000x128xf32, #tpu.memory_space<hbm>> -> memref<80x128xf32, #tpu.memory_space<hbm>>
    tpu.wait_dma2 semaphore(%arg14 : memref<!tpu.dma_semaphore, #tpu.memory_space<semaphore_mem>>) src(%dma_wait3A_1902 : memref<80x128xf32, #tpu.memory_space<hbm>>) dst(%dma_wait3A_1900 : memref<80x128xf32, #tpu.memory_space<vmem>>)
    %dma_wait3A_1903 = arith.constant 2 : i32
    %dma_wait3A_1904 = arith.constant 0 : i32
    %dma_wait3A_1905 = tpu.memref_slice %arg7[%dma_wait3A_1903, %dma_wait3A_1904] : memref<8x80xi32, #tpu.memory_space<vmem>> -> memref<1x80xi32, #tpu.memory_space<vmem>>
    %dma_wait3A_1906 = tpu.memref_squeeze %dma_wait3A_1905 : memref<1x80xi32, #tpu.memory_space<vmem>> -> memref<80xi32, #tpu.memory_space<vmem>>
    %dma_wait3A_1907 = tpu.memref_slice %arg3[%select_n3A_1889] : memref<50080xi32, #tpu.memory_space<hbm>> -> memref<80xi32, #tpu.memory_space<hbm>>
    %dma_wait3A_1908 = arith.constant 0 : i32
    %dma_wait3A_1909 = tpu.memref_slice %arg7[%dma_wait3A_1903, %dma_wait3A_1908] : memref<8x80xi32, #tpu.memory_space<vmem>> -> memref<1x80xi32, #tpu.memory_space<vmem>>
    %dma_wait3A_1910 = tpu.memref_squeeze %dma_wait3A_1909 : memref<1x80xi32, #tpu.memory_space<vmem>> -> memref<80xi32, #tpu.memory_space<vmem>>
    %dma_wait3A_1911 = tpu.memref_slice %arg3[%select_n3A_1889] : memref<50080xi32, #tpu.memory_space<hbm>> -> memref<80xi32, #tpu.memory_space<hbm>>
    tpu.wait_dma2 semaphore(%arg14 : memref<!tpu.dma_semaphore, #tpu.memory_space<semaphore_mem>>) src(%dma_wait3A_1911 : memref<80xi32, #tpu.memory_space<hbm>>) dst(%dma_wait3A_1910 : memref<80xi32, #tpu.memory_space<vmem>>)
    %dma_start3A_1912 = arith.constant 2 : i32
    %dma_start3A_1913 = arith.constant 2 : i32
    %dma_start3A_1914 = arith.constant 0 : i32
    %dma_start3A_1915 = arith.constant 0 : i32
    %dma_start3A_1916 = tpu.memref_slice %arg6[%dma_start3A_1912, %dma_start3A_1914, %dma_start3A_1915] : memref<8x80x128xf32, #tpu.memory_space<vmem>> -> memref<1x80x128xf32, #tpu.memory_space<vmem>>
    %dma_start3A_1917 = tpu.memref_squeeze %dma_start3A_1916 : memref<1x80x128xf32, #tpu.memory_space<vmem>> -> memref<80x128xf32, #tpu.memory_space<vmem>>
    %dma_start3A_1918 = arith.constant 0 : i32
    %dma_start3A_1919 = tpu.memref_slice %arg7[%dma_start3A_1913, %dma_start3A_1918] : memref<8x80xi32, #tpu.memory_space<vmem>> -> memref<1x80xi32, #tpu.memory_space<vmem>>
    %dma_start3A_1920 = tpu.memref_squeeze %dma_start3A_1919 : memref<1x80xi32, #tpu.memory_space<vmem>> -> memref<80xi32, #tpu.memory_space<vmem>>
    %dma_start3A_1921 = arith.constant 0 : i32
    %dma_start3A_1922 = arith.constant 0 : i32
    %dma_start3A_1923 = tpu.memref_slice %arg10[%dma_start3A_1921, %dma_start3A_1922] : memref<520x128xf32, #tpu.memory_space<vmem_shared>> -> memref<520x128xf32, #tpu.memory_space<vmem_shared>>
    tpu.enqueue_indirect_dma source(%dma_start3A_1917 : memref<80x128xf32, #tpu.memory_space<vmem>>) target(%dma_start3A_1923 : memref<520x128xf32, #tpu.memory_space<vmem_shared>>) offsets(%dma_start3A_1920 : memref<80xi32, #tpu.memory_space<vmem>>) semaphore(%arg22 : memref<!tpu.dma_semaphore, #tpu.memory_space<semaphore_mem>>) {add = true}
    %dma_start3A_1924 = arith.constant 2 : i32
    %dma_start3A_1925 = arith.constant 0 : i32
    %dma_start3A_1926 = tpu.memref_slice %arg7[%dma_start3A_1924, %dma_start3A_1925] : memref<8x80xi32, #tpu.memory_space<vmem>> -> memref<1x80xi32, #tpu.memory_space<vmem>>
    %dma_start3A_1927 = tpu.memref_squeeze %dma_start3A_1926 : memref<1x80xi32, #tpu.memory_space<vmem>> -> memref<80xi32, #tpu.memory_space<vmem>>
    %dma_start3A_1928 = arith.constant 0 : i32
    %dma_start3A_1929 = arith.constant 0 : i32
    %dma_start3A_1930 = tpu.memref_slice %arg11[%dma_start3A_1928, %dma_start3A_1929] : memref<520x128xf32, #tpu.memory_space<vmem_shared>> -> memref<520x128xf32, #tpu.memory_space<vmem_shared>>
    tpu.enqueue_indirect_dma source(%arg8 : memref<80x128xf32, #tpu.memory_space<vmem>>) target(%dma_start3A_1930 : memref<520x128xf32, #tpu.memory_space<vmem_shared>>) offsets(%dma_start3A_1927 : memref<80xi32, #tpu.memory_space<vmem>>) semaphore(%arg22 : memref<!tpu.dma_semaphore, #tpu.memory_space<semaphore_mem>>) {add = true}
    %add3A_1931 = arith.constant 608 : i32
    %add3A_1932 = arith.addi %add3A, %add3A_1931 : i32
    %lt3A_1933 = arith.constant 625 : i32
    %lt3A_1934 = arith.cmpi slt, %add3A_1932, %lt3A_1933 : i32
    %jit3A_1935 = arith.constant 0 : i32
    %select_n3A_1936 = arith.select %lt3A_1934, %add3A_1932, %jit3A_1935 : i32
    %mul3A_1937 = arith.constant 80 : i32
    %mul3A_1938 = arith.muli %select_n3A_1936, %mul3A_1937 : i32
    %mul3A_1939 = arith.constant 80 : i32
    %mul3A_1940 = arith.muli %add3A_1932, %mul3A_1939 : i32
    %jit3A_1941 = arith.constant 50000 : i32
    %select_n3A_1942 = arith.select %lt3A_1934, %mul3A_1940, %jit3A_1941 : i32
    %dma_wait3A_1943 = arith.constant 3 : i32
    %dma_wait3A_1944 = arith.constant 0 : i32
    %dma_wait3A_1945 = arith.constant 0 : i32
    %dma_wait3A_1946 = tpu.memref_slice %arg6[%dma_wait3A_1943, %dma_wait3A_1944, %dma_wait3A_1945] : memref<8x80x128xf32, #tpu.memory_space<vmem>> -> memref<1x80x128xf32, #tpu.memory_space<vmem>>
    %dma_wait3A_1947 = tpu.memref_squeeze %dma_wait3A_1946 : memref<1x80x128xf32, #tpu.memory_space<vmem>> -> memref<80x128xf32, #tpu.memory_space<vmem>>
    %dma_wait3A_1948 = arith.constant 0 : i32
    %dma_wait3A_1949 = tpu.memref_slice %arg2[%mul3A_1938, %dma_wait3A_1948] : memref<50000x128xf32, #tpu.memory_space<hbm>> -> memref<80x128xf32, #tpu.memory_space<hbm>>
    %dma_wait3A_1950 = arith.constant 0 : i32
    %dma_wait3A_1951 = arith.constant 0 : i32
    %dma_wait3A_1952 = tpu.memref_slice %arg6[%dma_wait3A_1943, %dma_wait3A_1950, %dma_wait3A_1951] : memref<8x80x128xf32, #tpu.memory_space<vmem>> -> memref<1x80x128xf32, #tpu.memory_space<vmem>>
    %dma_wait3A_1953 = tpu.memref_squeeze %dma_wait3A_1952 : memref<1x80x128xf32, #tpu.memory_space<vmem>> -> memref<80x128xf32, #tpu.memory_space<vmem>>
    %dma_wait3A_1954 = arith.constant 0 : i32
    %dma_wait3A_1955 = tpu.memref_slice %arg2[%mul3A_1938, %dma_wait3A_1954] : memref<50000x128xf32, #tpu.memory_space<hbm>> -> memref<80x128xf32, #tpu.memory_space<hbm>>
    tpu.wait_dma2 semaphore(%arg15 : memref<!tpu.dma_semaphore, #tpu.memory_space<semaphore_mem>>) src(%dma_wait3A_1955 : memref<80x128xf32, #tpu.memory_space<hbm>>) dst(%dma_wait3A_1953 : memref<80x128xf32, #tpu.memory_space<vmem>>)
    %dma_wait3A_1956 = arith.constant 3 : i32
    %dma_wait3A_1957 = arith.constant 0 : i32
    %dma_wait3A_1958 = tpu.memref_slice %arg7[%dma_wait3A_1956, %dma_wait3A_1957] : memref<8x80xi32, #tpu.memory_space<vmem>> -> memref<1x80xi32, #tpu.memory_space<vmem>>
    %dma_wait3A_1959 = tpu.memref_squeeze %dma_wait3A_1958 : memref<1x80xi32, #tpu.memory_space<vmem>> -> memref<80xi32, #tpu.memory_space<vmem>>
    %dma_wait3A_1960 = tpu.memref_slice %arg3[%select_n3A_1942] : memref<50080xi32, #tpu.memory_space<hbm>> -> memref<80xi32, #tpu.memory_space<hbm>>
    %dma_wait3A_1961 = arith.constant 0 : i32
    %dma_wait3A_1962 = tpu.memref_slice %arg7[%dma_wait3A_1956, %dma_wait3A_1961] : memref<8x80xi32, #tpu.memory_space<vmem>> -> memref<1x80xi32, #tpu.memory_space<vmem>>
    %dma_wait3A_1963 = tpu.memref_squeeze %dma_wait3A_1962 : memref<1x80xi32, #tpu.memory_space<vmem>> -> memref<80xi32, #tpu.memory_space<vmem>>
    %dma_wait3A_1964 = tpu.memref_slice %arg3[%select_n3A_1942] : memref<50080xi32, #tpu.memory_space<hbm>> -> memref<80xi32, #tpu.memory_space<hbm>>
    tpu.wait_dma2 semaphore(%arg15 : memref<!tpu.dma_semaphore, #tpu.memory_space<semaphore_mem>>) src(%dma_wait3A_1964 : memref<80xi32, #tpu.memory_space<hbm>>) dst(%dma_wait3A_1963 : memref<80xi32, #tpu.memory_space<vmem>>)
    %dma_start3A_1965 = arith.constant 3 : i32
    %dma_start3A_1966 = arith.constant 3 : i32
    %dma_start3A_1967 = arith.constant 0 : i32
    %dma_start3A_1968 = arith.constant 0 : i32
    %dma_start3A_1969 = tpu.memref_slice %arg6[%dma_start3A_1965, %dma_start3A_1967, %dma_start3A_1968] : memref<8x80x128xf32, #tpu.memory_space<vmem>> -> memref<1x80x128xf32, #tpu.memory_space<vmem>>
    %dma_start3A_1970 = tpu.memref_squeeze %dma_start3A_1969 : memref<1x80x128xf32, #tpu.memory_space<vmem>> -> memref<80x128xf32, #tpu.memory_space<vmem>>
    %dma_start3A_1971 = arith.constant 0 : i32
    %dma_start3A_1972 = tpu.memref_slice %arg7[%dma_start3A_1966, %dma_start3A_1971] : memref<8x80xi32, #tpu.memory_space<vmem>> -> memref<1x80xi32, #tpu.memory_space<vmem>>
    %dma_start3A_1973 = tpu.memref_squeeze %dma_start3A_1972 : memref<1x80xi32, #tpu.memory_space<vmem>> -> memref<80xi32, #tpu.memory_space<vmem>>
    %dma_start3A_1974 = arith.constant 0 : i32
    %dma_start3A_1975 = arith.constant 0 : i32
    %dma_start3A_1976 = tpu.memref_slice %arg10[%dma_start3A_1974, %dma_start3A_1975] : memref<520x128xf32, #tpu.memory_space<vmem_shared>> -> memref<520x128xf32, #tpu.memory_space<vmem_shared>>
    tpu.enqueue_indirect_dma source(%dma_start3A_1970 : memref<80x128xf32, #tpu.memory_space<vmem>>) target(%dma_start3A_1976 : memref<520x128xf32, #tpu.memory_space<vmem_shared>>) offsets(%dma_start3A_1973 : memref<80xi32, #tpu.memory_space<vmem>>) semaphore(%arg23 : memref<!tpu.dma_semaphore, #tpu.memory_space<semaphore_mem>>) {add = true}
    %dma_start3A_1977 = arith.constant 3 : i32
    %dma_start3A_1978 = arith.constant 0 : i32
    %dma_start3A_1979 = tpu.memref_slice %arg7[%dma_start3A_1977, %dma_start3A_1978] : memref<8x80xi32, #tpu.memory_space<vmem>> -> memref<1x80xi32, #tpu.memory_space<vmem>>
    %dma_start3A_1980 = tpu.memref_squeeze %dma_start3A_1979 : memref<1x80xi32, #tpu.memory_space<vmem>> -> memref<80xi32, #tpu.memory_space<vmem>>
    %dma_start3A_1981 = arith.constant 0 : i32
    %dma_start3A_1982 = arith.constant 0 : i32
    %dma_start3A_1983 = tpu.memref_slice %arg11[%dma_start3A_1981, %dma_start3A_1982] : memref<520x128xf32, #tpu.memory_space<vmem_shared>> -> memref<520x128xf32, #tpu.memory_space<vmem_shared>>
    tpu.enqueue_indirect_dma source(%arg8 : memref<80x128xf32, #tpu.memory_space<vmem>>) target(%dma_start3A_1983 : memref<520x128xf32, #tpu.memory_space<vmem_shared>>) offsets(%dma_start3A_1980 : memref<80xi32, #tpu.memory_space<vmem>>) semaphore(%arg23 : memref<!tpu.dma_semaphore, #tpu.memory_space<semaphore_mem>>) {add = true}
    %dma_wait3A_1984 = arith.constant 4 : i32
    %dma_wait3A_1985 = arith.constant 4 : i32
    %dma_wait3A_1986 = arith.constant 0 : i32
    %dma_wait3A_1987 = arith.constant 0 : i32
    %dma_wait3A_1988 = tpu.memref_slice %arg6[%dma_wait3A_1984, %dma_wait3A_1986, %dma_wait3A_1987] : memref<8x80x128xf32, #tpu.memory_space<vmem>> -> memref<1x80x128xf32, #tpu.memory_space<vmem>>
    %dma_wait3A_1989 = tpu.memref_squeeze %dma_wait3A_1988 : memref<1x80x128xf32, #tpu.memory_space<vmem>> -> memref<80x128xf32, #tpu.memory_space<vmem>>
    %dma_wait3A_1990 = arith.constant 0 : i32
    %dma_wait3A_1991 = tpu.memref_slice %arg7[%dma_wait3A_1985, %dma_wait3A_1990] : memref<8x80xi32, #tpu.memory_space<vmem>> -> memref<1x80xi32, #tpu.memory_space<vmem>>
    %dma_wait3A_1992 = tpu.memref_squeeze %dma_wait3A_1991 : memref<1x80xi32, #tpu.memory_space<vmem>> -> memref<80xi32, #tpu.memory_space<vmem>>
    %dma_wait3A_1993 = arith.constant 0 : i32
    %dma_wait3A_1994 = arith.constant 0 : i32
    %dma_wait3A_1995 = tpu.memref_slice %arg10[%dma_wait3A_1993, %dma_wait3A_1994] : memref<520x128xf32, #tpu.memory_space<vmem_shared>> -> memref<520x128xf32, #tpu.memory_space<vmem_shared>>
    tpu.wait_indirect_dma semaphore(%arg24 : memref<!tpu.dma_semaphore, #tpu.memory_space<semaphore_mem>>) src(%dma_wait3A_1989 : memref<80x128xf32, #tpu.memory_space<vmem>>) dst(%dma_wait3A_1995 : memref<520x128xf32, #tpu.memory_space<vmem_shared>>)
    %dma_wait3A_1996 = arith.constant 4 : i32
    %dma_wait3A_1997 = arith.constant 0 : i32
    %dma_wait3A_1998 = tpu.memref_slice %arg7[%dma_wait3A_1996, %dma_wait3A_1997] : memref<8x80xi32, #tpu.memory_space<vmem>> -> memref<1x80xi32, #tpu.memory_space<vmem>>
    %dma_wait3A_1999 = tpu.memref_squeeze %dma_wait3A_1998 : memref<1x80xi32, #tpu.memory_space<vmem>> -> memref<80xi32, #tpu.memory_space<vmem>>
    %dma_wait3A_2000 = arith.constant 0 : i32
    %dma_wait3A_2001 = arith.constant 0 : i32
    %dma_wait3A_2002 = tpu.memref_slice %arg11[%dma_wait3A_2000, %dma_wait3A_2001] : memref<520x128xf32, #tpu.memory_space<vmem_shared>> -> memref<520x128xf32, #tpu.memory_space<vmem_shared>>
    tpu.wait_indirect_dma semaphore(%arg24 : memref<!tpu.dma_semaphore, #tpu.memory_space<semaphore_mem>>) src(%arg8 : memref<80x128xf32, #tpu.memory_space<vmem>>) dst(%dma_wait3A_2002 : memref<520x128xf32, #tpu.memory_space<vmem_shared>>)
    %dma_wait3A_2003 = arith.constant 5 : i32
    %dma_wait3A_2004 = arith.constant 5 : i32
    %dma_wait3A_2005 = arith.constant 0 : i32
    %dma_wait3A_2006 = arith.constant 0 : i32
    %dma_wait3A_2007 = tpu.memref_slice %arg6[%dma_wait3A_2003, %dma_wait3A_2005, %dma_wait3A_2006] : memref<8x80x128xf32, #tpu.memory_space<vmem>> -> memref<1x80x128xf32, #tpu.memory_space<vmem>>
    %dma_wait3A_2008 = tpu.memref_squeeze %dma_wait3A_2007 : memref<1x80x128xf32, #tpu.memory_space<vmem>> -> memref<80x128xf32, #tpu.memory_space<vmem>>
    %dma_wait3A_2009 = arith.constant 0 : i32
    %dma_wait3A_2010 = tpu.memref_slice %arg7[%dma_wait3A_2004, %dma_wait3A_2009] : memref<8x80xi32, #tpu.memory_space<vmem>> -> memref<1x80xi32, #tpu.memory_space<vmem>>
    %dma_wait3A_2011 = tpu.memref_squeeze %dma_wait3A_2010 : memref<1x80xi32, #tpu.memory_space<vmem>> -> memref<80xi32, #tpu.memory_space<vmem>>
    %dma_wait3A_2012 = arith.constant 0 : i32
    %dma_wait3A_2013 = arith.constant 0 : i32
    %dma_wait3A_2014 = tpu.memref_slice %arg10[%dma_wait3A_2012, %dma_wait3A_2013] : memref<520x128xf32, #tpu.memory_space<vmem_shared>> -> memref<520x128xf32, #tpu.memory_space<vmem_shared>>
    tpu.wait_indirect_dma semaphore(%arg25 : memref<!tpu.dma_semaphore, #tpu.memory_space<semaphore_mem>>) src(%dma_wait3A_2008 : memref<80x128xf32, #tpu.memory_space<vmem>>) dst(%dma_wait3A_2014 : memref<520x128xf32, #tpu.memory_space<vmem_shared>>)
    %dma_wait3A_2015 = arith.constant 5 : i32
    %dma_wait3A_2016 = arith.constant 0 : i32
    %dma_wait3A_2017 = tpu.memref_slice %arg7[%dma_wait3A_2015, %dma_wait3A_2016] : memref<8x80xi32, #tpu.memory_space<vmem>> -> memref<1x80xi32, #tpu.memory_space<vmem>>
    %dma_wait3A_2018 = tpu.memref_squeeze %dma_wait3A_2017 : memref<1x80xi32, #tpu.memory_space<vmem>> -> memref<80xi32, #tpu.memory_space<vmem>>
    %dma_wait3A_2019 = arith.constant 0 : i32
    %dma_wait3A_2020 = arith.constant 0 : i32
    %dma_wait3A_2021 = tpu.memref_slice %arg11[%dma_wait3A_2019, %dma_wait3A_2020] : memref<520x128xf32, #tpu.memory_space<vmem_shared>> -> memref<520x128xf32, #tpu.memory_space<vmem_shared>>
    tpu.wait_indirect_dma semaphore(%arg25 : memref<!tpu.dma_semaphore, #tpu.memory_space<semaphore_mem>>) src(%arg8 : memref<80x128xf32, #tpu.memory_space<vmem>>) dst(%dma_wait3A_2021 : memref<520x128xf32, #tpu.memory_space<vmem_shared>>)
    %dma_wait3A_2022 = arith.constant 6 : i32
    %dma_wait3A_2023 = arith.constant 6 : i32
    %dma_wait3A_2024 = arith.constant 0 : i32
    %dma_wait3A_2025 = arith.constant 0 : i32
    %dma_wait3A_2026 = tpu.memref_slice %arg6[%dma_wait3A_2022, %dma_wait3A_2024, %dma_wait3A_2025] : memref<8x80x128xf32, #tpu.memory_space<vmem>> -> memref<1x80x128xf32, #tpu.memory_space<vmem>>
    %dma_wait3A_2027 = tpu.memref_squeeze %dma_wait3A_2026 : memref<1x80x128xf32, #tpu.memory_space<vmem>> -> memref<80x128xf32, #tpu.memory_space<vmem>>
    %dma_wait3A_2028 = arith.constant 0 : i32
    %dma_wait3A_2029 = tpu.memref_slice %arg7[%dma_wait3A_2023, %dma_wait3A_2028] : memref<8x80xi32, #tpu.memory_space<vmem>> -> memref<1x80xi32, #tpu.memory_space<vmem>>
    %dma_wait3A_2030 = tpu.memref_squeeze %dma_wait3A_2029 : memref<1x80xi32, #tpu.memory_space<vmem>> -> memref<80xi32, #tpu.memory_space<vmem>>
    %dma_wait3A_2031 = arith.constant 0 : i32
    %dma_wait3A_2032 = arith.constant 0 : i32
    %dma_wait3A_2033 = tpu.memref_slice %arg10[%dma_wait3A_2031, %dma_wait3A_2032] : memref<520x128xf32, #tpu.memory_space<vmem_shared>> -> memref<520x128xf32, #tpu.memory_space<vmem_shared>>
    tpu.wait_indirect_dma semaphore(%arg26 : memref<!tpu.dma_semaphore, #tpu.memory_space<semaphore_mem>>) src(%dma_wait3A_2027 : memref<80x128xf32, #tpu.memory_space<vmem>>) dst(%dma_wait3A_2033 : memref<520x128xf32, #tpu.memory_space<vmem_shared>>)
    %dma_wait3A_2034 = arith.constant 6 : i32
    %dma_wait3A_2035 = arith.constant 0 : i32
    %dma_wait3A_2036 = tpu.memref_slice %arg7[%dma_wait3A_2034, %dma_wait3A_2035] : memref<8x80xi32, #tpu.memory_space<vmem>> -> memref<1x80xi32, #tpu.memory_space<vmem>>
    %dma_wait3A_2037 = tpu.memref_squeeze %dma_wait3A_2036 : memref<1x80xi32, #tpu.memory_space<vmem>> -> memref<80xi32, #tpu.memory_space<vmem>>
    %dma_wait3A_2038 = arith.constant 0 : i32
    %dma_wait3A_2039 = arith.constant 0 : i32
    %dma_wait3A_2040 = tpu.memref_slice %arg11[%dma_wait3A_2038, %dma_wait3A_2039] : memref<520x128xf32, #tpu.memory_space<vmem_shared>> -> memref<520x128xf32, #tpu.memory_space<vmem_shared>>
    tpu.wait_indirect_dma semaphore(%arg26 : memref<!tpu.dma_semaphore, #tpu.memory_space<semaphore_mem>>) src(%arg8 : memref<80x128xf32, #tpu.memory_space<vmem>>) dst(%dma_wait3A_2040 : memref<520x128xf32, #tpu.memory_space<vmem_shared>>)
    %dma_wait3A_2041 = arith.constant 7 : i32
    %dma_wait3A_2042 = arith.constant 7 : i32
    %dma_wait3A_2043 = arith.constant 0 : i32
    %dma_wait3A_2044 = arith.constant 0 : i32
    %dma_wait3A_2045 = tpu.memref_slice %arg6[%dma_wait3A_2041, %dma_wait3A_2043, %dma_wait3A_2044] : memref<8x80x128xf32, #tpu.memory_space<vmem>> -> memref<1x80x128xf32, #tpu.memory_space<vmem>>
    %dma_wait3A_2046 = tpu.memref_squeeze %dma_wait3A_2045 : memref<1x80x128xf32, #tpu.memory_space<vmem>> -> memref<80x128xf32, #tpu.memory_space<vmem>>
    %dma_wait3A_2047 = arith.constant 0 : i32
    %dma_wait3A_2048 = tpu.memref_slice %arg7[%dma_wait3A_2042, %dma_wait3A_2047] : memref<8x80xi32, #tpu.memory_space<vmem>> -> memref<1x80xi32, #tpu.memory_space<vmem>>
    %dma_wait3A_2049 = tpu.memref_squeeze %dma_wait3A_2048 : memref<1x80xi32, #tpu.memory_space<vmem>> -> memref<80xi32, #tpu.memory_space<vmem>>
    %dma_wait3A_2050 = arith.constant 0 : i32
    %dma_wait3A_2051 = arith.constant 0 : i32
    %dma_wait3A_2052 = tpu.memref_slice %arg10[%dma_wait3A_2050, %dma_wait3A_2051] : memref<520x128xf32, #tpu.memory_space<vmem_shared>> -> memref<520x128xf32, #tpu.memory_space<vmem_shared>>
    tpu.wait_indirect_dma semaphore(%arg27 : memref<!tpu.dma_semaphore, #tpu.memory_space<semaphore_mem>>) src(%dma_wait3A_2046 : memref<80x128xf32, #tpu.memory_space<vmem>>) dst(%dma_wait3A_2052 : memref<520x128xf32, #tpu.memory_space<vmem_shared>>)
    %dma_wait3A_2053 = arith.constant 7 : i32
    %dma_wait3A_2054 = arith.constant 0 : i32
    %dma_wait3A_2055 = tpu.memref_slice %arg7[%dma_wait3A_2053, %dma_wait3A_2054] : memref<8x80xi32, #tpu.memory_space<vmem>> -> memref<1x80xi32, #tpu.memory_space<vmem>>
    %dma_wait3A_2056 = tpu.memref_squeeze %dma_wait3A_2055 : memref<1x80xi32, #tpu.memory_space<vmem>> -> memref<80xi32, #tpu.memory_space<vmem>>
    %dma_wait3A_2057 = arith.constant 0 : i32
    %dma_wait3A_2058 = arith.constant 0 : i32
    %dma_wait3A_2059 = tpu.memref_slice %arg11[%dma_wait3A_2057, %dma_wait3A_2058] : memref<520x128xf32, #tpu.memory_space<vmem_shared>> -> memref<520x128xf32, #tpu.memory_space<vmem_shared>>
    tpu.wait_indirect_dma semaphore(%arg27 : memref<!tpu.dma_semaphore, #tpu.memory_space<semaphore_mem>>) src(%arg8 : memref<80x128xf32, #tpu.memory_space<vmem>>) dst(%dma_wait3A_2059 : memref<520x128xf32, #tpu.memory_space<vmem_shared>>)
    %dma_wait3A_2060 = arith.constant 0 : i32
    %dma_wait3A_2061 = arith.constant 0 : i32
    %dma_wait3A_2062 = arith.constant 0 : i32
    %dma_wait3A_2063 = arith.constant 0 : i32
    %dma_wait3A_2064 = tpu.memref_slice %arg6[%dma_wait3A_2060, %dma_wait3A_2062, %dma_wait3A_2063] : memref<8x80x128xf32, #tpu.memory_space<vmem>> -> memref<1x80x128xf32, #tpu.memory_space<vmem>>
    %dma_wait3A_2065 = tpu.memref_squeeze %dma_wait3A_2064 : memref<1x80x128xf32, #tpu.memory_space<vmem>> -> memref<80x128xf32, #tpu.memory_space<vmem>>
    %dma_wait3A_2066 = arith.constant 0 : i32
    %dma_wait3A_2067 = tpu.memref_slice %arg7[%dma_wait3A_2061, %dma_wait3A_2066] : memref<8x80xi32, #tpu.memory_space<vmem>> -> memref<1x80xi32, #tpu.memory_space<vmem>>
    %dma_wait3A_2068 = tpu.memref_squeeze %dma_wait3A_2067 : memref<1x80xi32, #tpu.memory_space<vmem>> -> memref<80xi32, #tpu.memory_space<vmem>>
    %dma_wait3A_2069 = arith.constant 0 : i32
    %dma_wait3A_2070 = arith.constant 0 : i32
    %dma_wait3A_2071 = tpu.memref_slice %arg10[%dma_wait3A_2069, %dma_wait3A_2070] : memref<520x128xf32, #tpu.memory_space<vmem_shared>> -> memref<520x128xf32, #tpu.memory_space<vmem_shared>>
    tpu.wait_indirect_dma semaphore(%arg20 : memref<!tpu.dma_semaphore, #tpu.memory_space<semaphore_mem>>) src(%dma_wait3A_2065 : memref<80x128xf32, #tpu.memory_space<vmem>>) dst(%dma_wait3A_2071 : memref<520x128xf32, #tpu.memory_space<vmem_shared>>)
    %dma_wait3A_2072 = arith.constant 0 : i32
    %dma_wait3A_2073 = arith.constant 0 : i32
    %dma_wait3A_2074 = tpu.memref_slice %arg7[%dma_wait3A_2072, %dma_wait3A_2073] : memref<8x80xi32, #tpu.memory_space<vmem>> -> memref<1x80xi32, #tpu.memory_space<vmem>>
    %dma_wait3A_2075 = tpu.memref_squeeze %dma_wait3A_2074 : memref<1x80xi32, #tpu.memory_space<vmem>> -> memref<80xi32, #tpu.memory_space<vmem>>
    %dma_wait3A_2076 = arith.constant 0 : i32
    %dma_wait3A_2077 = arith.constant 0 : i32
    %dma_wait3A_2078 = tpu.memref_slice %arg11[%dma_wait3A_2076, %dma_wait3A_2077] : memref<520x128xf32, #tpu.memory_space<vmem_shared>> -> memref<520x128xf32, #tpu.memory_space<vmem_shared>>
    tpu.wait_indirect_dma semaphore(%arg20 : memref<!tpu.dma_semaphore, #tpu.memory_space<semaphore_mem>>) src(%arg8 : memref<80x128xf32, #tpu.memory_space<vmem>>) dst(%dma_wait3A_2078 : memref<520x128xf32, #tpu.memory_space<vmem_shared>>)
    %dma_wait3A_2079 = arith.constant 1 : i32
    %dma_wait3A_2080 = arith.constant 1 : i32
    %dma_wait3A_2081 = arith.constant 0 : i32
    %dma_wait3A_2082 = arith.constant 0 : i32
    %dma_wait3A_2083 = tpu.memref_slice %arg6[%dma_wait3A_2079, %dma_wait3A_2081, %dma_wait3A_2082] : memref<8x80x128xf32, #tpu.memory_space<vmem>> -> memref<1x80x128xf32, #tpu.memory_space<vmem>>
    %dma_wait3A_2084 = tpu.memref_squeeze %dma_wait3A_2083 : memref<1x80x128xf32, #tpu.memory_space<vmem>> -> memref<80x128xf32, #tpu.memory_space<vmem>>
    %dma_wait3A_2085 = arith.constant 0 : i32
    %dma_wait3A_2086 = tpu.memref_slice %arg7[%dma_wait3A_2080, %dma_wait3A_2085] : memref<8x80xi32, #tpu.memory_space<vmem>> -> memref<1x80xi32, #tpu.memory_space<vmem>>
    %dma_wait3A_2087 = tpu.memref_squeeze %dma_wait3A_2086 : memref<1x80xi32, #tpu.memory_space<vmem>> -> memref<80xi32, #tpu.memory_space<vmem>>
    %dma_wait3A_2088 = arith.constant 0 : i32
    %dma_wait3A_2089 = arith.constant 0 : i32
    %dma_wait3A_2090 = tpu.memref_slice %arg10[%dma_wait3A_2088, %dma_wait3A_2089] : memref<520x128xf32, #tpu.memory_space<vmem_shared>> -> memref<520x128xf32, #tpu.memory_space<vmem_shared>>
    tpu.wait_indirect_dma semaphore(%arg21 : memref<!tpu.dma_semaphore, #tpu.memory_space<semaphore_mem>>) src(%dma_wait3A_2084 : memref<80x128xf32, #tpu.memory_space<vmem>>) dst(%dma_wait3A_2090 : memref<520x128xf32, #tpu.memory_space<vmem_shared>>)
    %dma_wait3A_2091 = arith.constant 1 : i32
    %dma_wait3A_2092 = arith.constant 0 : i32
    %dma_wait3A_2093 = tpu.memref_slice %arg7[%dma_wait3A_2091, %dma_wait3A_2092] : memref<8x80xi32, #tpu.memory_space<vmem>> -> memref<1x80xi32, #tpu.memory_space<vmem>>
    %dma_wait3A_2094 = tpu.memref_squeeze %dma_wait3A_2093 : memref<1x80xi32, #tpu.memory_space<vmem>> -> memref<80xi32, #tpu.memory_space<vmem>>
    %dma_wait3A_2095 = arith.constant 0 : i32
    %dma_wait3A_2096 = arith.constant 0 : i32
    %dma_wait3A_2097 = tpu.memref_slice %arg11[%dma_wait3A_2095, %dma_wait3A_2096] : memref<520x128xf32, #tpu.memory_space<vmem_shared>> -> memref<520x128xf32, #tpu.memory_space<vmem_shared>>
    tpu.wait_indirect_dma semaphore(%arg21 : memref<!tpu.dma_semaphore, #tpu.memory_space<semaphore_mem>>) src(%arg8 : memref<80x128xf32, #tpu.memory_space<vmem>>) dst(%dma_wait3A_2097 : memref<520x128xf32, #tpu.memory_space<vmem_shared>>)
    %dma_wait3A_2098 = arith.constant 2 : i32
    %dma_wait3A_2099 = arith.constant 2 : i32
    %dma_wait3A_2100 = arith.constant 0 : i32
    %dma_wait3A_2101 = arith.constant 0 : i32
    %dma_wait3A_2102 = tpu.memref_slice %arg6[%dma_wait3A_2098, %dma_wait3A_2100, %dma_wait3A_2101] : memref<8x80x128xf32, #tpu.memory_space<vmem>> -> memref<1x80x128xf32, #tpu.memory_space<vmem>>
    %dma_wait3A_2103 = tpu.memref_squeeze %dma_wait3A_2102 : memref<1x80x128xf32, #tpu.memory_space<vmem>> -> memref<80x128xf32, #tpu.memory_space<vmem>>
    %dma_wait3A_2104 = arith.constant 0 : i32
    %dma_wait3A_2105 = tpu.memref_slice %arg7[%dma_wait3A_2099, %dma_wait3A_2104] : memref<8x80xi32, #tpu.memory_space<vmem>> -> memref<1x80xi32, #tpu.memory_space<vmem>>
    %dma_wait3A_2106 = tpu.memref_squeeze %dma_wait3A_2105 : memref<1x80xi32, #tpu.memory_space<vmem>> -> memref<80xi32, #tpu.memory_space<vmem>>
    %dma_wait3A_2107 = arith.constant 0 : i32
    %dma_wait3A_2108 = arith.constant 0 : i32
    %dma_wait3A_2109 = tpu.memref_slice %arg10[%dma_wait3A_2107, %dma_wait3A_2108] : memref<520x128xf32, #tpu.memory_space<vmem_shared>> -> memref<520x128xf32, #tpu.memory_space<vmem_shared>>
    tpu.wait_indirect_dma semaphore(%arg22 : memref<!tpu.dma_semaphore, #tpu.memory_space<semaphore_mem>>) src(%dma_wait3A_2103 : memref<80x128xf32, #tpu.memory_space<vmem>>) dst(%dma_wait3A_2109 : memref<520x128xf32, #tpu.memory_space<vmem_shared>>)
    %dma_wait3A_2110 = arith.constant 2 : i32
    %dma_wait3A_2111 = arith.constant 0 : i32
    %dma_wait3A_2112 = tpu.memref_slice %arg7[%dma_wait3A_2110, %dma_wait3A_2111] : memref<8x80xi32, #tpu.memory_space<vmem>> -> memref<1x80xi32, #tpu.memory_space<vmem>>
    %dma_wait3A_2113 = tpu.memref_squeeze %dma_wait3A_2112 : memref<1x80xi32, #tpu.memory_space<vmem>> -> memref<80xi32, #tpu.memory_space<vmem>>
    %dma_wait3A_2114 = arith.constant 0 : i32
    %dma_wait3A_2115 = arith.constant 0 : i32
    %dma_wait3A_2116 = tpu.memref_slice %arg11[%dma_wait3A_2114, %dma_wait3A_2115] : memref<520x128xf32, #tpu.memory_space<vmem_shared>> -> memref<520x128xf32, #tpu.memory_space<vmem_shared>>
    tpu.wait_indirect_dma semaphore(%arg22 : memref<!tpu.dma_semaphore, #tpu.memory_space<semaphore_mem>>) src(%arg8 : memref<80x128xf32, #tpu.memory_space<vmem>>) dst(%dma_wait3A_2116 : memref<520x128xf32, #tpu.memory_space<vmem_shared>>)
    %dma_wait3A_2117 = arith.constant 3 : i32
    %dma_wait3A_2118 = arith.constant 3 : i32
    %dma_wait3A_2119 = arith.constant 0 : i32
    %dma_wait3A_2120 = arith.constant 0 : i32
    %dma_wait3A_2121 = tpu.memref_slice %arg6[%dma_wait3A_2117, %dma_wait3A_2119, %dma_wait3A_2120] : memref<8x80x128xf32, #tpu.memory_space<vmem>> -> memref<1x80x128xf32, #tpu.memory_space<vmem>>
    %dma_wait3A_2122 = tpu.memref_squeeze %dma_wait3A_2121 : memref<1x80x128xf32, #tpu.memory_space<vmem>> -> memref<80x128xf32, #tpu.memory_space<vmem>>
    %dma_wait3A_2123 = arith.constant 0 : i32
    %dma_wait3A_2124 = tpu.memref_slice %arg7[%dma_wait3A_2118, %dma_wait3A_2123] : memref<8x80xi32, #tpu.memory_space<vmem>> -> memref<1x80xi32, #tpu.memory_space<vmem>>
    %dma_wait3A_2125 = tpu.memref_squeeze %dma_wait3A_2124 : memref<1x80xi32, #tpu.memory_space<vmem>> -> memref<80xi32, #tpu.memory_space<vmem>>
    %dma_wait3A_2126 = arith.constant 0 : i32
    %dma_wait3A_2127 = arith.constant 0 : i32
    %dma_wait3A_2128 = tpu.memref_slice %arg10[%dma_wait3A_2126, %dma_wait3A_2127] : memref<520x128xf32, #tpu.memory_space<vmem_shared>> -> memref<520x128xf32, #tpu.memory_space<vmem_shared>>
    tpu.wait_indirect_dma semaphore(%arg23 : memref<!tpu.dma_semaphore, #tpu.memory_space<semaphore_mem>>) src(%dma_wait3A_2122 : memref<80x128xf32, #tpu.memory_space<vmem>>) dst(%dma_wait3A_2128 : memref<520x128xf32, #tpu.memory_space<vmem_shared>>)
    %dma_wait3A_2129 = arith.constant 3 : i32
    %dma_wait3A_2130 = arith.constant 0 : i32
    %dma_wait3A_2131 = tpu.memref_slice %arg7[%dma_wait3A_2129, %dma_wait3A_2130] : memref<8x80xi32, #tpu.memory_space<vmem>> -> memref<1x80xi32, #tpu.memory_space<vmem>>
    %dma_wait3A_2132 = tpu.memref_squeeze %dma_wait3A_2131 : memref<1x80xi32, #tpu.memory_space<vmem>> -> memref<80xi32, #tpu.memory_space<vmem>>
    %dma_wait3A_2133 = arith.constant 0 : i32
    %dma_wait3A_2134 = arith.constant 0 : i32
    %dma_wait3A_2135 = tpu.memref_slice %arg11[%dma_wait3A_2133, %dma_wait3A_2134] : memref<520x128xf32, #tpu.memory_space<vmem_shared>> -> memref<520x128xf32, #tpu.memory_space<vmem_shared>>
    tpu.wait_indirect_dma semaphore(%arg23 : memref<!tpu.dma_semaphore, #tpu.memory_space<semaphore_mem>>) src(%arg8 : memref<80x128xf32, #tpu.memory_space<vmem>>) dst(%dma_wait3A_2135 : memref<520x128xf32, #tpu.memory_space<vmem_shared>>)
    %barrier3A_2136 = arith.constant 0 : index
    tpu.barrier barrier_id(%barrier3A_2136)
    %mul3A_2137 = arith.constant 512 : i32
    %mul3A_2138 = arith.muli %arg0, %mul3A_2137 : i32
    %mul3A_2139 = arith.constant 32 : i32
    %mul3A_2140 = arith.muli %arg1, %mul3A_2139 : i32
    %add3A_2141 = arith.addi %mul3A_2138, %mul3A_2140 : i32
    %mul3A_2142 = arith.constant 32 : i32
    %mul3A_2143 = arith.muli %arg1, %mul3A_2142 : i32
    "tpu.region"() ({
      %run_scoped3A = tpu.sem_alloc : memref<!tpu.dma_semaphore, #tpu.memory_space<semaphore_mem>>
      %dma_start3A_2146 = arith.constant 0 : i32
      %dma_start3A_2147 = tpu.memref_slice %arg10[%mul3A_2143, %dma_start3A_2146] : memref<520x128xf32, #tpu.memory_space<vmem_shared>> -> memref<32x128xf32, #tpu.memory_space<vmem_shared>>
      %dma_start3A_2148 = arith.constant 0 : i32
      %dma_start3A_2149 = tpu.memref_slice %arg10[%mul3A_2143, %dma_start3A_2148] : memref<520x128xf32, #tpu.memory_space<vmem_shared>> -> memref<32x128xf32, #tpu.memory_space<vmem_shared>>
      tpu.enqueue_dma source(%dma_start3A_2149 : memref<32x128xf32, #tpu.memory_space<vmem_shared>>) target(%arg9 : memref<32x128xf32, #tpu.memory_space<vmem>>) target_semaphore(%run_scoped3A : memref<!tpu.dma_semaphore, #tpu.memory_space<semaphore_mem>>)
      %dma_wait3A_2150 = arith.constant 0 : i32
      %dma_wait3A_2151 = tpu.memref_slice %arg10[%mul3A_2143, %dma_wait3A_2150] : memref<520x128xf32, #tpu.memory_space<vmem_shared>> -> memref<32x128xf32, #tpu.memory_space<vmem_shared>>
      %dma_wait3A_2152 = arith.constant 0 : i32
      %dma_wait3A_2153 = tpu.memref_slice %arg10[%mul3A_2143, %dma_wait3A_2152] : memref<520x128xf32, #tpu.memory_space<vmem_shared>> -> memref<32x128xf32, #tpu.memory_space<vmem_shared>>
      tpu.wait_dma2 semaphore(%run_scoped3A : memref<!tpu.dma_semaphore, #tpu.memory_space<semaphore_mem>>) src(%dma_wait3A_2153 : memref<32x128xf32, #tpu.memory_space<vmem_shared>>) dst(%arg9 : memref<32x128xf32, #tpu.memory_space<vmem>>)
      tpu.yield
    }) : () -> ()
    "tpu.region"() ({
      %run_scoped3A = tpu.sem_alloc : memref<!tpu.dma_semaphore, #tpu.memory_space<semaphore_mem>>
      %dma_start3A_2146 = arith.constant 0 : i32
      %dma_start3A_2147 = tpu.memref_slice %arg4[%add3A_2141, %dma_start3A_2146] : memref<1024x128xf32, #tpu.memory_space<hbm>> -> memref<32x128xf32, #tpu.memory_space<hbm>>
      %dma_start3A_2148 = arith.constant 0 : i32
      %dma_start3A_2149 = tpu.memref_slice %arg4[%add3A_2141, %dma_start3A_2148] : memref<1024x128xf32, #tpu.memory_space<hbm>> -> memref<32x128xf32, #tpu.memory_space<hbm>>
      tpu.enqueue_dma source(%arg9 : memref<32x128xf32, #tpu.memory_space<vmem>>) target(%dma_start3A_2149 : memref<32x128xf32, #tpu.memory_space<hbm>>) target_semaphore(%run_scoped3A : memref<!tpu.dma_semaphore, #tpu.memory_space<semaphore_mem>>)
      %dma_wait3A_2150 = arith.constant 0 : i32
      %dma_wait3A_2151 = tpu.memref_slice %arg4[%add3A_2141, %dma_wait3A_2150] : memref<1024x128xf32, #tpu.memory_space<hbm>> -> memref<32x128xf32, #tpu.memory_space<hbm>>
      %dma_wait3A_2152 = arith.constant 0 : i32
      %dma_wait3A_2153 = tpu.memref_slice %arg4[%add3A_2141, %dma_wait3A_2152] : memref<1024x128xf32, #tpu.memory_space<hbm>> -> memref<32x128xf32, #tpu.memory_space<hbm>>
      tpu.wait_dma2 semaphore(%run_scoped3A : memref<!tpu.dma_semaphore, #tpu.memory_space<semaphore_mem>>) src(%arg9 : memref<32x128xf32, #tpu.memory_space<vmem>>) dst(%dma_wait3A_2153 : memref<32x128xf32, #tpu.memory_space<hbm>>)
      tpu.yield
    }) : () -> ()
    %mul3A_2144 = arith.constant 32 : i32
    %mul3A_2145 = arith.muli %arg1, %mul3A_2144 : i32
    "tpu.region"() ({
      %run_scoped3A = tpu.sem_alloc : memref<!tpu.dma_semaphore, #tpu.memory_space<semaphore_mem>>
      %dma_start3A_2146 = arith.constant 0 : i32
      %dma_start3A_2147 = tpu.memref_slice %arg11[%mul3A_2145, %dma_start3A_2146] : memref<520x128xf32, #tpu.memory_space<vmem_shared>> -> memref<32x128xf32, #tpu.memory_space<vmem_shared>>
      %dma_start3A_2148 = arith.constant 0 : i32
      %dma_start3A_2149 = tpu.memref_slice %arg11[%mul3A_2145, %dma_start3A_2148] : memref<520x128xf32, #tpu.memory_space<vmem_shared>> -> memref<32x128xf32, #tpu.memory_space<vmem_shared>>
      tpu.enqueue_dma source(%dma_start3A_2149 : memref<32x128xf32, #tpu.memory_space<vmem_shared>>) target(%arg9 : memref<32x128xf32, #tpu.memory_space<vmem>>) target_semaphore(%run_scoped3A : memref<!tpu.dma_semaphore, #tpu.memory_space<semaphore_mem>>)
      %dma_wait3A_2150 = arith.constant 0 : i32
      %dma_wait3A_2151 = tpu.memref_slice %arg11[%mul3A_2145, %dma_wait3A_2150] : memref<520x128xf32, #tpu.memory_space<vmem_shared>> -> memref<32x128xf32, #tpu.memory_space<vmem_shared>>
      %dma_wait3A_2152 = arith.constant 0 : i32
      %dma_wait3A_2153 = tpu.memref_slice %arg11[%mul3A_2145, %dma_wait3A_2152] : memref<520x128xf32, #tpu.memory_space<vmem_shared>> -> memref<32x128xf32, #tpu.memory_space<vmem_shared>>
      tpu.wait_dma2 semaphore(%run_scoped3A : memref<!tpu.dma_semaphore, #tpu.memory_space<semaphore_mem>>) src(%dma_wait3A_2153 : memref<32x128xf32, #tpu.memory_space<vmem_shared>>) dst(%arg9 : memref<32x128xf32, #tpu.memory_space<vmem>>)
      tpu.yield
    }) : () -> ()
    "tpu.region"() ({
      %run_scoped3A = tpu.sem_alloc : memref<!tpu.dma_semaphore, #tpu.memory_space<semaphore_mem>>
      %dma_start3A_2146 = arith.constant 0 : i32
      %dma_start3A_2147 = tpu.memref_slice %arg5[%add3A_2141, %dma_start3A_2146] : memref<1024x128xf32, #tpu.memory_space<hbm>> -> memref<32x128xf32, #tpu.memory_space<hbm>>
      %dma_start3A_2148 = arith.constant 0 : i32
      %dma_start3A_2149 = tpu.memref_slice %arg5[%add3A_2141, %dma_start3A_2148] : memref<1024x128xf32, #tpu.memory_space<hbm>> -> memref<32x128xf32, #tpu.memory_space<hbm>>
      tpu.enqueue_dma source(%arg9 : memref<32x128xf32, #tpu.memory_space<vmem>>) target(%dma_start3A_2149 : memref<32x128xf32, #tpu.memory_space<hbm>>) target_semaphore(%run_scoped3A : memref<!tpu.dma_semaphore, #tpu.memory_space<semaphore_mem>>)
      %dma_wait3A_2150 = arith.constant 0 : i32
      %dma_wait3A_2151 = tpu.memref_slice %arg5[%add3A_2141, %dma_wait3A_2150] : memref<1024x128xf32, #tpu.memory_space<hbm>> -> memref<32x128xf32, #tpu.memory_space<hbm>>
      %dma_wait3A_2152 = arith.constant 0 : i32
      %dma_wait3A_2153 = tpu.memref_slice %arg5[%add3A_2141, %dma_wait3A_2152] : memref<1024x128xf32, #tpu.memory_space<hbm>> -> memref<32x128xf32, #tpu.memory_space<hbm>>
      tpu.wait_dma2 semaphore(%run_scoped3A : memref<!tpu.dma_semaphore, #tpu.memory_space<semaphore_mem>>) src(%arg9 : memref<32x128xf32, #tpu.memory_space<vmem>>) dst(%dma_wait3A_2153 : memref<32x128xf32, #tpu.memory_space<hbm>>)
      tpu.yield
    }) : () -> ()
    return
  }
}

module attributes {stable_mosaic.version = 14 : i64} {
  func.func @_mlp_body(%arg0: memref<1024x128xf32, #tpu.memory_space<vmem>>, %arg1: memref<1024x128xf32, #tpu.memory_space<vmem>>, %arg2: memref<128x128xf32, #tpu.memory_space<vmem>>, %arg3: memref<1x128xf32, #tpu.memory_space<vmem>>, %arg4: memref<1x128xf32, #tpu.memory_space<vmem>>, %arg5: memref<1x128xf32, #tpu.memory_space<vmem>>, %arg6: memref<6x128xf32, #tpu.memory_space<vmem>>, %arg7: memref<1x6xf32, #tpu.memory_space<vmem>>, %arg8: memref<512x6xf32, #tpu.memory_space<vmem>>) attributes {dimension_semantics = [], scalar_prefetch = 0 : i64, scratch_operands = 0 : i64, tpu.core_type = #tpu.core_type<tc>} {
    %get3A = arith.constant 0 : index
    %get3A_0 = arith.constant 0 : index
    %get3A_1 = vector.load %arg0[%get3A, %get3A_0] : memref<1024x128xf32, #tpu.memory_space<vmem>>, vector<512x128xf32>
    %get3A_2 = arith.constant 512 : index
    %get3A_3 = arith.constant 0 : index
    %get3A_4 = vector.load %arg0[%get3A_2, %get3A_3] : memref<1024x128xf32, #tpu.memory_space<vmem>>, vector<512x128xf32>
    %add3A = arith.addf %get3A_1, %get3A_4 : vector<512x128xf32>
    %get3A_5 = arith.constant 0 : index
    %get3A_6 = arith.constant 0 : index
    %get3A_7 = vector.load %arg1[%get3A_5, %get3A_6] : memref<1024x128xf32, #tpu.memory_space<vmem>>, vector<512x1xf32>
    %get3A_8 = arith.constant 512 : index
    %get3A_9 = arith.constant 0 : index
    %get3A_10 = vector.load %arg1[%get3A_8, %get3A_9] : memref<1024x128xf32, #tpu.memory_space<vmem>>, vector<512x1xf32>
    %add3A_11 = arith.addf %get3A_7, %get3A_10 : vector<512x1xf32>
    %max3A = arith.constant 1.000000e+00 : f32
    %max3A_12 = vector.broadcast %max3A : f32 to vector<512x1xf32>
    %max3A_13 = arith.maximumf %add3A_11, %max3A_12 : vector<512x1xf32>
    %div3A = vector.broadcast %max3A_13 : vector<512x1xf32> to vector<512x128xf32>
    %div3A_14 = arith.divf %add3A, %div3A : vector<512x128xf32>
    %get3A_15 = arith.constant 0 : index
    %get3A_16 = arith.constant 0 : index
    %get3A_17 = vector.load %arg2[%get3A_15, %get3A_16] : memref<128x128xf32, #tpu.memory_space<vmem>>, vector<128x128xf32>
    %dot_general3A = arith.constant dense<0.000000e+00> : vector<512x128xf32>
    %dot_general3A_18 = tpu.matmul %div3A_14, %get3A_17, %dot_general3A {dimension_numbers = #tpu.dot_dimension_numbers<[1], [1], [0], [0], [0, 0, 1, 0], [], []>, transpose_lhs_hint = false} : vector<512x128xf32>, vector<128x128xf32>, vector<512x128xf32> -> vector<512x128xf32>
    %get3A_19 = arith.constant 0 : index
    %get3A_20 = arith.constant 0 : index
    %get3A_21 = vector.load %arg3[%get3A_19, %get3A_20] : memref<1x128xf32, #tpu.memory_space<vmem>>, vector<1x128xf32>
    %add3A_22 = vector.broadcast %get3A_21 : vector<1x128xf32> to vector<512x128xf32>
    %add3A_23 = arith.addf %dot_general3A_18, %add3A_22 : vector<512x128xf32>
    %reduce_sum3A = arith.constant dense<0.000000e+00> : vector<128xf32>
    %reduce_sum3A_24 = vector.multi_reduction <add>, %add3A_23, %reduce_sum3A [0] : vector<512x128xf32> to vector<128xf32>
    %broadcast_in_dim3A = vector.shape_cast %reduce_sum3A_24 : vector<128xf32> to vector<1x128xf32>
    %div3A_25 = arith.constant 5.120000e+02 : f32
    %div3A_26 = vector.broadcast %div3A_25 : f32 to vector<1x128xf32>
    %div3A_27 = arith.divf %broadcast_in_dim3A, %div3A_26 : vector<1x128xf32>
    %sub3A = vector.broadcast %div3A_27 : vector<1x128xf32> to vector<512x128xf32>
    %sub3A_28 = arith.subf %add3A_23, %sub3A : vector<512x128xf32>
    %sub3A_29 = vector.broadcast %div3A_27 : vector<1x128xf32> to vector<512x128xf32>
    %sub3A_30 = arith.subf %add3A_23, %sub3A_29 : vector<512x128xf32>
    %mul3A = arith.mulf %sub3A_28, %sub3A_30 : vector<512x128xf32>
    %reduce_sum3A_31 = arith.constant dense<0.000000e+00> : vector<128xf32>
    %reduce_sum3A_32 = vector.multi_reduction <add>, %mul3A, %reduce_sum3A_31 [0] : vector<512x128xf32> to vector<128xf32>
    %broadcast_in_dim3A_33 = vector.shape_cast %reduce_sum3A_32 : vector<128xf32> to vector<1x128xf32>
    %div3A_34 = arith.constant 5.120000e+02 : f32
    %div3A_35 = vector.broadcast %div3A_34 : f32 to vector<1x128xf32>
    %div3A_36 = arith.divf %broadcast_in_dim3A_33, %div3A_35 : vector<1x128xf32>
    %sub3A_37 = vector.broadcast %div3A_27 : vector<1x128xf32> to vector<512x128xf32>
    %sub3A_38 = arith.subf %add3A_23, %sub3A_37 : vector<512x128xf32>
    %get3A_39 = arith.constant 0 : index
    %get3A_40 = arith.constant 0 : index
    %get3A_41 = vector.load %arg4[%get3A_39, %get3A_40] : memref<1x128xf32, #tpu.memory_space<vmem>>, vector<1x128xf32>
    %add3A_42 = arith.constant 9.99999974E-6 : f32
    %add3A_43 = vector.broadcast %add3A_42 : f32 to vector<1x128xf32>
    %add3A_44 = arith.addf %div3A_36, %add3A_43 : vector<1x128xf32>
    %sqrt3A = math.sqrt %add3A_44 : vector<1x128xf32>
    %div3A_45 = arith.divf %get3A_41, %sqrt3A : vector<1x128xf32>
    %mul3A_46 = vector.broadcast %div3A_45 : vector<1x128xf32> to vector<512x128xf32>
    %mul3A_47 = arith.mulf %sub3A_38, %mul3A_46 : vector<512x128xf32>
    %get3A_48 = arith.constant 0 : index
    %get3A_49 = arith.constant 0 : index
    %get3A_50 = vector.load %arg5[%get3A_48, %get3A_49] : memref<1x128xf32, #tpu.memory_space<vmem>>, vector<1x128xf32>
    %add3A_51 = vector.broadcast %get3A_50 : vector<1x128xf32> to vector<512x128xf32>
    %add3A_52 = arith.addf %mul3A_47, %add3A_51 : vector<512x128xf32>
    %max3A_53 = arith.constant 0.000000e+00 : f32
    %max3A_54 = vector.broadcast %max3A_53 : f32 to vector<512x128xf32>
    %max3A_55 = arith.maximumf %add3A_52, %max3A_54 : vector<512x128xf32>
    %get3A_56 = arith.constant 0 : index
    %get3A_57 = arith.constant 0 : index
    %get3A_58 = vector.load %arg6[%get3A_56, %get3A_57] : memref<6x128xf32, #tpu.memory_space<vmem>>, vector<6x128xf32>
    %dot_general3A_59 = arith.constant dense<0.000000e+00> : vector<512x6xf32>
    %dot_general3A_60 = tpu.matmul %max3A_55, %get3A_58, %dot_general3A_59 {dimension_numbers = #tpu.dot_dimension_numbers<[1], [1], [0], [0], [0, 0, 1, 0], [], []>, transpose_lhs_hint = false} : vector<512x128xf32>, vector<6x128xf32>, vector<512x6xf32> -> vector<512x6xf32>
    %get3A_61 = arith.constant 0 : index
    %get3A_62 = arith.constant 0 : index
    %get3A_63 = vector.load %arg7[%get3A_61, %get3A_62] : memref<1x6xf32, #tpu.memory_space<vmem>>, vector<1x6xf32>
    %add3A_64 = vector.broadcast %get3A_63 : vector<1x6xf32> to vector<512x6xf32>
    %add3A_65 = arith.addf %dot_general3A_60, %add3A_64 : vector<512x6xf32>
    %swap3A = arith.constant 0 : index
    %swap3A_66 = arith.constant 0 : index
    %swap3A_67 = vector.load %arg8[%swap3A, %swap3A_66] : memref<512x6xf32, #tpu.memory_space<vmem>>, vector<512x6xf32>
    tpu.vector_store %arg8[%swap3A, %swap3A_66], %add3A_65 {strides = array<i32>} : memref<512x6xf32, #tpu.memory_space<vmem>>, vector<512x6xf32>,
    return
  }
}

</mosaic_0001>

<sc_bundles>
// kernel: kernel.4.cloned.1.call-start
scs
__scs_entry_jumppad:
0x0: {  	(pc) =	sbr.rel $0x88, $3  }
0x1: {  	(tag) =	ssettag $0x0;
	lr =	simm.s32 $0x1  }
0x2: {  	[smem:$0x3F99] =	sst lr;
	_ =	strace $0xD0000000  }
0x3: {  	_ = 	snop  }
0x4: {  	_ = 	snop  }
0x5: {  	_ = 	snop  }
0x6: {  	_ = 	snop  }
0x7: {  	_ = 	snop  }
__scs_overlays_trampoline_lowered:
0x8: {  	[smem:$0x3FA8] =	sst s0  }
0x9: {  	[smem:$0x3FA9] =	sst s1  }
0xa: {  	[smem:$0x3FAA] =	sst s2  }
0xb: {  	[smem:$0x3FAB] =	sst s3  }
0xc: {  	[smem:$0x3FAC] =	sst s4  }
0xd: {  	[smem:$0x3FAD] =	sst s5  }
0xe: {  	[smem:$0x3FAE] =	sst s6  }
0xf: {  	[smem:$0x3FAF] =	sst s7  }
0x10: {  	[smem:$0x3FB0] =	sst s8  }
0x11: {  	[smem:$0x3FB1] =	sst s9;
	s0 =	simm.s32 @!p0 $0x0  }
0x12: {  	s1 =	sld [smem:$0x3F97];
	s0 =	simm.s32 @p0 $0x1  }
0x13: {  	[smem:$0x3FB2] =	sst s0;
	s0 =	simm.s32 @!p1 $0x0  }
0x14: {  	s2 =	sld [smem:$0x3F96];
	s0 =	simm.s32 @p1 $0x1  }
0x15: {  	[smem:$0x3FB3] =	sst s0;
	s0 =	simm.s32 @!p2 $0x0  }
0x16: {  	s3 =	sld [smem:$0x3FDB];
	s0 =	simm.s32 @p2 $0x1  }
0x17: {  	s4 =	simm.s32 $0x1BF5;
	[smem:$0x3FB5] =	sst s0  }
0x18: {  	s0 =	sld [smem:$0x3F98];
	_ =	swait.ge [sflag:s4], $0x0  }
0x19: {  	s7 =	sld [smem:$0x3F99]  }
0x1a: {  	s8 =	sadd.s32 $0xFFFFE003, lr  }
0x1b: {  	s9 =	sadd.s32 $0xFFFFFEF7, lr;
	s5 =	simm.s32 $0xFFFFFFFF;
	p2 =	slt.u32 s8, $0xFFFFF086  }
0x1c: {  	p1 =	slt.u32 s9, $0xF7A;
	s5 =	simm.s32 @!p2 $0x0  }
0x1d: {  	s5 =	simm.s32 @p1 $0x1;
	p0 =	seq.s32 s7, s2  }
0x1e: {  	s7 =	smul.u32 @!p0 $0xF7A, s2;
	p2 =	seq.s32 @!p0 s5, $0x0  }
0x1f: {  	s9 =	smul.u32 $0xF7A, s1;
	s8 =	simm.s32 @!p0 $0x1BF5;
	p2 =	por !p2, p0  }
0x20: {  	[sflag:s8] =	ssyncset.s32 @!p0 $0xFFFFF086;
	s6 =	sadd.s32 @!p0 s3, s7;
	s7 =	simm.s32 @!p0 $0x108  }
0x21: {  	s3 =	sadd.s32 s3, s9;
	s6 =	sadd.s32 @!p0 $0x88, s6;
	s7 =	simm.s32 @p2 $0x1082  }
0x22: {  	[simem:s7], [sflag:s8] =	dma.local @!p0 [hbm:s6], $0xF7A  }
0x23: {  	s9 =	sor.u32 $0xD0000000, s2;
	s6 =	simm.s32 $0x108;
	_ =	swait.ge @!p0 [sflag:s8], $0x0  }
0x24: {  	s3 =	sadd.s32 $0x88, s3;
	s6 =	simm.s32 @!p1 $0x1082;
	[sflag:s4] =	ssyncset.s32 $0xFFFFF086  }
0x25: {  	[simem:s6], [sflag:s4] =	dma.local [hbm:s3], $0xF7A  }
0x26: {  	[smem:$0x3F99] =	sst s1;
	(tag) =	ssettag s2;
	_ =	strace s9  }
0x27: {  	s1 =	sld [smem:$0x3FA9]  }
0x28: {  	s2 =	sld [smem:$0x3FAA]  }
0x29: {  	s4 =	sld [smem:$0x3FAC]  }
0x2a: {  	p0 =	seq.s32 s5, $0x0;
	s5 =	sld [smem:$0x3FAD]  }
0x2b: {  	s6 =	sld [smem:$0x3FAE]  }
0x2c: {  	s7 =	sld [smem:$0x3FAF]  }
0x2d: {  	s3 =	simm.s32 $0x108;
	s8 =	sld [smem:$0x3FB0]  }
0x2e: {  	s3 =	simm.s32 @!p0 $0x1082;
	s9 =	sld [smem:$0x3FB1]  }
0x2f: {  	lr =	sadd.s32 s0, s3;
	s0 =	sld [smem:$0x3FA8]  }
0x30: {  	s3 =	sld [smem:$0x3FAB]  }
0x31: {  	[smem:$0x3FB4] =	sst s10  }
0x32: {  	s10 =	sld [smem:$0x3FB2];
	_ =	sdelay $0x3  }
0x33: {  	p0 =	seq.s32 s10, $0x1;
	s10 =	sld [smem:$0x3FB4];
	_ =	sdelay $0x3  }
0x34: {  	[smem:$0x3FB4] =	sst s10  }
0x35: {  	s10 =	sld [smem:$0x3FB3];
	_ =	sdelay $0x3  }
0x36: {  	p1 =	seq.s32 s10, $0x1;
	s10 =	sld [smem:$0x3FB4];
	_ =	sdelay $0x3  }
0x37: {  	[smem:$0x3FB4] =	sst s10  }
0x38: {  	s10 =	sld [smem:$0x3FB5]  }
0x39: {  	_ = 	snop;
	(pc) =	sbr.ind lr, $3  }
0x3a: {  	_ = 	snop  }
0x3b: {  	_ = 	snop  }
0x3c: {  	p2 =	seq.s32 s10, $0x1;
	s10 =	sld [smem:$0x3FB4]  }
0x3d: {  	_ =	shalt  }
0x3e: {  	_ =	shalt  }
0x3f: {  	_ =	shalt  }
0x40: {  	_ =	shalt  }
0x41: {  	_ =	shalt  }
0x42: {  	_ =	shalt  }
0x43: {  	_ =	shalt  }
0x44: {  	_ =	shalt  }
0x45: {  	_ =	shalt  }
0x46: {  	_ =	shalt  }
0x47: {  	_ =	shalt  }
0x48: {  	_ =	shalt  }
0x49: {  	_ =	shalt  }
0x4a: {  	_ =	shalt  }
0x4b: {  	_ =	shalt  }
0x4c: {  	_ =	shalt  }
0x4d: {  	_ =	shalt  }
0x4e: {  	_ =	shalt  }
0x4f: {  	_ =	shalt  }
0x50: {  	_ =	shalt  }
0x51: {  	_ =	shalt  }
0x52: {  	_ =	shalt  }
0x53: {  	_ =	shalt  }
0x54: {  	_ =	shalt  }
0x55: {  	_ =	shalt  }
0x56: {  	_ =	shalt  }
0x57: {  	_ =	shalt  }
0x58: {  	_ =	shalt  }
0x59: {  	_ =	shalt  }
0x5a: {  	_ =	shalt  }
0x5b: {  	_ =	shalt  }
0x5c: {  	_ =	shalt  }
0x5d: {  	_ =	shalt  }
0x5e: {  	_ =	shalt  }
0x5f: {  	_ =	shalt  }
0x60: {  	_ =	shalt  }
0x61: {  	_ =	shalt  }
0x62: {  	_ =	shalt  }
0x63: {  	_ =	shalt  }
0x64: {  	_ =	shalt  }
0x65: {  	_ =	shalt  }
0x66: {  	_ =	shalt  }
0x67: {  	_ =	shalt  }
0x68: {  	_ =	shalt  }
0x69: {  	_ =	shalt  }
0x6a: {  	_ =	shalt  }
0x6b: {  	_ =	shalt  }
0x6c: {  	_ =	shalt  }
0x6d: {  	_ =	shalt  }
0x6e: {  	_ =	shalt  }
0x6f: {  	_ =	shalt  }
0x70: {  	_ =	shalt  }
0x71: {  	_ =	shalt  }
0x72: {  	_ =	shalt  }
0x73: {  	_ =	shalt  }
0x74: {  	_ =	shalt  }
0x75: {  	_ =	shalt  }
0x76: {  	_ =	shalt  }
0x77: {  	_ =	shalt  }
0x78: {  	_ =	shalt  }
0x79: {  	_ =	shalt  }
0x7a: {  	_ =	shalt  }
0x7b: {  	_ =	shalt  }
0x7c: {  	_ =	shalt  }
0x7d: {  	_ =	shalt  }
0x7e: {  	_ =	shalt  }
0x7f: {  	_ =	shalt  }
0x80: {  	_ =	shalt  }
0x81: {  	_ =	shalt  }
0x82: {  	_ =	shalt  }
0x83: {  	_ =	shalt  }
0x84: {  	_ =	shalt  }
0x85: {  	_ =	shalt  }
0x86: {  	_ =	shalt  }
0x87: {  	_ =	shalt  }
.Lfunc_end0:
.L_simem_size_0:
called_computation_lowered:
.L_overlay_start_0:
0x88: {  	s2 =	sld [smem:$0x3FD9]  }
0x89: {  	s3 =	sld [smem:$0x3FFE];
	_ =	sdelay $0x1  }
0x8a: {  	s1 =	srdreg.scid  }
0x8b: {  	s0 =	sand.u32 $0x1, s1  }
0x8c: {  	s17 =	sshll.u32 s0, $0xA;
	s2 =	sadd.s32 s3, s2  }
0x8d: {  	s2 =	sadd.s32 s2, s17  }
0x8e: {  	[smem:$0x3FC0] =	sst s2  }
0x8f: {  	_ = 	snop  }
0x90: {  	s2 =	sld [smem:$0x3FC9];
	(tm) =	ssettm $0x1  }
0x91: {  	s18 =	sld [smem:$0x3FFB];
	_ =	sdelay $0x3  }
0x92: {  	_ =	strace s18  }
0x93: {  	s3 =	sld [smem:$0x3FFC];
	_ =	sdelay $0x3  }
0x94: {  	_ =	strace s3  }
0x95: {  	s3 =	sld [smem:$0x3FFD];
	_ =	sdelay $0x3  }
0x96: {  	_ =	strace s3  }
0x97: {  	_ =	strace $0x8FFFFFFF  }
0x98: {  	s19 =	sld [smem:$0x3FDB];
	_ =	sdelay $0x1  }
0x99: {  	s4 =	simm.s32 $_scs_section_size  }
0x9a: {  	s5 =	simm.s32 $_size__tile_overlayer_lowered;
	s6 =	simm.s32 $_tile_overlayer_lowered  }
0x9b: {  	s22 =	simm.s32 $0x1BFF;
	s21 =	sshll.u32 s6, $0x1;
	s3 =	sadd.s32 s4, s19  }
0x9c: {  	s7 =	simm.s32 $0x0;
	s20 =	sshll.u32 s5, $0x1;
	s5 =	sadd.s32 s21, s3  }
0x9d: {  	[timem:s7], [sflag:s22] =	dma.local [hbm:s5], s20  }
0x9e: {  	_ =	swait.ge [sflag:s22], s20  }
0x9f: {  	s4 =	ssub.s32 $0x0, s20;
	[sflag:s22] =	ssyncset.done $0x0  }
0xa0: {  	[sflag:s22] =	ssyncadd.s32 s4;
	_ =	sdelay $0x1  }
0xa1: {  	s23 =	simm.s32 $0x1B8B  }
0xa2: {  	_ =	swait.ge [sflag:s23], $0x1  }
0xa3: {  	[sflag:s23] =	ssyncset.done $0x0  }
0xa4: {  	s25 =	simm.s32 $0x1B8E;
	s24 =	sld [smem:$0x3FFE];
	[sflag:s23] =	ssyncadd.s32 $0xFFFFFFFF  }
0xa5: {  	s26 =	simm.s32 $execute0_lowered;
	[smem:$0x3FD2] =	sst s25  }
0xa6: {  	s5 =	sshll.u32 s26, $0x1;
	_ =	strace $0x80000046;
	[dreg:$0x1] =	wrdreg $0xFFFFFFFF  }
0xa7: {  	s28 =	simm.s32 $_size_execute0_lowered;
	s3 =	sadd.s32 s3, s5;
	[dreg:$0x0] =	wrdreg $0x0  }
0xa8: {  	s5 =	sshll.u32 s28, $0x1;
	[dreg:$0x2] =	wrdreg s3  }
0xa9: {  	[dreg:$0x3] =	wrdreg s5  }
0xaa: {  	[dreg:$0x4] =	wrdreg $0xC0  }
0xab: {  	_ =	task [dreg:s7], $0x5FFFF  }
0xac: {  	[dreg:$0x1] =	wrdreg $0xFFFFFFFF  }
0xad: {  	[dreg:$0x0] =	wrdreg $0x60  }
0xae: {  	[dreg:$0x2] =	wrdreg s2  }
0xaf: {  	[dreg:$0x3] =	wrdreg s24  }
0xb0: {  	[dreg:$0x4] =	wrdreg $0x17C000  }
0xb1: {  	[dreg:$0x5] =	wrdreg $0x18C400  }
0xb2: {  	[dreg:$0x6] =	wrdreg $0x9  }
0xb3: {  	_ =	task.clear_ibuf [dreg:s7], $0x7FFFF;
	_ =	strace $0x90000046  }
0xb4: {  	s29 =	simm.s32 $0x9;
	_ =	strace $0x80000048  }
0xb5: {  	_ =	swait.ge [sflag:s29], $0x1  }
0xb6: {  	[sflag:s29] =	ssyncadd.s32 $0xFFFFFFFF  }
0xb7: {  	_ =	strace $0x90000048  }
0xb8: {  	_ =	sfence  }
0xb9: {  	s30 =	sld [smem:$0x0];
	_ =	sdelay $0x2  }
0xba: {  	s31 =	sshll.u32 s1, $0xD;
	s1 =	sshrl.u32 s1, $0x2  }
0xbb: {  	s3 =	sand.u32 $0x4000, s31;
	s1 =	sadd.s32 s1, s30  }
0xbc: {  	s0 =	sor.u32 s3, s0;
	s1 =	sshll.u32 s1, $0x11  }
0xbd: {  	s0 =	sor.u32 s1, s0  }
0xbe: {  	s0 =	sadd.s32 $0x8F2B, s0  }
0xbf: {  	[sflag:s0] =	ssyncadd.remote.s32 $0x1  }
0xc0: {  	_ =	sfence.sel $0xFFFF  }
0xc1: {  	[dreg:$0x0] =	wrdreg $0xFFFFFFFF;
	(pc) =	sbr.abs _section_cstart, $3  }
0xc2: {  	[dreg:$0x1] =	wrdreg $0xFFFFFFFF  }
0xc3: {  	_ =	task.clear_ibuf [dreg:s7], $0x2FFFF;
	_ =	strace $0x9FFFFFFF  }
0xc4: {  	(tm) =	ssettm $0x7FFFFFFF  }
0xc5: {  	_ =	shalt  }
tec
execute0_lowered:
.L_overlay_start_1:
0x0: {  	(tag) =	ssettag $0x1  }
0x1: {  	s0 =	srdreg.scid;
	s31 =	stileid.u32  }
0x2: {  	s6 =	sand.u32 $0x1, s0;
	s19 =	sshll.u32 s31, $0x1  }
0x3: {  	s8 =	sor.u32 s6, s19  }
0x4: {  	s9 =	smul.u32 $0x500, s8  }
0x5: {  	s1 =	smul.u32 $0xA, s8;
	s0 =	sor.u32 $0x20, s8  }
0x6: {  	s10 =	smul.u32 $0x500, s0  }
0x7: {  	s20 =	sor.u32 $0x40, s8;
	s2 =	smul.u32 $0xA, s0  }
0x8: {  	s11 =	smul.u32 $0x500, s20  }
0x9: {  	s21 =	sor.u32 $0x60, s8;
	s3 =	smul.u32 $0xA, s20  }
0xa: {  	s15 =	rddreg [dreg:$0x0];
	s7 =	ssub.s32 $0x2, s6;
	s12 =	smul.u32 $0x500, s21  }
0xb: {  	s6 =	sshll.u32 s6, $0x10;
	s22 =	sor.u32 $0x80, s8;
	s4 =	smul.u32 $0xA, s21  }
0xc: {  	s14 =	sor.u32 $0xA0, s8;
	s23 =	sshrl.u32 s7, $0x1;
	s13 =	smul.u32 $0x500, s22  }
0xd: {  	s17 =	sor.u32 $0xE0, s8;
	s18 =	sor.u32 $0x100, s8;
	s5 =	smul.u32 $0xA, s22  }
0xe: {  	s19 =	sor.u32 $0x120, s8;
	s28 =	sor.u32 $0x200, s8;
	s16 =	smul.u32 $0x500, s14  }
0xf: {  	s29 =	sor.u32 $0x220, s8;
	s0 =	ssub.s32 s7, s23;
	s7 =	smul.u32 $0xA, s14  }
0x10: {  	s30 =	sor.u32 $0x240, s8;
	p0 =	slt.u32 s8, $0x11;
	s25 =	smul.u32 $0x500, s17  }
0x11: {  	s14 =	sor.u32 $0xC0, s8;
	s26 =	smul.u32 $0x500, s18;
	s9 =	sadd.s32 s15, s9  }
0x12: {  	s20 =	sor.u32 $0x140, s8;
	[dreg:$0x5] =	wrdreg s9;
	s10 =	sadd.s32 s15, s10  }
0x13: {  	s22 =	sor.u32 $0x160, s8;
	s11 =	sadd.s32 s15, s11;
	[dreg:$0x6] =	wrdreg s10  }
0x14: {  	s24 =	smul.u32 $0x500, s14;
	s12 =	sadd.s32 s15, s12;
	[dreg:$0x7] =	wrdreg s11  }
0x15: {  	s21 =	smul.u32 $0x500, s22;
	s13 =	sadd.s32 s15, s13;
	[dreg:$0x8] =	wrdreg s12  }
0x16: {  	s16 =	sadd.s32 s15, s16;
	s12 =	smul.u32 $0x500, s19;
	[dreg:$0x9] =	wrdreg s13  }
0x17: {  	s23 =	sor.u32 $0x180, s8;
	s13 =	smul.u32 $0x500, s20;
	[dreg:$0xa] =	wrdreg s16  }
0x18: {  	s9 =	sadd.s32 s15, s24;
	s24 =	sor.u32 $0x1A0, s8;
	s10 =	sadd.s32 s15, s25  }
0x19: {  	s25 =	sor.u32 $0x1C0, s8;
	s11 =	sadd.s32 s15, s26;
	[dreg:$0xb] =	wrdreg s9  }
0x1a: {  	s26 =	sor.u32 $0x1E0, s8;
	s16 =	sadd.s32 s15, s21;
	[dreg:$0xc] =	wrdreg s10  }
0x1b: {  	s8 =	sor.u32 $0x260, s8;
	s21 =	smul.u32 $0x500, s30;
	[dreg:$0xd] =	wrdreg s11  }
0x1c: {  	s9 =	smul.u32 $0x500, s23;
	[dreg:$0x10] =	wrdreg s16;
	s12 =	sadd.s32 s15, s12  }
0x1d: {  	s10 =	smul.u32 $0x500, s24;
	s13 =	sadd.s32 s15, s13;
	[dreg:$0xe] =	wrdreg s12  }
0x1e: {  	s11 =	smul.u32 $0x500, s25;
	[dreg:$0xf] =	wrdreg s13;
	s9 =	sadd.s32 s15, s9  }
0x1f: {  	s12 =	smul.u32 $0x500, s26;
	s10 =	sadd.s32 s15, s10;
	[dreg:$0x11] =	wrdreg s9  }
0x20: {  	s13 =	smul.u32 $0x500, s28;
	s11 =	sadd.s32 s15, s11;
	[dreg:$0x12] =	wrdreg s10  }
0x21: {  	s16 =	smul.u32 $0x500, s29;
	[dreg:$0x13] =	wrdreg s11;
	s11 =	sadd.s32 s15, s12  }
0x22: {  	s9 =	smul.u32 $0x500, s8;
	s12 =	sadd.s32 s15, s13;
	[dreg:$0x14] =	wrdreg s11  }
0x23: {  	s10 =	smul.u32 $0xA, s17;
	s13 =	sadd.s32 s15, s16;
	[dreg:$0x15] =	wrdreg s12  }
0x24: {  	s17 =	smul.u32 $0xA, s23;
	s16 =	sadd.s32 s15, s21;
	[dreg:$0x16] =	wrdreg s13  }
0x25: {  	s21 =	simm.s32 $0x0;
	[dreg:$0x17] =	wrdreg s16;
	s9 =	simm.s32 @!p0 $0x0  }
0x26: {  	s13 =	smul.u32 $0xA, s19;
	s19 =	rddreg [dreg:$0x1];
	s9 =	sadd.s32 s15, s9  }
0x27: {  	[dreg:$0x18] =	wrdreg s9;
	s9 =	smul.u32 $0xA, s14;
	s14 =	sadd.s32 $0x1800, s19  }
0x28: {  	s11 =	sshll.u32 s31, $0xC;
	[smem:$0x7FF] =	sst s21;
	s1 =	sadd.s32 s14, s1  }
0x29: {  	s12 =	smul.u32 $0xA, s18;
	s2 =	sadd.s32 s14, s2;
	[dreg:$0x19] =	wrdreg s1  }
0x2a: {  	s6 =	sor.u32 s11, s6;
	s3 =	sadd.s32 s14, s3;
	[dreg:$0x1a] =	wrdreg s2  }
0x2b: {  	s15 =	smul.u32 $0xA, s20;
	s16 =	sadd.s32 s14, s4;
	[dreg:$0x1b] =	wrdreg s3  }
0x2c: {  	s6 =	sshrl.u32 s6, $0x3;
	s18 =	sadd.s32 s14, s5;
	[dreg:$0x1c] =	wrdreg s16  }
0x2d: {  	s6 =	sadd.s32 s6, s19;
	s19 =	sadd.s32 s14, s7;
	[dreg:$0x1d] =	wrdreg s18  }
0x2e: {  	s20 =	smul.u32 $0xA, s24;
	s23 =	sadd.s32 s14, s10;
	[dreg:$0x1e] =	wrdreg s19  }
0x2f: {  	s24 =	smul.u32 $0xA, s25;
	s25 =	sadd.s32 s14, s12;
	[smem:$0x7EC] =	sst s23  }
0x30: {  	s0 =	smax.u32 s0, $0x1;
	s7 =	sadd.s32 s14, s13;
	[smem:$0x7ED] =	sst s25  }
0x31: {  	s31 =	simm.s32 $0x14400;
	s10 =	sadd.s32 s14, s15;
	[smem:$0x7EE] =	sst s7  }
0x32: {  	s12 =	smul.u32 $0xA, s28;
	s13 =	sadd.s32 s14, s20;
	[smem:$0x7EF] =	sst s10  }
0x33: {  	s15 =	smul.u32 $0xA, s29;
	s29 =	simm.s32 $0x1;
	[smem:$0x7F2] =	sst s13  }
0x34: {  	s28 =	simm.s32 $0x14100;
	s1 =	smul.u32 $0xA, s22;
	s7 =	rddreg [dreg:$0x2]  }
0x35: {  	s22 =	sadd.s32 s14, s9;
	s9 =	smul.u32 $0xA, s26;
	s10 =	rddreg [dreg:$0x3]  }
0x36: {  	s2 =	sadd.s32 s14, s17;
	s16 =	sadd.s32 s14, s24;
	[dreg:$0x1f] =	wrdreg s22  }
0x37: {  	s17 =	smul.u32 $0xA, s30;
	s18 =	smin.u32 s8, $0x271;
	[smem:$0x7F1] =	sst s2  }
0x38: {  	s25 =	sadd.s32 $0x3200, s6;
	[smem:$0x7F3] =	sst s16;
	s19 =	sadd.s32 s14, s15  }
0x39: {  	s26 =	sadd.s32 $0x7200, s6;
	s1 =	sadd.s32 s14, s1;
	[smem:$0x7F6] =	sst s19  }
0x3a: {  	s30 =	simm.s32 $0x50;
	s5 =	sadd.s32 s14, s9;
	[smem:$0x7F0] =	sst s1  }
0x3b: {  	s4 =	smul.u32 $0xA, s18;
	s20 =	sadd.s32 s14, s17;
	[smem:$0x7F4] =	sst s5  }
0x3c: {  	s13 =	simm.s32 $0xA;
	s1 =	sadd.s32 s14, s12;
	[smem:$0x7F7] =	sst s20  }
0x3d: {  	s6 =	simm.s32 $0xC;
	s22 =	sadd.s32 s14, s4;
	[smem:$0x7F5] =	sst s1  }
0x3e: {  	s3 =	simm.s32 $0x0;
	s23 =	sadd.s32 s11, s7;
	[smem:$0x7F8] =	sst s22  }
0x3f: {  	s24 =	sadd.s32 s11, s10;
	_ =	strace $0x80000047;
	[smem:$0x7F9] =	sst s23  }
0x40: {  	s2 =	simm.s32 $0x2;
	s16 =	simm.s32 $0x9;
	[smem:$0x7FA] =	sst s24  }
0x41: {  	s15 =	simm.s32 $0x14180;
	s17 =	simm.s32 $0x11;
	[smem:$0x7FB] =	sst s25  }
0x42: {  	s9 =	simm.s32 $0x4;
	s5 =	simm.s32 $0x3;
	[smem:$0x7FC] =	sst s26  }
0x43: {  	s20 =	simm.s32 $0x14200;
	s12 =	simm.s32 $0x14300;
	[smem:$0x7FD] =	sst s0  }
0x44: {  	v0 =	vimm.f32 $0.0e+00;
	v1 =	vimm.f32 $1.000000000e+00;
	s0 =	simm.s32 $0xB;
	s23 =	simm.s32 $0x14000;
	s25 =	simm.s32 $0x14080  }
.LBB2_1:
0x45: {  	s1 =	simm.s32 $0x0;
	s4 =	simm.s32 $0x200  }
.LBB2_2:
0x46: {  	p0 =	sne.s32 s4, $0x3E00;
	[tilespmem:s1+$0x16C70] =	vst v0  }
0x47: {  	[tilespmem:s1+$0x16C00] =	vst v0  }
0x48: {  	[tilespmem:s1+$0x16C10] =	vst v0  }
.Ltmp0:
0x49: {  	[tilespmem:s1+$0x16C20] =	vst v0;
	(pc) =	sbr.rel @p0 .LBB2_2-.Ltmp0, $4  }
0x4a: {  	[tilespmem:s1+$0x16C30] =	vst v0  }
0x4b: {  	[tilespmem:s1+$0x16C40] =	vst v0  }
0x4c: {  	[tilespmem:s1+$0x16C50] =	vst v0  }
0x4d: {  	[tilespmem:s1+$0x16C60] =	vst v0;
	s1 =	sshra.s32 s4, $0x2;
	s4 =	sadd.s32 $0x200, s4  }
0x4e: {  	[tilespmem:s1+$0x16C70] =	vst v0  }
0x4f: {  	[tilespmem:s1+$0x16C00] =	vst v0  }
0x50: {  	[tilespmem:s1+$0x16C10] =	vst v0  }
0x51: {  	[tilespmem:s1+$0x16C20] =	vst v0  }
0x52: {  	[tilespmem:s1+$0x16C30] =	vst v0  }
0x53: {  	[tilespmem:s1+$0x16C40] =	vst v0  }
0x54: {  	[tilespmem:s1+$0x16C50] =	vst v0  }
0x55: {  	[smem:$0x7EB] =	sst s3;
	[tilespmem:s1+$0x16C60] =	vst v0;
	s1 =	simm.s32 $0x70;
	s4 =	simm.s32 $0x3C0  }
.LBB2_4:
0x56: {  	p0 =	sne.s32 s4, $0x9FC0;
	[tilespmem:s1+$0x14400] =	vst v1  }
0x57: {  	[tilespmem:s1+$0x14390] =	vst v1  }
0x58: {  	[tilespmem:s1+$0x143A0] =	vst v1  }
.Ltmp1:
0x59: {  	[tilespmem:s1+$0x143B0] =	vst v1;
	(pc) =	sbr.rel @p0 .LBB2_4-.Ltmp1, $4  }
0x5a: {  	[tilespmem:s1+$0x143C0] =	vst v1  }
0x5b: {  	[tilespmem:s1+$0x143D0] =	vst v1  }
0x5c: {  	[tilespmem:s1+$0x143E0] =	vst v1  }
0x5d: {  	[tilespmem:s1+$0x143F0] =	vst v1;
	s1 =	sshra.s32 s4, $0x2;
	s4 =	sadd.s32 $0x200, s4  }
0x5e: {  	[tilespmem:s1+$0x14400] =	vst v1  }
0x5f: {  	[tilespmem:s1+$0x14390] =	vst v1  }
0x60: {  	[tilespmem:s1+$0x143A0] =	vst v1  }
0x61: {  	[tilespmem:s1+$0x143B0] =	vst v1  }
0x62: {  	[tilespmem:s1+$0x143C0] =	vst v1  }
0x63: {  	[tilespmem:s1+$0x143D0] =	vst v1;
	s3 =	sld [smem:$0x7F9]  }
0x64: {  	[tilespmem:s1+$0x143E0] =	vst v1  }
0x65: {  	[tilespmem:s1+$0x143F0] =	vst v1;
	s24 =	simm.s32 $0x16C00  }
0x66: {  	[spmem:s3] =	stream.linear.scatter [tilespmem:s24], [sflag:$0x11], $0x1000, $0x38;
	[tilespmem:$0x19C80] =	vst v63  }
0x67: {  	_ =	swait.ge [sflag:s17], $0x1000  }
0x68: {  	s26 =	sld [smem:$0x7FA]  }
0x69: {  	[sflag:s17] =	ssyncset.done $0x0  }
0x6a: {  	[sflag:s17] =	ssyncadd.s32 $0xFFFFF000  }
0x6b: {  	[spmem:s26] =	stream.linear.scatter [tilespmem:s24], [sflag:$0x11], $0x1000, $0x38;
	[tilespmem:$0x19C80] =	vst v63  }
0x6c: {  	_ =	swait.ge [sflag:s17], $0x1000  }
0x6d: {  	[sflag:s17] =	ssyncset.done $0x0  }
0x6e: {  	[sflag:s17] =	ssyncadd.s32 $0xFFFFF000  }
0x6f: {  	[bflag:$0x0] =	sbarrier.arrive $0xFFFF  }
0x70: {  	s3 =	rddreg [dreg:$0x5]  }
0x71: {  	[tilespmem:s21], [sflag:$0x1] =	stream.linear.gather [hbm4b:s3+s21], $0x2800, $0x38;
	[tilespmem:$0x19C80] =	vst v63  }
0x72: {  	s4 =	rddreg [dreg:$0x19]  }
0x73: {  	[tilespmem:s23], [sflag:$0x1] =	stream.linear.gather [hbm4b:s4+s21], $0x50, $0x38;
	[tilespmem:$0x19C80] =	vst v63  }
0x74: {  	s11 =	simm.s32 $0x2800;
	s8 =	rddreg [dreg:$0x6]  }
0x75: {  	[tilespmem:s11], [sflag:$0x2] =	stream.linear.gather [hbm4b:s8+s21], $0x2800, $0x38;
	[tilespmem:$0x19C80] =	vst v63  }
0x76: {  	s14 =	rddreg [dreg:$0x1a]  }
0x77: {  	[tilespmem:s25], [sflag:$0x2] =	stream.linear.gather [hbm4b:s14+s21], $0x50, $0x38;
	[tilespmem:$0x19C80] =	vst v63  }
0x78: {  	s19 =	simm.s32 $0x5000;
	s18 =	rddreg [dreg:$0x7]  }
0x79: {  	[tilespmem:s19], [sflag:$0x3] =	stream.linear.gather [hbm4b:s18+s21], $0x2800, $0x38;
	[tilespmem:$0x19C80] =	vst v63  }
0x7a: {  	s22 =	rddreg [dreg:$0x1b]  }
0x7b: {  	[tilespmem:s28], [sflag:$0x3] =	stream.linear.gather [hbm4b:s22+s21], $0x50, $0x38;
	[tilespmem:$0x19C80] =	vst v63  }
0x7c: {  	s26 =	simm.s32 $0x7800;
	s24 =	rddreg [dreg:$0x8]  }
0x7d: {  	[tilespmem:s26], [sflag:$0x4] =	stream.linear.gather [hbm4b:s24+s21], $0x2800, $0x38;
	[tilespmem:$0x19C80] =	vst v63  }
0x7e: {  	s3 =	rddreg [dreg:$0x1c]  }
0x7f: {  	[tilespmem:s15], [sflag:$0x4] =	stream.linear.gather [hbm4b:s3+s21], $0x50, $0x38;
	[tilespmem:$0x19C80] =	vst v63  }
0x80: {  	_ =	swait.ge [sflag:s29], $0x2800  }
0x81: {  	[sflag:s29] =	ssyncset.done $0x0  }
0x82: {  	[sflag:s29] =	ssyncadd.s32 $0xFFFFD800  }
0x83: {  	_ =	swait.ge [sflag:s29], $0x50  }
0x84: {  	[sflag:s29] =	ssyncset.done $0x0  }
0x85: {  	[sflag:s29] =	ssyncadd.s32 $0xFFFFFFB0  }
0x86: {  	[spmem:s7] =	stream.indirect.scatter.add.f32 [tilespmem:s21], [sflag:$0x9], $0x80, s23, s30, $0xb8;
	[tilespmem:$0x19C80] =	vst v63  }
0x87: {  	_ = 	snop  }
0x88: {  	[spmem:s10] =	stream.indirect.scatter.add.f32 [tilespmem:s31], [sflag:$0x9], $0x80, s23, s30, $0xb8;
	[tilespmem:$0x19C80] =	vst v63  }
0x89: {  	s18 =	simm.s32 $0xA000;
	s11 =	rddreg [dreg:$0x9]  }
0x8a: {  	[tilespmem:s18], [sflag:$0x5] =	stream.linear.gather [hbm4b:s11+s21], $0x2800, $0x38;
	[tilespmem:$0x19C80] =	vst v63  }
0x8b: {  	s19 =	rddreg [dreg:$0x1d]  }
0x8c: {  	[tilespmem:s20], [sflag:$0x5] =	stream.linear.gather [hbm4b:s19+s21], $0x50, $0x38;
	[tilespmem:$0x19C80] =	vst v63  }
0x8d: {  	_ =	swait.ge [sflag:s2], $0x2800  }
0x8e: {  	[sflag:s2] =	ssyncset.done $0x0  }
0x8f: {  	[sflag:s2] =	ssyncadd.s32 $0xFFFFD800  }
0x90: {  	_ =	swait.ge [sflag:s2], $0x50  }
0x91: {  	[sflag:s2] =	ssyncset.done $0x0  }
0x92: {  	s8 =	simm.s32 $0x2800;
	[sflag:s2] =	ssyncadd.s32 $0xFFFFFFB0  }
0x93: {  	[spmem:s7] =	stream.indirect.scatter.add.f32 [tilespmem:s8], [sflag:$0xA], $0x80, s25, s30, $0xb8;
	[tilespmem:$0x19C80] =	vst v63  }
0x94: {  	_ = 	snop  }
0x95: {  	[spmem:s10] =	stream.indirect.scatter.add.f32 [tilespmem:s31], [sflag:$0xA], $0x80, s25, s30, $0xb8;
	[tilespmem:$0x19C80] =	vst v63  }
0x96: {  	s26 =	simm.s32 $0xC800;
	s22 =	rddreg [dreg:$0xa]  }
0x97: {  	[tilespmem:s26], [sflag:$0x6] =	stream.linear.gather [hbm4b:s22+s21], $0x2800, $0x38;
	[tilespmem:$0x19C80] =	vst v63  }
0x98: {  	s3 =	rddreg [dreg:$0x1e];
	s8 =	simm.s32 $0x14280  }
0x99: {  	[tilespmem:s8], [sflag:$0x6] =	stream.linear.gather [hbm4b:s3+s21], $0x50, $0x38;
	[tilespmem:$0x19C80] =	vst v63  }
0x9a: {  	_ =	swait.ge [sflag:s5], $0x2800  }
0x9b: {  	[sflag:s5] =	ssyncset.done $0x0  }
0x9c: {  	[sflag:s5] =	ssyncadd.s32 $0xFFFFD800  }
0x9d: {  	_ =	swait.ge [sflag:s5], $0x50  }
0x9e: {  	[sflag:s5] =	ssyncset.done $0x0  }
0x9f: {  	s4 =	simm.s32 $0x5000;
	[sflag:s5] =	ssyncadd.s32 $0xFFFFFFB0  }
0xa0: {  	[spmem:s7] =	stream.indirect.scatter.add.f32 [tilespmem:s4], [sflag:$0xB], $0x80, s28, s30, $0xb8;
	[tilespmem:$0x19C80] =	vst v63  }
0xa1: {  	_ = 	snop  }
0xa2: {  	[spmem:s10] =	stream.indirect.scatter.add.f32 [tilespmem:s31], [sflag:$0xB], $0x80, s28, s30, $0xb8;
	[tilespmem:$0x19C80] =	vst v63  }
0xa3: {  	s22 =	simm.s32 $0xF000;
	s19 =	rddreg [dreg:$0xb]  }
0xa4: {  	[tilespmem:s22], [sflag:$0x7] =	stream.linear.gather [hbm4b:s19+s21], $0x2800, $0x38;
	[tilespmem:$0x19C80] =	vst v63  }
0xa5: {  	s4 =	rddreg [dreg:$0x1f]  }
0xa6: {  	[tilespmem:s12], [sflag:$0x7] =	stream.linear.gather [hbm4b:s4+s21], $0x50, $0x38;
	[tilespmem:$0x19C80] =	vst v63  }
0xa7: {  	_ =	swait.ge [sflag:s9], $0x2800  }
0xa8: {  	[sflag:s9] =	ssyncset.done $0x0  }
0xa9: {  	[sflag:s9] =	ssyncadd.s32 $0xFFFFD800  }
0xaa: {  	_ =	swait.ge [sflag:s9], $0x50  }
0xab: {  	[sflag:s9] =	ssyncset.done $0x0  }
0xac: {  	s14 =	simm.s32 $0x7800;
	[sflag:s9] =	ssyncadd.s32 $0xFFFFFFB0  }
0xad: {  	[spmem:s7] =	stream.indirect.scatter.add.f32 [tilespmem:s14], [sflag:$0xC], $0x80, s15, s30, $0xb8;
	[tilespmem:$0x19C80] =	vst v63  }
0xae: {  	s3 =	sld [smem:$0x7EC]  }
0xaf: {  	[spmem:s10] =	stream.indirect.scatter.add.f32 [tilespmem:s31], [sflag:$0xC], $0x80, s15, s30, $0xb8;
	[tilespmem:$0x19C80] =	vst v63  }
0xb0: {  	s22 =	simm.s32 $0x11800;
	s14 =	rddreg [dreg:$0xc]  }
0xb1: {  	[tilespmem:s22], [sflag:$0x8] =	stream.linear.gather [hbm4b:s14+s21], $0x2800, $0x38;
	[tilespmem:$0x19C80] =	vst v63  }
0xb2: {  	s14 =	simm.s32 $0x14380  }
0xb3: {  	[tilespmem:s14], [sflag:$0x8] =	stream.linear.gather [hbm4b:s3+s21], $0x50, $0x38;
	[tilespmem:$0x19C80] =	vst v63  }
0xb4: {  	s14 =	simm.s32 $0x5  }
0xb5: {  	_ =	swait.ge [sflag:s14], $0x2800  }
0xb6: {  	[sflag:s14] =	ssyncset.done $0x0  }
0xb7: {  	[sflag:s14] =	ssyncadd.s32 $0xFFFFD800  }
0xb8: {  	_ =	swait.ge [sflag:s14], $0x50  }
0xb9: {  	[sflag:s14] =	ssyncset.done $0x0  }
0xba: {  	s11 =	simm.s32 $0xA000;
	[sflag:s14] =	ssyncadd.s32 $0xFFFFFFB0  }
0xbb: {  	[spmem:s7] =	stream.indirect.scatter.add.f32 [tilespmem:s11], [sflag:$0xD], $0x80, s20, s30, $0xb8;
	[tilespmem:$0x19C80] =	vst v63  }
0xbc: {  	_ = 	snop  }
0xbd: {  	[spmem:s10] =	stream.indirect.scatter.add.f32 [tilespmem:s31], [sflag:$0xD], $0x80, s20, s30, $0xb8;
	[tilespmem:$0x19C80] =	vst v63  }
0xbe: {  	_ =	swait.ge [sflag:s16], $0x2800  }
0xbf: {  	[sflag:s16] =	ssyncset.done $0x0  }
0xc0: {  	[sflag:s16] =	ssyncadd.s32 $0xFFFFD800  }
0xc1: {  	_ =	swait.ge [sflag:s16], $0x2800  }
0xc2: {  	[sflag:s16] =	ssyncset.done $0x0;
	s11 =	rddreg [dreg:$0xd]  }
0xc3: {  	s3 =	sld [smem:$0x7ED];
	[sflag:s16] =	ssyncadd.s32 $0xFFFFD800  }
0xc4: {  	[tilespmem:s21], [sflag:$0x1] =	stream.linear.gather [hbm4b:s11+s21], $0x2800, $0x38;
	[tilespmem:$0x19C80] =	vst v63  }
0xc5: {  	_ = 	snop  }
0xc6: {  	[tilespmem:s23], [sflag:$0x1] =	stream.linear.gather [hbm4b:s3+s21], $0x50, $0x38;
	[tilespmem:$0x19C80] =	vst v63  }
0xc7: {  	s3 =	simm.s32 $0x6  }
0xc8: {  	_ =	swait.ge [sflag:s3], $0x2800  }
0xc9: {  	[sflag:s3] =	ssyncset.done $0x0  }
0xca: {  	[sflag:s3] =	ssyncadd.s32 $0xFFFFD800  }
0xcb: {  	_ =	swait.ge [sflag:s3], $0x50  }
0xcc: {  	[sflag:s3] =	ssyncset.done $0x0  }
0xcd: {  	s18 =	simm.s32 $0xC800;
	[sflag:s3] =	ssyncadd.s32 $0xFFFFFFB0  }
0xce: {  	[spmem:s7] =	stream.indirect.scatter.add.f32 [tilespmem:s18], [sflag:$0xE], $0x80, s8, s30, $0xb8;
	[tilespmem:$0x19C80] =	vst v63  }
0xcf: {  	_ = 	snop  }
0xd0: {  	[spmem:s10] =	stream.indirect.scatter.add.f32 [tilespmem:s31], [sflag:$0xE], $0x80, s8, s30, $0xb8;
	[tilespmem:$0x19C80] =	vst v63  }
0xd1: {  	_ =	swait.ge [sflag:s13], $0x2800  }
0xd2: {  	[sflag:s13] =	ssyncset.done $0x0  }
0xd3: {  	[sflag:s13] =	ssyncadd.s32 $0xFFFFD800  }
0xd4: {  	_ =	swait.ge [sflag:s13], $0x2800  }
0xd5: {  	[sflag:s13] =	ssyncset.done $0x0;
	s11 =	rddreg [dreg:$0xe]  }
0xd6: {  	s24 =	simm.s32 $0x2800;
	s18 =	sld [smem:$0x7EE];
	[sflag:s13] =	ssyncadd.s32 $0xFFFFD800  }
0xd7: {  	[tilespmem:s24], [sflag:$0x2] =	stream.linear.gather [hbm4b:s11+s21], $0x2800, $0x38;
	[tilespmem:$0x19C80] =	vst v63  }
0xd8: {  	s11 =	simm.s32 $0x7  }
0xd9: {  	[tilespmem:s25], [sflag:$0x2] =	stream.linear.gather [hbm4b:s18+s21], $0x50, $0x38;
	[tilespmem:$0x19C80] =	vst v63  }
0xda: {  	_ =	swait.ge [sflag:s11], $0x2800  }
0xdb: {  	[sflag:s11] =	ssyncset.done $0x0  }
0xdc: {  	[sflag:s11] =	ssyncadd.s32 $0xFFFFD800  }
0xdd: {  	_ =	swait.ge [sflag:s11], $0x50  }
0xde: {  	[sflag:s11] =	ssyncset.done $0x0  }
0xdf: {  	s19 =	simm.s32 $0xF000;
	[sflag:s11] =	ssyncadd.s32 $0xFFFFFFB0  }
0xe0: {  	[spmem:s7] =	stream.indirect.scatter.add.f32 [tilespmem:s19], [sflag:$0xF], $0x80, s12, s30, $0xb8;
	[tilespmem:$0x19C80] =	vst v63  }
0xe1: {  	_ = 	snop  }
0xe2: {  	[spmem:s10] =	stream.indirect.scatter.add.f32 [tilespmem:s31], [sflag:$0xF], $0x80, s12, s30, $0xb8;
	[tilespmem:$0x19C80] =	vst v63  }
0xe3: {  	_ =	swait.ge [sflag:s0], $0x2800  }
0xe4: {  	[sflag:s0] =	ssyncset.done $0x0  }
0xe5: {  	[sflag:s0] =	ssyncadd.s32 $0xFFFFD800  }
0xe6: {  	_ =	swait.ge [sflag:s0], $0x2800  }
0xe7: {  	[sflag:s0] =	ssyncset.done $0x0;
	s19 =	rddreg [dreg:$0xf]  }
0xe8: {  	s26 =	simm.s32 $0x5000;
	s18 =	sld [smem:$0x7EF];
	[sflag:s0] =	ssyncadd.s32 $0xFFFFD800  }
0xe9: {  	[tilespmem:s26], [sflag:$0x3] =	stream.linear.gather [hbm4b:s19+s21], $0x2800, $0x38;
	[tilespmem:$0x19C80] =	vst v63  }
0xea: {  	_ = 	snop  }
0xeb: {  	[tilespmem:s28], [sflag:$0x3] =	stream.linear.gather [hbm4b:s18+s21], $0x50, $0x38;
	[tilespmem:$0x19C80] =	vst v63  }
0xec: {  	s18 =	simm.s32 $0x8  }
0xed: {  	_ =	swait.ge [sflag:s18], $0x2800  }
0xee: {  	[sflag:s18] =	ssyncset.done $0x0  }
0xef: {  	[sflag:s18] =	ssyncadd.s32 $0xFFFFD800  }
0xf0: {  	_ =	swait.ge [sflag:s18], $0x50  }
0xf1: {  	[sflag:s18] =	ssyncset.done $0x0  }
0xf2: {  	s22 =	simm.s32 $0x11800;
	s19 =	simm.s32 $0x14380;
	[sflag:s18] =	ssyncadd.s32 $0xFFFFFFB0  }
0xf3: {  	[spmem:s7] =	stream.indirect.scatter.add.f32 [tilespmem:s22], [sflag:$0x10], $0x80, s19, s30, $0xb8;
	[tilespmem:$0x19C80] =	vst v63  }
0xf4: {  	_ = 	snop  }
0xf5: {  	[spmem:s10] =	stream.indirect.scatter.add.f32 [tilespmem:s31], [sflag:$0x10], $0x80, s19, s30, $0xb8;
	[tilespmem:$0x19C80] =	vst v63  }
0xf6: {  	_ =	swait.ge [sflag:s6], $0x2800  }
0xf7: {  	[sflag:s6] =	ssyncset.done $0x0  }
0xf8: {  	[sflag:s6] =	ssyncadd.s32 $0xFFFFD800  }
0xf9: {  	_ =	swait.ge [sflag:s6], $0x2800  }
0xfa: {  	[sflag:s6] =	ssyncset.done $0x0  }
0xfb: {  	s4 =	simm.s32 $0x7800;
	s22 =	rddreg [dreg:$0x10];
	[sflag:s6] =	ssyncadd.s32 $0xFFFFD800  }
0xfc: {  	[tilespmem:s4], [sflag:$0x4] =	stream.linear.gather [hbm4b:s22+s21], $0x2800, $0x38;
	[tilespmem:$0x19C80] =	vst v63  }
0xfd: {  	s4 =	sld [smem:$0x7F0];
	_ =	sdelay $0x2  }
0xfe: {  	[tilespmem:s15], [sflag:$0x4] =	stream.linear.gather [hbm4b:s4+s21], $0x50, $0x38;
	[tilespmem:$0x19C80] =	vst v63  }
0xff: {  	_ =	swait.ge [sflag:s29], $0x2800  }
0x100: {  	[sflag:s29] =	ssyncset.done $0x0  }
0x101: {  	[sflag:s29] =	ssyncadd.s32 $0xFFFFD800  }
0x102: {  	_ =	swait.ge [sflag:s29], $0x50  }
0x103: {  	[sflag:s29] =	ssyncset.done $0x0  }
0x104: {  	[sflag:s29] =	ssyncadd.s32 $0xFFFFFFB0  }
0x105: {  	[spmem:s7] =	stream.indirect.scatter.add.f32 [tilespmem:s21], [sflag:$0x9], $0x80, s23, s30, $0xb8;
	[tilespmem:$0x19C80] =	vst v63  }
0x106: {  	s22 =	simm.s32 $0xD  }
0x107: {  	[spmem:s10] =	stream.indirect.scatter.add.f32 [tilespmem:s31], [sflag:$0x9], $0x80, s23, s30, $0xb8;
	[tilespmem:$0x19C80] =	vst v63  }
0x108: {  	_ =	swait.ge [sflag:s22], $0x2800  }
0x109: {  	[sflag:s22] =	ssyncset.done $0x0  }
0x10a: {  	[sflag:s22] =	ssyncadd.s32 $0xFFFFD800  }
0x10b: {  	_ =	swait.ge [sflag:s22], $0x2800  }
0x10c: {  	[sflag:s22] =	ssyncset.done $0x0  }
0x10d: {  	s4 =	simm.s32 $0xA000;
	s19 =	rddreg [dreg:$0x11];
	[sflag:s22] =	ssyncadd.s32 $0xFFFFD800  }
0x10e: {  	[tilespmem:s4], [sflag:$0x5] =	stream.linear.gather [hbm4b:s19+s21], $0x2800, $0x38;
	[tilespmem:$0x19C80] =	vst v63  }
0x10f: {  	s4 =	sld [smem:$0x7F1];
	_ =	sdelay $0x2  }
0x110: {  	[tilespmem:s20], [sflag:$0x5] =	stream.linear.gather [hbm4b:s4+s21], $0x50, $0x38;
	[tilespmem:$0x19C80] =	vst v63  }
0x111: {  	_ =	swait.ge [sflag:s2], $0x2800  }
0x112: {  	[sflag:s2] =	ssyncset.done $0x0  }
0x113: {  	[sflag:s2] =	ssyncadd.s32 $0xFFFFD800  }
0x114: {  	_ =	swait.ge [sflag:s2], $0x50  }
0x115: {  	[sflag:s2] =	ssyncset.done $0x0  }
0x116: {  	[sflag:s2] =	ssyncadd.s32 $0xFFFFFFB0  }
0x117: {  	[spmem:s7] =	stream.indirect.scatter.add.f32 [tilespmem:s24], [sflag:$0xA], $0x80, s25, s30, $0xb8;
	[tilespmem:$0x19C80] =	vst v63  }
0x118: {  	s24 =	simm.s32 $0xE  }
0x119: {  	[spmem:s10] =	stream.indirect.scatter.add.f32 [tilespmem:s31], [sflag:$0xA], $0x80, s25, s30, $0xb8;
	[tilespmem:$0x19C80] =	vst v63  }
0x11a: {  	_ =	swait.ge [sflag:s24], $0x2800  }
0x11b: {  	[sflag:s24] =	ssyncset.done $0x0  }
0x11c: {  	[sflag:s24] =	ssyncadd.s32 $0xFFFFD800  }
0x11d: {  	_ =	swait.ge [sflag:s24], $0x2800  }
0x11e: {  	[sflag:s24] =	ssyncset.done $0x0  }
0x11f: {  	s4 =	simm.s32 $0xC800;
	s19 =	rddreg [dreg:$0x12];
	[sflag:s24] =	ssyncadd.s32 $0xFFFFD800  }
0x120: {  	[tilespmem:s4], [sflag:$0x6] =	stream.linear.gather [hbm4b:s19+s21], $0x2800, $0x38;
	[tilespmem:$0x19C80] =	vst v63  }
0x121: {  	s19 =	sld [smem:$0x7F2];
	_ =	sdelay $0x2  }
0x122: {  	[tilespmem:s8], [sflag:$0x6] =	stream.linear.gather [hbm4b:s19+s21], $0x50, $0x38;
	[tilespmem:$0x19C80] =	vst v63  }
0x123: {  	_ =	swait.ge [sflag:s5], $0x2800  }
0x124: {  	[sflag:s5] =	ssyncset.done $0x0  }
0x125: {  	[sflag:s5] =	ssyncadd.s32 $0xFFFFD800  }
0x126: {  	_ =	swait.ge [sflag:s5], $0x50  }
0x127: {  	[sflag:s5] =	ssyncset.done $0x0  }
0x128: {  	[sflag:s5] =	ssyncadd.s32 $0xFFFFFFB0  }
0x129: {  	[spmem:s7] =	stream.indirect.scatter.add.f32 [tilespmem:s26], [sflag:$0xB], $0x80, s28, s30, $0xb8;
	[tilespmem:$0x19C80] =	vst v63  }
0x12a: {  	s26 =	simm.s32 $0xF  }
0x12b: {  	[spmem:s10] =	stream.indirect.scatter.add.f32 [tilespmem:s31], [sflag:$0xB], $0x80, s28, s30, $0xb8;
	[tilespmem:$0x19C80] =	vst v63  }
0x12c: {  	_ =	swait.ge [sflag:s26], $0x2800  }
0x12d: {  	[sflag:s26] =	ssyncset.done $0x0  }
0x12e: {  	[sflag:s26] =	ssyncadd.s32 $0xFFFFD800  }
0x12f: {  	_ =	swait.ge [sflag:s26], $0x2800  }
0x130: {  	[sflag:s26] =	ssyncset.done $0x0  }
0x131: {  	s19 =	simm.s32 $0xF000;
	s4 =	rddreg [dreg:$0x13];
	[sflag:s26] =	ssyncadd.s32 $0xFFFFD800  }
0x132: {  	[tilespmem:s19], [sflag:$0x7] =	stream.linear.gather [hbm4b:s4+s21], $0x2800, $0x38;
	[tilespmem:$0x19C80] =	vst v63  }
0x133: {  	s19 =	sld [smem:$0x7F3];
	_ =	sdelay $0x2  }
0x134: {  	[tilespmem:s12], [sflag:$0x7] =	stream.linear.gather [hbm4b:s19+s21], $0x50, $0x38;
	[tilespmem:$0x19C80] =	vst v63  }
0x135: {  	_ =	swait.ge [sflag:s9], $0x2800  }
0x136: {  	[sflag:s9] =	ssyncset.done $0x0  }
0x137: {  	[sflag:s9] =	ssyncadd.s32 $0xFFFFD800  }
0x138: {  	_ =	swait.ge [sflag:s9], $0x50  }
0x139: {  	[sflag:s9] =	ssyncset.done $0x0  }
0x13a: {  	s4 =	simm.s32 $0x7800;
	[sflag:s9] =	ssyncadd.s32 $0xFFFFFFB0  }
0x13b: {  	[spmem:s7] =	stream.indirect.scatter.add.f32 [tilespmem:s4], [sflag:$0xC], $0x80, s15, s30, $0xb8;
	[tilespmem:$0x19C80] =	vst v63  }
0x13c: {  	s19 =	simm.s32 $0x10  }
0x13d: {  	[spmem:s10] =	stream.indirect.scatter.add.f32 [tilespmem:s31], [sflag:$0xC], $0x80, s15, s30, $0xb8;
	[tilespmem:$0x19C80] =	vst v63  }
0x13e: {  	_ =	swait.ge [sflag:s19], $0x2800  }
0x13f: {  	[sflag:s19] =	ssyncset.done $0x0  }
0x140: {  	[sflag:s19] =	ssyncadd.s32 $0xFFFFD800  }
0x141: {  	_ =	swait.ge [sflag:s19], $0x2800  }
0x142: {  	[sflag:s19] =	ssyncset.done $0x0  }
0x143: {  	s4 =	simm.s32 $0x11800;
	s1 =	rddreg [dreg:$0x14];
	[sflag:s19] =	ssyncadd.s32 $0xFFFFD800  }
0x144: {  	[tilespmem:s4], [sflag:$0x8] =	stream.linear.gather [hbm4b:s1+s21], $0x2800, $0x38;
	[tilespmem:$0x19C80] =	vst v63  }
0x145: {  	s1 =	sld [smem:$0x7F4];
	_ =	sdelay $0x1  }
0x146: {  	s4 =	simm.s32 $0x14380  }
0x147: {  	[tilespmem:s4], [sflag:$0x8] =	stream.linear.gather [hbm4b:s1+s21], $0x50, $0x38;
	[tilespmem:$0x19C80] =	vst v63  }
0x148: {  	_ =	swait.ge [sflag:s14], $0x2800  }
0x149: {  	[sflag:s14] =	ssyncset.done $0x0  }
0x14a: {  	[sflag:s14] =	ssyncadd.s32 $0xFFFFD800  }
0x14b: {  	_ =	swait.ge [sflag:s14], $0x50  }
0x14c: {  	[sflag:s14] =	ssyncset.done $0x0  }
0x14d: {  	[sflag:s14] =	ssyncadd.s32 $0xFFFFFFB0;
	s14 =	simm.s32 $0xA000  }
0x14e: {  	[spmem:s7] =	stream.indirect.scatter.add.f32 [tilespmem:s14], [sflag:$0xD], $0x80, s20, s30, $0xb8;
	[tilespmem:$0x19C80] =	vst v63  }
0x14f: {  	_ = 	snop  }
0x150: {  	[spmem:s10] =	stream.indirect.scatter.add.f32 [tilespmem:s31], [sflag:$0xD], $0x80, s20, s30, $0xb8;
	[tilespmem:$0x19C80] =	vst v63  }
0x151: {  	_ =	swait.ge [sflag:s16], $0x2800  }
0x152: {  	[sflag:s16] =	ssyncset.done $0x0  }
0x153: {  	[sflag:s16] =	ssyncadd.s32 $0xFFFFD800  }
0x154: {  	_ =	swait.ge [sflag:s16], $0x2800  }
0x155: {  	[sflag:s16] =	ssyncset.done $0x0;
	s4 =	rddreg [dreg:$0x15]  }
0x156: {  	s14 =	sld [smem:$0x7F5];
	[sflag:s16] =	ssyncadd.s32 $0xFFFFD800  }
0x157: {  	[tilespmem:s21], [sflag:$0x1] =	stream.linear.gather [hbm4b:s4+s21], $0x2800, $0x38;
	[tilespmem:$0x19C80] =	vst v63  }
0x158: {  	_ = 	snop  }
0x159: {  	[tilespmem:s23], [sflag:$0x1] =	stream.linear.gather [hbm4b:s14+s21], $0x50, $0x38;
	[tilespmem:$0x19C80] =	vst v63  }
0x15a: {  	_ =	swait.ge [sflag:s3], $0x2800  }
0x15b: {  	[sflag:s3] =	ssyncset.done $0x0  }
0x15c: {  	[sflag:s3] =	ssyncadd.s32 $0xFFFFD800  }
0x15d: {  	_ =	swait.ge [sflag:s3], $0x50  }
0x15e: {  	[sflag:s3] =	ssyncset.done $0x0  }
0x15f: {  	[sflag:s3] =	ssyncadd.s32 $0xFFFFFFB0;
	s3 =	simm.s32 $0xC800  }
0x160: {  	[spmem:s7] =	stream.indirect.scatter.add.f32 [tilespmem:s3], [sflag:$0xE], $0x80, s8, s30, $0xb8;
	[tilespmem:$0x19C80] =	vst v63  }
0x161: {  	_ = 	snop  }
0x162: {  	[spmem:s10] =	stream.indirect.scatter.add.f32 [tilespmem:s31], [sflag:$0xE], $0x80, s8, s30, $0xb8;
	[tilespmem:$0x19C80] =	vst v63  }
0x163: {  	_ =	swait.ge [sflag:s13], $0x2800  }
0x164: {  	[sflag:s13] =	ssyncset.done $0x0  }
0x165: {  	[sflag:s13] =	ssyncadd.s32 $0xFFFFD800  }
0x166: {  	_ =	swait.ge [sflag:s13], $0x2800  }
0x167: {  	[sflag:s13] =	ssyncset.done $0x0;
	s4 =	rddreg [dreg:$0x16]  }
0x168: {  	s8 =	simm.s32 $0x2800;
	s14 =	sld [smem:$0x7F6];
	[sflag:s13] =	ssyncadd.s32 $0xFFFFD800  }
0x169: {  	[tilespmem:s8], [sflag:$0x2] =	stream.linear.gather [hbm4b:s4+s21], $0x2800, $0x38;
	[tilespmem:$0x19C80] =	vst v63  }
0x16a: {  	_ = 	snop  }
0x16b: {  	[tilespmem:s25], [sflag:$0x2] =	stream.linear.gather [hbm4b:s14+s21], $0x50, $0x38;
	[tilespmem:$0x19C80] =	vst v63  }
0x16c: {  	_ =	swait.ge [sflag:s11], $0x2800  }
0x16d: {  	[sflag:s11] =	ssyncset.done $0x0  }
0x16e: {  	[sflag:s11] =	ssyncadd.s32 $0xFFFFD800  }
0x16f: {  	_ =	swait.ge [sflag:s11], $0x50  }
0x170: {  	[sflag:s11] =	ssyncset.done $0x0  }
0x171: {  	s3 =	simm.s32 $0xF000;
	[sflag:s11] =	ssyncadd.s32 $0xFFFFFFB0  }
0x172: {  	[spmem:s7] =	stream.indirect.scatter.add.f32 [tilespmem:s3], [sflag:$0xF], $0x80, s12, s30, $0xb8;
	[tilespmem:$0x19C80] =	vst v63  }
0x173: {  	_ = 	snop  }
0x174: {  	[spmem:s10] =	stream.indirect.scatter.add.f32 [tilespmem:s31], [sflag:$0xF], $0x80, s12, s30, $0xb8;
	[tilespmem:$0x19C80] =	vst v63  }
0x175: {  	_ =	swait.ge [sflag:s0], $0x2800  }
0x176: {  	[sflag:s0] =	ssyncset.done $0x0  }
0x177: {  	[sflag:s0] =	ssyncadd.s32 $0xFFFFD800  }
0x178: {  	_ =	swait.ge [sflag:s0], $0x2800  }
0x179: {  	[sflag:s0] =	ssyncset.done $0x0;
	s4 =	rddreg [dreg:$0x17]  }
0x17a: {  	s11 =	simm.s32 $0x5000;
	s14 =	sld [smem:$0x7F7];
	[sflag:s0] =	ssyncadd.s32 $0xFFFFD800  }
0x17b: {  	[tilespmem:s11], [sflag:$0x3] =	stream.linear.gather [hbm4b:s4+s21], $0x2800, $0x38;
	[tilespmem:$0x19C80] =	vst v63  }
0x17c: {  	_ = 	snop  }
0x17d: {  	[tilespmem:s28], [sflag:$0x3] =	stream.linear.gather [hbm4b:s14+s21], $0x50, $0x38;
	[tilespmem:$0x19C80] =	vst v63  }
0x17e: {  	_ =	swait.ge [sflag:s18], $0x2800  }
0x17f: {  	[sflag:s18] =	ssyncset.done $0x0  }
0x180: {  	[sflag:s18] =	ssyncadd.s32 $0xFFFFD800  }
0x181: {  	_ =	swait.ge [sflag:s18], $0x50  }
0x182: {  	[sflag:s18] =	ssyncset.done $0x0  }
0x183: {  	s4 =	simm.s32 $0x11800;
	[sflag:s18] =	ssyncadd.s32 $0xFFFFFFB0;
	s18 =	simm.s32 $0x14380  }
0x184: {  	[spmem:s7] =	stream.indirect.scatter.add.f32 [tilespmem:s4], [sflag:$0x10], $0x80, s18, s30, $0xb8;
	[tilespmem:$0x19C80] =	vst v63  }
0x185: {  	_ = 	snop  }
0x186: {  	[spmem:s10] =	stream.indirect.scatter.add.f32 [tilespmem:s31], [sflag:$0x10], $0x80, s18, s30, $0xb8;
	[tilespmem:$0x19C80] =	vst v63  }
0x187: {  	_ =	swait.ge [sflag:s6], $0x2800  }
0x188: {  	[sflag:s6] =	ssyncset.done $0x0  }
0x189: {  	[sflag:s6] =	ssyncadd.s32 $0xFFFFD800  }
0x18a: {  	_ =	swait.ge [sflag:s6], $0x2800  }
0x18b: {  	[sflag:s6] =	ssyncset.done $0x0;
	s14 =	rddreg [dreg:$0x18]  }
0x18c: {  	s18 =	simm.s32 $0x7800;
	s4 =	sld [smem:$0x7F8];
	[sflag:s6] =	ssyncadd.s32 $0xFFFFD800  }
0x18d: {  	[tilespmem:s18], [sflag:$0x4] =	stream.linear.gather [hbm4b:s14+s21], $0x2800, $0x38;
	[tilespmem:$0x19C80] =	vst v63  }
0x18e: {  	_ = 	snop  }
0x18f: {  	[tilespmem:s15], [sflag:$0x4] =	stream.linear.gather [hbm4b:s4+s21], $0x50, $0x38;
	[tilespmem:$0x19C80] =	vst v63  }
0x190: {  	_ =	swait.ge [sflag:s29], $0x2800  }
0x191: {  	[sflag:s29] =	ssyncset.done $0x0  }
0x192: {  	[sflag:s29] =	ssyncadd.s32 $0xFFFFD800  }
0x193: {  	_ =	swait.ge [sflag:s29], $0x50  }
0x194: {  	[sflag:s29] =	ssyncset.done $0x0  }
0x195: {  	[sflag:s29] =	ssyncadd.s32 $0xFFFFFFB0  }
0x196: {  	[spmem:s7] =	stream.indirect.scatter.add.f32 [tilespmem:s21], [sflag:$0x9], $0x80, s23, s30, $0xb8;
	[tilespmem:$0x19C80] =	vst v63  }
0x197: {  	_ = 	snop  }
0x198: {  	[spmem:s10] =	stream.indirect.scatter.add.f32 [tilespmem:s31], [sflag:$0x9], $0x80, s23, s30, $0xb8;
	[tilespmem:$0x19C80] =	vst v63  }
0x199: {  	_ =	swait.ge [sflag:s2], $0x2800  }
0x19a: {  	[sflag:s2] =	ssyncset.done $0x0  }
0x19b: {  	[sflag:s2] =	ssyncadd.s32 $0xFFFFD800  }
0x19c: {  	_ =	swait.ge [sflag:s2], $0x50  }
0x19d: {  	[sflag:s2] =	ssyncset.done $0x0  }
0x19e: {  	[sflag:s2] =	ssyncadd.s32 $0xFFFFFFB0  }
0x19f: {  	[spmem:s7] =	stream.indirect.scatter.add.f32 [tilespmem:s8], [sflag:$0xA], $0x80, s25, s30, $0xb8;
	[tilespmem:$0x19C80] =	vst v63  }
0x1a0: {  	_ = 	snop  }
0x1a1: {  	[spmem:s10] =	stream.indirect.scatter.add.f32 [tilespmem:s31], [sflag:$0xA], $0x80, s25, s30, $0xb8;
	[tilespmem:$0x19C80] =	vst v63  }
0x1a2: {  	_ =	swait.ge [sflag:s5], $0x2800  }
0x1a3: {  	[sflag:s5] =	ssyncset.done $0x0  }
0x1a4: {  	[sflag:s5] =	ssyncadd.s32 $0xFFFFD800  }
0x1a5: {  	_ =	swait.ge [sflag:s5], $0x50  }
0x1a6: {  	[sflag:s5] =	ssyncset.done $0x0  }
0x1a7: {  	[sflag:s5] =	ssyncadd.s32 $0xFFFFFFB0  }
0x1a8: {  	[spmem:s7] =	stream.indirect.scatter.add.f32 [tilespmem:s11], [sflag:$0xB], $0x80, s28, s30, $0xb8;
	[tilespmem:$0x19C80] =	vst v63  }
0x1a9: {  	_ = 	snop  }
0x1aa: {  	[spmem:s10] =	stream.indirect.scatter.add.f32 [tilespmem:s31], [sflag:$0xB], $0x80, s28, s30, $0xb8;
	[tilespmem:$0x19C80] =	vst v63  }
0x1ab: {  	_ =	swait.ge [sflag:s9], $0x2800  }
0x1ac: {  	[sflag:s9] =	ssyncset.done $0x0  }
0x1ad: {  	[sflag:s9] =	ssyncadd.s32 $0xFFFFD800  }
0x1ae: {  	_ =	swait.ge [sflag:s9], $0x50  }
0x1af: {  	[sflag:s9] =	ssyncset.done $0x0  }
0x1b0: {  	[sflag:s9] =	ssyncadd.s32 $0xFFFFFFB0  }
0x1b1: {  	[spmem:s7] =	stream.indirect.scatter.add.f32 [tilespmem:s18], [sflag:$0xC], $0x80, s15, s30, $0xb8;
	[tilespmem:$0x19C80] =	vst v63  }
0x1b2: {  	_ = 	snop  }
0x1b3: {  	[spmem:s10] =	stream.indirect.scatter.add.f32 [tilespmem:s31], [sflag:$0xC], $0x80, s15, s30, $0xb8;
	[tilespmem:$0x19C80] =	vst v63  }
0x1b4: {  	_ =	swait.ge [sflag:s22], $0x2800  }
0x1b5: {  	[sflag:s22] =	ssyncset.done $0x0  }
0x1b6: {  	[sflag:s22] =	ssyncadd.s32 $0xFFFFD800  }
0x1b7: {  	_ =	swait.ge [sflag:s22], $0x2800  }
0x1b8: {  	[sflag:s22] =	ssyncset.done $0x0  }
0x1b9: {  	[sflag:s22] =	ssyncadd.s32 $0xFFFFD800  }
0x1ba: {  	_ =	swait.ge [sflag:s24], $0x2800  }
0x1bb: {  	[sflag:s24] =	ssyncset.done $0x0  }
0x1bc: {  	[sflag:s24] =	ssyncadd.s32 $0xFFFFD800  }
0x1bd: {  	_ =	swait.ge [sflag:s24], $0x2800  }
0x1be: {  	[sflag:s24] =	ssyncset.done $0x0  }
0x1bf: {  	[sflag:s24] =	ssyncadd.s32 $0xFFFFD800  }
0x1c0: {  	_ =	swait.ge [sflag:s26], $0x2800  }
0x1c1: {  	[sflag:s26] =	ssyncset.done $0x0  }
0x1c2: {  	[sflag:s26] =	ssyncadd.s32 $0xFFFFD800  }
0x1c3: {  	_ =	swait.ge [sflag:s26], $0x2800  }
0x1c4: {  	[sflag:s26] =	ssyncset.done $0x0  }
0x1c5: {  	[sflag:s26] =	ssyncadd.s32 $0xFFFFD800  }
0x1c6: {  	_ =	swait.ge [sflag:s19], $0x2800  }
0x1c7: {  	[sflag:s19] =	ssyncset.done $0x0  }
0x1c8: {  	[sflag:s19] =	ssyncadd.s32 $0xFFFFD800  }
0x1c9: {  	_ =	swait.ge [sflag:s19], $0x2800  }
0x1ca: {  	[sflag:s19] =	ssyncset.done $0x0  }
0x1cb: {  	[sflag:s19] =	ssyncadd.s32 $0xFFFFD800  }
0x1cc: {  	_ =	swait.ge [sflag:s16], $0x2800  }
0x1cd: {  	[sflag:s16] =	ssyncset.done $0x0  }
0x1ce: {  	[sflag:s16] =	ssyncadd.s32 $0xFFFFD800  }
0x1cf: {  	_ =	swait.ge [sflag:s16], $0x2800  }
0x1d0: {  	[sflag:s16] =	ssyncset.done $0x0  }
0x1d1: {  	[sflag:s16] =	ssyncadd.s32 $0xFFFFD800  }
0x1d2: {  	_ =	swait.ge [sflag:s13], $0x2800  }
0x1d3: {  	[sflag:s13] =	ssyncset.done $0x0  }
0x1d4: {  	[sflag:s13] =	ssyncadd.s32 $0xFFFFD800  }
0x1d5: {  	_ =	swait.ge [sflag:s13], $0x2800  }
0x1d6: {  	[sflag:s13] =	ssyncset.done $0x0  }
0x1d7: {  	[sflag:s13] =	ssyncadd.s32 $0xFFFFD800  }
0x1d8: {  	_ =	swait.ge [sflag:s0], $0x2800  }
0x1d9: {  	[sflag:s0] =	ssyncset.done $0x0  }
0x1da: {  	[sflag:s0] =	ssyncadd.s32 $0xFFFFD800  }
0x1db: {  	_ =	swait.ge [sflag:s0], $0x2800  }
0x1dc: {  	[sflag:s0] =	ssyncset.done $0x0  }
0x1dd: {  	[sflag:s0] =	ssyncadd.s32 $0xFFFFD800  }
0x1de: {  	_ =	swait.ge [sflag:s6], $0x2800  }
0x1df: {  	[sflag:s6] =	ssyncset.done $0x0  }
0x1e0: {  	[sflag:s6] =	ssyncadd.s32 $0xFFFFD800  }
0x1e1: {  	_ =	swait.ge [sflag:s6], $0x2800  }
0x1e2: {  	[sflag:s6] =	ssyncset.done $0x0  }
0x1e3: {  	[sflag:s6] =	ssyncadd.s32 $0xFFFFD800  }
0x1e4: {  	[bflag:$0x0] =	sbarrier.arrive $0xFFFF  }
0x1e5: {  	s11 =	sld [smem:$0x7F9];
	_ =	sdelay $0x1  }
0x1e6: {  	s8 =	simm.s32 $0x16C00  }
0x1e7: {  	[tilespmem:s8], [sflag:$0x11] =	stream.linear.gather [spmem:s11], $0x1000, $0x38;
	[tilespmem:$0x19C80] =	vst v63  }
0x1e8: {  	_ =	swait.ge [sflag:s17], $0x1000  }
0x1e9: {  	s14 =	sld [smem:$0x7FB]  }
0x1ea: {  	[sflag:s17] =	ssyncset.done $0x0  }
0x1eb: {  	[sflag:s17] =	ssyncadd.s32 $0xFFFFF000  }
0x1ec: {  	[hbm4b:s14+s21] =	stream.linear.scatter [tilespmem:s8], [sflag:$0x11], $0x1000, $0x38;
	[tilespmem:$0x19C80] =	vst v63  }
0x1ed: {  	_ =	swait.ge [sflag:s17], $0x1000  }
0x1ee: {  	s18 =	sld [smem:$0x7FA]  }
0x1ef: {  	[sflag:s17] =	ssyncset.done $0x0  }
0x1f0: {  	[sflag:s17] =	ssyncadd.s32 $0xFFFFF000  }
0x1f1: {  	[tilespmem:s8], [sflag:$0x11] =	stream.linear.gather [spmem:s18], $0x1000, $0x38;
	[tilespmem:$0x19C80] =	vst v63  }
0x1f2: {  	_ =	swait.ge [sflag:s17], $0x1000  }
0x1f3: {  	s22 =	sld [smem:$0x7FC]  }
0x1f4: {  	[sflag:s17] =	ssyncset.done $0x0  }
0x1f5: {  	s19 =	simm.s32 $0x16C00;
	[sflag:s17] =	ssyncadd.s32 $0xFFFFF000  }
0x1f6: {  	[hbm4b:s22+s21] =	stream.linear.scatter [tilespmem:s19], [sflag:$0x11], $0x1000, $0x38;
	[tilespmem:$0x19C80] =	vst v63  }
0x1f7: {  	_ =	swait.ge [sflag:s17], $0x1000  }
0x1f8: {  	s24 =	sld [smem:$0x7EB]  }
0x1f9: {  	s26 =	sld [smem:$0x7FD];
	_ =	sdelay $0x1  }
0x1fa: {  	s3 =	sadd.s32 $0x1, s24  }
0x1fb: {  	p0 =	sne.s32 s3, s26  }
.Ltmp2:
0x1fc: {  	_ = 	snop;
	(pc) =	sbr.rel @p0 .LBB2_1-.Ltmp2, $3  }
0x1fd: {  	_ =	sdelay $0x1  }
0x1fe: {  	[sflag:s17] =	ssyncset.done $0x0  }
0x1ff: {  	[sflag:s17] =	ssyncadd.s32 $0xFFFFF000  }
0x200: {  	_ =	sfence.sel $0x180000  }
0x201: {  	[bflag:$0x0] =	sbarrier.arrive $0xFFFF  }
0x202: {  	_ =	strace $0x90000047  }
0x203: {  	s0 =	stileid.u32;
	[bflag:$0x2] =	sbarrier.arrive $0xFFFF  }
0x204: {  	p0 =	sne.s32 s0, $0x0;
	s0 =	rddreg [dreg:$0x4]  }
0x205: {  	s0 =	sadd.s32 @!p0 $0x100000, s0  }
0x206: {  	[sflag:s0] =	ssyncadd.tile.s32 @!p0 $0x1;
	_ =	shalt  }
.Lfunc_end2:
_tile_overlayer_lowered:
.L_overlay_start_2:
0x207: {  	(tag) =	ssettag $0x2  }
0x208: {  	s0 =	rddreg [dreg:$0x0];
	s2 =	stileid.u32  }
0x209: {  	s1 =	rddreg [dreg:$0x1];
	p0 =	sne.s32 s2, $0x0  }
0x20a: {  	s3 =	rddreg [dreg:$0x2];
	[bflag:$0x3] =	sbarrier.arrive $0xFFFF;
	s2 =	simm.s32 @!p0 $0x1C11  }
0x20b: {  	[timem:s3], [sflag:s2] =	dma.local @!p0 [hbm:s0], s1  }
0x20c: {  	s0 =	simm.s32 @!p0 $0x11  }
0x20d: {  	_ =	swait.ge @!p0 [sflag:s0], s1  }
0x20e: {  	s1 =	ssub.s32 @!p0 $0x0, s1;
	[sflag:s0] =	ssyncset.done @!p0 $0x0  }
0x20f: {  	[sflag:s0] =	ssyncadd.s32 @!p0 s1  }
0x210: {  	[bflag:$0x3] =	sbarrier.arrive $0xFFFF  }
0x211: {  	_ =	shalt  }

</sc_bundles>
